<compile_context>
chip_gen: v7x
topology: tpu7x:2x2x1
jax: 0.10.2.dev20260603
libtpu: 0.0.44.dev20260713+nightly
codegen_flags: <defaults>
</compile_context>

<pallas_src>
import functools

import jax
import jax.numpy as jnp
from jax import lax
from jax.experimental import pallas as pl
from jax.experimental.pallas import tpu as pltpu
from jax.experimental.pallas import tpu_sc as plsc

_NC = 2
_NS = 16
_NW = _NC * _NS


def _pick_block(n, cands):
    for c in cands:
        if n % c == 0:
            return c
    raise ValueError(f"no block size for {n}")


def _k1_body(nchunks, src2, dst2, gtab, xtab, gsrc, gdst, xj, sidx, didx,
             gs, gd, xb, isem, gsem, wsem):
    wid = lax.axis_index("s") * _NC + lax.axis_index("c")
    iters = -(-nchunks // _NW)
    osteps = -(-iters // 2)

    def start_idx(it, b):
        cid = wid + it * _NW

        @pl.when(cid < nchunks)
        def _():
            pltpu.async_copy(src2.at[pl.ds(2 * cid, 2)], sidx.at[b],
                             isem.at[b])
            pltpu.async_copy(dst2.at[pl.ds(2 * cid, 2)], didx.at[b],
                             isem.at[b])

    def wait_idx(it, b):
        cid = wid + it * _NW

        @pl.when(cid < nchunks)
        def _():
            pltpu.make_async_copy(src2.at[pl.ds(2 * cid, 2)], sidx.at[b],
                                  isem.at[b]).wait()
            pltpu.make_async_copy(dst2.at[pl.ds(2 * cid, 2)], didx.at[b],
                                  isem.at[b]).wait()

    def start_gathers(it, b):
        cid = wid + it * _NW

        @pl.when(cid < nchunks)
        def _():
            for h in range(2):
                pltpu.async_copy(gtab.at[sidx.at[b, h]],
                                 gs.at[b, pl.ds(h * 128, 128)], gsem.at[b])
                pltpu.async_copy(gtab.at[didx.at[b, h]],
                                 gd.at[b, pl.ds(h * 128, 128)], gsem.at[b])
                pltpu.async_copy(xtab.at[sidx.at[b, h]],
                                 xb.at[b, pl.ds(h * 128, 128)], gsem.at[b])

    def wait_gathers(it, b):
        cid = wid + it * _NW

        @pl.when(cid < nchunks)
        def _():
            for h in range(2):
                pltpu.make_async_copy(gtab.at[sidx.at[b, h]],
                                      gs.at[b, pl.ds(h * 128, 128)],
                                      gsem.at[b]).wait()
                pltpu.make_async_copy(gtab.at[didx.at[b, h]],
                                      gd.at[b, pl.ds(h * 128, 128)],
                                      gsem.at[b]).wait()
                pltpu.make_async_copy(xtab.at[sidx.at[b, h]],
                                      xb.at[b, pl.ds(h * 128, 128)],
                                      gsem.at[b]).wait()

    def writes(it, b):
        cid = wid + it * _NW

        @pl.when(cid < nchunks)
        def _():
            base = cid * 256
            w1 = pltpu.async_copy(gs.at[b], gsrc.at[pl.ds(base, 256), :], wsem)
            w2 = pltpu.async_copy(gd.at[b], gdst.at[pl.ds(base, 256), :], wsem)
            w3 = pltpu.async_copy(xb.at[b], xj.at[pl.ds(base, 256), :], wsem)
            w1.wait()
            w2.wait()
            w3.wait()

    def step(it, b):
        wait_idx(it + 1, 1 - b)
        start_gathers(it + 1, 1 - b)
        wait_gathers(it, b)
        start_idx(it + 2, b)
        writes(it, b)

    start_idx(0, 0)
    wait_idx(0, 0)
    start_gathers(0, 0)
    start_idx(1, 1)

    def outer(o, _):
        it = o * 2
        step(it, 0)
        step(it + 1, 1)

    lax.fori_loop(0, osteps, outer, None)


def _run_k1(src2, dst2, gtab, xtab, e_total):
    mesh = plsc.VectorSubcoreMesh(core_axis_name="c", subcore_axis_name="s",
                                  num_cores=_NC, num_subcores=_NS)
    nchunks = e_total // 256
    f = pl.kernel(
        functools.partial(_k1_body, nchunks),
        out_type=[jax.ShapeDtypeStruct((e_total, 16), jnp.float32),
                  jax.ShapeDtypeStruct((e_total, 16), jnp.float32),
                  jax.ShapeDtypeStruct((e_total, 32), jnp.float32)],
        mesh=mesh,
        scratch_types=[
            pltpu.VMEM((2, 2, 128), jnp.int32),
            pltpu.VMEM((2, 2, 128), jnp.int32),
            pltpu.VMEM((2, 256, 16), jnp.float32),
            pltpu.VMEM((2, 256, 16), jnp.float32),
            pltpu.VMEM((2, 256, 32), jnp.float32),
            pltpu.SemaphoreType.DMA((2,)),
            pltpu.SemaphoreType.DMA((2,)),
            pltpu.SemaphoreType.DMA,
        ],
        compiler_params=pltpu.CompilerParams(use_tc_tiling_on_sc=False),
    )
    return f(src2, dst2, gtab, xtab)


def _rel_t(gs, gd):
    eye = jax.lax.broadcasted_iota(jnp.int32, (16, 16), 0) == \
        jax.lax.broadcasted_iota(jnp.int32, (16, 16), 1)
    eye = eye.astype(jnp.float32)
    gst = lax.dot_general(eye, gs, (((1,), (1,)), ((), ())))
    gdt = lax.dot_general(eye, gd, (((1,), (1,)), ((), ())))
    d0 = gst[0:1] - gdt[0:1]
    d1 = gst[1:2] - gdt[1:2]
    d2 = gst[2:3] - gdt[2:3]
    a0, a1, a2 = gdt[3:4], gdt[4:5], gdt[5:6]
    b0, b1, b2 = gst[3:4], gst[4:5], gst[5:6]
    dist = jnp.sqrt(d0 * d0 + d1 * d1 + d2 * d2)
    li = jnp.sqrt(a0 * a0 + a1 * a1 + a2 * a2)
    lj = jnp.sqrt(b0 * b0 + b1 * b1 + b2 * b2)
    f0 = dist
    f1 = (d0 * a0 + d1 * a1 + d2 * a2) / (dist * li + 1e-10)
    f2 = (d0 * b0 + d1 * b1 + d2 * b2) / (dist * lj + 1e-10)
    f3 = (a0 * b0 + a1 * b1 + a2 * b2) / (li * lj + 1e-10)
    uq0, uq1, uq2 = d1 * a2 - d2 * a1, d2 * a0 - d0 * a2, d0 * a1 - d1 * a0
    vq0, vq1, vq2 = uq1 * a2 - uq2 * a1, uq2 * a0 - uq0 * a2, uq0 * a1 - uq1 * a0
    uk0, uk1, uk2 = d1 * b2 - d2 * b1, d2 * b0 - d0 * b2, d0 * b1 - d1 * b0
    vk0, vk1, vk2 = uk1 * b2 - uk2 * b1, uk2 * b0 - uk0 * b2, uk0 * b1 - uk1 * b0
    luq = jnp.sqrt(uq0 * uq0 + uq1 * uq1 + uq2 * uq2)
    lvq = jnp.sqrt(vq0 * vq0 + vq1 * vq1 + vq2 * vq2)
    luk = jnp.sqrt(uk0 * uk0 + uk1 * uk1 + uk2 * uk2)
    lvk = jnp.sqrt(vk0 * vk0 + vk1 * vk1 + vk2 * vk2)
    f4 = (uq0 * uk0 + uq1 * uk1 + uq2 * uk2) / (luq * luk + 1e-10)
    f5 = (vq0 * vk0 + vq1 * vk1 + vq2 * vk2) / (lvq * lvk + 1e-10)
    f6 = (uq0 * vk0 + uq1 * vk1 + uq2 * vk2) / (luq * lvk + 1e-10)
    f7 = (vq0 * uk0 + vq1 * uk1 + vq2 * uk2) / (lvq * luk + 1e-10)
    return jnp.concatenate([f0, f1, f2, f3, f4, f5, f6, f7], axis=0)


def _k2_body(gs_ref, gd_ref, wenc_ref, benc_ref, rel_ref, out_ref):
    relT = _rel_t(gs_ref[...], gd_ref[...])
    rel_ref[...] = relT
    hT = lax.dot_general(wenc_ref[...], relT, (((0,), (0,)), ((), ())))
    hT = hT + benc_ref[...]

    @pl.when(pl.program_id(0) == 0)
    def _():
        out_ref[...] = jnp.zeros_like(out_ref)

    out_ref[:, 0:1] += jnp.sum(hT, axis=1, keepdims=True)
    out_ref[:, 1:2] += jnp.sum(hT * hT, axis=1, keepdims=True)


def _run_k2(gsrc, gdst, w_enc, b_enc, e_total, be):
    return pl.pallas_call(
        _k2_body,
        grid=(e_total // be,),
        in_specs=[pl.BlockSpec((be, 16), lambda i: (i, 0)),
                  pl.BlockSpec((be, 16), lambda i: (i, 0)),
                  pl.BlockSpec((8, 32), lambda i: (0, 0)),
                  pl.BlockSpec((32, 1), lambda i: (0, 0))],
        out_specs=[pl.BlockSpec((8, be), lambda i: (0, i)),
                   pl.BlockSpec((32, 2), lambda i: (0, 0))],
        out_shape=[jax.ShapeDtypeStruct((8, e_total), jnp.float32),
                   jax.ShapeDtypeStruct((32, 2), jnp.float32)],
    )(gsrc, gdst, w_enc, b_enc)


def _k3_body(rel_ref, xj_ref, wenc_ref, scale_ref, shift_ref, watt_ref, v_ref):
    h = lax.dot_general(rel_ref[...], wenc_ref[...],
                        (((0,), (0,)), ((), ())))
    enc = h * scale_ref[...] + shift_ref[...]
    enc = jnp.where(enc >= 0, enc, 0.2 * enc)
    local = jnp.concatenate([xj_ref[...], enc], axis=1)
    att = jnp.dot(local, watt_ref[...])
    att = jnp.minimum(jnp.maximum(att, -60.0), 60.0)
    e = jnp.exp(att)
    w = e * local
    row = jax.lax.broadcasted_iota(jnp.int32, (64, 128), 0)
    col = jax.lax.broadcasted_iota(jnp.int32, (64, 128), 1)
    qq, rr = col // 32, col % 32
    pe = ((rr < 16) & (row == qq * 16 + rr)).astype(jnp.float32)
    pw = ((rr >= 16) & (row == qq * 16 + rr - 16)).astype(jnp.float32)
    v_ref[...] = jnp.dot(e, pe) + jnp.dot(w, pw)


def _run_k3(rel, xj, w_enc, scale, shift, w_att, e_half, be, ob):
    return pl.pallas_call(
        _k3_body,
        grid=(e_half // be,),
        in_specs=[pl.BlockSpec((8, be), lambda i: (0, i + ob)),
                  pl.BlockSpec((be, 32), lambda i: (i + ob, 0)),
                  pl.BlockSpec((8, 32), lambda i: (0, 0)),
                  pl.BlockSpec((1, 32), lambda i: (0, 0)),
                  pl.BlockSpec((1, 32), lambda i: (0, 0)),
                  pl.BlockSpec((64, 64), lambda i: (0, 0))],
        out_specs=pl.BlockSpec((be, 128), lambda i: (i, 0)),
        out_shape=jax.ShapeDtypeStruct((e_half, 128), jnp.float32),
    )(rel, xj, w_enc, scale, shift, w_att)


def _k4_body(nchunks, n_nodes, coff, chain, dst2, v, init, acc_out,
             didx, vbuf, acc, lsem):
    c = lax.axis_index("c")
    s = lax.axis_index("s")
    rows = n_nodes // _NS
    iters = -(-nchunks // _NS)
    osteps = -(-iters // 2)

    for p in range(2):
        q = c + 2 * p
        if chain:
            pltpu.sync_copy(init.at[q, pl.ds(s * rows, rows)],
                            acc.at[pl.ds(s * rows, rows)])
        else:
            pltpu.sync_copy(init, acc.at[pl.ds(s * rows, rows)])
        plsc.subcore_barrier()

        def start_loads(it, b):
            cid = s + it * _NS

            @pl.when(cid < nchunks)
            def _():
                pltpu.async_copy(dst2.at[pl.ds(coff + cid, 1)],
                                 didx.at[pl.ds(b, 1)], lsem.at[b])
                pltpu.async_copy(
                    v.at[pl.ds(cid * 128, 128), pl.ds(q * 32, 32)],
                    vbuf.at[b], lsem.at[b])

        def finish(it, b):
            cid = s + it * _NS

            @pl.when(cid < nchunks)
            def _():
                pltpu.make_async_copy(dst2.at[pl.ds(coff + cid, 1)],
                                      didx.at[pl.ds(b, 1)], lsem.at[b]).wait()
                pltpu.make_async_copy(
                    v.at[pl.ds(cid * 128, 128), pl.ds(q * 32, 32)],
                    vbuf.at[b], lsem.at[b]).wait()
                pltpu.sync_copy(vbuf.at[b], acc.at[didx.at[b]], add=True)

        start_loads(0, 0)
        start_loads(1, 1)

        def outer(o, _):
            it = o * 2
            finish(it, 0)
            start_loads(it + 2, 0)
            finish(it + 1, 1)
            start_loads(it + 3, 1)

        lax.fori_loop(0, osteps, outer, None)
        plsc.subcore_barrier()
        pltpu.sync_copy(acc.at[pl.ds(s * rows, rows)],
                        acc_out.at[q, pl.ds(s * rows, rows)])
        plsc.subcore_barrier()


def _run_k4(dst2, v, init, n_nodes, e_half, coff, chain):
    mesh = plsc.VectorSubcoreMesh(core_axis_name="c", subcore_axis_name="s",
                                  num_cores=_NC, num_subcores=_NS)
    nchunks = e_half // 128
    f = pl.kernel(
        functools.partial(_k4_body, nchunks, n_nodes, coff, chain),
        out_type=jax.ShapeDtypeStruct((4, n_nodes, 32), jnp.float32),
        mesh=mesh,
        scratch_types=[
            pltpu.VMEM((2, 128), jnp.int32),
            pltpu.VMEM((2, 128, 32), jnp.float32),
            pltpu.VMEM_SHARED((n_nodes, 32), jnp.float32),
            pltpu.SemaphoreType.DMA((2,)),
        ],
        compiler_params=pltpu.CompilerParams(use_tc_tiling_on_sc=False),
    )
    return f(dst2, v, init)


def _k5a_body(acc_ref, wpost_ref, bpost_ref, z_ref, st_ref):
    a = acc_ref[...]
    agg = jnp.concatenate(
        [a[qq, :, 16:32] / (a[qq, :, 0:16] + 1e-16) for qq in range(4)], axis=1)
    z = jnp.dot(agg, wpost_ref[...]) + bpost_ref[...]
    z_ref[...] = z

    @pl.when(pl.program_id(0) == 0)
    def _():
        st_ref[...] = jnp.zeros_like(st_ref)

    st_ref[0:1, :] += jnp.sum(z, axis=0, keepdims=True)
    st_ref[1:2, :] += jnp.sum(z * z, axis=0, keepdims=True)


def _run_k5a(acc, w_post, b_post, n_nodes, bn):
    return pl.pallas_call(
        _k5a_body,
        grid=(n_nodes // bn,),
        in_specs=[pl.BlockSpec((4, bn, 32), lambda i: (0, i, 0)),
                  pl.BlockSpec((64, 64), lambda i: (0, 0)),
                  pl.BlockSpec((1, 64), lambda i: (0, 0))],
        out_specs=[pl.BlockSpec((bn, 64), lambda i: (i, 0)),
                   pl.BlockSpec((2, 64), lambda i: (0, 0))],
        out_shape=[jax.ShapeDtypeStruct((n_nodes, 64), jnp.float32),
                   jax.ShapeDtypeStruct((2, 64), jnp.float32)],
    )(acc, w_post, b_post)


def _k5b_body(z_ref, scale_ref, shift_ref, out_ref):
    y = z_ref[...] * scale_ref[...] + shift_ref[...]
    out_ref[...] = jnp.where(y >= 0, y, 0.2 * y)


def _run_k5b(z, scale, shift, n_nodes, bn):
    return pl.pallas_call(
        _k5b_body,
        grid=(n_nodes // bn,),
        in_specs=[pl.BlockSpec((bn, 64), lambda i: (i, 0)),
                  pl.BlockSpec((1, 64), lambda i: (0, 0)),
                  pl.BlockSpec((1, 64), lambda i: (0, 0))],
        out_specs=pl.BlockSpec((bn, 64), lambda i: (i, 0)),
        out_shape=jax.ShapeDtypeStruct((n_nodes, 64), jnp.float32),
    )(z, scale, shift)


def kernel(edge_index, x, pos, normals, W_enc, b_enc, g_enc, be_enc, W_att,
           W_post, b_post, g_post, be_post):
    n = x.shape[0]
    e = edge_index.shape[1]
    assert e % 256 == 0 and n % _NS == 0
    be2 = _pick_block(e, [1280, 640, 512, 256, 128, 64, 32, 16, 8])
    be3 = _pick_block(e, [1280, 640, 512, 256, 128, 64, 32, 16, 8])
    bn = _pick_block(n, [1000, 512, 500, 256, 200, 128, 64, 32, 16, 8])

    src2 = edge_index[0].reshape(e // 128, 128).astype(jnp.int32)
    dst2 = edge_index[1].reshape(e // 128, 128).astype(jnp.int32)
    gtab = jnp.concatenate(
        [pos, normals, jnp.zeros((n, 10), jnp.float32)], axis=1)

    gsrc, gdst, xj = _run_k1(src2, dst2, gtab, x, e)

    rel, stats = _run_k2(gsrc, gdst, W_enc, b_enc.reshape(32, 1), e, be2)
    m = stats[:, 0] / e
    var = stats[:, 1] / e - m * m
    inv = g_enc / jnp.sqrt(var + 1e-6)
    scale = inv.reshape(1, 32)
    shift = (be_enc - m * inv).reshape(1, 32)

    nb = e // be3
    nb0 = nb // 2
    eh0 = nb0 * be3
    eh1 = e - eh0
    v0 = _run_k3(rel, xj, W_enc, scale, shift, W_att, eh0, be3, 0)
    v1 = _run_k3(rel, xj, W_enc, scale, shift, W_att, eh1, be3, nb0)
    zeros = jnp.zeros((n // _NS, 32), jnp.float32)
    acc0 = _run_k4(dst2, v0, zeros, n, eh0, 0, False)
    acc = _run_k4(dst2, v1, acc0, n, eh1, eh0 // 128, True)

    z, zst = _run_k5a(acc, W_post, b_post.reshape(1, 64), n, bn)
    m2 = zst[0] / n
    var2 = zst[1] / n - m2 * m2
    inv2 = g_post / jnp.sqrt(var2 + 1e-6)
    scale2 = inv2.reshape(1, 64)
    shift2 = (be_post - m2 * inv2).reshape(1, 64)

    return _run_k5b(z, scale2, shift2, n, bn)

# --- scband reference (transcript-rebuilt; emitter-appended) ---
"""Pipeline reference for scband-py-grand-lanet-33217277067473 (READ-ONLY COPY).

The authoritative reference and input builder live on the scoring server;
editing this copy changes nothing except your own understanding.
"""

import jax, jax.numpy as jnp
import numpy as np

N = 50000
E = 800000
C = 64

def _bn(h, g, b):
    m = h.mean(0)
    v = h.var(0)
    return g * (h - m) / jnp.sqrt(v + 1e-6) + b

def _lrelu(h):
    return jnp.where(h >= 0, h, 0.2 * h)

def setup_inputs(seed: int = 0) -> dict:
    key = jax.random.key(seed)
    ks = jax.random.split(key, 10)
    dst = jax.random.randint(ks[0], (E,), 0, N)
    off = jax.random.randint(ks[1], (E,), 1, N)
    src = (dst + off) % N  # avoid exact self-loops so distance > 0
    inp = {}
    inp['edge_index'] = jnp.stack([src, dst], axis=0)
    inp['x'] = jax.random.normal(ks[2], (N, C // 2), dtype=jnp.float32)
    inp['pos'] = jax.random.normal(ks[3], (N, 3), dtype=jnp.float32)
    inp['normals'] = jax.random.normal(ks[4], (N, 3), dtype=jnp.float32)
    inp['W_enc'] = jax.random.normal(ks[5], (8, C // 2), dtype=jnp.float32) * 0.1
    inp['b_enc'] = jnp.zeros((C // 2,), dtype=jnp.float32)
    inp['g_enc'] = jnp.ones((C // 2,), dtype=jnp.float32)
    inp['be_enc'] = jnp.zeros((C // 2,), dtype=jnp.float32)
    inp['W_att'] = jax.random.normal(ks[6], (C, C), dtype=jnp.float32) * 0.05
    inp['W_post'] = jax.random.normal(ks[7], (C, C), dtype=jnp.float32) * 0.05
    inp['b_post'] = jnp.zeros((C,), dtype=jnp.float32)
    inp['g_post'] = jnp.ones((C,), dtype=jnp.float32)
    inp['be_post'] = jnp.zeros((C,), dtype=jnp.float32)
    return inp

def reference(edge_index, x, pos, normals, W_enc, b_enc, g_enc, be_enc, W_att, W_post, b_post, g_post, be_post):
    src = edge_index[0]
    dst = edge_index[1]
    n = x.shape[0]
    # gathers (PyG flow source_to_target: j=src, i=dst, index=dst)
    x_j = jnp.take(x, src, axis=0)
    pos_i = jnp.take(pos, dst, axis=0)
    pos_j = jnp.take(pos, src, axis=0)
    ni = jnp.take(normals, dst, axis=0)
    nj = jnp.take(normals, src, axis=0)
    # darboux frame relative infos (8 features)
    d = pos_j - pos_i
    dist = jnp.sqrt((d * d).sum(1, keepdims=True))
    li = jnp.linalg.norm(ni, axis=1, keepdims=True)
    lj = jnp.linalg.norm(nj, axis=1, keepdims=True)
    f0 = dist
    f1 = (d * ni).sum(1, keepdims=True) / (dist * li + 1e-10)
    f2 = (d * nj).sum(1, keepdims=True) / (dist * lj + 1e-10)
    f3 = (ni * nj).sum(1, keepdims=True) / (li * lj + 1e-10)
    uq = jnp.cross(d, ni)
    vq = jnp.cross(uq, ni)
    uk = jnp.cross(d, nj)
    vk = jnp.cross(uk, nj)
    luq = jnp.linalg.norm(uq, axis=1, keepdims=True)
    lvq = jnp.linalg.norm(vq, axis=1, keepdims=True)
    luk = jnp.linalg.norm(uk, axis=1, keepdims=True)
    lvk = jnp.linalg.norm(vk, axis=1, keepdims=True)
    f4 = (uq * uk).sum(1, keepdims=True) / (luq * luk + 1e-10)
    f5 = (vq * vk).sum(1, keepdims=True) / (lvq * lvk + 1e-10)
    f6 = (uq * vk).sum(1, keepdims=True) / (luq * lvk + 1e-10)
    f7 = (vq * uk).sum(1, keepdims=True) / (lvq * luk + 1e-10)
    rel = jnp.concatenate([f0, f1, f2, f3, f4, f5, f6, f7], axis=1)
    # SharedMLP encoder: Linear -> BN -> LeakyReLU(0.2)
    enc = _lrelu(_bn(rel @ W_enc + b_enc, g_enc, be_enc))
    local = jnp.concatenate([x_j, enc], axis=1)
    # attention MLP (linear, no bias/norm/act) + segment softmax over dst
    att = local @ W_att
    smax = jax.ops.segment_max(att, dst, num_segments=n)
    e = jnp.exp(att - jnp.take(smax, dst, axis=0))
    ssum = jax.ops.segment_sum(e, dst, num_segments=n)
    scores = e / (jnp.take(ssum, dst, axis=0) + 1e-16)
    # attentive pooling: scatter-add of weighted messages
    agg = jax.ops.segment_sum(scores * local, dst, num_segments=n)
    out = _lrelu(_bn(agg @ W_post + b_post, g_post, be_post))
    return out

if __name__ == "__main__":
    import jax
    _d = setup_inputs()
    print(jax.jit(kernel)(*tuple(_d.values())))

</pallas_src>

<mosaic_0001>
#map = affine_map<(d0, d1) -> (0, 0)>
module attributes {stable_mosaic.version = 14 : i64} {
  func.func @_k1_body(%arg0: i32, %arg1: i32, %arg2: memref<6250x128xi32, #tpu.memory_space<hbm>>, %arg3: memref<6250x128xi32, #tpu.memory_space<hbm>>, %arg4: memref<50000x16xf32, #tpu.memory_space<hbm>>, %arg5: memref<50000x32xf32, #tpu.memory_space<hbm>>, %arg6: memref<800000x16xf32, #tpu.memory_space<hbm>>, %arg7: memref<800000x16xf32, #tpu.memory_space<hbm>>, %arg8: memref<800000x32xf32, #tpu.memory_space<hbm>>, %arg9: memref<2x2x128xi32, #tpu.memory_space<vmem>>, %arg10: memref<2x2x128xi32, #tpu.memory_space<vmem>>, %arg11: memref<2x256x16xf32, #tpu.memory_space<vmem>>, %arg12: memref<2x256x16xf32, #tpu.memory_space<vmem>>, %arg13: memref<2x256x32xf32, #tpu.memory_space<vmem>>, %arg14: memref<2x!tpu.dma_semaphore, #tpu.memory_space<semaphore_mem>>, %arg15: memref<2x!tpu.dma_semaphore, #tpu.memory_space<semaphore_mem>>, %arg16: memref<!tpu.dma_semaphore, #tpu.memory_space<semaphore_mem>>) attributes {dimension_semantics = [#tpu.dimension_semantics<core_parallel>, #tpu.dimension_semantics<subcore_parallel>], iteration_bounds = array<i64: 2, 16>, scalar_prefetch = 0 : i64, scratch_operands = 8 : i64, tpu.core_type = #tpu.core_type<sc_vector_subcore>, window_params = [{transform_indices = #map}, {transform_indices = #map}, {transform_indices = #map}, {transform_indices = #map}, {transform_indices = #map}, {transform_indices = #map}, {transform_indices = #map}]} {
    %mul3A = arith.constant 2 : i32
    %mul3A_0 = arith.muli %arg1, %mul3A : i32
    %add3A = arith.addi %mul3A_0, %arg0 : i32
    %add3A_1 = arith.constant 0 : i32
    %add3A_2 = arith.addi %add3A, %add3A_1 : i32
    %lt3A = arith.constant 3125 : i32
    %lt3A_3 = arith.cmpi slt, %add3A_2, %lt3A : i32
    %convert_element_type3A = arith.extui %lt3A_3 : i1 to i32
    %cond3A = arith.constant 0 : i32
    %cond3A_4 = arith.cmpi ne, %convert_element_type3A, %cond3A : i32
    scf.if %cond3A_4 {
      %mul3A_30 = arith.constant 2 : i32
      %mul3A_31 = arith.muli %mul3A_30, %add3A_2 : i32
      %dma_start3A = arith.constant 0 : i32
      %dma_start3A_32 = arith.constant 0 : i32
      %dma_start3A_33 = arith.constant 0 : i32
      %dma_start3A_34 = arith.constant 0 : i32
      %dma_start3A_35 = tpu.memref_slice %arg9[%dma_start3A, %dma_start3A_33, %dma_start3A_34] : memref<2x2x128xi32, #tpu.memory_space<vmem>> -> memref<1x2x128xi32, #tpu.memory_space<vmem>>
      %dma_start3A_36 = tpu.memref_squeeze %dma_start3A_35 : memref<1x2x128xi32, #tpu.memory_space<vmem>> -> memref<2x128xi32, #tpu.memory_space<vmem>>
      %dma_start3A_37 = arith.constant 0 : i32
      %dma_start3A_38 = tpu.memref_slice %arg2[%mul3A_31, %dma_start3A_37] : memref<6250x128xi32, #tpu.memory_space<hbm>> -> memref<2x128xi32, #tpu.memory_space<hbm>>
      %dma_start3A_39 = tpu.memref_slice %arg14[%dma_start3A_32] : memref<2x!tpu.dma_semaphore, #tpu.memory_space<semaphore_mem>> -> memref<1x!tpu.dma_semaphore, #tpu.memory_space<semaphore_mem>>
      %dma_start3A_40 = tpu.memref_squeeze %dma_start3A_39 : memref<1x!tpu.dma_semaphore, #tpu.memory_space<semaphore_mem>> -> memref<!tpu.dma_semaphore, #tpu.memory_space<semaphore_mem>>
      %dma_start3A_41 = arith.constant 0 : i32
      %dma_start3A_42 = arith.constant 0 : i32
      %dma_start3A_43 = tpu.memref_slice %arg9[%dma_start3A, %dma_start3A_41, %dma_start3A_42] : memref<2x2x128xi32, #tpu.memory_space<vmem>> -> memref<1x2x128xi32, #tpu.memory_space<vmem>>
      %dma_start3A_44 = tpu.memref_squeeze %dma_start3A_43 : memref<1x2x128xi32, #tpu.memory_space<vmem>> -> memref<2x128xi32, #tpu.memory_space<vmem>>
      %dma_start3A_45 = arith.constant 0 : i32
      %dma_start3A_46 = tpu.memref_slice %arg2[%mul3A_31, %dma_start3A_45] : memref<6250x128xi32, #tpu.memory_space<hbm>> -> memref<2x128xi32, #tpu.memory_space<hbm>>
      tpu.enqueue_dma source(%dma_start3A_46 : memref<2x128xi32, #tpu.memory_space<hbm>>) target(%dma_start3A_44 : memref<2x128xi32, #tpu.memory_space<vmem>>) target_semaphore(%dma_start3A_40 : memref<!tpu.dma_semaphore, #tpu.memory_space<semaphore_mem>>)
      %mul3A_47 = arith.constant 2 : i32
      %mul3A_48 = arith.muli %mul3A_47, %add3A_2 : i32
      %dma_start3A_49 = arith.constant 0 : i32
      %dma_start3A_50 = arith.constant 0 : i32
      %dma_start3A_51 = arith.constant 0 : i32
      %dma_start3A_52 = arith.constant 0 : i32
      %dma_start3A_53 = tpu.memref_slice %arg10[%dma_start3A_49, %dma_start3A_51, %dma_start3A_52] : memref<2x2x128xi32, #tpu.memory_space<vmem>> -> memref<1x2x128xi32, #tpu.memory_space<vmem>>
      %dma_start3A_54 = tpu.memref_squeeze %dma_start3A_53 : memref<1x2x128xi32, #tpu.memory_space<vmem>> -> memref<2x128xi32, #tpu.memory_space<vmem>>
      %dma_start3A_55 = arith.constant 0 : i32
      %dma_start3A_56 = tpu.memref_slice %arg3[%mul3A_48, %dma_start3A_55] : memref<6250x128xi32, #tpu.memory_space<hbm>> -> memref<2x128xi32, #tpu.memory_space<hbm>>
      %dma_start3A_57 = tpu.memref_slice %arg14[%dma_start3A_50] : memref<2x!tpu.dma_semaphore, #tpu.memory_space<semaphore_mem>> -> memref<1x!tpu.dma_semaphore, #tpu.memory_space<semaphore_mem>>
      %dma_start3A_58 = tpu.memref_squeeze %dma_start3A_57 : memref<1x!tpu.dma_semaphore, #tpu.memory_space<semaphore_mem>> -> memref<!tpu.dma_semaphore, #tpu.memory_space<semaphore_mem>>
      %dma_start3A_59 = arith.constant 0 : i32
      %dma_start3A_60 = arith.constant 0 : i32
      %dma_start3A_61 = tpu.memref_slice %arg10[%dma_start3A_49, %dma_start3A_59, %dma_start3A_60] : memref<2x2x128xi32, #tpu.memory_space<vmem>> -> memref<1x2x128xi32, #tpu.memory_space<vmem>>
      %dma_start3A_62 = tpu.memref_squeeze %dma_start3A_61 : memref<1x2x128xi32, #tpu.memory_space<vmem>> -> memref<2x128xi32, #tpu.memory_space<vmem>>
      %dma_start3A_63 = arith.constant 0 : i32
      %dma_start3A_64 = tpu.memref_slice %arg3[%mul3A_48, %dma_start3A_63] : memref<6250x128xi32, #tpu.memory_space<hbm>> -> memref<2x128xi32, #tpu.memory_space<hbm>>
      tpu.enqueue_dma source(%dma_start3A_64 : memref<2x128xi32, #tpu.memory_space<hbm>>) target(%dma_start3A_62 : memref<2x128xi32, #tpu.memory_space<vmem>>) target_semaphore(%dma_start3A_58 : memref<!tpu.dma_semaphore, #tpu.memory_space<semaphore_mem>>)
    } else {
    }
    %add3A_5 = arith.constant 0 : i32
    %add3A_6 = arith.addi %add3A, %add3A_5 : i32
    %lt3A_7 = arith.constant 3125 : i32
    %lt3A_8 = arith.cmpi slt, %add3A_6, %lt3A_7 : i32
    %convert_element_type3A_9 = arith.extui %lt3A_8 : i1 to i32
    %cond3A_10 = arith.constant 0 : i32
    %cond3A_11 = arith.cmpi ne, %convert_element_type3A_9, %cond3A_10 : i32
    scf.if %cond3A_11 {
      %mul3A_30 = arith.constant 2 : i32
      %mul3A_31 = arith.muli %mul3A_30, %add3A_6 : i32
      %dma_wait3A = arith.constant 0 : i32
      %dma_wait3A_32 = arith.constant 0 : i32
      %dma_wait3A_33 = arith.constant 0 : i32
      %dma_wait3A_34 = arith.constant 0 : i32
      %dma_wait3A_35 = tpu.memref_slice %arg9[%dma_wait3A, %dma_wait3A_33, %dma_wait3A_34] : memref<2x2x128xi32, #tpu.memory_space<vmem>> -> memref<1x2x128xi32, #tpu.memory_space<vmem>>
      %dma_wait3A_36 = tpu.memref_squeeze %dma_wait3A_35 : memref<1x2x128xi32, #tpu.memory_space<vmem>> -> memref<2x128xi32, #tpu.memory_space<vmem>>
      %dma_wait3A_37 = arith.constant 0 : i32
      %dma_wait3A_38 = tpu.memref_slice %arg2[%mul3A_31, %dma_wait3A_37] : memref<6250x128xi32, #tpu.memory_space<hbm>> -> memref<2x128xi32, #tpu.memory_space<hbm>>
      %dma_wait3A_39 = tpu.memref_slice %arg14[%dma_wait3A_32] : memref<2x!tpu.dma_semaphore, #tpu.memory_space<semaphore_mem>> -> memref<1x!tpu.dma_semaphore, #tpu.memory_space<semaphore_mem>>
      %dma_wait3A_40 = tpu.memref_squeeze %dma_wait3A_39 : memref<1x!tpu.dma_semaphore, #tpu.memory_space<semaphore_mem>> -> memref<!tpu.dma_semaphore, #tpu.memory_space<semaphore_mem>>
      %dma_wait3A_41 = arith.constant 0 : i32
      %dma_wait3A_42 = arith.constant 0 : i32
      %dma_wait3A_43 = tpu.memref_slice %arg9[%dma_wait3A, %dma_wait3A_41, %dma_wait3A_42] : memref<2x2x128xi32, #tpu.memory_space<vmem>> -> memref<1x2x128xi32, #tpu.memory_space<vmem>>
      %dma_wait3A_44 = tpu.memref_squeeze %dma_wait3A_43 : memref<1x2x128xi32, #tpu.memory_space<vmem>> -> memref<2x128xi32, #tpu.memory_space<vmem>>
      %dma_wait3A_45 = arith.constant 0 : i32
      %dma_wait3A_46 = tpu.memref_slice %arg2[%mul3A_31, %dma_wait3A_45] : memref<6250x128xi32, #tpu.memory_space<hbm>> -> memref<2x128xi32, #tpu.memory_space<hbm>>
      tpu.wait_dma2 semaphore(%dma_wait3A_40 : memref<!tpu.dma_semaphore, #tpu.memory_space<semaphore_mem>>) src(%dma_wait3A_46 : memref<2x128xi32, #tpu.memory_space<hbm>>) dst(%dma_wait3A_44 : memref<2x128xi32, #tpu.memory_space<vmem>>)
      %mul3A_47 = arith.constant 2 : i32
      %mul3A_48 = arith.muli %mul3A_47, %add3A_6 : i32
      %dma_wait3A_49 = arith.constant 0 : i32
      %dma_wait3A_50 = arith.constant 0 : i32
      %dma_wait3A_51 = arith.constant 0 : i32
      %dma_wait3A_52 = arith.constant 0 : i32
      %dma_wait3A_53 = tpu.memref_slice %arg10[%dma_wait3A_49, %dma_wait3A_51, %dma_wait3A_52] : memref<2x2x128xi32, #tpu.memory_space<vmem>> -> memref<1x2x128xi32, #tpu.memory_space<vmem>>
      %dma_wait3A_54 = tpu.memref_squeeze %dma_wait3A_53 : memref<1x2x128xi32, #tpu.memory_space<vmem>> -> memref<2x128xi32, #tpu.memory_space<vmem>>
      %dma_wait3A_55 = arith.constant 0 : i32
      %dma_wait3A_56 = tpu.memref_slice %arg3[%mul3A_48, %dma_wait3A_55] : memref<6250x128xi32, #tpu.memory_space<hbm>> -> memref<2x128xi32, #tpu.memory_space<hbm>>
      %dma_wait3A_57 = tpu.memref_slice %arg14[%dma_wait3A_50] : memref<2x!tpu.dma_semaphore, #tpu.memory_space<semaphore_mem>> -> memref<1x!tpu.dma_semaphore, #tpu.memory_space<semaphore_mem>>
      %dma_wait3A_58 = tpu.memref_squeeze %dma_wait3A_57 : memref<1x!tpu.dma_semaphore, #tpu.memory_space<semaphore_mem>> -> memref<!tpu.dma_semaphore, #tpu.memory_space<semaphore_mem>>
      %dma_wait3A_59 = arith.constant 0 : i32
      %dma_wait3A_60 = arith.constant 0 : i32
      %dma_wait3A_61 = tpu.memref_slice %arg10[%dma_wait3A_49, %dma_wait3A_59, %dma_wait3A_60] : memref<2x2x128xi32, #tpu.memory_space<vmem>> -> memref<1x2x128xi32, #tpu.memory_space<vmem>>
      %dma_wait3A_62 = tpu.memref_squeeze %dma_wait3A_61 : memref<1x2x128xi32, #tpu.memory_space<vmem>> -> memref<2x128xi32, #tpu.memory_space<vmem>>
      %dma_wait3A_63 = arith.constant 0 : i32
      %dma_wait3A_64 = tpu.memref_slice %arg3[%mul3A_48, %dma_wait3A_63] : memref<6250x128xi32, #tpu.memory_space<hbm>> -> memref<2x128xi32, #tpu.memory_space<hbm>>
      tpu.wait_dma2 semaphore(%dma_wait3A_58 : memref<!tpu.dma_semaphore, #tpu.memory_space<semaphore_mem>>) src(%dma_wait3A_64 : memref<2x128xi32, #tpu.memory_space<hbm>>) dst(%dma_wait3A_62 : memref<2x128xi32, #tpu.memory_space<vmem>>)
    } else {
    }
    %add3A_12 = arith.constant 0 : i32
    %add3A_13 = arith.addi %add3A, %add3A_12 : i32
    %lt3A_14 = arith.constant 3125 : i32
    %lt3A_15 = arith.cmpi slt, %add3A_13, %lt3A_14 : i32
    %convert_element_type3A_16 = arith.extui %lt3A_15 : i1 to i32
    %cond3A_17 = arith.constant 0 : i32
    %cond3A_18 = arith.cmpi ne, %convert_element_type3A_16, %cond3A_17 : i32
    scf.if %cond3A_18 {
      %dma_start3A = arith.constant 0 : i32
      %dma_start3A_30 = arith.constant 0 : i32
      %dma_start3A_31 = arith.constant 0 : i32
      %dma_start3A_32 = arith.constant 0 : i32
      %dma_start3A_33 = arith.constant 0 : i32
      %dma_start3A_34 = arith.constant 0 : i32
      %dma_start3A_35 = tpu.memref_slice %arg11[%dma_start3A_31, %dma_start3A_33, %dma_start3A_34] : memref<2x256x16xf32, #tpu.memory_space<vmem>> -> memref<1x128x16xf32, #tpu.memory_space<vmem>>
      %dma_start3A_36 = tpu.memref_squeeze %dma_start3A_35 : memref<1x128x16xf32, #tpu.memory_space<vmem>> -> memref<128x16xf32, #tpu.memory_space<vmem>>
      %dma_start3A_37 = arith.constant 0 : i32
      %dma_start3A_38 = tpu.memref_slice %arg9[%dma_start3A, %dma_start3A_30, %dma_start3A_37] : memref<2x2x128xi32, #tpu.memory_space<vmem>> -> memref<1x1x128xi32, #tpu.memory_space<vmem>>
      %dma_start3A_39 = tpu.memref_squeeze %dma_start3A_38 : memref<1x1x128xi32, #tpu.memory_space<vmem>> -> memref<128xi32, #tpu.memory_space<vmem>>
      %dma_start3A_40 = arith.constant 0 : i32
      %dma_start3A_41 = arith.constant 0 : i32
      %dma_start3A_42 = tpu.memref_slice %arg4[%dma_start3A_40, %dma_start3A_41] : memref<50000x16xf32, #tpu.memory_space<hbm>> -> memref<50000x16xf32, #tpu.memory_space<hbm>>
      %dma_start3A_43 = tpu.memref_slice %arg15[%dma_start3A_32] : memref<2x!tpu.dma_semaphore, #tpu.memory_space<semaphore_mem>> -> memref<1x!tpu.dma_semaphore, #tpu.memory_space<semaphore_mem>>
      %dma_start3A_44 = tpu.memref_squeeze %dma_start3A_43 : memref<1x!tpu.dma_semaphore, #tpu.memory_space<semaphore_mem>> -> memref<!tpu.dma_semaphore, #tpu.memory_space<semaphore_mem>>
      tpu.enqueue_indirect_dma source(%dma_start3A_42 : memref<50000x16xf32, #tpu.memory_space<hbm>>) target(%dma_start3A_36 : memref<128x16xf32, #tpu.memory_space<vmem>>) offsets(%dma_start3A_39 : memref<128xi32, #tpu.memory_space<vmem>>) semaphore(%dma_start3A_44 : memref<!tpu.dma_semaphore, #tpu.memory_space<semaphore_mem>>)
      %dma_start3A_45 = arith.constant 0 : i32
      %dma_start3A_46 = arith.constant 0 : i32
      %dma_start3A_47 = arith.constant 0 : i32
      %dma_start3A_48 = arith.constant 0 : i32
      %dma_start3A_49 = arith.constant 0 : i32
      %dma_start3A_50 = arith.constant 0 : i32
      %dma_start3A_51 = tpu.memref_slice %arg12[%dma_start3A_47, %dma_start3A_49, %dma_start3A_50] : memref<2x256x16xf32, #tpu.memory_space<vmem>> -> memref<1x128x16xf32, #tpu.memory_space<vmem>>
      %dma_start3A_52 = tpu.memref_squeeze %dma_start3A_51 : memref<1x128x16xf32, #tpu.memory_space<vmem>> -> memref<128x16xf32, #tpu.memory_space<vmem>>
      %dma_start3A_53 = arith.constant 0 : i32
      %dma_start3A_54 = tpu.memref_slice %arg10[%dma_start3A_45, %dma_start3A_46, %dma_start3A_53] : memref<2x2x128xi32, #tpu.memory_space<vmem>> -> memref<1x1x128xi32, #tpu.memory_space<vmem>>
      %dma_start3A_55 = tpu.memref_squeeze %dma_start3A_54 : memref<1x1x128xi32, #tpu.memory_space<vmem>> -> memref<128xi32, #tpu.memory_space<vmem>>
      %dma_start3A_56 = arith.constant 0 : i32
      %dma_start3A_57 = arith.constant 0 : i32
      %dma_start3A_58 = tpu.memref_slice %arg4[%dma_start3A_56, %dma_start3A_57] : memref<50000x16xf32, #tpu.memory_space<hbm>> -> memref<50000x16xf32, #tpu.memory_space<hbm>>
      %dma_start3A_59 = tpu.memref_slice %arg15[%dma_start3A_48] : memref<2x!tpu.dma_semaphore, #tpu.memory_space<semaphore_mem>> -> memref<1x!tpu.dma_semaphore, #tpu.memory_space<semaphore_mem>>
      %dma_start3A_60 = tpu.memref_squeeze %dma_start3A_59 : memref<1x!tpu.dma_semaphore, #tpu.memory_space<semaphore_mem>> -> memref<!tpu.dma_semaphore, #tpu.memory_space<semaphore_mem>>
      tpu.enqueue_indirect_dma source(%dma_start3A_58 : memref<50000x16xf32, #tpu.memory_space<hbm>>) target(%dma_start3A_52 : memref<128x16xf32, #tpu.memory_space<vmem>>) offsets(%dma_start3A_55 : memref<128xi32, #tpu.memory_space<vmem>>) semaphore(%dma_start3A_60 : memref<!tpu.dma_semaphore, #tpu.memory_space<semaphore_mem>>)
      %dma_start3A_61 = arith.constant 0 : i32
      %dma_start3A_62 = arith.constant 0 : i32
      %dma_start3A_63 = arith.constant 0 : i32
      %dma_start3A_64 = arith.constant 0 : i32
      %dma_start3A_65 = arith.constant 0 : i32
      %dma_start3A_66 = arith.constant 0 : i32
      %dma_start3A_67 = tpu.memref_slice %arg13[%dma_start3A_63, %dma_start3A_65, %dma_start3A_66] : memref<2x256x32xf32, #tpu.memory_space<vmem>> -> memref<1x128x32xf32, #tpu.memory_space<vmem>>
      %dma_start3A_68 = tpu.memref_squeeze %dma_start3A_67 : memref<1x128x32xf32, #tpu.memory_space<vmem>> -> memref<128x32xf32, #tpu.memory_space<vmem>>
      %dma_start3A_69 = arith.constant 0 : i32
      %dma_start3A_70 = tpu.memref_slice %arg9[%dma_start3A_61, %dma_start3A_62, %dma_start3A_69] : memref<2x2x128xi32, #tpu.memory_space<vmem>> -> memref<1x1x128xi32, #tpu.memory_space<vmem>>
      %dma_start3A_71 = tpu.memref_squeeze %dma_start3A_70 : memref<1x1x128xi32, #tpu.memory_space<vmem>> -> memref<128xi32, #tpu.memory_space<vmem>>
      %dma_start3A_72 = arith.constant 0 : i32
      %dma_start3A_73 = arith.constant 0 : i32
      %dma_start3A_74 = tpu.memref_slice %arg5[%dma_start3A_72, %dma_start3A_73] : memref<50000x32xf32, #tpu.memory_space<hbm>> -> memref<50000x32xf32, #tpu.memory_space<hbm>>
      %dma_start3A_75 = tpu.memref_slice %arg15[%dma_start3A_64] : memref<2x!tpu.dma_semaphore, #tpu.memory_space<semaphore_mem>> -> memref<1x!tpu.dma_semaphore, #tpu.memory_space<semaphore_mem>>
      %dma_start3A_76 = tpu.memref_squeeze %dma_start3A_75 : memref<1x!tpu.dma_semaphore, #tpu.memory_space<semaphore_mem>> -> memref<!tpu.dma_semaphore, #tpu.memory_space<semaphore_mem>>
      tpu.enqueue_indirect_dma source(%dma_start3A_74 : memref<50000x32xf32, #tpu.memory_space<hbm>>) target(%dma_start3A_68 : memref<128x32xf32, #tpu.memory_space<vmem>>) offsets(%dma_start3A_71 : memref<128xi32, #tpu.memory_space<vmem>>) semaphore(%dma_start3A_76 : memref<!tpu.dma_semaphore, #tpu.memory_space<semaphore_mem>>)
      %dma_start3A_77 = arith.constant 0 : i32
      %dma_start3A_78 = arith.constant 1 : i32
      %dma_start3A_79 = arith.constant 0 : i32
      %dma_start3A_80 = arith.constant 0 : i32
      %dma_start3A_81 = arith.constant 128 : i32
      %dma_start3A_82 = arith.constant 0 : i32
      %dma_start3A_83 = tpu.memref_slice %arg11[%dma_start3A_79, %dma_start3A_81, %dma_start3A_82] : memref<2x256x16xf32, #tpu.memory_space<vmem>> -> memref<1x128x16xf32, #tpu.memory_space<vmem>>
      %dma_start3A_84 = tpu.memref_squeeze %dma_start3A_83 : memref<1x128x16xf32, #tpu.memory_space<vmem>> -> memref<128x16xf32, #tpu.memory_space<vmem>>
      %dma_start3A_85 = arith.constant 0 : i32
      %dma_start3A_86 = tpu.memref_slice %arg9[%dma_start3A_77, %dma_start3A_78, %dma_start3A_85] : memref<2x2x128xi32, #tpu.memory_space<vmem>> -> memref<1x1x128xi32, #tpu.memory_space<vmem>>
      %dma_start3A_87 = tpu.memref_squeeze %dma_start3A_86 : memref<1x1x128xi32, #tpu.memory_space<vmem>> -> memref<128xi32, #tpu.memory_space<vmem>>
      %dma_start3A_88 = arith.constant 0 : i32
      %dma_start3A_89 = arith.constant 0 : i32
      %dma_start3A_90 = tpu.memref_slice %arg4[%dma_start3A_88, %dma_start3A_89] : memref<50000x16xf32, #tpu.memory_space<hbm>> -> memref<50000x16xf32, #tpu.memory_space<hbm>>
      %dma_start3A_91 = tpu.memref_slice %arg15[%dma_start3A_80] : memref<2x!tpu.dma_semaphore, #tpu.memory_space<semaphore_mem>> -> memref<1x!tpu.dma_semaphore, #tpu.memory_space<semaphore_mem>>
      %dma_start3A_92 = tpu.memref_squeeze %dma_start3A_91 : memref<1x!tpu.dma_semaphore, #tpu.memory_space<semaphore_mem>> -> memref<!tpu.dma_semaphore, #tpu.memory_space<semaphore_mem>>
      tpu.enqueue_indirect_dma source(%dma_start3A_90 : memref<50000x16xf32, #tpu.memory_space<hbm>>) target(%dma_start3A_84 : memref<128x16xf32, #tpu.memory_space<vmem>>) offsets(%dma_start3A_87 : memref<128xi32, #tpu.memory_space<vmem>>) semaphore(%dma_start3A_92 : memref<!tpu.dma_semaphore, #tpu.memory_space<semaphore_mem>>)
      %dma_start3A_93 = arith.constant 0 : i32
      %dma_start3A_94 = arith.constant 1 : i32
      %dma_start3A_95 = arith.constant 0 : i32
      %dma_start3A_96 = arith.constant 0 : i32
      %dma_start3A_97 = arith.constant 128 : i32
      %dma_start3A_98 = arith.constant 0 : i32
      %dma_start3A_99 = tpu.memref_slice %arg12[%dma_start3A_95, %dma_start3A_97, %dma_start3A_98] : memref<2x256x16xf32, #tpu.memory_space<vmem>> -> memref<1x128x16xf32, #tpu.memory_space<vmem>>
      %dma_start3A_100 = tpu.memref_squeeze %dma_start3A_99 : memref<1x128x16xf32, #tpu.memory_space<vmem>> -> memref<128x16xf32, #tpu.memory_space<vmem>>
      %dma_start3A_101 = arith.constant 0 : i32
      %dma_start3A_102 = tpu.memref_slice %arg10[%dma_start3A_93, %dma_start3A_94, %dma_start3A_101] : memref<2x2x128xi32, #tpu.memory_space<vmem>> -> memref<1x1x128xi32, #tpu.memory_space<vmem>>
      %dma_start3A_103 = tpu.memref_squeeze %dma_start3A_102 : memref<1x1x128xi32, #tpu.memory_space<vmem>> -> memref<128xi32, #tpu.memory_space<vmem>>
      %dma_start3A_104 = arith.constant 0 : i32
      %dma_start3A_105 = arith.constant 0 : i32
      %dma_start3A_106 = tpu.memref_slice %arg4[%dma_start3A_104, %dma_start3A_105] : memref<50000x16xf32, #tpu.memory_space<hbm>> -> memref<50000x16xf32, #tpu.memory_space<hbm>>
      %dma_start3A_107 = tpu.memref_slice %arg15[%dma_start3A_96] : memref<2x!tpu.dma_semaphore, #tpu.memory_space<semaphore_mem>> -> memref<1x!tpu.dma_semaphore, #tpu.memory_space<semaphore_mem>>
      %dma_start3A_108 = tpu.memref_squeeze %dma_start3A_107 : memref<1x!tpu.dma_semaphore, #tpu.memory_space<semaphore_mem>> -> memref<!tpu.dma_semaphore, #tpu.memory_space<semaphore_mem>>
      tpu.enqueue_indirect_dma source(%dma_start3A_106 : memref<50000x16xf32, #tpu.memory_space<hbm>>) target(%dma_start3A_100 : memref<128x16xf32, #tpu.memory_space<vmem>>) offsets(%dma_start3A_103 : memref<128xi32, #tpu.memory_space<vmem>>) semaphore(%dma_start3A_108 : memref<!tpu.dma_semaphore, #tpu.memory_space<semaphore_mem>>)
      %dma_start3A_109 = arith.constant 0 : i32
      %dma_start3A_110 = arith.constant 1 : i32
      %dma_start3A_111 = arith.constant 0 : i32
      %dma_start3A_112 = arith.constant 0 : i32
      %dma_start3A_113 = arith.constant 128 : i32
      %dma_start3A_114 = arith.constant 0 : i32
      %dma_start3A_115 = tpu.memref_slice %arg13[%dma_start3A_111, %dma_start3A_113, %dma_start3A_114] : memref<2x256x32xf32, #tpu.memory_space<vmem>> -> memref<1x128x32xf32, #tpu.memory_space<vmem>>
      %dma_start3A_116 = tpu.memref_squeeze %dma_start3A_115 : memref<1x128x32xf32, #tpu.memory_space<vmem>> -> memref<128x32xf32, #tpu.memory_space<vmem>>
      %dma_start3A_117 = arith.constant 0 : i32
      %dma_start3A_118 = tpu.memref_slice %arg9[%dma_start3A_109, %dma_start3A_110, %dma_start3A_117] : memref<2x2x128xi32, #tpu.memory_space<vmem>> -> memref<1x1x128xi32, #tpu.memory_space<vmem>>
      %dma_start3A_119 = tpu.memref_squeeze %dma_start3A_118 : memref<1x1x128xi32, #tpu.memory_space<vmem>> -> memref<128xi32, #tpu.memory_space<vmem>>
      %dma_start3A_120 = arith.constant 0 : i32
      %dma_start3A_121 = arith.constant 0 : i32
      %dma_start3A_122 = tpu.memref_slice %arg5[%dma_start3A_120, %dma_start3A_121] : memref<50000x32xf32, #tpu.memory_space<hbm>> -> memref<50000x32xf32, #tpu.memory_space<hbm>>
      %dma_start3A_123 = tpu.memref_slice %arg15[%dma_start3A_112] : memref<2x!tpu.dma_semaphore, #tpu.memory_space<semaphore_mem>> -> memref<1x!tpu.dma_semaphore, #tpu.memory_space<semaphore_mem>>
      %dma_start3A_124 = tpu.memref_squeeze %dma_start3A_123 : memref<1x!tpu.dma_semaphore, #tpu.memory_space<semaphore_mem>> -> memref<!tpu.dma_semaphore, #tpu.memory_space<semaphore_mem>>
      tpu.enqueue_indirect_dma source(%dma_start3A_122 : memref<50000x32xf32, #tpu.memory_space<hbm>>) target(%dma_start3A_116 : memref<128x32xf32, #tpu.memory_space<vmem>>) offsets(%dma_start3A_119 : memref<128xi32, #tpu.memory_space<vmem>>) semaphore(%dma_start3A_124 : memref<!tpu.dma_semaphore, #tpu.memory_space<semaphore_mem>>)
    } else {
    }
    %add3A_19 = arith.constant 32 : i32
    %add3A_20 = arith.addi %add3A, %add3A_19 : i32
    %lt3A_21 = arith.constant 3125 : i32
    %lt3A_22 = arith.cmpi slt, %add3A_20, %lt3A_21 : i32
    %convert_element_type3A_23 = arith.extui %lt3A_22 : i1 to i32
    %cond3A_24 = arith.constant 0 : i32
    %cond3A_25 = arith.cmpi ne, %convert_element_type3A_23, %cond3A_24 : i32
    scf.if %cond3A_25 {
      %mul3A_30 = arith.constant 2 : i32
      %mul3A_31 = arith.muli %mul3A_30, %add3A_20 : i32
      %dma_start3A = arith.constant 1 : i32
      %dma_start3A_32 = arith.constant 1 : i32
      %dma_start3A_33 = arith.constant 0 : i32
      %dma_start3A_34 = arith.constant 0 : i32
      %dma_start3A_35 = tpu.memref_slice %arg9[%dma_start3A, %dma_start3A_33, %dma_start3A_34] : memref<2x2x128xi32, #tpu.memory_space<vmem>> -> memref<1x2x128xi32, #tpu.memory_space<vmem>>
      %dma_start3A_36 = tpu.memref_squeeze %dma_start3A_35 : memref<1x2x128xi32, #tpu.memory_space<vmem>> -> memref<2x128xi32, #tpu.memory_space<vmem>>
      %dma_start3A_37 = arith.constant 0 : i32
      %dma_start3A_38 = tpu.memref_slice %arg2[%mul3A_31, %dma_start3A_37] : memref<6250x128xi32, #tpu.memory_space<hbm>> -> memref<2x128xi32, #tpu.memory_space<hbm>>
      %dma_start3A_39 = tpu.memref_slice %arg14[%dma_start3A_32] : memref<2x!tpu.dma_semaphore, #tpu.memory_space<semaphore_mem>> -> memref<1x!tpu.dma_semaphore, #tpu.memory_space<semaphore_mem>>
      %dma_start3A_40 = tpu.memref_squeeze %dma_start3A_39 : memref<1x!tpu.dma_semaphore, #tpu.memory_space<semaphore_mem>> -> memref<!tpu.dma_semaphore, #tpu.memory_space<semaphore_mem>>
      %dma_start3A_41 = arith.constant 0 : i32
      %dma_start3A_42 = arith.constant 0 : i32
      %dma_start3A_43 = tpu.memref_slice %arg9[%dma_start3A, %dma_start3A_41, %dma_start3A_42] : memref<2x2x128xi32, #tpu.memory_space<vmem>> -> memref<1x2x128xi32, #tpu.memory_space<vmem>>
      %dma_start3A_44 = tpu.memref_squeeze %dma_start3A_43 : memref<1x2x128xi32, #tpu.memory_space<vmem>> -> memref<2x128xi32, #tpu.memory_space<vmem>>
      %dma_start3A_45 = arith.constant 0 : i32
      %dma_start3A_46 = tpu.memref_slice %arg2[%mul3A_31, %dma_start3A_45] : memref<6250x128xi32, #tpu.memory_space<hbm>> -> memref<2x128xi32, #tpu.memory_space<hbm>>
      tpu.enqueue_dma source(%dma_start3A_46 : memref<2x128xi32, #tpu.memory_space<hbm>>) target(%dma_start3A_44 : memref<2x128xi32, #tpu.memory_space<vmem>>) target_semaphore(%dma_start3A_40 : memref<!tpu.dma_semaphore, #tpu.memory_space<semaphore_mem>>)
      %mul3A_47 = arith.constant 2 : i32
      %mul3A_48 = arith.muli %mul3A_47, %add3A_20 : i32
      %dma_start3A_49 = arith.constant 1 : i32
      %dma_start3A_50 = arith.constant 1 : i32
      %dma_start3A_51 = arith.constant 0 : i32
      %dma_start3A_52 = arith.constant 0 : i32
      %dma_start3A_53 = tpu.memref_slice %arg10[%dma_start3A_49, %dma_start3A_51, %dma_start3A_52] : memref<2x2x128xi32, #tpu.memory_space<vmem>> -> memref<1x2x128xi32, #tpu.memory_space<vmem>>
      %dma_start3A_54 = tpu.memref_squeeze %dma_start3A_53 : memref<1x2x128xi32, #tpu.memory_space<vmem>> -> memref<2x128xi32, #tpu.memory_space<vmem>>
      %dma_start3A_55 = arith.constant 0 : i32
      %dma_start3A_56 = tpu.memref_slice %arg3[%mul3A_48, %dma_start3A_55] : memref<6250x128xi32, #tpu.memory_space<hbm>> -> memref<2x128xi32, #tpu.memory_space<hbm>>
      %dma_start3A_57 = tpu.memref_slice %arg14[%dma_start3A_50] : memref<2x!tpu.dma_semaphore, #tpu.memory_space<semaphore_mem>> -> memref<1x!tpu.dma_semaphore, #tpu.memory_space<semaphore_mem>>
      %dma_start3A_58 = tpu.memref_squeeze %dma_start3A_57 : memref<1x!tpu.dma_semaphore, #tpu.memory_space<semaphore_mem>> -> memref<!tpu.dma_semaphore, #tpu.memory_space<semaphore_mem>>
      %dma_start3A_59 = arith.constant 0 : i32
      %dma_start3A_60 = arith.constant 0 : i32
      %dma_start3A_61 = tpu.memref_slice %arg10[%dma_start3A_49, %dma_start3A_59, %dma_start3A_60] : memref<2x2x128xi32, #tpu.memory_space<vmem>> -> memref<1x2x128xi32, #tpu.memory_space<vmem>>
      %dma_start3A_62 = tpu.memref_squeeze %dma_start3A_61 : memref<1x2x128xi32, #tpu.memory_space<vmem>> -> memref<2x128xi32, #tpu.memory_space<vmem>>
      %dma_start3A_63 = arith.constant 0 : i32
      %dma_start3A_64 = tpu.memref_slice %arg3[%mul3A_48, %dma_start3A_63] : memref<6250x128xi32, #tpu.memory_space<hbm>> -> memref<2x128xi32, #tpu.memory_space<hbm>>
      tpu.enqueue_dma source(%dma_start3A_64 : memref<2x128xi32, #tpu.memory_space<hbm>>) target(%dma_start3A_62 : memref<2x128xi32, #tpu.memory_space<vmem>>) target_semaphore(%dma_start3A_58 : memref<!tpu.dma_semaphore, #tpu.memory_space<semaphore_mem>>)
    } else {
    }
    %scan3A = arith.constant 0 : i32
    %scan3A_26 = arith.constant 49 : i32
    %scan3A_27 = arith.addi %scan3A, %scan3A_26 : i32
    %scan3A_28 = arith.constant 1 : i32
    scf.for %scan3A_30 = %scan3A to %scan3A_27 step %scan3A_28  : i32 {
      %mul3A_31 = arith.constant 2 : i32
      %mul3A_32 = arith.muli %scan3A_30, %mul3A_31 : i32
      %add3A_33 = arith.constant 1 : i32
      %add3A_34 = arith.addi %mul3A_32, %add3A_33 : i32
      %mul3A_35 = arith.constant 32 : i32
      %mul3A_36 = arith.muli %add3A_34, %mul3A_35 : i32
      %add3A_37 = arith.addi %add3A, %mul3A_36 : i32
      %lt3A_38 = arith.constant 3125 : i32
      %lt3A_39 = arith.cmpi slt, %add3A_37, %lt3A_38 : i32
      %convert_element_type3A_40 = arith.extui %lt3A_39 : i1 to i32
      %cond3A_41 = arith.constant 0 : i32
      %cond3A_42 = arith.cmpi ne, %convert_element_type3A_40, %cond3A_41 : i32
      scf.if %cond3A_42 {
        %mul3A_127 = arith.constant 2 : i32
        %mul3A_128 = arith.muli %mul3A_127, %add3A_37 : i32
        %dma_wait3A = arith.constant 1 : i32
        %dma_wait3A_129 = arith.constant 1 : i32
        %dma_wait3A_130 = arith.constant 0 : i32
        %dma_wait3A_131 = arith.constant 0 : i32
        %dma_wait3A_132 = tpu.memref_slice %arg9[%dma_wait3A, %dma_wait3A_130, %dma_wait3A_131] : memref<2x2x128xi32, #tpu.memory_space<vmem>> -> memref<1x2x128xi32, #tpu.memory_space<vmem>>
        %dma_wait3A_133 = tpu.memref_squeeze %dma_wait3A_132 : memref<1x2x128xi32, #tpu.memory_space<vmem>> -> memref<2x128xi32, #tpu.memory_space<vmem>>
        %dma_wait3A_134 = arith.constant 0 : i32
        %dma_wait3A_135 = tpu.memref_slice %arg2[%mul3A_128, %dma_wait3A_134] : memref<6250x128xi32, #tpu.memory_space<hbm>> -> memref<2x128xi32, #tpu.memory_space<hbm>>
        %dma_wait3A_136 = tpu.memref_slice %arg14[%dma_wait3A_129] : memref<2x!tpu.dma_semaphore, #tpu.memory_space<semaphore_mem>> -> memref<1x!tpu.dma_semaphore, #tpu.memory_space<semaphore_mem>>
        %dma_wait3A_137 = tpu.memref_squeeze %dma_wait3A_136 : memref<1x!tpu.dma_semaphore, #tpu.memory_space<semaphore_mem>> -> memref<!tpu.dma_semaphore, #tpu.memory_space<semaphore_mem>>
        %dma_wait3A_138 = arith.constant 0 : i32
        %dma_wait3A_139 = arith.constant 0 : i32
        %dma_wait3A_140 = tpu.memref_slice %arg9[%dma_wait3A, %dma_wait3A_138, %dma_wait3A_139] : memref<2x2x128xi32, #tpu.memory_space<vmem>> -> memref<1x2x128xi32, #tpu.memory_space<vmem>>
        %dma_wait3A_141 = tpu.memref_squeeze %dma_wait3A_140 : memref<1x2x128xi32, #tpu.memory_space<vmem>> -> memref<2x128xi32, #tpu.memory_space<vmem>>
        %dma_wait3A_142 = arith.constant 0 : i32
        %dma_wait3A_143 = tpu.memref_slice %arg2[%mul3A_128, %dma_wait3A_142] : memref<6250x128xi32, #tpu.memory_space<hbm>> -> memref<2x128xi32, #tpu.memory_space<hbm>>
        tpu.wait_dma2 semaphore(%dma_wait3A_137 : memref<!tpu.dma_semaphore, #tpu.memory_space<semaphore_mem>>) src(%dma_wait3A_143 : memref<2x128xi32, #tpu.memory_space<hbm>>) dst(%dma_wait3A_141 : memref<2x128xi32, #tpu.memory_space<vmem>>)
        %mul3A_144 = arith.constant 2 : i32
        %mul3A_145 = arith.muli %mul3A_144, %add3A_37 : i32
        %dma_wait3A_146 = arith.constant 1 : i32
        %dma_wait3A_147 = arith.constant 1 : i32
        %dma_wait3A_148 = arith.constant 0 : i32
        %dma_wait3A_149 = arith.constant 0 : i32
        %dma_wait3A_150 = tpu.memref_slice %arg10[%dma_wait3A_146, %dma_wait3A_148, %dma_wait3A_149] : memref<2x2x128xi32, #tpu.memory_space<vmem>> -> memref<1x2x128xi32, #tpu.memory_space<vmem>>
        %dma_wait3A_151 = tpu.memref_squeeze %dma_wait3A_150 : memref<1x2x128xi32, #tpu.memory_space<vmem>> -> memref<2x128xi32, #tpu.memory_space<vmem>>
        %dma_wait3A_152 = arith.constant 0 : i32
        %dma_wait3A_153 = tpu.memref_slice %arg3[%mul3A_145, %dma_wait3A_152] : memref<6250x128xi32, #tpu.memory_space<hbm>> -> memref<2x128xi32, #tpu.memory_space<hbm>>
        %dma_wait3A_154 = tpu.memref_slice %arg14[%dma_wait3A_147] : memref<2x!tpu.dma_semaphore, #tpu.memory_space<semaphore_mem>> -> memref<1x!tpu.dma_semaphore, #tpu.memory_space<semaphore_mem>>
        %dma_wait3A_155 = tpu.memref_squeeze %dma_wait3A_154 : memref<1x!tpu.dma_semaphore, #tpu.memory_space<semaphore_mem>> -> memref<!tpu.dma_semaphore, #tpu.memory_space<semaphore_mem>>
        %dma_wait3A_156 = arith.constant 0 : i32
        %dma_wait3A_157 = arith.constant 0 : i32
        %dma_wait3A_158 = tpu.memref_slice %arg10[%dma_wait3A_146, %dma_wait3A_156, %dma_wait3A_157] : memref<2x2x128xi32, #tpu.memory_space<vmem>> -> memref<1x2x128xi32, #tpu.memory_space<vmem>>
        %dma_wait3A_159 = tpu.memref_squeeze %dma_wait3A_158 : memref<1x2x128xi32, #tpu.memory_space<vmem>> -> memref<2x128xi32, #tpu.memory_space<vmem>>
        %dma_wait3A_160 = arith.constant 0 : i32
        %dma_wait3A_161 = tpu.memref_slice %arg3[%mul3A_145, %dma_wait3A_160] : memref<6250x128xi32, #tpu.memory_space<hbm>> -> memref<2x128xi32, #tpu.memory_space<hbm>>
        tpu.wait_dma2 semaphore(%dma_wait3A_155 : memref<!tpu.dma_semaphore, #tpu.memory_space<semaphore_mem>>) src(%dma_wait3A_161 : memref<2x128xi32, #tpu.memory_space<hbm>>) dst(%dma_wait3A_159 : memref<2x128xi32, #tpu.memory_space<vmem>>)
      } else {
      }
      %add3A_43 = arith.constant 1 : i32
      %add3A_44 = arith.addi %mul3A_32, %add3A_43 : i32
      %mul3A_45 = arith.constant 32 : i32
      %mul3A_46 = arith.muli %add3A_44, %mul3A_45 : i32
      %add3A_47 = arith.addi %add3A, %mul3A_46 : i32
      %lt3A_48 = arith.constant 3125 : i32
      %lt3A_49 = arith.cmpi slt, %add3A_47, %lt3A_48 : i32
      %convert_element_type3A_50 = arith.extui %lt3A_49 : i1 to i32
      %cond3A_51 = arith.constant 0 : i32
      %cond3A_52 = arith.cmpi ne, %convert_element_type3A_50, %cond3A_51 : i32
      scf.if %cond3A_52 {
        %dma_start3A = arith.constant 1 : i32
        %dma_start3A_127 = arith.constant 0 : i32
        %dma_start3A_128 = arith.constant 1 : i32
        %dma_start3A_129 = arith.constant 1 : i32
        %dma_start3A_130 = arith.constant 0 : i32
        %dma_start3A_131 = arith.constant 0 : i32
        %dma_start3A_132 = tpu.memref_slice %arg11[%dma_start3A_128, %dma_start3A_130, %dma_start3A_131] : memref<2x256x16xf32, #tpu.memory_space<vmem>> -> memref<1x128x16xf32, #tpu.memory_space<vmem>>
        %dma_start3A_133 = tpu.memref_squeeze %dma_start3A_132 : memref<1x128x16xf32, #tpu.memory_space<vmem>> -> memref<128x16xf32, #tpu.memory_space<vmem>>
        %dma_start3A_134 = arith.constant 0 : i32
        %dma_start3A_135 = tpu.memref_slice %arg9[%dma_start3A, %dma_start3A_127, %dma_start3A_134] : memref<2x2x128xi32, #tpu.memory_space<vmem>> -> memref<1x1x128xi32, #tpu.memory_space<vmem>>
        %dma_start3A_136 = tpu.memref_squeeze %dma_start3A_135 : memref<1x1x128xi32, #tpu.memory_space<vmem>> -> memref<128xi32, #tpu.memory_space<vmem>>
        %dma_start3A_137 = arith.constant 0 : i32
        %dma_start3A_138 = arith.constant 0 : i32
        %dma_start3A_139 = tpu.memref_slice %arg4[%dma_start3A_137, %dma_start3A_138] : memref<50000x16xf32, #tpu.memory_space<hbm>> -> memref<50000x16xf32, #tpu.memory_space<hbm>>
        %dma_start3A_140 = tpu.memref_slice %arg15[%dma_start3A_129] : memref<2x!tpu.dma_semaphore, #tpu.memory_space<semaphore_mem>> -> memref<1x!tpu.dma_semaphore, #tpu.memory_space<semaphore_mem>>
        %dma_start3A_141 = tpu.memref_squeeze %dma_start3A_140 : memref<1x!tpu.dma_semaphore, #tpu.memory_space<semaphore_mem>> -> memref<!tpu.dma_semaphore, #tpu.memory_space<semaphore_mem>>
        tpu.enqueue_indirect_dma source(%dma_start3A_139 : memref<50000x16xf32, #tpu.memory_space<hbm>>) target(%dma_start3A_133 : memref<128x16xf32, #tpu.memory_space<vmem>>) offsets(%dma_start3A_136 : memref<128xi32, #tpu.memory_space<vmem>>) semaphore(%dma_start3A_141 : memref<!tpu.dma_semaphore, #tpu.memory_space<semaphore_mem>>)
        %dma_start3A_142 = arith.constant 1 : i32
        %dma_start3A_143 = arith.constant 0 : i32
        %dma_start3A_144 = arith.constant 1 : i32
        %dma_start3A_145 = arith.constant 1 : i32
        %dma_start3A_146 = arith.constant 0 : i32
        %dma_start3A_147 = arith.constant 0 : i32
        %dma_start3A_148 = tpu.memref_slice %arg12[%dma_start3A_144, %dma_start3A_146, %dma_start3A_147] : memref<2x256x16xf32, #tpu.memory_space<vmem>> -> memref<1x128x16xf32, #tpu.memory_space<vmem>>
        %dma_start3A_149 = tpu.memref_squeeze %dma_start3A_148 : memref<1x128x16xf32, #tpu.memory_space<vmem>> -> memref<128x16xf32, #tpu.memory_space<vmem>>
        %dma_start3A_150 = arith.constant 0 : i32
        %dma_start3A_151 = tpu.memref_slice %arg10[%dma_start3A_142, %dma_start3A_143, %dma_start3A_150] : memref<2x2x128xi32, #tpu.memory_space<vmem>> -> memref<1x1x128xi32, #tpu.memory_space<vmem>>
        %dma_start3A_152 = tpu.memref_squeeze %dma_start3A_151 : memref<1x1x128xi32, #tpu.memory_space<vmem>> -> memref<128xi32, #tpu.memory_space<vmem>>
        %dma_start3A_153 = arith.constant 0 : i32
        %dma_start3A_154 = arith.constant 0 : i32
        %dma_start3A_155 = tpu.memref_slice %arg4[%dma_start3A_153, %dma_start3A_154] : memref<50000x16xf32, #tpu.memory_space<hbm>> -> memref<50000x16xf32, #tpu.memory_space<hbm>>
        %dma_start3A_156 = tpu.memref_slice %arg15[%dma_start3A_145] : memref<2x!tpu.dma_semaphore, #tpu.memory_space<semaphore_mem>> -> memref<1x!tpu.dma_semaphore, #tpu.memory_space<semaphore_mem>>
        %dma_start3A_157 = tpu.memref_squeeze %dma_start3A_156 : memref<1x!tpu.dma_semaphore, #tpu.memory_space<semaphore_mem>> -> memref<!tpu.dma_semaphore, #tpu.memory_space<semaphore_mem>>
        tpu.enqueue_indirect_dma source(%dma_start3A_155 : memref<50000x16xf32, #tpu.memory_space<hbm>>) target(%dma_start3A_149 : memref<128x16xf32, #tpu.memory_space<vmem>>) offsets(%dma_start3A_152 : memref<128xi32, #tpu.memory_space<vmem>>) semaphore(%dma_start3A_157 : memref<!tpu.dma_semaphore, #tpu.memory_space<semaphore_mem>>)
        %dma_start3A_158 = arith.constant 1 : i32
        %dma_start3A_159 = arith.constant 0 : i32
        %dma_start3A_160 = arith.constant 1 : i32
        %dma_start3A_161 = arith.constant 1 : i32
        %dma_start3A_162 = arith.constant 0 : i32
        %dma_start3A_163 = arith.constant 0 : i32
        %dma_start3A_164 = tpu.memref_slice %arg13[%dma_start3A_160, %dma_start3A_162, %dma_start3A_163] : memref<2x256x32xf32, #tpu.memory_space<vmem>> -> memref<1x128x32xf32, #tpu.memory_space<vmem>>
        %dma_start3A_165 = tpu.memref_squeeze %dma_start3A_164 : memref<1x128x32xf32, #tpu.memory_space<vmem>> -> memref<128x32xf32, #tpu.memory_space<vmem>>
        %dma_start3A_166 = arith.constant 0 : i32
        %dma_start3A_167 = tpu.memref_slice %arg9[%dma_start3A_158, %dma_start3A_159, %dma_start3A_166] : memref<2x2x128xi32, #tpu.memory_space<vmem>> -> memref<1x1x128xi32, #tpu.memory_space<vmem>>
        %dma_start3A_168 = tpu.memref_squeeze %dma_start3A_167 : memref<1x1x128xi32, #tpu.memory_space<vmem>> -> memref<128xi32, #tpu.memory_space<vmem>>
        %dma_start3A_169 = arith.constant 0 : i32
        %dma_start3A_170 = arith.constant 0 : i32
        %dma_start3A_171 = tpu.memref_slice %arg5[%dma_start3A_169, %dma_start3A_170] : memref<50000x32xf32, #tpu.memory_space<hbm>> -> memref<50000x32xf32, #tpu.memory_space<hbm>>
        %dma_start3A_172 = tpu.memref_slice %arg15[%dma_start3A_161] : memref<2x!tpu.dma_semaphore, #tpu.memory_space<semaphore_mem>> -> memref<1x!tpu.dma_semaphore, #tpu.memory_space<semaphore_mem>>
        %dma_start3A_173 = tpu.memref_squeeze %dma_start3A_172 : memref<1x!tpu.dma_semaphore, #tpu.memory_space<semaphore_mem>> -> memref<!tpu.dma_semaphore, #tpu.memory_space<semaphore_mem>>
        tpu.enqueue_indirect_dma source(%dma_start3A_171 : memref<50000x32xf32, #tpu.memory_space<hbm>>) target(%dma_start3A_165 : memref<128x32xf32, #tpu.memory_space<vmem>>) offsets(%dma_start3A_168 : memref<128xi32, #tpu.memory_space<vmem>>) semaphore(%dma_start3A_173 : memref<!tpu.dma_semaphore, #tpu.memory_space<semaphore_mem>>)
        %dma_start3A_174 = arith.constant 1 : i32
        %dma_start3A_175 = arith.constant 1 : i32
        %dma_start3A_176 = arith.constant 1 : i32
        %dma_start3A_177 = arith.constant 1 : i32
        %dma_start3A_178 = arith.constant 128 : i32
        %dma_start3A_179 = arith.constant 0 : i32
        %dma_start3A_180 = tpu.memref_slice %arg11[%dma_start3A_176, %dma_start3A_178, %dma_start3A_179] : memref<2x256x16xf32, #tpu.memory_space<vmem>> -> memref<1x128x16xf32, #tpu.memory_space<vmem>>
        %dma_start3A_181 = tpu.memref_squeeze %dma_start3A_180 : memref<1x128x16xf32, #tpu.memory_space<vmem>> -> memref<128x16xf32, #tpu.memory_space<vmem>>
        %dma_start3A_182 = arith.constant 0 : i32
        %dma_start3A_183 = tpu.memref_slice %arg9[%dma_start3A_174, %dma_start3A_175, %dma_start3A_182] : memref<2x2x128xi32, #tpu.memory_space<vmem>> -> memref<1x1x128xi32, #tpu.memory_space<vmem>>
        %dma_start3A_184 = tpu.memref_squeeze %dma_start3A_183 : memref<1x1x128xi32, #tpu.memory_space<vmem>> -> memref<128xi32, #tpu.memory_space<vmem>>
        %dma_start3A_185 = arith.constant 0 : i32
        %dma_start3A_186 = arith.constant 0 : i32
        %dma_start3A_187 = tpu.memref_slice %arg4[%dma_start3A_185, %dma_start3A_186] : memref<50000x16xf32, #tpu.memory_space<hbm>> -> memref<50000x16xf32, #tpu.memory_space<hbm>>
        %dma_start3A_188 = tpu.memref_slice %arg15[%dma_start3A_177] : memref<2x!tpu.dma_semaphore, #tpu.memory_space<semaphore_mem>> -> memref<1x!tpu.dma_semaphore, #tpu.memory_space<semaphore_mem>>
        %dma_start3A_189 = tpu.memref_squeeze %dma_start3A_188 : memref<1x!tpu.dma_semaphore, #tpu.memory_space<semaphore_mem>> -> memref<!tpu.dma_semaphore, #tpu.memory_space<semaphore_mem>>
        tpu.enqueue_indirect_dma source(%dma_start3A_187 : memref<50000x16xf32, #tpu.memory_space<hbm>>) target(%dma_start3A_181 : memref<128x16xf32, #tpu.memory_space<vmem>>) offsets(%dma_start3A_184 : memref<128xi32, #tpu.memory_space<vmem>>) semaphore(%dma_start3A_189 : memref<!tpu.dma_semaphore, #tpu.memory_space<semaphore_mem>>)
        %dma_start3A_190 = arith.constant 1 : i32
        %dma_start3A_191 = arith.constant 1 : i32
        %dma_start3A_192 = arith.constant 1 : i32
        %dma_start3A_193 = arith.constant 1 : i32
        %dma_start3A_194 = arith.constant 128 : i32
        %dma_start3A_195 = arith.constant 0 : i32
        %dma_start3A_196 = tpu.memref_slice %arg12[%dma_start3A_192, %dma_start3A_194, %dma_start3A_195] : memref<2x256x16xf32, #tpu.memory_space<vmem>> -> memref<1x128x16xf32, #tpu.memory_space<vmem>>
        %dma_start3A_197 = tpu.memref_squeeze %dma_start3A_196 : memref<1x128x16xf32, #tpu.memory_space<vmem>> -> memref<128x16xf32, #tpu.memory_space<vmem>>
        %dma_start3A_198 = arith.constant 0 : i32
        %dma_start3A_199 = tpu.memref_slice %arg10[%dma_start3A_190, %dma_start3A_191, %dma_start3A_198] : memref<2x2x128xi32, #tpu.memory_space<vmem>> -> memref<1x1x128xi32, #tpu.memory_space<vmem>>
        %dma_start3A_200 = tpu.memref_squeeze %dma_start3A_199 : memref<1x1x128xi32, #tpu.memory_space<vmem>> -> memref<128xi32, #tpu.memory_space<vmem>>
        %dma_start3A_201 = arith.constant 0 : i32
        %dma_start3A_202 = arith.constant 0 : i32
        %dma_start3A_203 = tpu.memref_slice %arg4[%dma_start3A_201, %dma_start3A_202] : memref<50000x16xf32, #tpu.memory_space<hbm>> -> memref<50000x16xf32, #tpu.memory_space<hbm>>
        %dma_start3A_204 = tpu.memref_slice %arg15[%dma_start3A_193] : memref<2x!tpu.dma_semaphore, #tpu.memory_space<semaphore_mem>> -> memref<1x!tpu.dma_semaphore, #tpu.memory_space<semaphore_mem>>
        %dma_start3A_205 = tpu.memref_squeeze %dma_start3A_204 : memref<1x!tpu.dma_semaphore, #tpu.memory_space<semaphore_mem>> -> memref<!tpu.dma_semaphore, #tpu.memory_space<semaphore_mem>>
        tpu.enqueue_indirect_dma source(%dma_start3A_203 : memref<50000x16xf32, #tpu.memory_space<hbm>>) target(%dma_start3A_197 : memref<128x16xf32, #tpu.memory_space<vmem>>) offsets(%dma_start3A_200 : memref<128xi32, #tpu.memory_space<vmem>>) semaphore(%dma_start3A_205 : memref<!tpu.dma_semaphore, #tpu.memory_space<semaphore_mem>>)
        %dma_start3A_206 = arith.constant 1 : i32
        %dma_start3A_207 = arith.constant 1 : i32
        %dma_start3A_208 = arith.constant 1 : i32
        %dma_start3A_209 = arith.constant 1 : i32
        %dma_start3A_210 = arith.constant 128 : i32
        %dma_start3A_211 = arith.constant 0 : i32
        %dma_start3A_212 = tpu.memref_slice %arg13[%dma_start3A_208, %dma_start3A_210, %dma_start3A_211] : memref<2x256x32xf32, #tpu.memory_space<vmem>> -> memref<1x128x32xf32, #tpu.memory_space<vmem>>
        %dma_start3A_213 = tpu.memref_squeeze %dma_start3A_212 : memref<1x128x32xf32, #tpu.memory_space<vmem>> -> memref<128x32xf32, #tpu.memory_space<vmem>>
        %dma_start3A_214 = arith.constant 0 : i32
        %dma_start3A_215 = tpu.memref_slice %arg9[%dma_start3A_206, %dma_start3A_207, %dma_start3A_214] : memref<2x2x128xi32, #tpu.memory_space<vmem>> -> memref<1x1x128xi32, #tpu.memory_space<vmem>>
        %dma_start3A_216 = tpu.memref_squeeze %dma_start3A_215 : memref<1x1x128xi32, #tpu.memory_space<vmem>> -> memref<128xi32, #tpu.memory_space<vmem>>
        %dma_start3A_217 = arith.constant 0 : i32
        %dma_start3A_218 = arith.constant 0 : i32
        %dma_start3A_219 = tpu.memref_slice %arg5[%dma_start3A_217, %dma_start3A_218] : memref<50000x32xf32, #tpu.memory_space<hbm>> -> memref<50000x32xf32, #tpu.memory_space<hbm>>
        %dma_start3A_220 = tpu.memref_slice %arg15[%dma_start3A_209] : memref<2x!tpu.dma_semaphore, #tpu.memory_space<semaphore_mem>> -> memref<1x!tpu.dma_semaphore, #tpu.memory_space<semaphore_mem>>
        %dma_start3A_221 = tpu.memref_squeeze %dma_start3A_220 : memref<1x!tpu.dma_semaphore, #tpu.memory_space<semaphore_mem>> -> memref<!tpu.dma_semaphore, #tpu.memory_space<semaphore_mem>>
        tpu.enqueue_indirect_dma source(%dma_start3A_219 : memref<50000x32xf32, #tpu.memory_space<hbm>>) target(%dma_start3A_213 : memref<128x32xf32, #tpu.memory_space<vmem>>) offsets(%dma_start3A_216 : memref<128xi32, #tpu.memory_space<vmem>>) semaphore(%dma_start3A_221 : memref<!tpu.dma_semaphore, #tpu.memory_space<semaphore_mem>>)
      } else {
      }
      %mul3A_53 = arith.constant 32 : i32
      %mul3A_54 = arith.muli %mul3A_32, %mul3A_53 : i32
      %add3A_55 = arith.addi %add3A, %mul3A_54 : i32
      %lt3A_56 = arith.constant 3125 : i32
      %lt3A_57 = arith.cmpi slt, %add3A_55, %lt3A_56 : i32
      %convert_element_type3A_58 = arith.extui %lt3A_57 : i1 to i32
      %cond3A_59 = arith.constant 0 : i32
      %cond3A_60 = arith.cmpi ne, %convert_element_type3A_58, %cond3A_59 : i32
      scf.if %cond3A_60 {
        %dma_wait3A = arith.constant 0 : i32
        %dma_wait3A_127 = arith.constant 0 : i32
        %dma_wait3A_128 = arith.constant 0 : i32
        %dma_wait3A_129 = arith.constant 0 : i32
        %dma_wait3A_130 = arith.constant 0 : i32
        %dma_wait3A_131 = arith.constant 0 : i32
        %dma_wait3A_132 = tpu.memref_slice %arg11[%dma_wait3A_128, %dma_wait3A_130, %dma_wait3A_131] : memref<2x256x16xf32, #tpu.memory_space<vmem>> -> memref<1x128x16xf32, #tpu.memory_space<vmem>>
        %dma_wait3A_133 = tpu.memref_squeeze %dma_wait3A_132 : memref<1x128x16xf32, #tpu.memory_space<vmem>> -> memref<128x16xf32, #tpu.memory_space<vmem>>
        %dma_wait3A_134 = arith.constant 0 : i32
        %dma_wait3A_135 = tpu.memref_slice %arg9[%dma_wait3A, %dma_wait3A_127, %dma_wait3A_134] : memref<2x2x128xi32, #tpu.memory_space<vmem>> -> memref<1x1x128xi32, #tpu.memory_space<vmem>>
        %dma_wait3A_136 = tpu.memref_squeeze %dma_wait3A_135 : memref<1x1x128xi32, #tpu.memory_space<vmem>> -> memref<128xi32, #tpu.memory_space<vmem>>
        %dma_wait3A_137 = arith.constant 0 : i32
        %dma_wait3A_138 = arith.constant 0 : i32
        %dma_wait3A_139 = tpu.memref_slice %arg4[%dma_wait3A_137, %dma_wait3A_138] : memref<50000x16xf32, #tpu.memory_space<hbm>> -> memref<50000x16xf32, #tpu.memory_space<hbm>>
        %dma_wait3A_140 = tpu.memref_slice %arg15[%dma_wait3A_129] : memref<2x!tpu.dma_semaphore, #tpu.memory_space<semaphore_mem>> -> memref<1x!tpu.dma_semaphore, #tpu.memory_space<semaphore_mem>>
        %dma_wait3A_141 = tpu.memref_squeeze %dma_wait3A_140 : memref<1x!tpu.dma_semaphore, #tpu.memory_space<semaphore_mem>> -> memref<!tpu.dma_semaphore, #tpu.memory_space<semaphore_mem>>
        tpu.wait_indirect_dma semaphore(%dma_wait3A_141 : memref<!tpu.dma_semaphore, #tpu.memory_space<semaphore_mem>>) src(%dma_wait3A_139 : memref<50000x16xf32, #tpu.memory_space<hbm>>) dst(%dma_wait3A_133 : memref<128x16xf32, #tpu.memory_space<vmem>>)
        %dma_wait3A_142 = arith.constant 0 : i32
        %dma_wait3A_143 = arith.constant 0 : i32
        %dma_wait3A_144 = arith.constant 0 : i32
        %dma_wait3A_145 = arith.constant 0 : i32
        %dma_wait3A_146 = arith.constant 0 : i32
        %dma_wait3A_147 = arith.constant 0 : i32
        %dma_wait3A_148 = tpu.memref_slice %arg12[%dma_wait3A_144, %dma_wait3A_146, %dma_wait3A_147] : memref<2x256x16xf32, #tpu.memory_space<vmem>> -> memref<1x128x16xf32, #tpu.memory_space<vmem>>
        %dma_wait3A_149 = tpu.memref_squeeze %dma_wait3A_148 : memref<1x128x16xf32, #tpu.memory_space<vmem>> -> memref<128x16xf32, #tpu.memory_space<vmem>>
        %dma_wait3A_150 = arith.constant 0 : i32
        %dma_wait3A_151 = tpu.memref_slice %arg10[%dma_wait3A_142, %dma_wait3A_143, %dma_wait3A_150] : memref<2x2x128xi32, #tpu.memory_space<vmem>> -> memref<1x1x128xi32, #tpu.memory_space<vmem>>
        %dma_wait3A_152 = tpu.memref_squeeze %dma_wait3A_151 : memref<1x1x128xi32, #tpu.memory_space<vmem>> -> memref<128xi32, #tpu.memory_space<vmem>>
        %dma_wait3A_153 = arith.constant 0 : i32
        %dma_wait3A_154 = arith.constant 0 : i32
        %dma_wait3A_155 = tpu.memref_slice %arg4[%dma_wait3A_153, %dma_wait3A_154] : memref<50000x16xf32, #tpu.memory_space<hbm>> -> memref<50000x16xf32, #tpu.memory_space<hbm>>
        %dma_wait3A_156 = tpu.memref_slice %arg15[%dma_wait3A_145] : memref<2x!tpu.dma_semaphore, #tpu.memory_space<semaphore_mem>> -> memref<1x!tpu.dma_semaphore, #tpu.memory_space<semaphore_mem>>
        %dma_wait3A_157 = tpu.memref_squeeze %dma_wait3A_156 : memref<1x!tpu.dma_semaphore, #tpu.memory_space<semaphore_mem>> -> memref<!tpu.dma_semaphore, #tpu.memory_space<semaphore_mem>>
        tpu.wait_indirect_dma semaphore(%dma_wait3A_157 : memref<!tpu.dma_semaphore, #tpu.memory_space<semaphore_mem>>) src(%dma_wait3A_155 : memref<50000x16xf32, #tpu.memory_space<hbm>>) dst(%dma_wait3A_149 : memref<128x16xf32, #tpu.memory_space<vmem>>)
        %dma_wait3A_158 = arith.constant 0 : i32
        %dma_wait3A_159 = arith.constant 0 : i32
        %dma_wait3A_160 = arith.constant 0 : i32
        %dma_wait3A_161 = arith.constant 0 : i32
        %dma_wait3A_162 = arith.constant 0 : i32
        %dma_wait3A_163 = arith.constant 0 : i32
        %dma_wait3A_164 = tpu.memref_slice %arg13[%dma_wait3A_160, %dma_wait3A_162, %dma_wait3A_163] : memref<2x256x32xf32, #tpu.memory_space<vmem>> -> memref<1x128x32xf32, #tpu.memory_space<vmem>>
        %dma_wait3A_165 = tpu.memref_squeeze %dma_wait3A_164 : memref<1x128x32xf32, #tpu.memory_space<vmem>> -> memref<128x32xf32, #tpu.memory_space<vmem>>
        %dma_wait3A_166 = arith.constant 0 : i32
        %dma_wait3A_167 = tpu.memref_slice %arg9[%dma_wait3A_158, %dma_wait3A_159, %dma_wait3A_166] : memref<2x2x128xi32, #tpu.memory_space<vmem>> -> memref<1x1x128xi32, #tpu.memory_space<vmem>>
        %dma_wait3A_168 = tpu.memref_squeeze %dma_wait3A_167 : memref<1x1x128xi32, #tpu.memory_space<vmem>> -> memref<128xi32, #tpu.memory_space<vmem>>
        %dma_wait3A_169 = arith.constant 0 : i32
        %dma_wait3A_170 = arith.constant 0 : i32
        %dma_wait3A_171 = tpu.memref_slice %arg5[%dma_wait3A_169, %dma_wait3A_170] : memref<50000x32xf32, #tpu.memory_space<hbm>> -> memref<50000x32xf32, #tpu.memory_space<hbm>>
        %dma_wait3A_172 = tpu.memref_slice %arg15[%dma_wait3A_161] : memref<2x!tpu.dma_semaphore, #tpu.memory_space<semaphore_mem>> -> memref<1x!tpu.dma_semaphore, #tpu.memory_space<semaphore_mem>>
        %dma_wait3A_173 = tpu.memref_squeeze %dma_wait3A_172 : memref<1x!tpu.dma_semaphore, #tpu.memory_space<semaphore_mem>> -> memref<!tpu.dma_semaphore, #tpu.memory_space<semaphore_mem>>
        tpu.wait_indirect_dma semaphore(%dma_wait3A_173 : memref<!tpu.dma_semaphore, #tpu.memory_space<semaphore_mem>>) src(%dma_wait3A_171 : memref<50000x32xf32, #tpu.memory_space<hbm>>) dst(%dma_wait3A_165 : memref<128x32xf32, #tpu.memory_space<vmem>>)
        %dma_wait3A_174 = arith.constant 0 : i32
        %dma_wait3A_175 = arith.constant 1 : i32
        %dma_wait3A_176 = arith.constant 0 : i32
        %dma_wait3A_177 = arith.constant 0 : i32
        %dma_wait3A_178 = arith.constant 128 : i32
        %dma_wait3A_179 = arith.constant 0 : i32
        %dma_wait3A_180 = tpu.memref_slice %arg11[%dma_wait3A_176, %dma_wait3A_178, %dma_wait3A_179] : memref<2x256x16xf32, #tpu.memory_space<vmem>> -> memref<1x128x16xf32, #tpu.memory_space<vmem>>
        %dma_wait3A_181 = tpu.memref_squeeze %dma_wait3A_180 : memref<1x128x16xf32, #tpu.memory_space<vmem>> -> memref<128x16xf32, #tpu.memory_space<vmem>>
        %dma_wait3A_182 = arith.constant 0 : i32
        %dma_wait3A_183 = tpu.memref_slice %arg9[%dma_wait3A_174, %dma_wait3A_175, %dma_wait3A_182] : memref<2x2x128xi32, #tpu.memory_space<vmem>> -> memref<1x1x128xi32, #tpu.memory_space<vmem>>
        %dma_wait3A_184 = tpu.memref_squeeze %dma_wait3A_183 : memref<1x1x128xi32, #tpu.memory_space<vmem>> -> memref<128xi32, #tpu.memory_space<vmem>>
        %dma_wait3A_185 = arith.constant 0 : i32
        %dma_wait3A_186 = arith.constant 0 : i32
        %dma_wait3A_187 = tpu.memref_slice %arg4[%dma_wait3A_185, %dma_wait3A_186] : memref<50000x16xf32, #tpu.memory_space<hbm>> -> memref<50000x16xf32, #tpu.memory_space<hbm>>
        %dma_wait3A_188 = tpu.memref_slice %arg15[%dma_wait3A_177] : memref<2x!tpu.dma_semaphore, #tpu.memory_space<semaphore_mem>> -> memref<1x!tpu.dma_semaphore, #tpu.memory_space<semaphore_mem>>
        %dma_wait3A_189 = tpu.memref_squeeze %dma_wait3A_188 : memref<1x!tpu.dma_semaphore, #tpu.memory_space<semaphore_mem>> -> memref<!tpu.dma_semaphore, #tpu.memory_space<semaphore_mem>>
        tpu.wait_indirect_dma semaphore(%dma_wait3A_189 : memref<!tpu.dma_semaphore, #tpu.memory_space<semaphore_mem>>) src(%dma_wait3A_187 : memref<50000x16xf32, #tpu.memory_space<hbm>>) dst(%dma_wait3A_181 : memref<128x16xf32, #tpu.memory_space<vmem>>)
        %dma_wait3A_190 = arith.constant 0 : i32
        %dma_wait3A_191 = arith.constant 1 : i32
        %dma_wait3A_192 = arith.constant 0 : i32
        %dma_wait3A_193 = arith.constant 0 : i32
        %dma_wait3A_194 = arith.constant 128 : i32
        %dma_wait3A_195 = arith.constant 0 : i32
        %dma_wait3A_196 = tpu.memref_slice %arg12[%dma_wait3A_192, %dma_wait3A_194, %dma_wait3A_195] : memref<2x256x16xf32, #tpu.memory_space<vmem>> -> memref<1x128x16xf32, #tpu.memory_space<vmem>>
        %dma_wait3A_197 = tpu.memref_squeeze %dma_wait3A_196 : memref<1x128x16xf32, #tpu.memory_space<vmem>> -> memref<128x16xf32, #tpu.memory_space<vmem>>
        %dma_wait3A_198 = arith.constant 0 : i32
        %dma_wait3A_199 = tpu.memref_slice %arg10[%dma_wait3A_190, %dma_wait3A_191, %dma_wait3A_198] : memref<2x2x128xi32, #tpu.memory_space<vmem>> -> memref<1x1x128xi32, #tpu.memory_space<vmem>>
        %dma_wait3A_200 = tpu.memref_squeeze %dma_wait3A_199 : memref<1x1x128xi32, #tpu.memory_space<vmem>> -> memref<128xi32, #tpu.memory_space<vmem>>
        %dma_wait3A_201 = arith.constant 0 : i32
        %dma_wait3A_202 = arith.constant 0 : i32
        %dma_wait3A_203 = tpu.memref_slice %arg4[%dma_wait3A_201, %dma_wait3A_202] : memref<50000x16xf32, #tpu.memory_space<hbm>> -> memref<50000x16xf32, #tpu.memory_space<hbm>>
        %dma_wait3A_204 = tpu.memref_slice %arg15[%dma_wait3A_193] : memref<2x!tpu.dma_semaphore, #tpu.memory_space<semaphore_mem>> -> memref<1x!tpu.dma_semaphore, #tpu.memory_space<semaphore_mem>>
        %dma_wait3A_205 = tpu.memref_squeeze %dma_wait3A_204 : memref<1x!tpu.dma_semaphore, #tpu.memory_space<semaphore_mem>> -> memref<!tpu.dma_semaphore, #tpu.memory_space<semaphore_mem>>
        tpu.wait_indirect_dma semaphore(%dma_wait3A_205 : memref<!tpu.dma_semaphore, #tpu.memory_space<semaphore_mem>>) src(%dma_wait3A_203 : memref<50000x16xf32, #tpu.memory_space<hbm>>) dst(%dma_wait3A_197 : memref<128x16xf32, #tpu.memory_space<vmem>>)
        %dma_wait3A_206 = arith.constant 0 : i32
        %dma_wait3A_207 = arith.constant 1 : i32
        %dma_wait3A_208 = arith.constant 0 : i32
        %dma_wait3A_209 = arith.constant 0 : i32
        %dma_wait3A_210 = arith.constant 128 : i32
        %dma_wait3A_211 = arith.constant 0 : i32
        %dma_wait3A_212 = tpu.memref_slice %arg13[%dma_wait3A_208, %dma_wait3A_210, %dma_wait3A_211] : memref<2x256x32xf32, #tpu.memory_space<vmem>> -> memref<1x128x32xf32, #tpu.memory_space<vmem>>
        %dma_wait3A_213 = tpu.memref_squeeze %dma_wait3A_212 : memref<1x128x32xf32, #tpu.memory_space<vmem>> -> memref<128x32xf32, #tpu.memory_space<vmem>>
        %dma_wait3A_214 = arith.constant 0 : i32
        %dma_wait3A_215 = tpu.memref_slice %arg9[%dma_wait3A_206, %dma_wait3A_207, %dma_wait3A_214] : memref<2x2x128xi32, #tpu.memory_space<vmem>> -> memref<1x1x128xi32, #tpu.memory_space<vmem>>
        %dma_wait3A_216 = tpu.memref_squeeze %dma_wait3A_215 : memref<1x1x128xi32, #tpu.memory_space<vmem>> -> memref<128xi32, #tpu.memory_space<vmem>>
        %dma_wait3A_217 = arith.constant 0 : i32
        %dma_wait3A_218 = arith.constant 0 : i32
        %dma_wait3A_219 = tpu.memref_slice %arg5[%dma_wait3A_217, %dma_wait3A_218] : memref<50000x32xf32, #tpu.memory_space<hbm>> -> memref<50000x32xf32, #tpu.memory_space<hbm>>
        %dma_wait3A_220 = tpu.memref_slice %arg15[%dma_wait3A_209] : memref<2x!tpu.dma_semaphore, #tpu.memory_space<semaphore_mem>> -> memref<1x!tpu.dma_semaphore, #tpu.memory_space<semaphore_mem>>
        %dma_wait3A_221 = tpu.memref_squeeze %dma_wait3A_220 : memref<1x!tpu.dma_semaphore, #tpu.memory_space<semaphore_mem>> -> memref<!tpu.dma_semaphore, #tpu.memory_space<semaphore_mem>>
        tpu.wait_indirect_dma semaphore(%dma_wait3A_221 : memref<!tpu.dma_semaphore, #tpu.memory_space<semaphore_mem>>) src(%dma_wait3A_219 : memref<50000x32xf32, #tpu.memory_space<hbm>>) dst(%dma_wait3A_213 : memref<128x32xf32, #tpu.memory_space<vmem>>)
      } else {
      }
      %add3A_61 = arith.constant 2 : i32
      %add3A_62 = arith.addi %mul3A_32, %add3A_61 : i32
      %mul3A_63 = arith.constant 32 : i32
      %mul3A_64 = arith.muli %add3A_62, %mul3A_63 : i32
      %add3A_65 = arith.addi %add3A, %mul3A_64 : i32
      %lt3A_66 = arith.constant 3125 : i32
      %lt3A_67 = arith.cmpi slt, %add3A_65, %lt3A_66 : i32
      %convert_element_type3A_68 = arith.extui %lt3A_67 : i1 to i32
      %cond3A_69 = arith.constant 0 : i32
      %cond3A_70 = arith.cmpi ne, %convert_element_type3A_68, %cond3A_69 : i32
      scf.if %cond3A_70 {
        %mul3A_127 = arith.constant 2 : i32
        %mul3A_128 = arith.muli %mul3A_127, %add3A_65 : i32
        %dma_start3A = arith.constant 0 : i32
        %dma_start3A_129 = arith.constant 0 : i32
        %dma_start3A_130 = arith.constant 0 : i32
        %dma_start3A_131 = arith.constant 0 : i32
        %dma_start3A_132 = tpu.memref_slice %arg9[%dma_start3A, %dma_start3A_130, %dma_start3A_131] : memref<2x2x128xi32, #tpu.memory_space<vmem>> -> memref<1x2x128xi32, #tpu.memory_space<vmem>>
        %dma_start3A_133 = tpu.memref_squeeze %dma_start3A_132 : memref<1x2x128xi32, #tpu.memory_space<vmem>> -> memref<2x128xi32, #tpu.memory_space<vmem>>
        %dma_start3A_134 = arith.constant 0 : i32
        %dma_start3A_135 = tpu.memref_slice %arg2[%mul3A_128, %dma_start3A_134] : memref<6250x128xi32, #tpu.memory_space<hbm>> -> memref<2x128xi32, #tpu.memory_space<hbm>>
        %dma_start3A_136 = tpu.memref_slice %arg14[%dma_start3A_129] : memref<2x!tpu.dma_semaphore, #tpu.memory_space<semaphore_mem>> -> memref<1x!tpu.dma_semaphore, #tpu.memory_space<semaphore_mem>>
        %dma_start3A_137 = tpu.memref_squeeze %dma_start3A_136 : memref<1x!tpu.dma_semaphore, #tpu.memory_space<semaphore_mem>> -> memref<!tpu.dma_semaphore, #tpu.memory_space<semaphore_mem>>
        %dma_start3A_138 = arith.constant 0 : i32
        %dma_start3A_139 = arith.constant 0 : i32
        %dma_start3A_140 = tpu.memref_slice %arg9[%dma_start3A, %dma_start3A_138, %dma_start3A_139] : memref<2x2x128xi32, #tpu.memory_space<vmem>> -> memref<1x2x128xi32, #tpu.memory_space<vmem>>
        %dma_start3A_141 = tpu.memref_squeeze %dma_start3A_140 : memref<1x2x128xi32, #tpu.memory_space<vmem>> -> memref<2x128xi32, #tpu.memory_space<vmem>>
        %dma_start3A_142 = arith.constant 0 : i32
        %dma_start3A_143 = tpu.memref_slice %arg2[%mul3A_128, %dma_start3A_142] : memref<6250x128xi32, #tpu.memory_space<hbm>> -> memref<2x128xi32, #tpu.memory_space<hbm>>
        tpu.enqueue_dma source(%dma_start3A_143 : memref<2x128xi32, #tpu.memory_space<hbm>>) target(%dma_start3A_141 : memref<2x128xi32, #tpu.memory_space<vmem>>) target_semaphore(%dma_start3A_137 : memref<!tpu.dma_semaphore, #tpu.memory_space<semaphore_mem>>)
        %mul3A_144 = arith.constant 2 : i32
        %mul3A_145 = arith.muli %mul3A_144, %add3A_65 : i32
        %dma_start3A_146 = arith.constant 0 : i32
        %dma_start3A_147 = arith.constant 0 : i32
        %dma_start3A_148 = arith.constant 0 : i32
        %dma_start3A_149 = arith.constant 0 : i32
        %dma_start3A_150 = tpu.memref_slice %arg10[%dma_start3A_146, %dma_start3A_148, %dma_start3A_149] : memref<2x2x128xi32, #tpu.memory_space<vmem>> -> memref<1x2x128xi32, #tpu.memory_space<vmem>>
        %dma_start3A_151 = tpu.memref_squeeze %dma_start3A_150 : memref<1x2x128xi32, #tpu.memory_space<vmem>> -> memref<2x128xi32, #tpu.memory_space<vmem>>
        %dma_start3A_152 = arith.constant 0 : i32
        %dma_start3A_153 = tpu.memref_slice %arg3[%mul3A_145, %dma_start3A_152] : memref<6250x128xi32, #tpu.memory_space<hbm>> -> memref<2x128xi32, #tpu.memory_space<hbm>>
        %dma_start3A_154 = tpu.memref_slice %arg14[%dma_start3A_147] : memref<2x!tpu.dma_semaphore, #tpu.memory_space<semaphore_mem>> -> memref<1x!tpu.dma_semaphore, #tpu.memory_space<semaphore_mem>>
        %dma_start3A_155 = tpu.memref_squeeze %dma_start3A_154 : memref<1x!tpu.dma_semaphore, #tpu.memory_space<semaphore_mem>> -> memref<!tpu.dma_semaphore, #tpu.memory_space<semaphore_mem>>
        %dma_start3A_156 = arith.constant 0 : i32
        %dma_start3A_157 = arith.constant 0 : i32
        %dma_start3A_158 = tpu.memref_slice %arg10[%dma_start3A_146, %dma_start3A_156, %dma_start3A_157] : memref<2x2x128xi32, #tpu.memory_space<vmem>> -> memref<1x2x128xi32, #tpu.memory_space<vmem>>
        %dma_start3A_159 = tpu.memref_squeeze %dma_start3A_158 : memref<1x2x128xi32, #tpu.memory_space<vmem>> -> memref<2x128xi32, #tpu.memory_space<vmem>>
        %dma_start3A_160 = arith.constant 0 : i32
        %dma_start3A_161 = tpu.memref_slice %arg3[%mul3A_145, %dma_start3A_160] : memref<6250x128xi32, #tpu.memory_space<hbm>> -> memref<2x128xi32, #tpu.memory_space<hbm>>
        tpu.enqueue_dma source(%dma_start3A_161 : memref<2x128xi32, #tpu.memory_space<hbm>>) target(%dma_start3A_159 : memref<2x128xi32, #tpu.memory_space<vmem>>) target_semaphore(%dma_start3A_155 : memref<!tpu.dma_semaphore, #tpu.memory_space<semaphore_mem>>)
      } else {
      }
      %mul3A_71 = arith.constant 32 : i32
      %mul3A_72 = arith.muli %mul3A_32, %mul3A_71 : i32
      %add3A_73 = arith.addi %add3A, %mul3A_72 : i32
      %lt3A_74 = arith.constant 3125 : i32
      %lt3A_75 = arith.cmpi slt, %add3A_73, %lt3A_74 : i32
      %convert_element_type3A_76 = arith.extui %lt3A_75 : i1 to i32
      %cond3A_77 = arith.constant 0 : i32
      %cond3A_78 = arith.cmpi ne, %convert_element_type3A_76, %cond3A_77 : i32
      scf.if %cond3A_78 {
        %mul3A_127 = arith.constant 256 : i32
        %mul3A_128 = arith.muli %add3A_73, %mul3A_127 : i32
        %dma_start3A = arith.constant 0 : i32
        %dma_start3A_129 = arith.constant 0 : i32
        %dma_start3A_130 = arith.constant 0 : i32
        %dma_start3A_131 = tpu.memref_slice %arg11[%dma_start3A, %dma_start3A_129, %dma_start3A_130] : memref<2x256x16xf32, #tpu.memory_space<vmem>> -> memref<1x256x16xf32, #tpu.memory_space<vmem>>
        %dma_start3A_132 = tpu.memref_squeeze %dma_start3A_131 : memref<1x256x16xf32, #tpu.memory_space<vmem>> -> memref<256x16xf32, #tpu.memory_space<vmem>>
        %dma_start3A_133 = arith.constant 0 : i32
        %dma_start3A_134 = tpu.memref_slice %arg6[%mul3A_128, %dma_start3A_133] : memref<800000x16xf32, #tpu.memory_space<hbm>> -> memref<256x16xf32, #tpu.memory_space<hbm>>
        %dma_start3A_135 = arith.constant 0 : i32
        %dma_start3A_136 = tpu.memref_slice %arg6[%mul3A_128, %dma_start3A_135] : memref<800000x16xf32, #tpu.memory_space<hbm>> -> memref<256x16xf32, #tpu.memory_space<hbm>>
        %dma_start3A_137 = arith.constant 0 : i32
        %dma_start3A_138 = arith.constant 0 : i32
        %dma_start3A_139 = tpu.memref_slice %arg11[%dma_start3A, %dma_start3A_137, %dma_start3A_138] : memref<2x256x16xf32, #tpu.memory_space<vmem>> -> memref<1x256x16xf32, #tpu.memory_space<vmem>>
        %dma_start3A_140 = tpu.memref_squeeze %dma_start3A_139 : memref<1x256x16xf32, #tpu.memory_space<vmem>> -> memref<256x16xf32, #tpu.memory_space<vmem>>
        tpu.enqueue_dma source(%dma_start3A_140 : memref<256x16xf32, #tpu.memory_space<vmem>>) target(%dma_start3A_136 : memref<256x16xf32, #tpu.memory_space<hbm>>) target_semaphore(%arg16 : memref<!tpu.dma_semaphore, #tpu.memory_space<semaphore_mem>>)
        %dma_start3A_141 = arith.constant 0 : i32
        %dma_start3A_142 = arith.constant 0 : i32
        %dma_start3A_143 = arith.constant 0 : i32
        %dma_start3A_144 = tpu.memref_slice %arg12[%dma_start3A_141, %dma_start3A_142, %dma_start3A_143] : memref<2x256x16xf32, #tpu.memory_space<vmem>> -> memref<1x256x16xf32, #tpu.memory_space<vmem>>
        %dma_start3A_145 = tpu.memref_squeeze %dma_start3A_144 : memref<1x256x16xf32, #tpu.memory_space<vmem>> -> memref<256x16xf32, #tpu.memory_space<vmem>>
        %dma_start3A_146 = arith.constant 0 : i32
        %dma_start3A_147 = tpu.memref_slice %arg7[%mul3A_128, %dma_start3A_146] : memref<800000x16xf32, #tpu.memory_space<hbm>> -> memref<256x16xf32, #tpu.memory_space<hbm>>
        %dma_start3A_148 = arith.constant 0 : i32
        %dma_start3A_149 = tpu.memref_slice %arg7[%mul3A_128, %dma_start3A_148] : memref<800000x16xf32, #tpu.memory_space<hbm>> -> memref<256x16xf32, #tpu.memory_space<hbm>>
        %dma_start3A_150 = arith.constant 0 : i32
        %dma_start3A_151 = arith.constant 0 : i32
        %dma_start3A_152 = tpu.memref_slice %arg12[%dma_start3A_141, %dma_start3A_150, %dma_start3A_151] : memref<2x256x16xf32, #tpu.memory_space<vmem>> -> memref<1x256x16xf32, #tpu.memory_space<vmem>>
        %dma_start3A_153 = tpu.memref_squeeze %dma_start3A_152 : memref<1x256x16xf32, #tpu.memory_space<vmem>> -> memref<256x16xf32, #tpu.memory_space<vmem>>
        tpu.enqueue_dma source(%dma_start3A_153 : memref<256x16xf32, #tpu.memory_space<vmem>>) target(%dma_start3A_149 : memref<256x16xf32, #tpu.memory_space<hbm>>) target_semaphore(%arg16 : memref<!tpu.dma_semaphore, #tpu.memory_space<semaphore_mem>>)
        %dma_start3A_154 = arith.constant 0 : i32
        %dma_start3A_155 = arith.constant 0 : i32
        %dma_start3A_156 = arith.constant 0 : i32
        %dma_start3A_157 = tpu.memref_slice %arg13[%dma_start3A_154, %dma_start3A_155, %dma_start3A_156] : memref<2x256x32xf32, #tpu.memory_space<vmem>> -> memref<1x256x32xf32, #tpu.memory_space<vmem>>
        %dma_start3A_158 = tpu.memref_squeeze %dma_start3A_157 : memref<1x256x32xf32, #tpu.memory_space<vmem>> -> memref<256x32xf32, #tpu.memory_space<vmem>>
        %dma_start3A_159 = arith.constant 0 : i32
        %dma_start3A_160 = tpu.memref_slice %arg8[%mul3A_128, %dma_start3A_159] : memref<800000x32xf32, #tpu.memory_space<hbm>> -> memref<256x32xf32, #tpu.memory_space<hbm>>
        %dma_start3A_161 = arith.constant 0 : i32
        %dma_start3A_162 = tpu.memref_slice %arg8[%mul3A_128, %dma_start3A_161] : memref<800000x32xf32, #tpu.memory_space<hbm>> -> memref<256x32xf32, #tpu.memory_space<hbm>>
        %dma_start3A_163 = arith.constant 0 : i32
        %dma_start3A_164 = arith.constant 0 : i32
        %dma_start3A_165 = tpu.memref_slice %arg13[%dma_start3A_154, %dma_start3A_163, %dma_start3A_164] : memref<2x256x32xf32, #tpu.memory_space<vmem>> -> memref<1x256x32xf32, #tpu.memory_space<vmem>>
        %dma_start3A_166 = tpu.memref_squeeze %dma_start3A_165 : memref<1x256x32xf32, #tpu.memory_space<vmem>> -> memref<256x32xf32, #tpu.memory_space<vmem>>
        tpu.enqueue_dma source(%dma_start3A_166 : memref<256x32xf32, #tpu.memory_space<vmem>>) target(%dma_start3A_162 : memref<256x32xf32, #tpu.memory_space<hbm>>) target_semaphore(%arg16 : memref<!tpu.dma_semaphore, #tpu.memory_space<semaphore_mem>>)
        %dma_wait3A = arith.constant 0 : i32
        %dma_wait3A_167 = arith.constant 0 : i32
        %dma_wait3A_168 = arith.constant 0 : i32
        %dma_wait3A_169 = tpu.memref_slice %arg11[%dma_wait3A, %dma_wait3A_167, %dma_wait3A_168] : memref<2x256x16xf32, #tpu.memory_space<vmem>> -> memref<1x256x16xf32, #tpu.memory_space<vmem>>
        %dma_wait3A_170 = tpu.memref_squeeze %dma_wait3A_169 : memref<1x256x16xf32, #tpu.memory_space<vmem>> -> memref<256x16xf32, #tpu.memory_space<vmem>>
        %dma_wait3A_171 = arith.constant 0 : i32
        %dma_wait3A_172 = tpu.memref_slice %arg6[%mul3A_128, %dma_wait3A_171] : memref<800000x16xf32, #tpu.memory_space<hbm>> -> memref<256x16xf32, #tpu.memory_space<hbm>>
        %dma_wait3A_173 = arith.constant 0 : i32
        %dma_wait3A_174 = tpu.memref_slice %arg6[%mul3A_128, %dma_wait3A_173] : memref<800000x16xf32, #tpu.memory_space<hbm>> -> memref<256x16xf32, #tpu.memory_space<hbm>>
        %dma_wait3A_175 = arith.constant 0 : i32
        %dma_wait3A_176 = arith.constant 0 : i32
        %dma_wait3A_177 = tpu.memref_slice %arg11[%dma_wait3A, %dma_wait3A_175, %dma_wait3A_176] : memref<2x256x16xf32, #tpu.memory_space<vmem>> -> memref<1x256x16xf32, #tpu.memory_space<vmem>>
        %dma_wait3A_178 = tpu.memref_squeeze %dma_wait3A_177 : memref<1x256x16xf32, #tpu.memory_space<vmem>> -> memref<256x16xf32, #tpu.memory_space<vmem>>
        tpu.wait_dma2 semaphore(%arg16 : memref<!tpu.dma_semaphore, #tpu.memory_space<semaphore_mem>>) src(%dma_wait3A_178 : memref<256x16xf32, #tpu.memory_space<vmem>>) dst(%dma_wait3A_174 : memref<256x16xf32, #tpu.memory_space<hbm>>)
        %dma_wait3A_179 = arith.constant 0 : i32
        %dma_wait3A_180 = arith.constant 0 : i32
        %dma_wait3A_181 = arith.constant 0 : i32
        %dma_wait3A_182 = tpu.memref_slice %arg12[%dma_wait3A_179, %dma_wait3A_180, %dma_wait3A_181] : memref<2x256x16xf32, #tpu.memory_space<vmem>> -> memref<1x256x16xf32, #tpu.memory_space<vmem>>
        %dma_wait3A_183 = tpu.memref_squeeze %dma_wait3A_182 : memref<1x256x16xf32, #tpu.memory_space<vmem>> -> memref<256x16xf32, #tpu.memory_space<vmem>>
        %dma_wait3A_184 = arith.constant 0 : i32
        %dma_wait3A_185 = tpu.memref_slice %arg7[%mul3A_128, %dma_wait3A_184] : memref<800000x16xf32, #tpu.memory_space<hbm>> -> memref<256x16xf32, #tpu.memory_space<hbm>>
        %dma_wait3A_186 = arith.constant 0 : i32
        %dma_wait3A_187 = tpu.memref_slice %arg7[%mul3A_128, %dma_wait3A_186] : memref<800000x16xf32, #tpu.memory_space<hbm>> -> memref<256x16xf32, #tpu.memory_space<hbm>>
        %dma_wait3A_188 = arith.constant 0 : i32
        %dma_wait3A_189 = arith.constant 0 : i32
        %dma_wait3A_190 = tpu.memref_slice %arg12[%dma_wait3A_179, %dma_wait3A_188, %dma_wait3A_189] : memref<2x256x16xf32, #tpu.memory_space<vmem>> -> memref<1x256x16xf32, #tpu.memory_space<vmem>>
        %dma_wait3A_191 = tpu.memref_squeeze %dma_wait3A_190 : memref<1x256x16xf32, #tpu.memory_space<vmem>> -> memref<256x16xf32, #tpu.memory_space<vmem>>
        tpu.wait_dma2 semaphore(%arg16 : memref<!tpu.dma_semaphore, #tpu.memory_space<semaphore_mem>>) src(%dma_wait3A_191 : memref<256x16xf32, #tpu.memory_space<vmem>>) dst(%dma_wait3A_187 : memref<256x16xf32, #tpu.memory_space<hbm>>)
        %dma_wait3A_192 = arith.constant 0 : i32
        %dma_wait3A_193 = arith.constant 0 : i32
        %dma_wait3A_194 = arith.constant 0 : i32
        %dma_wait3A_195 = tpu.memref_slice %arg13[%dma_wait3A_192, %dma_wait3A_193, %dma_wait3A_194] : memref<2x256x32xf32, #tpu.memory_space<vmem>> -> memref<1x256x32xf32, #tpu.memory_space<vmem>>
        %dma_wait3A_196 = tpu.memref_squeeze %dma_wait3A_195 : memref<1x256x32xf32, #tpu.memory_space<vmem>> -> memref<256x32xf32, #tpu.memory_space<vmem>>
        %dma_wait3A_197 = arith.constant 0 : i32
        %dma_wait3A_198 = tpu.memref_slice %arg8[%mul3A_128, %dma_wait3A_197] : memref<800000x32xf32, #tpu.memory_space<hbm>> -> memref<256x32xf32, #tpu.memory_space<hbm>>
        %dma_wait3A_199 = arith.constant 0 : i32
        %dma_wait3A_200 = tpu.memref_slice %arg8[%mul3A_128, %dma_wait3A_199] : memref<800000x32xf32, #tpu.memory_space<hbm>> -> memref<256x32xf32, #tpu.memory_space<hbm>>
        %dma_wait3A_201 = arith.constant 0 : i32
        %dma_wait3A_202 = arith.constant 0 : i32
        %dma_wait3A_203 = tpu.memref_slice %arg13[%dma_wait3A_192, %dma_wait3A_201, %dma_wait3A_202] : memref<2x256x32xf32, #tpu.memory_space<vmem>> -> memref<1x256x32xf32, #tpu.memory_space<vmem>>
        %dma_wait3A_204 = tpu.memref_squeeze %dma_wait3A_203 : memref<1x256x32xf32, #tpu.memory_space<vmem>> -> memref<256x32xf32, #tpu.memory_space<vmem>>
        tpu.wait_dma2 semaphore(%arg16 : memref<!tpu.dma_semaphore, #tpu.memory_space<semaphore_mem>>) src(%dma_wait3A_204 : memref<256x32xf32, #tpu.memory_space<vmem>>) dst(%dma_wait3A_200 : memref<256x32xf32, #tpu.memory_space<hbm>>)
      } else {
      }
      %add3A_79 = arith.constant 1 : i32
      %add3A_80 = arith.addi %mul3A_32, %add3A_79 : i32
      %add3A_81 = arith.constant 1 : i32
      %add3A_82 = arith.addi %add3A_80, %add3A_81 : i32
      %mul3A_83 = arith.constant 32 : i32
      %mul3A_84 = arith.muli %add3A_82, %mul3A_83 : i32
      %add3A_85 = arith.addi %add3A, %mul3A_84 : i32
      %lt3A_86 = arith.constant 3125 : i32
      %lt3A_87 = arith.cmpi slt, %add3A_85, %lt3A_86 : i32
      %convert_element_type3A_88 = arith.extui %lt3A_87 : i1 to i32
      %cond3A_89 = arith.constant 0 : i32
      %cond3A_90 = arith.cmpi ne, %convert_element_type3A_88, %cond3A_89 : i32
      scf.if %cond3A_90 {
        %mul3A_127 = arith.constant 2 : i32
        %mul3A_128 = arith.muli %mul3A_127, %add3A_85 : i32
        %dma_wait3A = arith.constant 0 : i32
        %dma_wait3A_129 = arith.constant 0 : i32
        %dma_wait3A_130 = arith.constant 0 : i32
        %dma_wait3A_131 = arith.constant 0 : i32
        %dma_wait3A_132 = tpu.memref_slice %arg9[%dma_wait3A, %dma_wait3A_130, %dma_wait3A_131] : memref<2x2x128xi32, #tpu.memory_space<vmem>> -> memref<1x2x128xi32, #tpu.memory_space<vmem>>
        %dma_wait3A_133 = tpu.memref_squeeze %dma_wait3A_132 : memref<1x2x128xi32, #tpu.memory_space<vmem>> -> memref<2x128xi32, #tpu.memory_space<vmem>>
        %dma_wait3A_134 = arith.constant 0 : i32
        %dma_wait3A_135 = tpu.memref_slice %arg2[%mul3A_128, %dma_wait3A_134] : memref<6250x128xi32, #tpu.memory_space<hbm>> -> memref<2x128xi32, #tpu.memory_space<hbm>>
        %dma_wait3A_136 = tpu.memref_slice %arg14[%dma_wait3A_129] : memref<2x!tpu.dma_semaphore, #tpu.memory_space<semaphore_mem>> -> memref<1x!tpu.dma_semaphore, #tpu.memory_space<semaphore_mem>>
        %dma_wait3A_137 = tpu.memref_squeeze %dma_wait3A_136 : memref<1x!tpu.dma_semaphore, #tpu.memory_space<semaphore_mem>> -> memref<!tpu.dma_semaphore, #tpu.memory_space<semaphore_mem>>
        %dma_wait3A_138 = arith.constant 0 : i32
        %dma_wait3A_139 = arith.constant 0 : i32
        %dma_wait3A_140 = tpu.memref_slice %arg9[%dma_wait3A, %dma_wait3A_138, %dma_wait3A_139] : memref<2x2x128xi32, #tpu.memory_space<vmem>> -> memref<1x2x128xi32, #tpu.memory_space<vmem>>
        %dma_wait3A_141 = tpu.memref_squeeze %dma_wait3A_140 : memref<1x2x128xi32, #tpu.memory_space<vmem>> -> memref<2x128xi32, #tpu.memory_space<vmem>>
        %dma_wait3A_142 = arith.constant 0 : i32
        %dma_wait3A_143 = tpu.memref_slice %arg2[%mul3A_128, %dma_wait3A_142] : memref<6250x128xi32, #tpu.memory_space<hbm>> -> memref<2x128xi32, #tpu.memory_space<hbm>>
        tpu.wait_dma2 semaphore(%dma_wait3A_137 : memref<!tpu.dma_semaphore, #tpu.memory_space<semaphore_mem>>) src(%dma_wait3A_143 : memref<2x128xi32, #tpu.memory_space<hbm>>) dst(%dma_wait3A_141 : memref<2x128xi32, #tpu.memory_space<vmem>>)
        %mul3A_144 = arith.constant 2 : i32
        %mul3A_145 = arith.muli %mul3A_144, %add3A_85 : i32
        %dma_wait3A_146 = arith.constant 0 : i32
        %dma_wait3A_147 = arith.constant 0 : i32
        %dma_wait3A_148 = arith.constant 0 : i32
        %dma_wait3A_149 = arith.constant 0 : i32
        %dma_wait3A_150 = tpu.memref_slice %arg10[%dma_wait3A_146, %dma_wait3A_148, %dma_wait3A_149] : memref<2x2x128xi32, #tpu.memory_space<vmem>> -> memref<1x2x128xi32, #tpu.memory_space<vmem>>
        %dma_wait3A_151 = tpu.memref_squeeze %dma_wait3A_150 : memref<1x2x128xi32, #tpu.memory_space<vmem>> -> memref<2x128xi32, #tpu.memory_space<vmem>>
        %dma_wait3A_152 = arith.constant 0 : i32
        %dma_wait3A_153 = tpu.memref_slice %arg3[%mul3A_145, %dma_wait3A_152] : memref<6250x128xi32, #tpu.memory_space<hbm>> -> memref<2x128xi32, #tpu.memory_space<hbm>>
        %dma_wait3A_154 = tpu.memref_slice %arg14[%dma_wait3A_147] : memref<2x!tpu.dma_semaphore, #tpu.memory_space<semaphore_mem>> -> memref<1x!tpu.dma_semaphore, #tpu.memory_space<semaphore_mem>>
        %dma_wait3A_155 = tpu.memref_squeeze %dma_wait3A_154 : memref<1x!tpu.dma_semaphore, #tpu.memory_space<semaphore_mem>> -> memref<!tpu.dma_semaphore, #tpu.memory_space<semaphore_mem>>
        %dma_wait3A_156 = arith.constant 0 : i32
        %dma_wait3A_157 = arith.constant 0 : i32
        %dma_wait3A_158 = tpu.memref_slice %arg10[%dma_wait3A_146, %dma_wait3A_156, %dma_wait3A_157] : memref<2x2x128xi32, #tpu.memory_space<vmem>> -> memref<1x2x128xi32, #tpu.memory_space<vmem>>
        %dma_wait3A_159 = tpu.memref_squeeze %dma_wait3A_158 : memref<1x2x128xi32, #tpu.memory_space<vmem>> -> memref<2x128xi32, #tpu.memory_space<vmem>>
        %dma_wait3A_160 = arith.constant 0 : i32
        %dma_wait3A_161 = tpu.memref_slice %arg3[%mul3A_145, %dma_wait3A_160] : memref<6250x128xi32, #tpu.memory_space<hbm>> -> memref<2x128xi32, #tpu.memory_space<hbm>>
        tpu.wait_dma2 semaphore(%dma_wait3A_155 : memref<!tpu.dma_semaphore, #tpu.memory_space<semaphore_mem>>) src(%dma_wait3A_161 : memref<2x128xi32, #tpu.memory_space<hbm>>) dst(%dma_wait3A_159 : memref<2x128xi32, #tpu.memory_space<vmem>>)
      } else {
      }
      %add3A_91 = arith.constant 1 : i32
      %add3A_92 = arith.addi %add3A_80, %add3A_91 : i32
      %mul3A_93 = arith.constant 32 : i32
      %mul3A_94 = arith.muli %add3A_92, %mul3A_93 : i32
      %add3A_95 = arith.addi %add3A, %mul3A_94 : i32
      %lt3A_96 = arith.constant 3125 : i32
      %lt3A_97 = arith.cmpi slt, %add3A_95, %lt3A_96 : i32
      %convert_element_type3A_98 = arith.extui %lt3A_97 : i1 to i32
      %cond3A_99 = arith.constant 0 : i32
      %cond3A_100 = arith.cmpi ne, %convert_element_type3A_98, %cond3A_99 : i32
      scf.if %cond3A_100 {
        %dma_start3A = arith.constant 0 : i32
        %dma_start3A_127 = arith.constant 0 : i32
        %dma_start3A_128 = arith.constant 0 : i32
        %dma_start3A_129 = arith.constant 0 : i32
        %dma_start3A_130 = arith.constant 0 : i32
        %dma_start3A_131 = arith.constant 0 : i32
        %dma_start3A_132 = tpu.memref_slice %arg11[%dma_start3A_128, %dma_start3A_130, %dma_start3A_131] : memref<2x256x16xf32, #tpu.memory_space<vmem>> -> memref<1x128x16xf32, #tpu.memory_space<vmem>>
        %dma_start3A_133 = tpu.memref_squeeze %dma_start3A_132 : memref<1x128x16xf32, #tpu.memory_space<vmem>> -> memref<128x16xf32, #tpu.memory_space<vmem>>
        %dma_start3A_134 = arith.constant 0 : i32
        %dma_start3A_135 = tpu.memref_slice %arg9[%dma_start3A, %dma_start3A_127, %dma_start3A_134] : memref<2x2x128xi32, #tpu.memory_space<vmem>> -> memref<1x1x128xi32, #tpu.memory_space<vmem>>
        %dma_start3A_136 = tpu.memref_squeeze %dma_start3A_135 : memref<1x1x128xi32, #tpu.memory_space<vmem>> -> memref<128xi32, #tpu.memory_space<vmem>>
        %dma_start3A_137 = arith.constant 0 : i32
        %dma_start3A_138 = arith.constant 0 : i32
        %dma_start3A_139 = tpu.memref_slice %arg4[%dma_start3A_137, %dma_start3A_138] : memref<50000x16xf32, #tpu.memory_space<hbm>> -> memref<50000x16xf32, #tpu.memory_space<hbm>>
        %dma_start3A_140 = tpu.memref_slice %arg15[%dma_start3A_129] : memref<2x!tpu.dma_semaphore, #tpu.memory_space<semaphore_mem>> -> memref<1x!tpu.dma_semaphore, #tpu.memory_space<semaphore_mem>>
        %dma_start3A_141 = tpu.memref_squeeze %dma_start3A_140 : memref<1x!tpu.dma_semaphore, #tpu.memory_space<semaphore_mem>> -> memref<!tpu.dma_semaphore, #tpu.memory_space<semaphore_mem>>
        tpu.enqueue_indirect_dma source(%dma_start3A_139 : memref<50000x16xf32, #tpu.memory_space<hbm>>) target(%dma_start3A_133 : memref<128x16xf32, #tpu.memory_space<vmem>>) offsets(%dma_start3A_136 : memref<128xi32, #tpu.memory_space<vmem>>) semaphore(%dma_start3A_141 : memref<!tpu.dma_semaphore, #tpu.memory_space<semaphore_mem>>)
        %dma_start3A_142 = arith.constant 0 : i32
        %dma_start3A_143 = arith.constant 0 : i32
        %dma_start3A_144 = arith.constant 0 : i32
        %dma_start3A_145 = arith.constant 0 : i32
        %dma_start3A_146 = arith.constant 0 : i32
        %dma_start3A_147 = arith.constant 0 : i32
        %dma_start3A_148 = tpu.memref_slice %arg12[%dma_start3A_144, %dma_start3A_146, %dma_start3A_147] : memref<2x256x16xf32, #tpu.memory_space<vmem>> -> memref<1x128x16xf32, #tpu.memory_space<vmem>>
        %dma_start3A_149 = tpu.memref_squeeze %dma_start3A_148 : memref<1x128x16xf32, #tpu.memory_space<vmem>> -> memref<128x16xf32, #tpu.memory_space<vmem>>
        %dma_start3A_150 = arith.constant 0 : i32
        %dma_start3A_151 = tpu.memref_slice %arg10[%dma_start3A_142, %dma_start3A_143, %dma_start3A_150] : memref<2x2x128xi32, #tpu.memory_space<vmem>> -> memref<1x1x128xi32, #tpu.memory_space<vmem>>
        %dma_start3A_152 = tpu.memref_squeeze %dma_start3A_151 : memref<1x1x128xi32, #tpu.memory_space<vmem>> -> memref<128xi32, #tpu.memory_space<vmem>>
        %dma_start3A_153 = arith.constant 0 : i32
        %dma_start3A_154 = arith.constant 0 : i32
        %dma_start3A_155 = tpu.memref_slice %arg4[%dma_start3A_153, %dma_start3A_154] : memref<50000x16xf32, #tpu.memory_space<hbm>> -> memref<50000x16xf32, #tpu.memory_space<hbm>>
        %dma_start3A_156 = tpu.memref_slice %arg15[%dma_start3A_145] : memref<2x!tpu.dma_semaphore, #tpu.memory_space<semaphore_mem>> -> memref<1x!tpu.dma_semaphore, #tpu.memory_space<semaphore_mem>>
        %dma_start3A_157 = tpu.memref_squeeze %dma_start3A_156 : memref<1x!tpu.dma_semaphore, #tpu.memory_space<semaphore_mem>> -> memref<!tpu.dma_semaphore, #tpu.memory_space<semaphore_mem>>
        tpu.enqueue_indirect_dma source(%dma_start3A_155 : memref<50000x16xf32, #tpu.memory_space<hbm>>) target(%dma_start3A_149 : memref<128x16xf32, #tpu.memory_space<vmem>>) offsets(%dma_start3A_152 : memref<128xi32, #tpu.memory_space<vmem>>) semaphore(%dma_start3A_157 : memref<!tpu.dma_semaphore, #tpu.memory_space<semaphore_mem>>)
        %dma_start3A_158 = arith.constant 0 : i32
        %dma_start3A_159 = arith.constant 0 : i32
        %dma_start3A_160 = arith.constant 0 : i32
        %dma_start3A_161 = arith.constant 0 : i32
        %dma_start3A_162 = arith.constant 0 : i32
        %dma_start3A_163 = arith.constant 0 : i32
        %dma_start3A_164 = tpu.memref_slice %arg13[%dma_start3A_160, %dma_start3A_162, %dma_start3A_163] : memref<2x256x32xf32, #tpu.memory_space<vmem>> -> memref<1x128x32xf32, #tpu.memory_space<vmem>>
        %dma_start3A_165 = tpu.memref_squeeze %dma_start3A_164 : memref<1x128x32xf32, #tpu.memory_space<vmem>> -> memref<128x32xf32, #tpu.memory_space<vmem>>
        %dma_start3A_166 = arith.constant 0 : i32
        %dma_start3A_167 = tpu.memref_slice %arg9[%dma_start3A_158, %dma_start3A_159, %dma_start3A_166] : memref<2x2x128xi32, #tpu.memory_space<vmem>> -> memref<1x1x128xi32, #tpu.memory_space<vmem>>
        %dma_start3A_168 = tpu.memref_squeeze %dma_start3A_167 : memref<1x1x128xi32, #tpu.memory_space<vmem>> -> memref<128xi32, #tpu.memory_space<vmem>>
        %dma_start3A_169 = arith.constant 0 : i32
        %dma_start3A_170 = arith.constant 0 : i32
        %dma_start3A_171 = tpu.memref_slice %arg5[%dma_start3A_169, %dma_start3A_170] : memref<50000x32xf32, #tpu.memory_space<hbm>> -> memref<50000x32xf32, #tpu.memory_space<hbm>>
        %dma_start3A_172 = tpu.memref_slice %arg15[%dma_start3A_161] : memref<2x!tpu.dma_semaphore, #tpu.memory_space<semaphore_mem>> -> memref<1x!tpu.dma_semaphore, #tpu.memory_space<semaphore_mem>>
        %dma_start3A_173 = tpu.memref_squeeze %dma_start3A_172 : memref<1x!tpu.dma_semaphore, #tpu.memory_space<semaphore_mem>> -> memref<!tpu.dma_semaphore, #tpu.memory_space<semaphore_mem>>
        tpu.enqueue_indirect_dma source(%dma_start3A_171 : memref<50000x32xf32, #tpu.memory_space<hbm>>) target(%dma_start3A_165 : memref<128x32xf32, #tpu.memory_space<vmem>>) offsets(%dma_start3A_168 : memref<128xi32, #tpu.memory_space<vmem>>) semaphore(%dma_start3A_173 : memref<!tpu.dma_semaphore, #tpu.memory_space<semaphore_mem>>)
        %dma_start3A_174 = arith.constant 0 : i32
        %dma_start3A_175 = arith.constant 1 : i32
        %dma_start3A_176 = arith.constant 0 : i32
        %dma_start3A_177 = arith.constant 0 : i32
        %dma_start3A_178 = arith.constant 128 : i32
        %dma_start3A_179 = arith.constant 0 : i32
        %dma_start3A_180 = tpu.memref_slice %arg11[%dma_start3A_176, %dma_start3A_178, %dma_start3A_179] : memref<2x256x16xf32, #tpu.memory_space<vmem>> -> memref<1x128x16xf32, #tpu.memory_space<vmem>>
        %dma_start3A_181 = tpu.memref_squeeze %dma_start3A_180 : memref<1x128x16xf32, #tpu.memory_space<vmem>> -> memref<128x16xf32, #tpu.memory_space<vmem>>
        %dma_start3A_182 = arith.constant 0 : i32
        %dma_start3A_183 = tpu.memref_slice %arg9[%dma_start3A_174, %dma_start3A_175, %dma_start3A_182] : memref<2x2x128xi32, #tpu.memory_space<vmem>> -> memref<1x1x128xi32, #tpu.memory_space<vmem>>
        %dma_start3A_184 = tpu.memref_squeeze %dma_start3A_183 : memref<1x1x128xi32, #tpu.memory_space<vmem>> -> memref<128xi32, #tpu.memory_space<vmem>>
        %dma_start3A_185 = arith.constant 0 : i32
        %dma_start3A_186 = arith.constant 0 : i32
        %dma_start3A_187 = tpu.memref_slice %arg4[%dma_start3A_185, %dma_start3A_186] : memref<50000x16xf32, #tpu.memory_space<hbm>> -> memref<50000x16xf32, #tpu.memory_space<hbm>>
        %dma_start3A_188 = tpu.memref_slice %arg15[%dma_start3A_177] : memref<2x!tpu.dma_semaphore, #tpu.memory_space<semaphore_mem>> -> memref<1x!tpu.dma_semaphore, #tpu.memory_space<semaphore_mem>>
        %dma_start3A_189 = tpu.memref_squeeze %dma_start3A_188 : memref<1x!tpu.dma_semaphore, #tpu.memory_space<semaphore_mem>> -> memref<!tpu.dma_semaphore, #tpu.memory_space<semaphore_mem>>
        tpu.enqueue_indirect_dma source(%dma_start3A_187 : memref<50000x16xf32, #tpu.memory_space<hbm>>) target(%dma_start3A_181 : memref<128x16xf32, #tpu.memory_space<vmem>>) offsets(%dma_start3A_184 : memref<128xi32, #tpu.memory_space<vmem>>) semaphore(%dma_start3A_189 : memref<!tpu.dma_semaphore, #tpu.memory_space<semaphore_mem>>)
        %dma_start3A_190 = arith.constant 0 : i32
        %dma_start3A_191 = arith.constant 1 : i32
        %dma_start3A_192 = arith.constant 0 : i32
        %dma_start3A_193 = arith.constant 0 : i32
        %dma_start3A_194 = arith.constant 128 : i32
        %dma_start3A_195 = arith.constant 0 : i32
        %dma_start3A_196 = tpu.memref_slice %arg12[%dma_start3A_192, %dma_start3A_194, %dma_start3A_195] : memref<2x256x16xf32, #tpu.memory_space<vmem>> -> memref<1x128x16xf32, #tpu.memory_space<vmem>>
        %dma_start3A_197 = tpu.memref_squeeze %dma_start3A_196 : memref<1x128x16xf32, #tpu.memory_space<vmem>> -> memref<128x16xf32, #tpu.memory_space<vmem>>
        %dma_start3A_198 = arith.constant 0 : i32
        %dma_start3A_199 = tpu.memref_slice %arg10[%dma_start3A_190, %dma_start3A_191, %dma_start3A_198] : memref<2x2x128xi32, #tpu.memory_space<vmem>> -> memref<1x1x128xi32, #tpu.memory_space<vmem>>
        %dma_start3A_200 = tpu.memref_squeeze %dma_start3A_199 : memref<1x1x128xi32, #tpu.memory_space<vmem>> -> memref<128xi32, #tpu.memory_space<vmem>>
        %dma_start3A_201 = arith.constant 0 : i32
        %dma_start3A_202 = arith.constant 0 : i32
        %dma_start3A_203 = tpu.memref_slice %arg4[%dma_start3A_201, %dma_start3A_202] : memref<50000x16xf32, #tpu.memory_space<hbm>> -> memref<50000x16xf32, #tpu.memory_space<hbm>>
        %dma_start3A_204 = tpu.memref_slice %arg15[%dma_start3A_193] : memref<2x!tpu.dma_semaphore, #tpu.memory_space<semaphore_mem>> -> memref<1x!tpu.dma_semaphore, #tpu.memory_space<semaphore_mem>>
        %dma_start3A_205 = tpu.memref_squeeze %dma_start3A_204 : memref<1x!tpu.dma_semaphore, #tpu.memory_space<semaphore_mem>> -> memref<!tpu.dma_semaphore, #tpu.memory_space<semaphore_mem>>
        tpu.enqueue_indirect_dma source(%dma_start3A_203 : memref<50000x16xf32, #tpu.memory_space<hbm>>) target(%dma_start3A_197 : memref<128x16xf32, #tpu.memory_space<vmem>>) offsets(%dma_start3A_200 : memref<128xi32, #tpu.memory_space<vmem>>) semaphore(%dma_start3A_205 : memref<!tpu.dma_semaphore, #tpu.memory_space<semaphore_mem>>)
        %dma_start3A_206 = arith.constant 0 : i32
        %dma_start3A_207 = arith.constant 1 : i32
        %dma_start3A_208 = arith.constant 0 : i32
        %dma_start3A_209 = arith.constant 0 : i32
        %dma_start3A_210 = arith.constant 128 : i32
        %dma_start3A_211 = arith.constant 0 : i32
        %dma_start3A_212 = tpu.memref_slice %arg13[%dma_start3A_208, %dma_start3A_210, %dma_start3A_211] : memref<2x256x32xf32, #tpu.memory_space<vmem>> -> memref<1x128x32xf32, #tpu.memory_space<vmem>>
        %dma_start3A_213 = tpu.memref_squeeze %dma_start3A_212 : memref<1x128x32xf32, #tpu.memory_space<vmem>> -> memref<128x32xf32, #tpu.memory_space<vmem>>
        %dma_start3A_214 = arith.constant 0 : i32
        %dma_start3A_215 = tpu.memref_slice %arg9[%dma_start3A_206, %dma_start3A_207, %dma_start3A_214] : memref<2x2x128xi32, #tpu.memory_space<vmem>> -> memref<1x1x128xi32, #tpu.memory_space<vmem>>
        %dma_start3A_216 = tpu.memref_squeeze %dma_start3A_215 : memref<1x1x128xi32, #tpu.memory_space<vmem>> -> memref<128xi32, #tpu.memory_space<vmem>>
        %dma_start3A_217 = arith.constant 0 : i32
        %dma_start3A_218 = arith.constant 0 : i32
        %dma_start3A_219 = tpu.memref_slice %arg5[%dma_start3A_217, %dma_start3A_218] : memref<50000x32xf32, #tpu.memory_space<hbm>> -> memref<50000x32xf32, #tpu.memory_space<hbm>>
        %dma_start3A_220 = tpu.memref_slice %arg15[%dma_start3A_209] : memref<2x!tpu.dma_semaphore, #tpu.memory_space<semaphore_mem>> -> memref<1x!tpu.dma_semaphore, #tpu.memory_space<semaphore_mem>>
        %dma_start3A_221 = tpu.memref_squeeze %dma_start3A_220 : memref<1x!tpu.dma_semaphore, #tpu.memory_space<semaphore_mem>> -> memref<!tpu.dma_semaphore, #tpu.memory_space<semaphore_mem>>
        tpu.enqueue_indirect_dma source(%dma_start3A_219 : memref<50000x32xf32, #tpu.memory_space<hbm>>) target(%dma_start3A_213 : memref<128x32xf32, #tpu.memory_space<vmem>>) offsets(%dma_start3A_216 : memref<128xi32, #tpu.memory_space<vmem>>) semaphore(%dma_start3A_221 : memref<!tpu.dma_semaphore, #tpu.memory_space<semaphore_mem>>)
      } else {
      }
      %mul3A_101 = arith.constant 32 : i32
      %mul3A_102 = arith.muli %add3A_80, %mul3A_101 : i32
      %add3A_103 = arith.addi %add3A, %mul3A_102 : i32
      %lt3A_104 = arith.constant 3125 : i32
      %lt3A_105 = arith.cmpi slt, %add3A_103, %lt3A_104 : i32
      %convert_element_type3A_106 = arith.extui %lt3A_105 : i1 to i32
      %cond3A_107 = arith.constant 0 : i32
      %cond3A_108 = arith.cmpi ne, %convert_element_type3A_106, %cond3A_107 : i32
      scf.if %cond3A_108 {
        %dma_wait3A = arith.constant 1 : i32
        %dma_wait3A_127 = arith.constant 0 : i32
        %dma_wait3A_128 = arith.constant 1 : i32
        %dma_wait3A_129 = arith.constant 1 : i32
        %dma_wait3A_130 = arith.constant 0 : i32
        %dma_wait3A_131 = arith.constant 0 : i32
        %dma_wait3A_132 = tpu.memref_slice %arg11[%dma_wait3A_128, %dma_wait3A_130, %dma_wait3A_131] : memref<2x256x16xf32, #tpu.memory_space<vmem>> -> memref<1x128x16xf32, #tpu.memory_space<vmem>>
        %dma_wait3A_133 = tpu.memref_squeeze %dma_wait3A_132 : memref<1x128x16xf32, #tpu.memory_space<vmem>> -> memref<128x16xf32, #tpu.memory_space<vmem>>
        %dma_wait3A_134 = arith.constant 0 : i32
        %dma_wait3A_135 = tpu.memref_slice %arg9[%dma_wait3A, %dma_wait3A_127, %dma_wait3A_134] : memref<2x2x128xi32, #tpu.memory_space<vmem>> -> memref<1x1x128xi32, #tpu.memory_space<vmem>>
        %dma_wait3A_136 = tpu.memref_squeeze %dma_wait3A_135 : memref<1x1x128xi32, #tpu.memory_space<vmem>> -> memref<128xi32, #tpu.memory_space<vmem>>
        %dma_wait3A_137 = arith.constant 0 : i32
        %dma_wait3A_138 = arith.constant 0 : i32
        %dma_wait3A_139 = tpu.memref_slice %arg4[%dma_wait3A_137, %dma_wait3A_138] : memref<50000x16xf32, #tpu.memory_space<hbm>> -> memref<50000x16xf32, #tpu.memory_space<hbm>>
        %dma_wait3A_140 = tpu.memref_slice %arg15[%dma_wait3A_129] : memref<2x!tpu.dma_semaphore, #tpu.memory_space<semaphore_mem>> -> memref<1x!tpu.dma_semaphore, #tpu.memory_space<semaphore_mem>>
        %dma_wait3A_141 = tpu.memref_squeeze %dma_wait3A_140 : memref<1x!tpu.dma_semaphore, #tpu.memory_space<semaphore_mem>> -> memref<!tpu.dma_semaphore, #tpu.memory_space<semaphore_mem>>
        tpu.wait_indirect_dma semaphore(%dma_wait3A_141 : memref<!tpu.dma_semaphore, #tpu.memory_space<semaphore_mem>>) src(%dma_wait3A_139 : memref<50000x16xf32, #tpu.memory_space<hbm>>) dst(%dma_wait3A_133 : memref<128x16xf32, #tpu.memory_space<vmem>>)
        %dma_wait3A_142 = arith.constant 1 : i32
        %dma_wait3A_143 = arith.constant 0 : i32
        %dma_wait3A_144 = arith.constant 1 : i32
        %dma_wait3A_145 = arith.constant 1 : i32
        %dma_wait3A_146 = arith.constant 0 : i32
        %dma_wait3A_147 = arith.constant 0 : i32
        %dma_wait3A_148 = tpu.memref_slice %arg12[%dma_wait3A_144, %dma_wait3A_146, %dma_wait3A_147] : memref<2x256x16xf32, #tpu.memory_space<vmem>> -> memref<1x128x16xf32, #tpu.memory_space<vmem>>
        %dma_wait3A_149 = tpu.memref_squeeze %dma_wait3A_148 : memref<1x128x16xf32, #tpu.memory_space<vmem>> -> memref<128x16xf32, #tpu.memory_space<vmem>>
        %dma_wait3A_150 = arith.constant 0 : i32
        %dma_wait3A_151 = tpu.memref_slice %arg10[%dma_wait3A_142, %dma_wait3A_143, %dma_wait3A_150] : memref<2x2x128xi32, #tpu.memory_space<vmem>> -> memref<1x1x128xi32, #tpu.memory_space<vmem>>
        %dma_wait3A_152 = tpu.memref_squeeze %dma_wait3A_151 : memref<1x1x128xi32, #tpu.memory_space<vmem>> -> memref<128xi32, #tpu.memory_space<vmem>>
        %dma_wait3A_153 = arith.constant 0 : i32
        %dma_wait3A_154 = arith.constant 0 : i32
        %dma_wait3A_155 = tpu.memref_slice %arg4[%dma_wait3A_153, %dma_wait3A_154] : memref<50000x16xf32, #tpu.memory_space<hbm>> -> memref<50000x16xf32, #tpu.memory_space<hbm>>
        %dma_wait3A_156 = tpu.memref_slice %arg15[%dma_wait3A_145] : memref<2x!tpu.dma_semaphore, #tpu.memory_space<semaphore_mem>> -> memref<1x!tpu.dma_semaphore, #tpu.memory_space<semaphore_mem>>
        %dma_wait3A_157 = tpu.memref_squeeze %dma_wait3A_156 : memref<1x!tpu.dma_semaphore, #tpu.memory_space<semaphore_mem>> -> memref<!tpu.dma_semaphore, #tpu.memory_space<semaphore_mem>>
        tpu.wait_indirect_dma semaphore(%dma_wait3A_157 : memref<!tpu.dma_semaphore, #tpu.memory_space<semaphore_mem>>) src(%dma_wait3A_155 : memref<50000x16xf32, #tpu.memory_space<hbm>>) dst(%dma_wait3A_149 : memref<128x16xf32, #tpu.memory_space<vmem>>)
        %dma_wait3A_158 = arith.constant 1 : i32
        %dma_wait3A_159 = arith.constant 0 : i32
        %dma_wait3A_160 = arith.constant 1 : i32
        %dma_wait3A_161 = arith.constant 1 : i32
        %dma_wait3A_162 = arith.constant 0 : i32
        %dma_wait3A_163 = arith.constant 0 : i32
        %dma_wait3A_164 = tpu.memref_slice %arg13[%dma_wait3A_160, %dma_wait3A_162, %dma_wait3A_163] : memref<2x256x32xf32, #tpu.memory_space<vmem>> -> memref<1x128x32xf32, #tpu.memory_space<vmem>>
        %dma_wait3A_165 = tpu.memref_squeeze %dma_wait3A_164 : memref<1x128x32xf32, #tpu.memory_space<vmem>> -> memref<128x32xf32, #tpu.memory_space<vmem>>
        %dma_wait3A_166 = arith.constant 0 : i32
        %dma_wait3A_167 = tpu.memref_slice %arg9[%dma_wait3A_158, %dma_wait3A_159, %dma_wait3A_166] : memref<2x2x128xi32, #tpu.memory_space<vmem>> -> memref<1x1x128xi32, #tpu.memory_space<vmem>>
        %dma_wait3A_168 = tpu.memref_squeeze %dma_wait3A_167 : memref<1x1x128xi32, #tpu.memory_space<vmem>> -> memref<128xi32, #tpu.memory_space<vmem>>
        %dma_wait3A_169 = arith.constant 0 : i32
        %dma_wait3A_170 = arith.constant 0 : i32
        %dma_wait3A_171 = tpu.memref_slice %arg5[%dma_wait3A_169, %dma_wait3A_170] : memref<50000x32xf32, #tpu.memory_space<hbm>> -> memref<50000x32xf32, #tpu.memory_space<hbm>>
        %dma_wait3A_172 = tpu.memref_slice %arg15[%dma_wait3A_161] : memref<2x!tpu.dma_semaphore, #tpu.memory_space<semaphore_mem>> -> memref<1x!tpu.dma_semaphore, #tpu.memory_space<semaphore_mem>>
        %dma_wait3A_173 = tpu.memref_squeeze %dma_wait3A_172 : memref<1x!tpu.dma_semaphore, #tpu.memory_space<semaphore_mem>> -> memref<!tpu.dma_semaphore, #tpu.memory_space<semaphore_mem>>
        tpu.wait_indirect_dma semaphore(%dma_wait3A_173 : memref<!tpu.dma_semaphore, #tpu.memory_space<semaphore_mem>>) src(%dma_wait3A_171 : memref<50000x32xf32, #tpu.memory_space<hbm>>) dst(%dma_wait3A_165 : memref<128x32xf32, #tpu.memory_space<vmem>>)
        %dma_wait3A_174 = arith.constant 1 : i32
        %dma_wait3A_175 = arith.constant 1 : i32
        %dma_wait3A_176 = arith.constant 1 : i32
        %dma_wait3A_177 = arith.constant 1 : i32
        %dma_wait3A_178 = arith.constant 128 : i32
        %dma_wait3A_179 = arith.constant 0 : i32
        %dma_wait3A_180 = tpu.memref_slice %arg11[%dma_wait3A_176, %dma_wait3A_178, %dma_wait3A_179] : memref<2x256x16xf32, #tpu.memory_space<vmem>> -> memref<1x128x16xf32, #tpu.memory_space<vmem>>
        %dma_wait3A_181 = tpu.memref_squeeze %dma_wait3A_180 : memref<1x128x16xf32, #tpu.memory_space<vmem>> -> memref<128x16xf32, #tpu.memory_space<vmem>>
        %dma_wait3A_182 = arith.constant 0 : i32
        %dma_wait3A_183 = tpu.memref_slice %arg9[%dma_wait3A_174, %dma_wait3A_175, %dma_wait3A_182] : memref<2x2x128xi32, #tpu.memory_space<vmem>> -> memref<1x1x128xi32, #tpu.memory_space<vmem>>
        %dma_wait3A_184 = tpu.memref_squeeze %dma_wait3A_183 : memref<1x1x128xi32, #tpu.memory_space<vmem>> -> memref<128xi32, #tpu.memory_space<vmem>>
        %dma_wait3A_185 = arith.constant 0 : i32
        %dma_wait3A_186 = arith.constant 0 : i32
        %dma_wait3A_187 = tpu.memref_slice %arg4[%dma_wait3A_185, %dma_wait3A_186] : memref<50000x16xf32, #tpu.memory_space<hbm>> -> memref<50000x16xf32, #tpu.memory_space<hbm>>
        %dma_wait3A_188 = tpu.memref_slice %arg15[%dma_wait3A_177] : memref<2x!tpu.dma_semaphore, #tpu.memory_space<semaphore_mem>> -> memref<1x!tpu.dma_semaphore, #tpu.memory_space<semaphore_mem>>
        %dma_wait3A_189 = tpu.memref_squeeze %dma_wait3A_188 : memref<1x!tpu.dma_semaphore, #tpu.memory_space<semaphore_mem>> -> memref<!tpu.dma_semaphore, #tpu.memory_space<semaphore_mem>>
        tpu.wait_indirect_dma semaphore(%dma_wait3A_189 : memref<!tpu.dma_semaphore, #tpu.memory_space<semaphore_mem>>) src(%dma_wait3A_187 : memref<50000x16xf32, #tpu.memory_space<hbm>>) dst(%dma_wait3A_181 : memref<128x16xf32, #tpu.memory_space<vmem>>)
        %dma_wait3A_190 = arith.constant 1 : i32
        %dma_wait3A_191 = arith.constant 1 : i32
        %dma_wait3A_192 = arith.constant 1 : i32
        %dma_wait3A_193 = arith.constant 1 : i32
        %dma_wait3A_194 = arith.constant 128 : i32
        %dma_wait3A_195 = arith.constant 0 : i32
        %dma_wait3A_196 = tpu.memref_slice %arg12[%dma_wait3A_192, %dma_wait3A_194, %dma_wait3A_195] : memref<2x256x16xf32, #tpu.memory_space<vmem>> -> memref<1x128x16xf32, #tpu.memory_space<vmem>>
        %dma_wait3A_197 = tpu.memref_squeeze %dma_wait3A_196 : memref<1x128x16xf32, #tpu.memory_space<vmem>> -> memref<128x16xf32, #tpu.memory_space<vmem>>
        %dma_wait3A_198 = arith.constant 0 : i32
        %dma_wait3A_199 = tpu.memref_slice %arg10[%dma_wait3A_190, %dma_wait3A_191, %dma_wait3A_198] : memref<2x2x128xi32, #tpu.memory_space<vmem>> -> memref<1x1x128xi32, #tpu.memory_space<vmem>>
        %dma_wait3A_200 = tpu.memref_squeeze %dma_wait3A_199 : memref<1x1x128xi32, #tpu.memory_space<vmem>> -> memref<128xi32, #tpu.memory_space<vmem>>
        %dma_wait3A_201 = arith.constant 0 : i32
        %dma_wait3A_202 = arith.constant 0 : i32
        %dma_wait3A_203 = tpu.memref_slice %arg4[%dma_wait3A_201, %dma_wait3A_202] : memref<50000x16xf32, #tpu.memory_space<hbm>> -> memref<50000x16xf32, #tpu.memory_space<hbm>>
        %dma_wait3A_204 = tpu.memref_slice %arg15[%dma_wait3A_193] : memref<2x!tpu.dma_semaphore, #tpu.memory_space<semaphore_mem>> -> memref<1x!tpu.dma_semaphore, #tpu.memory_space<semaphore_mem>>
        %dma_wait3A_205 = tpu.memref_squeeze %dma_wait3A_204 : memref<1x!tpu.dma_semaphore, #tpu.memory_space<semaphore_mem>> -> memref<!tpu.dma_semaphore, #tpu.memory_space<semaphore_mem>>
        tpu.wait_indirect_dma semaphore(%dma_wait3A_205 : memref<!tpu.dma_semaphore, #tpu.memory_space<semaphore_mem>>) src(%dma_wait3A_203 : memref<50000x16xf32, #tpu.memory_space<hbm>>) dst(%dma_wait3A_197 : memref<128x16xf32, #tpu.memory_space<vmem>>)
        %dma_wait3A_206 = arith.constant 1 : i32
        %dma_wait3A_207 = arith.constant 1 : i32
        %dma_wait3A_208 = arith.constant 1 : i32
        %dma_wait3A_209 = arith.constant 1 : i32
        %dma_wait3A_210 = arith.constant 128 : i32
        %dma_wait3A_211 = arith.constant 0 : i32
        %dma_wait3A_212 = tpu.memref_slice %arg13[%dma_wait3A_208, %dma_wait3A_210, %dma_wait3A_211] : memref<2x256x32xf32, #tpu.memory_space<vmem>> -> memref<1x128x32xf32, #tpu.memory_space<vmem>>
        %dma_wait3A_213 = tpu.memref_squeeze %dma_wait3A_212 : memref<1x128x32xf32, #tpu.memory_space<vmem>> -> memref<128x32xf32, #tpu.memory_space<vmem>>
        %dma_wait3A_214 = arith.constant 0 : i32
        %dma_wait3A_215 = tpu.memref_slice %arg9[%dma_wait3A_206, %dma_wait3A_207, %dma_wait3A_214] : memref<2x2x128xi32, #tpu.memory_space<vmem>> -> memref<1x1x128xi32, #tpu.memory_space<vmem>>
        %dma_wait3A_216 = tpu.memref_squeeze %dma_wait3A_215 : memref<1x1x128xi32, #tpu.memory_space<vmem>> -> memref<128xi32, #tpu.memory_space<vmem>>
        %dma_wait3A_217 = arith.constant 0 : i32
        %dma_wait3A_218 = arith.constant 0 : i32
        %dma_wait3A_219 = tpu.memref_slice %arg5[%dma_wait3A_217, %dma_wait3A_218] : memref<50000x32xf32, #tpu.memory_space<hbm>> -> memref<50000x32xf32, #tpu.memory_space<hbm>>
        %dma_wait3A_220 = tpu.memref_slice %arg15[%dma_wait3A_209] : memref<2x!tpu.dma_semaphore, #tpu.memory_space<semaphore_mem>> -> memref<1x!tpu.dma_semaphore, #tpu.memory_space<semaphore_mem>>
        %dma_wait3A_221 = tpu.memref_squeeze %dma_wait3A_220 : memref<1x!tpu.dma_semaphore, #tpu.memory_space<semaphore_mem>> -> memref<!tpu.dma_semaphore, #tpu.memory_space<semaphore_mem>>
        tpu.wait_indirect_dma semaphore(%dma_wait3A_221 : memref<!tpu.dma_semaphore, #tpu.memory_space<semaphore_mem>>) src(%dma_wait3A_219 : memref<50000x32xf32, #tpu.memory_space<hbm>>) dst(%dma_wait3A_213 : memref<128x32xf32, #tpu.memory_space<vmem>>)
      } else {
      }
      %add3A_109 = arith.constant 2 : i32
      %add3A_110 = arith.addi %add3A_80, %add3A_109 : i32
      %mul3A_111 = arith.constant 32 : i32
      %mul3A_112 = arith.muli %add3A_110, %mul3A_111 : i32
      %add3A_113 = arith.addi %add3A, %mul3A_112 : i32
      %lt3A_114 = arith.constant 3125 : i32
      %lt3A_115 = arith.cmpi slt, %add3A_113, %lt3A_114 : i32
      %convert_element_type3A_116 = arith.extui %lt3A_115 : i1 to i32
      %cond3A_117 = arith.constant 0 : i32
      %cond3A_118 = arith.cmpi ne, %convert_element_type3A_116, %cond3A_117 : i32
      scf.if %cond3A_118 {
        %mul3A_127 = arith.constant 2 : i32
        %mul3A_128 = arith.muli %mul3A_127, %add3A_113 : i32
        %dma_start3A = arith.constant 1 : i32
        %dma_start3A_129 = arith.constant 1 : i32
        %dma_start3A_130 = arith.constant 0 : i32
        %dma_start3A_131 = arith.constant 0 : i32
        %dma_start3A_132 = tpu.memref_slice %arg9[%dma_start3A, %dma_start3A_130, %dma_start3A_131] : memref<2x2x128xi32, #tpu.memory_space<vmem>> -> memref<1x2x128xi32, #tpu.memory_space<vmem>>
        %dma_start3A_133 = tpu.memref_squeeze %dma_start3A_132 : memref<1x2x128xi32, #tpu.memory_space<vmem>> -> memref<2x128xi32, #tpu.memory_space<vmem>>
        %dma_start3A_134 = arith.constant 0 : i32
        %dma_start3A_135 = tpu.memref_slice %arg2[%mul3A_128, %dma_start3A_134] : memref<6250x128xi32, #tpu.memory_space<hbm>> -> memref<2x128xi32, #tpu.memory_space<hbm>>
        %dma_start3A_136 = tpu.memref_slice %arg14[%dma_start3A_129] : memref<2x!tpu.dma_semaphore, #tpu.memory_space<semaphore_mem>> -> memref<1x!tpu.dma_semaphore, #tpu.memory_space<semaphore_mem>>
        %dma_start3A_137 = tpu.memref_squeeze %dma_start3A_136 : memref<1x!tpu.dma_semaphore, #tpu.memory_space<semaphore_mem>> -> memref<!tpu.dma_semaphore, #tpu.memory_space<semaphore_mem>>
        %dma_start3A_138 = arith.constant 0 : i32
        %dma_start3A_139 = arith.constant 0 : i32
        %dma_start3A_140 = tpu.memref_slice %arg9[%dma_start3A, %dma_start3A_138, %dma_start3A_139] : memref<2x2x128xi32, #tpu.memory_space<vmem>> -> memref<1x2x128xi32, #tpu.memory_space<vmem>>
        %dma_start3A_141 = tpu.memref_squeeze %dma_start3A_140 : memref<1x2x128xi32, #tpu.memory_space<vmem>> -> memref<2x128xi32, #tpu.memory_space<vmem>>
        %dma_start3A_142 = arith.constant 0 : i32
        %dma_start3A_143 = tpu.memref_slice %arg2[%mul3A_128, %dma_start3A_142] : memref<6250x128xi32, #tpu.memory_space<hbm>> -> memref<2x128xi32, #tpu.memory_space<hbm>>
        tpu.enqueue_dma source(%dma_start3A_143 : memref<2x128xi32, #tpu.memory_space<hbm>>) target(%dma_start3A_141 : memref<2x128xi32, #tpu.memory_space<vmem>>) target_semaphore(%dma_start3A_137 : memref<!tpu.dma_semaphore, #tpu.memory_space<semaphore_mem>>)
        %mul3A_144 = arith.constant 2 : i32
        %mul3A_145 = arith.muli %mul3A_144, %add3A_113 : i32
        %dma_start3A_146 = arith.constant 1 : i32
        %dma_start3A_147 = arith.constant 1 : i32
        %dma_start3A_148 = arith.constant 0 : i32
        %dma_start3A_149 = arith.constant 0 : i32
        %dma_start3A_150 = tpu.memref_slice %arg10[%dma_start3A_146, %dma_start3A_148, %dma_start3A_149] : memref<2x2x128xi32, #tpu.memory_space<vmem>> -> memref<1x2x128xi32, #tpu.memory_space<vmem>>
        %dma_start3A_151 = tpu.memref_squeeze %dma_start3A_150 : memref<1x2x128xi32, #tpu.memory_space<vmem>> -> memref<2x128xi32, #tpu.memory_space<vmem>>
        %dma_start3A_152 = arith.constant 0 : i32
        %dma_start3A_153 = tpu.memref_slice %arg3[%mul3A_145, %dma_start3A_152] : memref<6250x128xi32, #tpu.memory_space<hbm>> -> memref<2x128xi32, #tpu.memory_space<hbm>>
        %dma_start3A_154 = tpu.memref_slice %arg14[%dma_start3A_147] : memref<2x!tpu.dma_semaphore, #tpu.memory_space<semaphore_mem>> -> memref<1x!tpu.dma_semaphore, #tpu.memory_space<semaphore_mem>>
        %dma_start3A_155 = tpu.memref_squeeze %dma_start3A_154 : memref<1x!tpu.dma_semaphore, #tpu.memory_space<semaphore_mem>> -> memref<!tpu.dma_semaphore, #tpu.memory_space<semaphore_mem>>
        %dma_start3A_156 = arith.constant 0 : i32
        %dma_start3A_157 = arith.constant 0 : i32
        %dma_start3A_158 = tpu.memref_slice %arg10[%dma_start3A_146, %dma_start3A_156, %dma_start3A_157] : memref<2x2x128xi32, #tpu.memory_space<vmem>> -> memref<1x2x128xi32, #tpu.memory_space<vmem>>
        %dma_start3A_159 = tpu.memref_squeeze %dma_start3A_158 : memref<1x2x128xi32, #tpu.memory_space<vmem>> -> memref<2x128xi32, #tpu.memory_space<vmem>>
        %dma_start3A_160 = arith.constant 0 : i32
        %dma_start3A_161 = tpu.memref_slice %arg3[%mul3A_145, %dma_start3A_160] : memref<6250x128xi32, #tpu.memory_space<hbm>> -> memref<2x128xi32, #tpu.memory_space<hbm>>
        tpu.enqueue_dma source(%dma_start3A_161 : memref<2x128xi32, #tpu.memory_space<hbm>>) target(%dma_start3A_159 : memref<2x128xi32, #tpu.memory_space<vmem>>) target_semaphore(%dma_start3A_155 : memref<!tpu.dma_semaphore, #tpu.memory_space<semaphore_mem>>)
      } else {
      }
      %mul3A_119 = arith.constant 32 : i32
      %mul3A_120 = arith.muli %add3A_80, %mul3A_119 : i32
      %add3A_121 = arith.addi %add3A, %mul3A_120 : i32
      %lt3A_122 = arith.constant 3125 : i32
      %lt3A_123 = arith.cmpi slt, %add3A_121, %lt3A_122 : i32
      %convert_element_type3A_124 = arith.extui %lt3A_123 : i1 to i32
      %cond3A_125 = arith.constant 0 : i32
      %cond3A_126 = arith.cmpi ne, %convert_element_type3A_124, %cond3A_125 : i32
      scf.if %cond3A_126 {
        %mul3A_127 = arith.constant 256 : i32
        %mul3A_128 = arith.muli %add3A_121, %mul3A_127 : i32
        %dma_start3A = arith.constant 1 : i32
        %dma_start3A_129 = arith.constant 0 : i32
        %dma_start3A_130 = arith.constant 0 : i32
        %dma_start3A_131 = tpu.memref_slice %arg11[%dma_start3A, %dma_start3A_129, %dma_start3A_130] : memref<2x256x16xf32, #tpu.memory_space<vmem>> -> memref<1x256x16xf32, #tpu.memory_space<vmem>>
        %dma_start3A_132 = tpu.memref_squeeze %dma_start3A_131 : memref<1x256x16xf32, #tpu.memory_space<vmem>> -> memref<256x16xf32, #tpu.memory_space<vmem>>
        %dma_start3A_133 = arith.constant 0 : i32
        %dma_start3A_134 = tpu.memref_slice %arg6[%mul3A_128, %dma_start3A_133] : memref<800000x16xf32, #tpu.memory_space<hbm>> -> memref<256x16xf32, #tpu.memory_space<hbm>>
        %dma_start3A_135 = arith.constant 0 : i32
        %dma_start3A_136 = tpu.memref_slice %arg6[%mul3A_128, %dma_start3A_135] : memref<800000x16xf32, #tpu.memory_space<hbm>> -> memref<256x16xf32, #tpu.memory_space<hbm>>
        %dma_start3A_137 = arith.constant 0 : i32
        %dma_start3A_138 = arith.constant 0 : i32
        %dma_start3A_139 = tpu.memref_slice %arg11[%dma_start3A, %dma_start3A_137, %dma_start3A_138] : memref<2x256x16xf32, #tpu.memory_space<vmem>> -> memref<1x256x16xf32, #tpu.memory_space<vmem>>
        %dma_start3A_140 = tpu.memref_squeeze %dma_start3A_139 : memref<1x256x16xf32, #tpu.memory_space<vmem>> -> memref<256x16xf32, #tpu.memory_space<vmem>>
        tpu.enqueue_dma source(%dma_start3A_140 : memref<256x16xf32, #tpu.memory_space<vmem>>) target(%dma_start3A_136 : memref<256x16xf32, #tpu.memory_space<hbm>>) target_semaphore(%arg16 : memref<!tpu.dma_semaphore, #tpu.memory_space<semaphore_mem>>)
        %dma_start3A_141 = arith.constant 1 : i32
        %dma_start3A_142 = arith.constant 0 : i32
        %dma_start3A_143 = arith.constant 0 : i32
        %dma_start3A_144 = tpu.memref_slice %arg12[%dma_start3A_141, %dma_start3A_142, %dma_start3A_143] : memref<2x256x16xf32, #tpu.memory_space<vmem>> -> memref<1x256x16xf32, #tpu.memory_space<vmem>>
        %dma_start3A_145 = tpu.memref_squeeze %dma_start3A_144 : memref<1x256x16xf32, #tpu.memory_space<vmem>> -> memref<256x16xf32, #tpu.memory_space<vmem>>
        %dma_start3A_146 = arith.constant 0 : i32
        %dma_start3A_147 = tpu.memref_slice %arg7[%mul3A_128, %dma_start3A_146] : memref<800000x16xf32, #tpu.memory_space<hbm>> -> memref<256x16xf32, #tpu.memory_space<hbm>>
        %dma_start3A_148 = arith.constant 0 : i32
        %dma_start3A_149 = tpu.memref_slice %arg7[%mul3A_128, %dma_start3A_148] : memref<800000x16xf32, #tpu.memory_space<hbm>> -> memref<256x16xf32, #tpu.memory_space<hbm>>
        %dma_start3A_150 = arith.constant 0 : i32
        %dma_start3A_151 = arith.constant 0 : i32
        %dma_start3A_152 = tpu.memref_slice %arg12[%dma_start3A_141, %dma_start3A_150, %dma_start3A_151] : memref<2x256x16xf32, #tpu.memory_space<vmem>> -> memref<1x256x16xf32, #tpu.memory_space<vmem>>
        %dma_start3A_153 = tpu.memref_squeeze %dma_start3A_152 : memref<1x256x16xf32, #tpu.memory_space<vmem>> -> memref<256x16xf32, #tpu.memory_space<vmem>>
        tpu.enqueue_dma source(%dma_start3A_153 : memref<256x16xf32, #tpu.memory_space<vmem>>) target(%dma_start3A_149 : memref<256x16xf32, #tpu.memory_space<hbm>>) target_semaphore(%arg16 : memref<!tpu.dma_semaphore, #tpu.memory_space<semaphore_mem>>)
        %dma_start3A_154 = arith.constant 1 : i32
        %dma_start3A_155 = arith.constant 0 : i32
        %dma_start3A_156 = arith.constant 0 : i32
        %dma_start3A_157 = tpu.memref_slice %arg13[%dma_start3A_154, %dma_start3A_155, %dma_start3A_156] : memref<2x256x32xf32, #tpu.memory_space<vmem>> -> memref<1x256x32xf32, #tpu.memory_space<vmem>>
        %dma_start3A_158 = tpu.memref_squeeze %dma_start3A_157 : memref<1x256x32xf32, #tpu.memory_space<vmem>> -> memref<256x32xf32, #tpu.memory_space<vmem>>
        %dma_start3A_159 = arith.constant 0 : i32
        %dma_start3A_160 = tpu.memref_slice %arg8[%mul3A_128, %dma_start3A_159] : memref<800000x32xf32, #tpu.memory_space<hbm>> -> memref<256x32xf32, #tpu.memory_space<hbm>>
        %dma_start3A_161 = arith.constant 0 : i32
        %dma_start3A_162 = tpu.memref_slice %arg8[%mul3A_128, %dma_start3A_161] : memref<800000x32xf32, #tpu.memory_space<hbm>> -> memref<256x32xf32, #tpu.memory_space<hbm>>
        %dma_start3A_163 = arith.constant 0 : i32
        %dma_start3A_164 = arith.constant 0 : i32
        %dma_start3A_165 = tpu.memref_slice %arg13[%dma_start3A_154, %dma_start3A_163, %dma_start3A_164] : memref<2x256x32xf32, #tpu.memory_space<vmem>> -> memref<1x256x32xf32, #tpu.memory_space<vmem>>
        %dma_start3A_166 = tpu.memref_squeeze %dma_start3A_165 : memref<1x256x32xf32, #tpu.memory_space<vmem>> -> memref<256x32xf32, #tpu.memory_space<vmem>>
        tpu.enqueue_dma source(%dma_start3A_166 : memref<256x32xf32, #tpu.memory_space<vmem>>) target(%dma_start3A_162 : memref<256x32xf32, #tpu.memory_space<hbm>>) target_semaphore(%arg16 : memref<!tpu.dma_semaphore, #tpu.memory_space<semaphore_mem>>)
        %dma_wait3A = arith.constant 1 : i32
        %dma_wait3A_167 = arith.constant 0 : i32
        %dma_wait3A_168 = arith.constant 0 : i32
        %dma_wait3A_169 = tpu.memref_slice %arg11[%dma_wait3A, %dma_wait3A_167, %dma_wait3A_168] : memref<2x256x16xf32, #tpu.memory_space<vmem>> -> memref<1x256x16xf32, #tpu.memory_space<vmem>>
        %dma_wait3A_170 = tpu.memref_squeeze %dma_wait3A_169 : memref<1x256x16xf32, #tpu.memory_space<vmem>> -> memref<256x16xf32, #tpu.memory_space<vmem>>
        %dma_wait3A_171 = arith.constant 0 : i32
        %dma_wait3A_172 = tpu.memref_slice %arg6[%mul3A_128, %dma_wait3A_171] : memref<800000x16xf32, #tpu.memory_space<hbm>> -> memref<256x16xf32, #tpu.memory_space<hbm>>
        %dma_wait3A_173 = arith.constant 0 : i32
        %dma_wait3A_174 = tpu.memref_slice %arg6[%mul3A_128, %dma_wait3A_173] : memref<800000x16xf32, #tpu.memory_space<hbm>> -> memref<256x16xf32, #tpu.memory_space<hbm>>
        %dma_wait3A_175 = arith.constant 0 : i32
        %dma_wait3A_176 = arith.constant 0 : i32
        %dma_wait3A_177 = tpu.memref_slice %arg11[%dma_wait3A, %dma_wait3A_175, %dma_wait3A_176] : memref<2x256x16xf32, #tpu.memory_space<vmem>> -> memref<1x256x16xf32, #tpu.memory_space<vmem>>
        %dma_wait3A_178 = tpu.memref_squeeze %dma_wait3A_177 : memref<1x256x16xf32, #tpu.memory_space<vmem>> -> memref<256x16xf32, #tpu.memory_space<vmem>>
        tpu.wait_dma2 semaphore(%arg16 : memref<!tpu.dma_semaphore, #tpu.memory_space<semaphore_mem>>) src(%dma_wait3A_178 : memref<256x16xf32, #tpu.memory_space<vmem>>) dst(%dma_wait3A_174 : memref<256x16xf32, #tpu.memory_space<hbm>>)
        %dma_wait3A_179 = arith.constant 1 : i32
        %dma_wait3A_180 = arith.constant 0 : i32
        %dma_wait3A_181 = arith.constant 0 : i32
        %dma_wait3A_182 = tpu.memref_slice %arg12[%dma_wait3A_179, %dma_wait3A_180, %dma_wait3A_181] : memref<2x256x16xf32, #tpu.memory_space<vmem>> -> memref<1x256x16xf32, #tpu.memory_space<vmem>>
        %dma_wait3A_183 = tpu.memref_squeeze %dma_wait3A_182 : memref<1x256x16xf32, #tpu.memory_space<vmem>> -> memref<256x16xf32, #tpu.memory_space<vmem>>
        %dma_wait3A_184 = arith.constant 0 : i32
        %dma_wait3A_185 = tpu.memref_slice %arg7[%mul3A_128, %dma_wait3A_184] : memref<800000x16xf32, #tpu.memory_space<hbm>> -> memref<256x16xf32, #tpu.memory_space<hbm>>
        %dma_wait3A_186 = arith.constant 0 : i32
        %dma_wait3A_187 = tpu.memref_slice %arg7[%mul3A_128, %dma_wait3A_186] : memref<800000x16xf32, #tpu.memory_space<hbm>> -> memref<256x16xf32, #tpu.memory_space<hbm>>
        %dma_wait3A_188 = arith.constant 0 : i32
        %dma_wait3A_189 = arith.constant 0 : i32
        %dma_wait3A_190 = tpu.memref_slice %arg12[%dma_wait3A_179, %dma_wait3A_188, %dma_wait3A_189] : memref<2x256x16xf32, #tpu.memory_space<vmem>> -> memref<1x256x16xf32, #tpu.memory_space<vmem>>
        %dma_wait3A_191 = tpu.memref_squeeze %dma_wait3A_190 : memref<1x256x16xf32, #tpu.memory_space<vmem>> -> memref<256x16xf32, #tpu.memory_space<vmem>>
        tpu.wait_dma2 semaphore(%arg16 : memref<!tpu.dma_semaphore, #tpu.memory_space<semaphore_mem>>) src(%dma_wait3A_191 : memref<256x16xf32, #tpu.memory_space<vmem>>) dst(%dma_wait3A_187 : memref<256x16xf32, #tpu.memory_space<hbm>>)
        %dma_wait3A_192 = arith.constant 1 : i32
        %dma_wait3A_193 = arith.constant 0 : i32
        %dma_wait3A_194 = arith.constant 0 : i32
        %dma_wait3A_195 = tpu.memref_slice %arg13[%dma_wait3A_192, %dma_wait3A_193, %dma_wait3A_194] : memref<2x256x32xf32, #tpu.memory_space<vmem>> -> memref<1x256x32xf32, #tpu.memory_space<vmem>>
        %dma_wait3A_196 = tpu.memref_squeeze %dma_wait3A_195 : memref<1x256x32xf32, #tpu.memory_space<vmem>> -> memref<256x32xf32, #tpu.memory_space<vmem>>
        %dma_wait3A_197 = arith.constant 0 : i32
        %dma_wait3A_198 = tpu.memref_slice %arg8[%mul3A_128, %dma_wait3A_197] : memref<800000x32xf32, #tpu.memory_space<hbm>> -> memref<256x32xf32, #tpu.memory_space<hbm>>
        %dma_wait3A_199 = arith.constant 0 : i32
        %dma_wait3A_200 = tpu.memref_slice %arg8[%mul3A_128, %dma_wait3A_199] : memref<800000x32xf32, #tpu.memory_space<hbm>> -> memref<256x32xf32, #tpu.memory_space<hbm>>
        %dma_wait3A_201 = arith.constant 0 : i32
        %dma_wait3A_202 = arith.constant 0 : i32
        %dma_wait3A_203 = tpu.memref_slice %arg13[%dma_wait3A_192, %dma_wait3A_201, %dma_wait3A_202] : memref<2x256x32xf32, #tpu.memory_space<vmem>> -> memref<1x256x32xf32, #tpu.memory_space<vmem>>
        %dma_wait3A_204 = tpu.memref_squeeze %dma_wait3A_203 : memref<1x256x32xf32, #tpu.memory_space<vmem>> -> memref<256x32xf32, #tpu.memory_space<vmem>>
        tpu.wait_dma2 semaphore(%arg16 : memref<!tpu.dma_semaphore, #tpu.memory_space<semaphore_mem>>) src(%dma_wait3A_204 : memref<256x32xf32, #tpu.memory_space<vmem>>) dst(%dma_wait3A_200 : memref<256x32xf32, #tpu.memory_space<hbm>>)
      } else {
      }
    }
    %scan3A_29 = arith.constant 49 : i32
    return
  }
}

#map = affine_map<(d0, d1) -> (0, 0)>
#map1 = affine_map<(d0, d1) -> (0, 0, 0)>
module attributes {stable_mosaic.version = 14 : i64} {
  func.func @_k4_body(%arg0: i32, %arg1: i32, %arg2: memref<6250x128xi32, #tpu.memory_space<hbm>>, %arg3: memref<399360x128xf32, #tpu.memory_space<hbm>>, %arg4: memref<3125x32xf32, #tpu.memory_space<hbm>>, %arg5: memref<4x50000x32xf32, #tpu.memory_space<hbm>>, %arg6: memref<2x128xi32, #tpu.memory_space<vmem>>, %arg7: memref<2x128x32xf32, #tpu.memory_space<vmem>>, %arg8: memref<50000x32xf32, #tpu.memory_space<vmem_shared>>, %arg9: memref<2x!tpu.dma_semaphore, #tpu.memory_space<semaphore_mem>>) attributes {dimension_semantics = [#tpu.dimension_semantics<core_parallel>, #tpu.dimension_semantics<subcore_parallel>], iteration_bounds = array<i64: 2, 16>, scalar_prefetch = 0 : i64, scratch_operands = 4 : i64, tpu.core_type = #tpu.core_type<sc_vector_subcore>, window_params = [{transform_indices = #map}, {transform_indices = #map}, {transform_indices = #map}, {transform_indices = #map1}]} {
    %add3A = arith.constant 0 : i32
    %add3A_0 = arith.addi %arg0, %add3A : i32
    %mul3A = arith.constant 3125 : i32
    %mul3A_1 = arith.muli %arg1, %mul3A : i32
    "tpu.region"() ({
      %run_scoped3A = tpu.sem_alloc : memref<!tpu.dma_semaphore, #tpu.memory_space<semaphore_mem>>
      %dma_start3A = arith.constant 0 : i32
      %dma_start3A_53 = tpu.memref_slice %arg8[%mul3A_1, %dma_start3A] : memref<50000x32xf32, #tpu.memory_space<vmem_shared>> -> memref<3125x32xf32, #tpu.memory_space<vmem_shared>>
      tpu.enqueue_dma source(%arg4 : memref<3125x32xf32, #tpu.memory_space<hbm>>) target(%dma_start3A_53 : memref<3125x32xf32, #tpu.memory_space<vmem_shared>>) target_semaphore(%run_scoped3A : memref<!tpu.dma_semaphore, #tpu.memory_space<semaphore_mem>>)
      %dma_wait3A = arith.constant 0 : i32
      %dma_wait3A_54 = tpu.memref_slice %arg8[%mul3A_1, %dma_wait3A] : memref<50000x32xf32, #tpu.memory_space<vmem_shared>> -> memref<3125x32xf32, #tpu.memory_space<vmem_shared>>
      tpu.wait_dma2 semaphore(%run_scoped3A : memref<!tpu.dma_semaphore, #tpu.memory_space<semaphore_mem>>) src(%arg4 : memref<3125x32xf32, #tpu.memory_space<hbm>>) dst(%dma_wait3A_54 : memref<3125x32xf32, #tpu.memory_space<vmem_shared>>)
      tpu.yield
    }) : () -> ()
    %barrier3A = arith.constant 0 : index
    tpu.barrier barrier_id(%barrier3A)
    %add3A_2 = arith.constant 0 : i32
    %add3A_3 = arith.addi %arg1, %add3A_2 : i32
    %lt3A = arith.constant 3120 : i32
    %lt3A_4 = arith.cmpi slt, %add3A_3, %lt3A : i32
    %convert_element_type3A = arith.extui %lt3A_4 : i1 to i32
    %cond3A = arith.constant 0 : i32
    %cond3A_5 = arith.cmpi ne, %convert_element_type3A, %cond3A : i32
    scf.if %cond3A_5 {
      %add3A_53 = arith.constant 0 : i32
      %add3A_54 = arith.addi %add3A_53, %add3A_3 : i32
      %dma_start3A = arith.constant 0 : i32
      %dma_start3A_55 = arith.constant 0 : i32
      %dma_start3A_56 = arith.constant 0 : i32
      %dma_start3A_57 = tpu.memref_slice %arg6[%dma_start3A_55, %dma_start3A_56] : memref<2x128xi32, #tpu.memory_space<vmem>> -> memref<1x128xi32, #tpu.memory_space<vmem>>
      %dma_start3A_58 = arith.constant 0 : i32
      %dma_start3A_59 = tpu.memref_slice %arg2[%add3A_54, %dma_start3A_58] : memref<6250x128xi32, #tpu.memory_space<hbm>> -> memref<1x128xi32, #tpu.memory_space<hbm>>
      %dma_start3A_60 = tpu.memref_slice %arg9[%dma_start3A] : memref<2x!tpu.dma_semaphore, #tpu.memory_space<semaphore_mem>> -> memref<1x!tpu.dma_semaphore, #tpu.memory_space<semaphore_mem>>
      %dma_start3A_61 = tpu.memref_squeeze %dma_start3A_60 : memref<1x!tpu.dma_semaphore, #tpu.memory_space<semaphore_mem>> -> memref<!tpu.dma_semaphore, #tpu.memory_space<semaphore_mem>>
      %dma_start3A_62 = arith.constant 0 : i32
      %dma_start3A_63 = arith.constant 0 : i32
      %dma_start3A_64 = tpu.memref_slice %arg6[%dma_start3A_62, %dma_start3A_63] : memref<2x128xi32, #tpu.memory_space<vmem>> -> memref<1x128xi32, #tpu.memory_space<vmem>>
      %dma_start3A_65 = arith.constant 0 : i32
      %dma_start3A_66 = tpu.memref_slice %arg2[%add3A_54, %dma_start3A_65] : memref<6250x128xi32, #tpu.memory_space<hbm>> -> memref<1x128xi32, #tpu.memory_space<hbm>>
      tpu.enqueue_dma source(%dma_start3A_66 : memref<1x128xi32, #tpu.memory_space<hbm>>) target(%dma_start3A_64 : memref<1x128xi32, #tpu.memory_space<vmem>>) target_semaphore(%dma_start3A_61 : memref<!tpu.dma_semaphore, #tpu.memory_space<semaphore_mem>>)
      %mul3A_67 = arith.constant 128 : i32
      %mul3A_68 = arith.muli %add3A_3, %mul3A_67 : i32
      %mul3A_69 = arith.constant 32 : i32
      %mul3A_70 = arith.muli %add3A_0, %mul3A_69 : i32
      %dma_start3A_71 = arith.constant 0 : i32
      %dma_start3A_72 = arith.constant 0 : i32
      %dma_start3A_73 = arith.constant 0 : i32
      %dma_start3A_74 = arith.constant 0 : i32
      %dma_start3A_75 = tpu.memref_slice %arg7[%dma_start3A_71, %dma_start3A_73, %dma_start3A_74] : memref<2x128x32xf32, #tpu.memory_space<vmem>> -> memref<1x128x32xf32, #tpu.memory_space<vmem>>
      %dma_start3A_76 = tpu.memref_squeeze %dma_start3A_75 : memref<1x128x32xf32, #tpu.memory_space<vmem>> -> memref<128x32xf32, #tpu.memory_space<vmem>>
      %dma_start3A_77 = tpu.memref_slice %arg3[%mul3A_68, %mul3A_70] : memref<399360x128xf32, #tpu.memory_space<hbm>> -> memref<128x32xf32, #tpu.memory_space<hbm>>
      %dma_start3A_78 = tpu.memref_slice %arg9[%dma_start3A_72] : memref<2x!tpu.dma_semaphore, #tpu.memory_space<semaphore_mem>> -> memref<1x!tpu.dma_semaphore, #tpu.memory_space<semaphore_mem>>
      %dma_start3A_79 = tpu.memref_squeeze %dma_start3A_78 : memref<1x!tpu.dma_semaphore, #tpu.memory_space<semaphore_mem>> -> memref<!tpu.dma_semaphore, #tpu.memory_space<semaphore_mem>>
      %dma_start3A_80 = arith.constant 0 : i32
      %dma_start3A_81 = arith.constant 0 : i32
      %dma_start3A_82 = tpu.memref_slice %arg7[%dma_start3A_71, %dma_start3A_80, %dma_start3A_81] : memref<2x128x32xf32, #tpu.memory_space<vmem>> -> memref<1x128x32xf32, #tpu.memory_space<vmem>>
      %dma_start3A_83 = tpu.memref_squeeze %dma_start3A_82 : memref<1x128x32xf32, #tpu.memory_space<vmem>> -> memref<128x32xf32, #tpu.memory_space<vmem>>
      %dma_start3A_84 = tpu.memref_slice %arg3[%mul3A_68, %mul3A_70] : memref<399360x128xf32, #tpu.memory_space<hbm>> -> memref<128x32xf32, #tpu.memory_space<hbm>>
      tpu.enqueue_dma source(%dma_start3A_84 : memref<128x32xf32, #tpu.memory_space<hbm>>) target(%dma_start3A_83 : memref<128x32xf32, #tpu.memory_space<vmem>>) target_semaphore(%dma_start3A_79 : memref<!tpu.dma_semaphore, #tpu.memory_space<semaphore_mem>>)
    } else {
    }
    %add3A_6 = arith.constant 16 : i32
    %add3A_7 = arith.addi %arg1, %add3A_6 : i32
    %lt3A_8 = arith.constant 3120 : i32
    %lt3A_9 = arith.cmpi slt, %add3A_7, %lt3A_8 : i32
    %convert_element_type3A_10 = arith.extui %lt3A_9 : i1 to i32
    %cond3A_11 = arith.constant 0 : i32
    %cond3A_12 = arith.cmpi ne, %convert_element_type3A_10, %cond3A_11 : i32
    scf.if %cond3A_12 {
      %add3A_53 = arith.constant 0 : i32
      %add3A_54 = arith.addi %add3A_53, %add3A_7 : i32
      %dma_start3A = arith.constant 1 : i32
      %dma_start3A_55 = arith.constant 1 : i32
      %dma_start3A_56 = arith.constant 0 : i32
      %dma_start3A_57 = tpu.memref_slice %arg6[%dma_start3A_55, %dma_start3A_56] : memref<2x128xi32, #tpu.memory_space<vmem>> -> memref<1x128xi32, #tpu.memory_space<vmem>>
      %dma_start3A_58 = arith.constant 0 : i32
      %dma_start3A_59 = tpu.memref_slice %arg2[%add3A_54, %dma_start3A_58] : memref<6250x128xi32, #tpu.memory_space<hbm>> -> memref<1x128xi32, #tpu.memory_space<hbm>>
      %dma_start3A_60 = tpu.memref_slice %arg9[%dma_start3A] : memref<2x!tpu.dma_semaphore, #tpu.memory_space<semaphore_mem>> -> memref<1x!tpu.dma_semaphore, #tpu.memory_space<semaphore_mem>>
      %dma_start3A_61 = tpu.memref_squeeze %dma_start3A_60 : memref<1x!tpu.dma_semaphore, #tpu.memory_space<semaphore_mem>> -> memref<!tpu.dma_semaphore, #tpu.memory_space<semaphore_mem>>
      %dma_start3A_62 = arith.constant 1 : i32
      %dma_start3A_63 = arith.constant 0 : i32
      %dma_start3A_64 = tpu.memref_slice %arg6[%dma_start3A_62, %dma_start3A_63] : memref<2x128xi32, #tpu.memory_space<vmem>> -> memref<1x128xi32, #tpu.memory_space<vmem>>
      %dma_start3A_65 = arith.constant 0 : i32
      %dma_start3A_66 = tpu.memref_slice %arg2[%add3A_54, %dma_start3A_65] : memref<6250x128xi32, #tpu.memory_space<hbm>> -> memref<1x128xi32, #tpu.memory_space<hbm>>
      tpu.enqueue_dma source(%dma_start3A_66 : memref<1x128xi32, #tpu.memory_space<hbm>>) target(%dma_start3A_64 : memref<1x128xi32, #tpu.memory_space<vmem>>) target_semaphore(%dma_start3A_61 : memref<!tpu.dma_semaphore, #tpu.memory_space<semaphore_mem>>)
      %mul3A_67 = arith.constant 128 : i32
      %mul3A_68 = arith.muli %add3A_7, %mul3A_67 : i32
      %mul3A_69 = arith.constant 32 : i32
      %mul3A_70 = arith.muli %add3A_0, %mul3A_69 : i32
      %dma_start3A_71 = arith.constant 1 : i32
      %dma_start3A_72 = arith.constant 1 : i32
      %dma_start3A_73 = arith.constant 0 : i32
      %dma_start3A_74 = arith.constant 0 : i32
      %dma_start3A_75 = tpu.memref_slice %arg7[%dma_start3A_71, %dma_start3A_73, %dma_start3A_74] : memref<2x128x32xf32, #tpu.memory_space<vmem>> -> memref<1x128x32xf32, #tpu.memory_space<vmem>>
      %dma_start3A_76 = tpu.memref_squeeze %dma_start3A_75 : memref<1x128x32xf32, #tpu.memory_space<vmem>> -> memref<128x32xf32, #tpu.memory_space<vmem>>
      %dma_start3A_77 = tpu.memref_slice %arg3[%mul3A_68, %mul3A_70] : memref<399360x128xf32, #tpu.memory_space<hbm>> -> memref<128x32xf32, #tpu.memory_space<hbm>>
      %dma_start3A_78 = tpu.memref_slice %arg9[%dma_start3A_72] : memref<2x!tpu.dma_semaphore, #tpu.memory_space<semaphore_mem>> -> memref<1x!tpu.dma_semaphore, #tpu.memory_space<semaphore_mem>>
      %dma_start3A_79 = tpu.memref_squeeze %dma_start3A_78 : memref<1x!tpu.dma_semaphore, #tpu.memory_space<semaphore_mem>> -> memref<!tpu.dma_semaphore, #tpu.memory_space<semaphore_mem>>
      %dma_start3A_80 = arith.constant 0 : i32
      %dma_start3A_81 = arith.constant 0 : i32
      %dma_start3A_82 = tpu.memref_slice %arg7[%dma_start3A_71, %dma_start3A_80, %dma_start3A_81] : memref<2x128x32xf32, #tpu.memory_space<vmem>> -> memref<1x128x32xf32, #tpu.memory_space<vmem>>
      %dma_start3A_83 = tpu.memref_squeeze %dma_start3A_82 : memref<1x128x32xf32, #tpu.memory_space<vmem>> -> memref<128x32xf32, #tpu.memory_space<vmem>>
      %dma_start3A_84 = tpu.memref_slice %arg3[%mul3A_68, %mul3A_70] : memref<399360x128xf32, #tpu.memory_space<hbm>> -> memref<128x32xf32, #tpu.memory_space<hbm>>
      tpu.enqueue_dma source(%dma_start3A_84 : memref<128x32xf32, #tpu.memory_space<hbm>>) target(%dma_start3A_83 : memref<128x32xf32, #tpu.memory_space<vmem>>) target_semaphore(%dma_start3A_79 : memref<!tpu.dma_semaphore, #tpu.memory_space<semaphore_mem>>)
    } else {
    }
    %scan3A = arith.constant 0 : i32
    %scan3A_13 = arith.constant 98 : i32
    %scan3A_14 = arith.addi %scan3A, %scan3A_13 : i32
    %scan3A_15 = arith.constant 1 : i32
    scf.for %scan3A_53 = %scan3A to %scan3A_14 step %scan3A_15  : i32 {
      %mul3A_54 = arith.constant 2 : i32
      %mul3A_55 = arith.muli %scan3A_53, %mul3A_54 : i32
      %mul3A_56 = arith.constant 16 : i32
      %mul3A_57 = arith.muli %mul3A_55, %mul3A_56 : i32
      %add3A_58 = arith.addi %arg1, %mul3A_57 : i32
      %lt3A_59 = arith.constant 3120 : i32
      %lt3A_60 = arith.cmpi slt, %add3A_58, %lt3A_59 : i32
      %convert_element_type3A_61 = arith.extui %lt3A_60 : i1 to i32
      %cond3A_62 = arith.constant 0 : i32
      %cond3A_63 = arith.cmpi ne, %convert_element_type3A_61, %cond3A_62 : i32
      scf.if %cond3A_63 {
        %add3A_94 = arith.constant 0 : i32
        %add3A_95 = arith.addi %add3A_94, %add3A_58 : i32
        %dma_wait3A = arith.constant 0 : i32
        %dma_wait3A_96 = arith.constant 0 : i32
        %dma_wait3A_97 = arith.constant 0 : i32
        %dma_wait3A_98 = tpu.memref_slice %arg6[%dma_wait3A_96, %dma_wait3A_97] : memref<2x128xi32, #tpu.memory_space<vmem>> -> memref<1x128xi32, #tpu.memory_space<vmem>>
        %dma_wait3A_99 = arith.constant 0 : i32
        %dma_wait3A_100 = tpu.memref_slice %arg2[%add3A_95, %dma_wait3A_99] : memref<6250x128xi32, #tpu.memory_space<hbm>> -> memref<1x128xi32, #tpu.memory_space<hbm>>
        %dma_wait3A_101 = tpu.memref_slice %arg9[%dma_wait3A] : memref<2x!tpu.dma_semaphore, #tpu.memory_space<semaphore_mem>> -> memref<1x!tpu.dma_semaphore, #tpu.memory_space<semaphore_mem>>
        %dma_wait3A_102 = tpu.memref_squeeze %dma_wait3A_101 : memref<1x!tpu.dma_semaphore, #tpu.memory_space<semaphore_mem>> -> memref<!tpu.dma_semaphore, #tpu.memory_space<semaphore_mem>>
        %dma_wait3A_103 = arith.constant 0 : i32
        %dma_wait3A_104 = arith.constant 0 : i32
        %dma_wait3A_105 = tpu.memref_slice %arg6[%dma_wait3A_103, %dma_wait3A_104] : memref<2x128xi32, #tpu.memory_space<vmem>> -> memref<1x128xi32, #tpu.memory_space<vmem>>
        %dma_wait3A_106 = arith.constant 0 : i32
        %dma_wait3A_107 = tpu.memref_slice %arg2[%add3A_95, %dma_wait3A_106] : memref<6250x128xi32, #tpu.memory_space<hbm>> -> memref<1x128xi32, #tpu.memory_space<hbm>>
        tpu.wait_dma2 semaphore(%dma_wait3A_102 : memref<!tpu.dma_semaphore, #tpu.memory_space<semaphore_mem>>) src(%dma_wait3A_107 : memref<1x128xi32, #tpu.memory_space<hbm>>) dst(%dma_wait3A_105 : memref<1x128xi32, #tpu.memory_space<vmem>>)
        %mul3A_108 = arith.constant 128 : i32
        %mul3A_109 = arith.muli %add3A_58, %mul3A_108 : i32
        %mul3A_110 = arith.constant 32 : i32
        %mul3A_111 = arith.muli %add3A_0, %mul3A_110 : i32
        %dma_wait3A_112 = arith.constant 0 : i32
        %dma_wait3A_113 = arith.constant 0 : i32
        %dma_wait3A_114 = arith.constant 0 : i32
        %dma_wait3A_115 = arith.constant 0 : i32
        %dma_wait3A_116 = tpu.memref_slice %arg7[%dma_wait3A_112, %dma_wait3A_114, %dma_wait3A_115] : memref<2x128x32xf32, #tpu.memory_space<vmem>> -> memref<1x128x32xf32, #tpu.memory_space<vmem>>
        %dma_wait3A_117 = tpu.memref_squeeze %dma_wait3A_116 : memref<1x128x32xf32, #tpu.memory_space<vmem>> -> memref<128x32xf32, #tpu.memory_space<vmem>>
        %dma_wait3A_118 = tpu.memref_slice %arg3[%mul3A_109, %mul3A_111] : memref<399360x128xf32, #tpu.memory_space<hbm>> -> memref<128x32xf32, #tpu.memory_space<hbm>>
        %dma_wait3A_119 = tpu.memref_slice %arg9[%dma_wait3A_113] : memref<2x!tpu.dma_semaphore, #tpu.memory_space<semaphore_mem>> -> memref<1x!tpu.dma_semaphore, #tpu.memory_space<semaphore_mem>>
        %dma_wait3A_120 = tpu.memref_squeeze %dma_wait3A_119 : memref<1x!tpu.dma_semaphore, #tpu.memory_space<semaphore_mem>> -> memref<!tpu.dma_semaphore, #tpu.memory_space<semaphore_mem>>
        %dma_wait3A_121 = arith.constant 0 : i32
        %dma_wait3A_122 = arith.constant 0 : i32
        %dma_wait3A_123 = tpu.memref_slice %arg7[%dma_wait3A_112, %dma_wait3A_121, %dma_wait3A_122] : memref<2x128x32xf32, #tpu.memory_space<vmem>> -> memref<1x128x32xf32, #tpu.memory_space<vmem>>
        %dma_wait3A_124 = tpu.memref_squeeze %dma_wait3A_123 : memref<1x128x32xf32, #tpu.memory_space<vmem>> -> memref<128x32xf32, #tpu.memory_space<vmem>>
        %dma_wait3A_125 = tpu.memref_slice %arg3[%mul3A_109, %mul3A_111] : memref<399360x128xf32, #tpu.memory_space<hbm>> -> memref<128x32xf32, #tpu.memory_space<hbm>>
        tpu.wait_dma2 semaphore(%dma_wait3A_120 : memref<!tpu.dma_semaphore, #tpu.memory_space<semaphore_mem>>) src(%dma_wait3A_125 : memref<128x32xf32, #tpu.memory_space<hbm>>) dst(%dma_wait3A_124 : memref<128x32xf32, #tpu.memory_space<vmem>>)
        %run_scoped3A = arith.constant 0 : i32
        %run_scoped3A_126 = arith.constant 0 : i32
        "tpu.region"() ({
          %run_scoped3A_127 = tpu.sem_alloc : memref<!tpu.dma_semaphore, #tpu.memory_space<semaphore_mem>>
          %dma_start3A = arith.constant 0 : i32
          %dma_start3A_128 = arith.constant 0 : i32
          %dma_start3A_129 = tpu.memref_slice %arg7[%run_scoped3A, %dma_start3A, %dma_start3A_128] : memref<2x128x32xf32, #tpu.memory_space<vmem>> -> memref<1x128x32xf32, #tpu.memory_space<vmem>>
          %dma_start3A_130 = tpu.memref_squeeze %dma_start3A_129 : memref<1x128x32xf32, #tpu.memory_space<vmem>> -> memref<128x32xf32, #tpu.memory_space<vmem>>
          %dma_start3A_131 = arith.constant 0 : i32
          %dma_start3A_132 = tpu.memref_slice %arg6[%run_scoped3A_126, %dma_start3A_131] : memref<2x128xi32, #tpu.memory_space<vmem>> -> memref<1x128xi32, #tpu.memory_space<vmem>>
          %dma_start3A_133 = tpu.memref_squeeze %dma_start3A_132 : memref<1x128xi32, #tpu.memory_space<vmem>> -> memref<128xi32, #tpu.memory_space<vmem>>
          %dma_start3A_134 = arith.constant 0 : i32
          %dma_start3A_135 = arith.constant 0 : i32
          %dma_start3A_136 = tpu.memref_slice %arg8[%dma_start3A_134, %dma_start3A_135] : memref<50000x32xf32, #tpu.memory_space<vmem_shared>> -> memref<50000x32xf32, #tpu.memory_space<vmem_shared>>
          tpu.enqueue_indirect_dma source(%dma_start3A_130 : memref<128x32xf32, #tpu.memory_space<vmem>>) target(%dma_start3A_136 : memref<50000x32xf32, #tpu.memory_space<vmem_shared>>) offsets(%dma_start3A_133 : memref<128xi32, #tpu.memory_space<vmem>>) semaphore(%run_scoped3A_127 : memref<!tpu.dma_semaphore, #tpu.memory_space<semaphore_mem>>) {add = true}
          %dma_wait3A_137 = arith.constant 0 : i32
          %dma_wait3A_138 = arith.constant 0 : i32
          %dma_wait3A_139 = tpu.memref_slice %arg7[%run_scoped3A, %dma_wait3A_137, %dma_wait3A_138] : memref<2x128x32xf32, #tpu.memory_space<vmem>> -> memref<1x128x32xf32, #tpu.memory_space<vmem>>
          %dma_wait3A_140 = tpu.memref_squeeze %dma_wait3A_139 : memref<1x128x32xf32, #tpu.memory_space<vmem>> -> memref<128x32xf32, #tpu.memory_space<vmem>>
          %dma_wait3A_141 = arith.constant 0 : i32
          %dma_wait3A_142 = tpu.memref_slice %arg6[%run_scoped3A_126, %dma_wait3A_141] : memref<2x128xi32, #tpu.memory_space<vmem>> -> memref<1x128xi32, #tpu.memory_space<vmem>>
          %dma_wait3A_143 = tpu.memref_squeeze %dma_wait3A_142 : memref<1x128xi32, #tpu.memory_space<vmem>> -> memref<128xi32, #tpu.memory_space<vmem>>
          %dma_wait3A_144 = arith.constant 0 : i32
          %dma_wait3A_145 = arith.constant 0 : i32
          %dma_wait3A_146 = tpu.memref_slice %arg8[%dma_wait3A_144, %dma_wait3A_145] : memref<50000x32xf32, #tpu.memory_space<vmem_shared>> -> memref<50000x32xf32, #tpu.memory_space<vmem_shared>>
          tpu.wait_indirect_dma semaphore(%run_scoped3A_127 : memref<!tpu.dma_semaphore, #tpu.memory_space<semaphore_mem>>) src(%dma_wait3A_140 : memref<128x32xf32, #tpu.memory_space<vmem>>) dst(%dma_wait3A_146 : memref<50000x32xf32, #tpu.memory_space<vmem_shared>>)
          tpu.yield
        }) : () -> ()
      } else {
      }
      %add3A_64 = arith.constant 2 : i32
      %add3A_65 = arith.addi %mul3A_55, %add3A_64 : i32
      %mul3A_66 = arith.constant 16 : i32
      %mul3A_67 = arith.muli %add3A_65, %mul3A_66 : i32
      %add3A_68 = arith.addi %arg1, %mul3A_67 : i32
      %lt3A_69 = arith.constant 3120 : i32
      %lt3A_70 = arith.cmpi slt, %add3A_68, %lt3A_69 : i32
      %convert_element_type3A_71 = arith.extui %lt3A_70 : i1 to i32
      %cond3A_72 = arith.constant 0 : i32
      %cond3A_73 = arith.cmpi ne, %convert_element_type3A_71, %cond3A_72 : i32
      scf.if %cond3A_73 {
        %add3A_94 = arith.constant 0 : i32
        %add3A_95 = arith.addi %add3A_94, %add3A_68 : i32
        %dma_start3A = arith.constant 0 : i32
        %dma_start3A_96 = arith.constant 0 : i32
        %dma_start3A_97 = arith.constant 0 : i32
        %dma_start3A_98 = tpu.memref_slice %arg6[%dma_start3A_96, %dma_start3A_97] : memref<2x128xi32, #tpu.memory_space<vmem>> -> memref<1x128xi32, #tpu.memory_space<vmem>>
        %dma_start3A_99 = arith.constant 0 : i32
        %dma_start3A_100 = tpu.memref_slice %arg2[%add3A_95, %dma_start3A_99] : memref<6250x128xi32, #tpu.memory_space<hbm>> -> memref<1x128xi32, #tpu.memory_space<hbm>>
        %dma_start3A_101 = tpu.memref_slice %arg9[%dma_start3A] : memref<2x!tpu.dma_semaphore, #tpu.memory_space<semaphore_mem>> -> memref<1x!tpu.dma_semaphore, #tpu.memory_space<semaphore_mem>>
        %dma_start3A_102 = tpu.memref_squeeze %dma_start3A_101 : memref<1x!tpu.dma_semaphore, #tpu.memory_space<semaphore_mem>> -> memref<!tpu.dma_semaphore, #tpu.memory_space<semaphore_mem>>
        %dma_start3A_103 = arith.constant 0 : i32
        %dma_start3A_104 = arith.constant 0 : i32
        %dma_start3A_105 = tpu.memref_slice %arg6[%dma_start3A_103, %dma_start3A_104] : memref<2x128xi32, #tpu.memory_space<vmem>> -> memref<1x128xi32, #tpu.memory_space<vmem>>
        %dma_start3A_106 = arith.constant 0 : i32
        %dma_start3A_107 = tpu.memref_slice %arg2[%add3A_95, %dma_start3A_106] : memref<6250x128xi32, #tpu.memory_space<hbm>> -> memref<1x128xi32, #tpu.memory_space<hbm>>
        tpu.enqueue_dma source(%dma_start3A_107 : memref<1x128xi32, #tpu.memory_space<hbm>>) target(%dma_start3A_105 : memref<1x128xi32, #tpu.memory_space<vmem>>) target_semaphore(%dma_start3A_102 : memref<!tpu.dma_semaphore, #tpu.memory_space<semaphore_mem>>)
        %mul3A_108 = arith.constant 128 : i32
        %mul3A_109 = arith.muli %add3A_68, %mul3A_108 : i32
        %mul3A_110 = arith.constant 32 : i32
        %mul3A_111 = arith.muli %add3A_0, %mul3A_110 : i32
        %dma_start3A_112 = arith.constant 0 : i32
        %dma_start3A_113 = arith.constant 0 : i32
        %dma_start3A_114 = arith.constant 0 : i32
        %dma_start3A_115 = arith.constant 0 : i32
        %dma_start3A_116 = tpu.memref_slice %arg7[%dma_start3A_112, %dma_start3A_114, %dma_start3A_115] : memref<2x128x32xf32, #tpu.memory_space<vmem>> -> memref<1x128x32xf32, #tpu.memory_space<vmem>>
        %dma_start3A_117 = tpu.memref_squeeze %dma_start3A_116 : memref<1x128x32xf32, #tpu.memory_space<vmem>> -> memref<128x32xf32, #tpu.memory_space<vmem>>
        %dma_start3A_118 = tpu.memref_slice %arg3[%mul3A_109, %mul3A_111] : memref<399360x128xf32, #tpu.memory_space<hbm>> -> memref<128x32xf32, #tpu.memory_space<hbm>>
        %dma_start3A_119 = tpu.memref_slice %arg9[%dma_start3A_113] : memref<2x!tpu.dma_semaphore, #tpu.memory_space<semaphore_mem>> -> memref<1x!tpu.dma_semaphore, #tpu.memory_space<semaphore_mem>>
        %dma_start3A_120 = tpu.memref_squeeze %dma_start3A_119 : memref<1x!tpu.dma_semaphore, #tpu.memory_space<semaphore_mem>> -> memref<!tpu.dma_semaphore, #tpu.memory_space<semaphore_mem>>
        %dma_start3A_121 = arith.constant 0 : i32
        %dma_start3A_122 = arith.constant 0 : i32
        %dma_start3A_123 = tpu.memref_slice %arg7[%dma_start3A_112, %dma_start3A_121, %dma_start3A_122] : memref<2x128x32xf32, #tpu.memory_space<vmem>> -> memref<1x128x32xf32, #tpu.memory_space<vmem>>
        %dma_start3A_124 = tpu.memref_squeeze %dma_start3A_123 : memref<1x128x32xf32, #tpu.memory_space<vmem>> -> memref<128x32xf32, #tpu.memory_space<vmem>>
        %dma_start3A_125 = tpu.memref_slice %arg3[%mul3A_109, %mul3A_111] : memref<399360x128xf32, #tpu.memory_space<hbm>> -> memref<128x32xf32, #tpu.memory_space<hbm>>
        tpu.enqueue_dma source(%dma_start3A_125 : memref<128x32xf32, #tpu.memory_space<hbm>>) target(%dma_start3A_124 : memref<128x32xf32, #tpu.memory_space<vmem>>) target_semaphore(%dma_start3A_120 : memref<!tpu.dma_semaphore, #tpu.memory_space<semaphore_mem>>)
      } else {
      }
      %add3A_74 = arith.constant 1 : i32
      %add3A_75 = arith.addi %mul3A_55, %add3A_74 : i32
      %mul3A_76 = arith.constant 16 : i32
      %mul3A_77 = arith.muli %add3A_75, %mul3A_76 : i32
      %add3A_78 = arith.addi %arg1, %mul3A_77 : i32
      %lt3A_79 = arith.constant 3120 : i32
      %lt3A_80 = arith.cmpi slt, %add3A_78, %lt3A_79 : i32
      %convert_element_type3A_81 = arith.extui %lt3A_80 : i1 to i32
      %cond3A_82 = arith.constant 0 : i32
      %cond3A_83 = arith.cmpi ne, %convert_element_type3A_81, %cond3A_82 : i32
      scf.if %cond3A_83 {
        %add3A_94 = arith.constant 0 : i32
        %add3A_95 = arith.addi %add3A_94, %add3A_78 : i32
        %dma_wait3A = arith.constant 1 : i32
        %dma_wait3A_96 = arith.constant 1 : i32
        %dma_wait3A_97 = arith.constant 0 : i32
        %dma_wait3A_98 = tpu.memref_slice %arg6[%dma_wait3A_96, %dma_wait3A_97] : memref<2x128xi32, #tpu.memory_space<vmem>> -> memref<1x128xi32, #tpu.memory_space<vmem>>
        %dma_wait3A_99 = arith.constant 0 : i32
        %dma_wait3A_100 = tpu.memref_slice %arg2[%add3A_95, %dma_wait3A_99] : memref<6250x128xi32, #tpu.memory_space<hbm>> -> memref<1x128xi32, #tpu.memory_space<hbm>>
        %dma_wait3A_101 = tpu.memref_slice %arg9[%dma_wait3A] : memref<2x!tpu.dma_semaphore, #tpu.memory_space<semaphore_mem>> -> memref<1x!tpu.dma_semaphore, #tpu.memory_space<semaphore_mem>>
        %dma_wait3A_102 = tpu.memref_squeeze %dma_wait3A_101 : memref<1x!tpu.dma_semaphore, #tpu.memory_space<semaphore_mem>> -> memref<!tpu.dma_semaphore, #tpu.memory_space<semaphore_mem>>
        %dma_wait3A_103 = arith.constant 1 : i32
        %dma_wait3A_104 = arith.constant 0 : i32
        %dma_wait3A_105 = tpu.memref_slice %arg6[%dma_wait3A_103, %dma_wait3A_104] : memref<2x128xi32, #tpu.memory_space<vmem>> -> memref<1x128xi32, #tpu.memory_space<vmem>>
        %dma_wait3A_106 = arith.constant 0 : i32
        %dma_wait3A_107 = tpu.memref_slice %arg2[%add3A_95, %dma_wait3A_106] : memref<6250x128xi32, #tpu.memory_space<hbm>> -> memref<1x128xi32, #tpu.memory_space<hbm>>
        tpu.wait_dma2 semaphore(%dma_wait3A_102 : memref<!tpu.dma_semaphore, #tpu.memory_space<semaphore_mem>>) src(%dma_wait3A_107 : memref<1x128xi32, #tpu.memory_space<hbm>>) dst(%dma_wait3A_105 : memref<1x128xi32, #tpu.memory_space<vmem>>)
        %mul3A_108 = arith.constant 128 : i32
        %mul3A_109 = arith.muli %add3A_78, %mul3A_108 : i32
        %mul3A_110 = arith.constant 32 : i32
        %mul3A_111 = arith.muli %add3A_0, %mul3A_110 : i32
        %dma_wait3A_112 = arith.constant 1 : i32
        %dma_wait3A_113 = arith.constant 1 : i32
        %dma_wait3A_114 = arith.constant 0 : i32
        %dma_wait3A_115 = arith.constant 0 : i32
        %dma_wait3A_116 = tpu.memref_slice %arg7[%dma_wait3A_112, %dma_wait3A_114, %dma_wait3A_115] : memref<2x128x32xf32, #tpu.memory_space<vmem>> -> memref<1x128x32xf32, #tpu.memory_space<vmem>>
        %dma_wait3A_117 = tpu.memref_squeeze %dma_wait3A_116 : memref<1x128x32xf32, #tpu.memory_space<vmem>> -> memref<128x32xf32, #tpu.memory_space<vmem>>
        %dma_wait3A_118 = tpu.memref_slice %arg3[%mul3A_109, %mul3A_111] : memref<399360x128xf32, #tpu.memory_space<hbm>> -> memref<128x32xf32, #tpu.memory_space<hbm>>
        %dma_wait3A_119 = tpu.memref_slice %arg9[%dma_wait3A_113] : memref<2x!tpu.dma_semaphore, #tpu.memory_space<semaphore_mem>> -> memref<1x!tpu.dma_semaphore, #tpu.memory_space<semaphore_mem>>
        %dma_wait3A_120 = tpu.memref_squeeze %dma_wait3A_119 : memref<1x!tpu.dma_semaphore, #tpu.memory_space<semaphore_mem>> -> memref<!tpu.dma_semaphore, #tpu.memory_space<semaphore_mem>>
        %dma_wait3A_121 = arith.constant 0 : i32
        %dma_wait3A_122 = arith.constant 0 : i32
        %dma_wait3A_123 = tpu.memref_slice %arg7[%dma_wait3A_112, %dma_wait3A_121, %dma_wait3A_122] : memref<2x128x32xf32, #tpu.memory_space<vmem>> -> memref<1x128x32xf32, #tpu.memory_space<vmem>>
        %dma_wait3A_124 = tpu.memref_squeeze %dma_wait3A_123 : memref<1x128x32xf32, #tpu.memory_space<vmem>> -> memref<128x32xf32, #tpu.memory_space<vmem>>
        %dma_wait3A_125 = tpu.memref_slice %arg3[%mul3A_109, %mul3A_111] : memref<399360x128xf32, #tpu.memory_space<hbm>> -> memref<128x32xf32, #tpu.memory_space<hbm>>
        tpu.wait_dma2 semaphore(%dma_wait3A_120 : memref<!tpu.dma_semaphore, #tpu.memory_space<semaphore_mem>>) src(%dma_wait3A_125 : memref<128x32xf32, #tpu.memory_space<hbm>>) dst(%dma_wait3A_124 : memref<128x32xf32, #tpu.memory_space<vmem>>)
        %run_scoped3A = arith.constant 1 : i32
        %run_scoped3A_126 = arith.constant 1 : i32
        "tpu.region"() ({
          %run_scoped3A_127 = tpu.sem_alloc : memref<!tpu.dma_semaphore, #tpu.memory_space<semaphore_mem>>
          %dma_start3A = arith.constant 0 : i32
          %dma_start3A_128 = arith.constant 0 : i32
          %dma_start3A_129 = tpu.memref_slice %arg7[%run_scoped3A, %dma_start3A, %dma_start3A_128] : memref<2x128x32xf32, #tpu.memory_space<vmem>> -> memref<1x128x32xf32, #tpu.memory_space<vmem>>
          %dma_start3A_130 = tpu.memref_squeeze %dma_start3A_129 : memref<1x128x32xf32, #tpu.memory_space<vmem>> -> memref<128x32xf32, #tpu.memory_space<vmem>>
          %dma_start3A_131 = arith.constant 0 : i32
          %dma_start3A_132 = tpu.memref_slice %arg6[%run_scoped3A_126, %dma_start3A_131] : memref<2x128xi32, #tpu.memory_space<vmem>> -> memref<1x128xi32, #tpu.memory_space<vmem>>
          %dma_start3A_133 = tpu.memref_squeeze %dma_start3A_132 : memref<1x128xi32, #tpu.memory_space<vmem>> -> memref<128xi32, #tpu.memory_space<vmem>>
          %dma_start3A_134 = arith.constant 0 : i32
          %dma_start3A_135 = arith.constant 0 : i32
          %dma_start3A_136 = tpu.memref_slice %arg8[%dma_start3A_134, %dma_start3A_135] : memref<50000x32xf32, #tpu.memory_space<vmem_shared>> -> memref<50000x32xf32, #tpu.memory_space<vmem_shared>>
          tpu.enqueue_indirect_dma source(%dma_start3A_130 : memref<128x32xf32, #tpu.memory_space<vmem>>) target(%dma_start3A_136 : memref<50000x32xf32, #tpu.memory_space<vmem_shared>>) offsets(%dma_start3A_133 : memref<128xi32, #tpu.memory_space<vmem>>) semaphore(%run_scoped3A_127 : memref<!tpu.dma_semaphore, #tpu.memory_space<semaphore_mem>>) {add = true}
          %dma_wait3A_137 = arith.constant 0 : i32
          %dma_wait3A_138 = arith.constant 0 : i32
          %dma_wait3A_139 = tpu.memref_slice %arg7[%run_scoped3A, %dma_wait3A_137, %dma_wait3A_138] : memref<2x128x32xf32, #tpu.memory_space<vmem>> -> memref<1x128x32xf32, #tpu.memory_space<vmem>>
          %dma_wait3A_140 = tpu.memref_squeeze %dma_wait3A_139 : memref<1x128x32xf32, #tpu.memory_space<vmem>> -> memref<128x32xf32, #tpu.memory_space<vmem>>
          %dma_wait3A_141 = arith.constant 0 : i32
          %dma_wait3A_142 = tpu.memref_slice %arg6[%run_scoped3A_126, %dma_wait3A_141] : memref<2x128xi32, #tpu.memory_space<vmem>> -> memref<1x128xi32, #tpu.memory_space<vmem>>
          %dma_wait3A_143 = tpu.memref_squeeze %dma_wait3A_142 : memref<1x128xi32, #tpu.memory_space<vmem>> -> memref<128xi32, #tpu.memory_space<vmem>>
          %dma_wait3A_144 = arith.constant 0 : i32
          %dma_wait3A_145 = arith.constant 0 : i32
          %dma_wait3A_146 = tpu.memref_slice %arg8[%dma_wait3A_144, %dma_wait3A_145] : memref<50000x32xf32, #tpu.memory_space<vmem_shared>> -> memref<50000x32xf32, #tpu.memory_space<vmem_shared>>
          tpu.wait_indirect_dma semaphore(%run_scoped3A_127 : memref<!tpu.dma_semaphore, #tpu.memory_space<semaphore_mem>>) src(%dma_wait3A_140 : memref<128x32xf32, #tpu.memory_space<vmem>>) dst(%dma_wait3A_146 : memref<50000x32xf32, #tpu.memory_space<vmem_shared>>)
          tpu.yield
        }) : () -> ()
      } else {
      }
      %add3A_84 = arith.constant 3 : i32
      %add3A_85 = arith.addi %mul3A_55, %add3A_84 : i32
      %mul3A_86 = arith.constant 16 : i32
      %mul3A_87 = arith.muli %add3A_85, %mul3A_86 : i32
      %add3A_88 = arith.addi %arg1, %mul3A_87 : i32
      %lt3A_89 = arith.constant 3120 : i32
      %lt3A_90 = arith.cmpi slt, %add3A_88, %lt3A_89 : i32
      %convert_element_type3A_91 = arith.extui %lt3A_90 : i1 to i32
      %cond3A_92 = arith.constant 0 : i32
      %cond3A_93 = arith.cmpi ne, %convert_element_type3A_91, %cond3A_92 : i32
      scf.if %cond3A_93 {
        %add3A_94 = arith.constant 0 : i32
        %add3A_95 = arith.addi %add3A_94, %add3A_88 : i32
        %dma_start3A = arith.constant 1 : i32
        %dma_start3A_96 = arith.constant 1 : i32
        %dma_start3A_97 = arith.constant 0 : i32
        %dma_start3A_98 = tpu.memref_slice %arg6[%dma_start3A_96, %dma_start3A_97] : memref<2x128xi32, #tpu.memory_space<vmem>> -> memref<1x128xi32, #tpu.memory_space<vmem>>
        %dma_start3A_99 = arith.constant 0 : i32
        %dma_start3A_100 = tpu.memref_slice %arg2[%add3A_95, %dma_start3A_99] : memref<6250x128xi32, #tpu.memory_space<hbm>> -> memref<1x128xi32, #tpu.memory_space<hbm>>
        %dma_start3A_101 = tpu.memref_slice %arg9[%dma_start3A] : memref<2x!tpu.dma_semaphore, #tpu.memory_space<semaphore_mem>> -> memref<1x!tpu.dma_semaphore, #tpu.memory_space<semaphore_mem>>
        %dma_start3A_102 = tpu.memref_squeeze %dma_start3A_101 : memref<1x!tpu.dma_semaphore, #tpu.memory_space<semaphore_mem>> -> memref<!tpu.dma_semaphore, #tpu.memory_space<semaphore_mem>>
        %dma_start3A_103 = arith.constant 1 : i32
        %dma_start3A_104 = arith.constant 0 : i32
        %dma_start3A_105 = tpu.memref_slice %arg6[%dma_start3A_103, %dma_start3A_104] : memref<2x128xi32, #tpu.memory_space<vmem>> -> memref<1x128xi32, #tpu.memory_space<vmem>>
        %dma_start3A_106 = arith.constant 0 : i32
        %dma_start3A_107 = tpu.memref_slice %arg2[%add3A_95, %dma_start3A_106] : memref<6250x128xi32, #tpu.memory_space<hbm>> -> memref<1x128xi32, #tpu.memory_space<hbm>>
        tpu.enqueue_dma source(%dma_start3A_107 : memref<1x128xi32, #tpu.memory_space<hbm>>) target(%dma_start3A_105 : memref<1x128xi32, #tpu.memory_space<vmem>>) target_semaphore(%dma_start3A_102 : memref<!tpu.dma_semaphore, #tpu.memory_space<semaphore_mem>>)
        %mul3A_108 = arith.constant 128 : i32
        %mul3A_109 = arith.muli %add3A_88, %mul3A_108 : i32
        %mul3A_110 = arith.constant 32 : i32
        %mul3A_111 = arith.muli %add3A_0, %mul3A_110 : i32
        %dma_start3A_112 = arith.constant 1 : i32
        %dma_start3A_113 = arith.constant 1 : i32
        %dma_start3A_114 = arith.constant 0 : i32
        %dma_start3A_115 = arith.constant 0 : i32
        %dma_start3A_116 = tpu.memref_slice %arg7[%dma_start3A_112, %dma_start3A_114, %dma_start3A_115] : memref<2x128x32xf32, #tpu.memory_space<vmem>> -> memref<1x128x32xf32, #tpu.memory_space<vmem>>
        %dma_start3A_117 = tpu.memref_squeeze %dma_start3A_116 : memref<1x128x32xf32, #tpu.memory_space<vmem>> -> memref<128x32xf32, #tpu.memory_space<vmem>>
        %dma_start3A_118 = tpu.memref_slice %arg3[%mul3A_109, %mul3A_111] : memref<399360x128xf32, #tpu.memory_space<hbm>> -> memref<128x32xf32, #tpu.memory_space<hbm>>
        %dma_start3A_119 = tpu.memref_slice %arg9[%dma_start3A_113] : memref<2x!tpu.dma_semaphore, #tpu.memory_space<semaphore_mem>> -> memref<1x!tpu.dma_semaphore, #tpu.memory_space<semaphore_mem>>
        %dma_start3A_120 = tpu.memref_squeeze %dma_start3A_119 : memref<1x!tpu.dma_semaphore, #tpu.memory_space<semaphore_mem>> -> memref<!tpu.dma_semaphore, #tpu.memory_space<semaphore_mem>>
        %dma_start3A_121 = arith.constant 0 : i32
        %dma_start3A_122 = arith.constant 0 : i32
        %dma_start3A_123 = tpu.memref_slice %arg7[%dma_start3A_112, %dma_start3A_121, %dma_start3A_122] : memref<2x128x32xf32, #tpu.memory_space<vmem>> -> memref<1x128x32xf32, #tpu.memory_space<vmem>>
        %dma_start3A_124 = tpu.memref_squeeze %dma_start3A_123 : memref<1x128x32xf32, #tpu.memory_space<vmem>> -> memref<128x32xf32, #tpu.memory_space<vmem>>
        %dma_start3A_125 = tpu.memref_slice %arg3[%mul3A_109, %mul3A_111] : memref<399360x128xf32, #tpu.memory_space<hbm>> -> memref<128x32xf32, #tpu.memory_space<hbm>>
        tpu.enqueue_dma source(%dma_start3A_125 : memref<128x32xf32, #tpu.memory_space<hbm>>) target(%dma_start3A_124 : memref<128x32xf32, #tpu.memory_space<vmem>>) target_semaphore(%dma_start3A_120 : memref<!tpu.dma_semaphore, #tpu.memory_space<semaphore_mem>>)
      } else {
      }
    }
    %scan3A_16 = arith.constant 98 : i32
    %barrier3A_17 = arith.constant 0 : index
    tpu.barrier barrier_id(%barrier3A_17)
    %mul3A_18 = arith.constant 3125 : i32
    %mul3A_19 = arith.muli %arg1, %mul3A_18 : i32
    %mul3A_20 = arith.constant 3125 : i32
    %mul3A_21 = arith.muli %arg1, %mul3A_20 : i32
    "tpu.region"() ({
      %run_scoped3A = tpu.sem_alloc : memref<!tpu.dma_semaphore, #tpu.memory_space<semaphore_mem>>
      %dma_start3A = arith.constant 0 : i32
      %dma_start3A_53 = tpu.memref_slice %arg5[%add3A_0, %mul3A_21, %dma_start3A] : memref<4x50000x32xf32, #tpu.memory_space<hbm>> -> memref<1x3125x32xf32, #tpu.memory_space<hbm>>
      %dma_start3A_54 = tpu.memref_squeeze %dma_start3A_53 : memref<1x3125x32xf32, #tpu.memory_space<hbm>> -> memref<3125x32xf32, #tpu.memory_space<hbm>>
      %dma_start3A_55 = arith.constant 0 : i32
      %dma_start3A_56 = tpu.memref_slice %arg8[%mul3A_19, %dma_start3A_55] : memref<50000x32xf32, #tpu.memory_space<vmem_shared>> -> memref<3125x32xf32, #tpu.memory_space<vmem_shared>>
      tpu.enqueue_dma source(%dma_start3A_56 : memref<3125x32xf32, #tpu.memory_space<vmem_shared>>) target(%dma_start3A_54 : memref<3125x32xf32, #tpu.memory_space<hbm>>) target_semaphore(%run_scoped3A : memref<!tpu.dma_semaphore, #tpu.memory_space<semaphore_mem>>)
      %dma_wait3A = arith.constant 0 : i32
      %dma_wait3A_57 = tpu.memref_slice %arg5[%add3A_0, %mul3A_21, %dma_wait3A] : memref<4x50000x32xf32, #tpu.memory_space<hbm>> -> memref<1x3125x32xf32, #tpu.memory_space<hbm>>
      %dma_wait3A_58 = tpu.memref_squeeze %dma_wait3A_57 : memref<1x3125x32xf32, #tpu.memory_space<hbm>> -> memref<3125x32xf32, #tpu.memory_space<hbm>>
      %dma_wait3A_59 = arith.constant 0 : i32
      %dma_wait3A_60 = tpu.memref_slice %arg8[%mul3A_19, %dma_wait3A_59] : memref<50000x32xf32, #tpu.memory_space<vmem_shared>> -> memref<3125x32xf32, #tpu.memory_space<vmem_shared>>
      tpu.wait_dma2 semaphore(%run_scoped3A : memref<!tpu.dma_semaphore, #tpu.memory_space<semaphore_mem>>) src(%dma_wait3A_60 : memref<3125x32xf32, #tpu.memory_space<vmem_shared>>) dst(%dma_wait3A_58 : memref<3125x32xf32, #tpu.memory_space<hbm>>)
      tpu.yield
    }) : () -> ()
    %barrier3A_22 = arith.constant 0 : index
    tpu.barrier barrier_id(%barrier3A_22)
    %add3A_23 = arith.constant 2 : i32
    %add3A_24 = arith.addi %arg0, %add3A_23 : i32
    %mul3A_25 = arith.constant 3125 : i32
    %mul3A_26 = arith.muli %arg1, %mul3A_25 : i32
    "tpu.region"() ({
      %run_scoped3A = tpu.sem_alloc : memref<!tpu.dma_semaphore, #tpu.memory_space<semaphore_mem>>
      %dma_start3A = arith.constant 0 : i32
      %dma_start3A_53 = tpu.memref_slice %arg8[%mul3A_26, %dma_start3A] : memref<50000x32xf32, #tpu.memory_space<vmem_shared>> -> memref<3125x32xf32, #tpu.memory_space<vmem_shared>>
      tpu.enqueue_dma source(%arg4 : memref<3125x32xf32, #tpu.memory_space<hbm>>) target(%dma_start3A_53 : memref<3125x32xf32, #tpu.memory_space<vmem_shared>>) target_semaphore(%run_scoped3A : memref<!tpu.dma_semaphore, #tpu.memory_space<semaphore_mem>>)
      %dma_wait3A = arith.constant 0 : i32
      %dma_wait3A_54 = tpu.memref_slice %arg8[%mul3A_26, %dma_wait3A] : memref<50000x32xf32, #tpu.memory_space<vmem_shared>> -> memref<3125x32xf32, #tpu.memory_space<vmem_shared>>
      tpu.wait_dma2 semaphore(%run_scoped3A : memref<!tpu.dma_semaphore, #tpu.memory_space<semaphore_mem>>) src(%arg4 : memref<3125x32xf32, #tpu.memory_space<hbm>>) dst(%dma_wait3A_54 : memref<3125x32xf32, #tpu.memory_space<vmem_shared>>)
      tpu.yield
    }) : () -> ()
    %barrier3A_27 = arith.constant 0 : index
    tpu.barrier barrier_id(%barrier3A_27)
    %add3A_28 = arith.constant 0 : i32
    %add3A_29 = arith.addi %arg1, %add3A_28 : i32
    %lt3A_30 = arith.constant 3120 : i32
    %lt3A_31 = arith.cmpi slt, %add3A_29, %lt3A_30 : i32
    %convert_element_type3A_32 = arith.extui %lt3A_31 : i1 to i32
    %cond3A_33 = arith.constant 0 : i32
    %cond3A_34 = arith.cmpi ne, %convert_element_type3A_32, %cond3A_33 : i32
    scf.if %cond3A_34 {
      %add3A_53 = arith.constant 0 : i32
      %add3A_54 = arith.addi %add3A_53, %add3A_29 : i32
      %dma_start3A = arith.constant 0 : i32
      %dma_start3A_55 = arith.constant 0 : i32
      %dma_start3A_56 = arith.constant 0 : i32
      %dma_start3A_57 = tpu.memref_slice %arg6[%dma_start3A_55, %dma_start3A_56] : memref<2x128xi32, #tpu.memory_space<vmem>> -> memref<1x128xi32, #tpu.memory_space<vmem>>
      %dma_start3A_58 = arith.constant 0 : i32
      %dma_start3A_59 = tpu.memref_slice %arg2[%add3A_54, %dma_start3A_58] : memref<6250x128xi32, #tpu.memory_space<hbm>> -> memref<1x128xi32, #tpu.memory_space<hbm>>
      %dma_start3A_60 = tpu.memref_slice %arg9[%dma_start3A] : memref<2x!tpu.dma_semaphore, #tpu.memory_space<semaphore_mem>> -> memref<1x!tpu.dma_semaphore, #tpu.memory_space<semaphore_mem>>
      %dma_start3A_61 = tpu.memref_squeeze %dma_start3A_60 : memref<1x!tpu.dma_semaphore, #tpu.memory_space<semaphore_mem>> -> memref<!tpu.dma_semaphore, #tpu.memory_space<semaphore_mem>>
      %dma_start3A_62 = arith.constant 0 : i32
      %dma_start3A_63 = arith.constant 0 : i32
      %dma_start3A_64 = tpu.memref_slice %arg6[%dma_start3A_62, %dma_start3A_63] : memref<2x128xi32, #tpu.memory_space<vmem>> -> memref<1x128xi32, #tpu.memory_space<vmem>>
      %dma_start3A_65 = arith.constant 0 : i32
      %dma_start3A_66 = tpu.memref_slice %arg2[%add3A_54, %dma_start3A_65] : memref<6250x128xi32, #tpu.memory_space<hbm>> -> memref<1x128xi32, #tpu.memory_space<hbm>>
      tpu.enqueue_dma source(%dma_start3A_66 : memref<1x128xi32, #tpu.memory_space<hbm>>) target(%dma_start3A_64 : memref<1x128xi32, #tpu.memory_space<vmem>>) target_semaphore(%dma_start3A_61 : memref<!tpu.dma_semaphore, #tpu.memory_space<semaphore_mem>>)
      %mul3A_67 = arith.constant 128 : i32
      %mul3A_68 = arith.muli %add3A_29, %mul3A_67 : i32
      %mul3A_69 = arith.constant 32 : i32
      %mul3A_70 = arith.muli %add3A_24, %mul3A_69 : i32
      %dma_start3A_71 = arith.constant 0 : i32
      %dma_start3A_72 = arith.constant 0 : i32
      %dma_start3A_73 = arith.constant 0 : i32
      %dma_start3A_74 = arith.constant 0 : i32
      %dma_start3A_75 = tpu.memref_slice %arg7[%dma_start3A_71, %dma_start3A_73, %dma_start3A_74] : memref<2x128x32xf32, #tpu.memory_space<vmem>> -> memref<1x128x32xf32, #tpu.memory_space<vmem>>
      %dma_start3A_76 = tpu.memref_squeeze %dma_start3A_75 : memref<1x128x32xf32, #tpu.memory_space<vmem>> -> memref<128x32xf32, #tpu.memory_space<vmem>>
      %dma_start3A_77 = tpu.memref_slice %arg3[%mul3A_68, %mul3A_70] : memref<399360x128xf32, #tpu.memory_space<hbm>> -> memref<128x32xf32, #tpu.memory_space<hbm>>
      %dma_start3A_78 = tpu.memref_slice %arg9[%dma_start3A_72] : memref<2x!tpu.dma_semaphore, #tpu.memory_space<semaphore_mem>> -> memref<1x!tpu.dma_semaphore, #tpu.memory_space<semaphore_mem>>
      %dma_start3A_79 = tpu.memref_squeeze %dma_start3A_78 : memref<1x!tpu.dma_semaphore, #tpu.memory_space<semaphore_mem>> -> memref<!tpu.dma_semaphore, #tpu.memory_space<semaphore_mem>>
      %dma_start3A_80 = arith.constant 0 : i32
      %dma_start3A_81 = arith.constant 0 : i32
      %dma_start3A_82 = tpu.memref_slice %arg7[%dma_start3A_71, %dma_start3A_80, %dma_start3A_81] : memref<2x128x32xf32, #tpu.memory_space<vmem>> -> memref<1x128x32xf32, #tpu.memory_space<vmem>>
      %dma_start3A_83 = tpu.memref_squeeze %dma_start3A_82 : memref<1x128x32xf32, #tpu.memory_space<vmem>> -> memref<128x32xf32, #tpu.memory_space<vmem>>
      %dma_start3A_84 = tpu.memref_slice %arg3[%mul3A_68, %mul3A_70] : memref<399360x128xf32, #tpu.memory_space<hbm>> -> memref<128x32xf32, #tpu.memory_space<hbm>>
      tpu.enqueue_dma source(%dma_start3A_84 : memref<128x32xf32, #tpu.memory_space<hbm>>) target(%dma_start3A_83 : memref<128x32xf32, #tpu.memory_space<vmem>>) target_semaphore(%dma_start3A_79 : memref<!tpu.dma_semaphore, #tpu.memory_space<semaphore_mem>>)
    } else {
    }
    %add3A_35 = arith.constant 16 : i32
    %add3A_36 = arith.addi %arg1, %add3A_35 : i32
    %lt3A_37 = arith.constant 3120 : i32
    %lt3A_38 = arith.cmpi slt, %add3A_36, %lt3A_37 : i32
    %convert_element_type3A_39 = arith.extui %lt3A_38 : i1 to i32
    %cond3A_40 = arith.constant 0 : i32
    %cond3A_41 = arith.cmpi ne, %convert_element_type3A_39, %cond3A_40 : i32
    scf.if %cond3A_41 {
      %add3A_53 = arith.constant 0 : i32
      %add3A_54 = arith.addi %add3A_53, %add3A_36 : i32
      %dma_start3A = arith.constant 1 : i32
      %dma_start3A_55 = arith.constant 1 : i32
      %dma_start3A_56 = arith.constant 0 : i32
      %dma_start3A_57 = tpu.memref_slice %arg6[%dma_start3A_55, %dma_start3A_56] : memref<2x128xi32, #tpu.memory_space<vmem>> -> memref<1x128xi32, #tpu.memory_space<vmem>>
      %dma_start3A_58 = arith.constant 0 : i32
      %dma_start3A_59 = tpu.memref_slice %arg2[%add3A_54, %dma_start3A_58] : memref<6250x128xi32, #tpu.memory_space<hbm>> -> memref<1x128xi32, #tpu.memory_space<hbm>>
      %dma_start3A_60 = tpu.memref_slice %arg9[%dma_start3A] : memref<2x!tpu.dma_semaphore, #tpu.memory_space<semaphore_mem>> -> memref<1x!tpu.dma_semaphore, #tpu.memory_space<semaphore_mem>>
      %dma_start3A_61 = tpu.memref_squeeze %dma_start3A_60 : memref<1x!tpu.dma_semaphore, #tpu.memory_space<semaphore_mem>> -> memref<!tpu.dma_semaphore, #tpu.memory_space<semaphore_mem>>
      %dma_start3A_62 = arith.constant 1 : i32
      %dma_start3A_63 = arith.constant 0 : i32
      %dma_start3A_64 = tpu.memref_slice %arg6[%dma_start3A_62, %dma_start3A_63] : memref<2x128xi32, #tpu.memory_space<vmem>> -> memref<1x128xi32, #tpu.memory_space<vmem>>
      %dma_start3A_65 = arith.constant 0 : i32
      %dma_start3A_66 = tpu.memref_slice %arg2[%add3A_54, %dma_start3A_65] : memref<6250x128xi32, #tpu.memory_space<hbm>> -> memref<1x128xi32, #tpu.memory_space<hbm>>
      tpu.enqueue_dma source(%dma_start3A_66 : memref<1x128xi32, #tpu.memory_space<hbm>>) target(%dma_start3A_64 : memref<1x128xi32, #tpu.memory_space<vmem>>) target_semaphore(%dma_start3A_61 : memref<!tpu.dma_semaphore, #tpu.memory_space<semaphore_mem>>)
      %mul3A_67 = arith.constant 128 : i32
      %mul3A_68 = arith.muli %add3A_36, %mul3A_67 : i32
      %mul3A_69 = arith.constant 32 : i32
      %mul3A_70 = arith.muli %add3A_24, %mul3A_69 : i32
      %dma_start3A_71 = arith.constant 1 : i32
      %dma_start3A_72 = arith.constant 1 : i32
      %dma_start3A_73 = arith.constant 0 : i32
      %dma_start3A_74 = arith.constant 0 : i32
      %dma_start3A_75 = tpu.memref_slice %arg7[%dma_start3A_71, %dma_start3A_73, %dma_start3A_74] : memref<2x128x32xf32, #tpu.memory_space<vmem>> -> memref<1x128x32xf32, #tpu.memory_space<vmem>>
      %dma_start3A_76 = tpu.memref_squeeze %dma_start3A_75 : memref<1x128x32xf32, #tpu.memory_space<vmem>> -> memref<128x32xf32, #tpu.memory_space<vmem>>
      %dma_start3A_77 = tpu.memref_slice %arg3[%mul3A_68, %mul3A_70] : memref<399360x128xf32, #tpu.memory_space<hbm>> -> memref<128x32xf32, #tpu.memory_space<hbm>>
      %dma_start3A_78 = tpu.memref_slice %arg9[%dma_start3A_72] : memref<2x!tpu.dma_semaphore, #tpu.memory_space<semaphore_mem>> -> memref<1x!tpu.dma_semaphore, #tpu.memory_space<semaphore_mem>>
      %dma_start3A_79 = tpu.memref_squeeze %dma_start3A_78 : memref<1x!tpu.dma_semaphore, #tpu.memory_space<semaphore_mem>> -> memref<!tpu.dma_semaphore, #tpu.memory_space<semaphore_mem>>
      %dma_start3A_80 = arith.constant 0 : i32
      %dma_start3A_81 = arith.constant 0 : i32
      %dma_start3A_82 = tpu.memref_slice %arg7[%dma_start3A_71, %dma_start3A_80, %dma_start3A_81] : memref<2x128x32xf32, #tpu.memory_space<vmem>> -> memref<1x128x32xf32, #tpu.memory_space<vmem>>
      %dma_start3A_83 = tpu.memref_squeeze %dma_start3A_82 : memref<1x128x32xf32, #tpu.memory_space<vmem>> -> memref<128x32xf32, #tpu.memory_space<vmem>>
      %dma_start3A_84 = tpu.memref_slice %arg3[%mul3A_68, %mul3A_70] : memref<399360x128xf32, #tpu.memory_space<hbm>> -> memref<128x32xf32, #tpu.memory_space<hbm>>
      tpu.enqueue_dma source(%dma_start3A_84 : memref<128x32xf32, #tpu.memory_space<hbm>>) target(%dma_start3A_83 : memref<128x32xf32, #tpu.memory_space<vmem>>) target_semaphore(%dma_start3A_79 : memref<!tpu.dma_semaphore, #tpu.memory_space<semaphore_mem>>)
    } else {
    }
    %scan3A_42 = arith.constant 0 : i32
    %scan3A_43 = arith.constant 98 : i32
    %scan3A_44 = arith.addi %scan3A_42, %scan3A_43 : i32
    %scan3A_45 = arith.constant 1 : i32
    scf.for %scan3A_53 = %scan3A_42 to %scan3A_44 step %scan3A_45  : i32 {
      %mul3A_54 = arith.constant 2 : i32
      %mul3A_55 = arith.muli %scan3A_53, %mul3A_54 : i32
      %mul3A_56 = arith.constant 16 : i32
      %mul3A_57 = arith.muli %mul3A_55, %mul3A_56 : i32
      %add3A_58 = arith.addi %arg1, %mul3A_57 : i32
      %lt3A_59 = arith.constant 3120 : i32
      %lt3A_60 = arith.cmpi slt, %add3A_58, %lt3A_59 : i32
      %convert_element_type3A_61 = arith.extui %lt3A_60 : i1 to i32
      %cond3A_62 = arith.constant 0 : i32
      %cond3A_63 = arith.cmpi ne, %convert_element_type3A_61, %cond3A_62 : i32
      scf.if %cond3A_63 {
        %add3A_94 = arith.constant 0 : i32
        %add3A_95 = arith.addi %add3A_94, %add3A_58 : i32
        %dma_wait3A = arith.constant 0 : i32
        %dma_wait3A_96 = arith.constant 0 : i32
        %dma_wait3A_97 = arith.constant 0 : i32
        %dma_wait3A_98 = tpu.memref_slice %arg6[%dma_wait3A_96, %dma_wait3A_97] : memref<2x128xi32, #tpu.memory_space<vmem>> -> memref<1x128xi32, #tpu.memory_space<vmem>>
        %dma_wait3A_99 = arith.constant 0 : i32
        %dma_wait3A_100 = tpu.memref_slice %arg2[%add3A_95, %dma_wait3A_99] : memref<6250x128xi32, #tpu.memory_space<hbm>> -> memref<1x128xi32, #tpu.memory_space<hbm>>
        %dma_wait3A_101 = tpu.memref_slice %arg9[%dma_wait3A] : memref<2x!tpu.dma_semaphore, #tpu.memory_space<semaphore_mem>> -> memref<1x!tpu.dma_semaphore, #tpu.memory_space<semaphore_mem>>
        %dma_wait3A_102 = tpu.memref_squeeze %dma_wait3A_101 : memref<1x!tpu.dma_semaphore, #tpu.memory_space<semaphore_mem>> -> memref<!tpu.dma_semaphore, #tpu.memory_space<semaphore_mem>>
        %dma_wait3A_103 = arith.constant 0 : i32
        %dma_wait3A_104 = arith.constant 0 : i32
        %dma_wait3A_105 = tpu.memref_slice %arg6[%dma_wait3A_103, %dma_wait3A_104] : memref<2x128xi32, #tpu.memory_space<vmem>> -> memref<1x128xi32, #tpu.memory_space<vmem>>
        %dma_wait3A_106 = arith.constant 0 : i32
        %dma_wait3A_107 = tpu.memref_slice %arg2[%add3A_95, %dma_wait3A_106] : memref<6250x128xi32, #tpu.memory_space<hbm>> -> memref<1x128xi32, #tpu.memory_space<hbm>>
        tpu.wait_dma2 semaphore(%dma_wait3A_102 : memref<!tpu.dma_semaphore, #tpu.memory_space<semaphore_mem>>) src(%dma_wait3A_107 : memref<1x128xi32, #tpu.memory_space<hbm>>) dst(%dma_wait3A_105 : memref<1x128xi32, #tpu.memory_space<vmem>>)
        %mul3A_108 = arith.constant 128 : i32
        %mul3A_109 = arith.muli %add3A_58, %mul3A_108 : i32
        %mul3A_110 = arith.constant 32 : i32
        %mul3A_111 = arith.muli %add3A_24, %mul3A_110 : i32
        %dma_wait3A_112 = arith.constant 0 : i32
        %dma_wait3A_113 = arith.constant 0 : i32
        %dma_wait3A_114 = arith.constant 0 : i32
        %dma_wait3A_115 = arith.constant 0 : i32
        %dma_wait3A_116 = tpu.memref_slice %arg7[%dma_wait3A_112, %dma_wait3A_114, %dma_wait3A_115] : memref<2x128x32xf32, #tpu.memory_space<vmem>> -> memref<1x128x32xf32, #tpu.memory_space<vmem>>
        %dma_wait3A_117 = tpu.memref_squeeze %dma_wait3A_116 : memref<1x128x32xf32, #tpu.memory_space<vmem>> -> memref<128x32xf32, #tpu.memory_space<vmem>>
        %dma_wait3A_118 = tpu.memref_slice %arg3[%mul3A_109, %mul3A_111] : memref<399360x128xf32, #tpu.memory_space<hbm>> -> memref<128x32xf32, #tpu.memory_space<hbm>>
        %dma_wait3A_119 = tpu.memref_slice %arg9[%dma_wait3A_113] : memref<2x!tpu.dma_semaphore, #tpu.memory_space<semaphore_mem>> -> memref<1x!tpu.dma_semaphore, #tpu.memory_space<semaphore_mem>>
        %dma_wait3A_120 = tpu.memref_squeeze %dma_wait3A_119 : memref<1x!tpu.dma_semaphore, #tpu.memory_space<semaphore_mem>> -> memref<!tpu.dma_semaphore, #tpu.memory_space<semaphore_mem>>
        %dma_wait3A_121 = arith.constant 0 : i32
        %dma_wait3A_122 = arith.constant 0 : i32
        %dma_wait3A_123 = tpu.memref_slice %arg7[%dma_wait3A_112, %dma_wait3A_121, %dma_wait3A_122] : memref<2x128x32xf32, #tpu.memory_space<vmem>> -> memref<1x128x32xf32, #tpu.memory_space<vmem>>
        %dma_wait3A_124 = tpu.memref_squeeze %dma_wait3A_123 : memref<1x128x32xf32, #tpu.memory_space<vmem>> -> memref<128x32xf32, #tpu.memory_space<vmem>>
        %dma_wait3A_125 = tpu.memref_slice %arg3[%mul3A_109, %mul3A_111] : memref<399360x128xf32, #tpu.memory_space<hbm>> -> memref<128x32xf32, #tpu.memory_space<hbm>>
        tpu.wait_dma2 semaphore(%dma_wait3A_120 : memref<!tpu.dma_semaphore, #tpu.memory_space<semaphore_mem>>) src(%dma_wait3A_125 : memref<128x32xf32, #tpu.memory_space<hbm>>) dst(%dma_wait3A_124 : memref<128x32xf32, #tpu.memory_space<vmem>>)
        %run_scoped3A = arith.constant 0 : i32
        %run_scoped3A_126 = arith.constant 0 : i32
        "tpu.region"() ({
          %run_scoped3A_127 = tpu.sem_alloc : memref<!tpu.dma_semaphore, #tpu.memory_space<semaphore_mem>>
          %dma_start3A = arith.constant 0 : i32
          %dma_start3A_128 = arith.constant 0 : i32
          %dma_start3A_129 = tpu.memref_slice %arg7[%run_scoped3A, %dma_start3A, %dma_start3A_128] : memref<2x128x32xf32, #tpu.memory_space<vmem>> -> memref<1x128x32xf32, #tpu.memory_space<vmem>>
          %dma_start3A_130 = tpu.memref_squeeze %dma_start3A_129 : memref<1x128x32xf32, #tpu.memory_space<vmem>> -> memref<128x32xf32, #tpu.memory_space<vmem>>
          %dma_start3A_131 = arith.constant 0 : i32
          %dma_start3A_132 = tpu.memref_slice %arg6[%run_scoped3A_126, %dma_start3A_131] : memref<2x128xi32, #tpu.memory_space<vmem>> -> memref<1x128xi32, #tpu.memory_space<vmem>>
          %dma_start3A_133 = tpu.memref_squeeze %dma_start3A_132 : memref<1x128xi32, #tpu.memory_space<vmem>> -> memref<128xi32, #tpu.memory_space<vmem>>
          %dma_start3A_134 = arith.constant 0 : i32
          %dma_start3A_135 = arith.constant 0 : i32
          %dma_start3A_136 = tpu.memref_slice %arg8[%dma_start3A_134, %dma_start3A_135] : memref<50000x32xf32, #tpu.memory_space<vmem_shared>> -> memref<50000x32xf32, #tpu.memory_space<vmem_shared>>
          tpu.enqueue_indirect_dma source(%dma_start3A_130 : memref<128x32xf32, #tpu.memory_space<vmem>>) target(%dma_start3A_136 : memref<50000x32xf32, #tpu.memory_space<vmem_shared>>) offsets(%dma_start3A_133 : memref<128xi32, #tpu.memory_space<vmem>>) semaphore(%run_scoped3A_127 : memref<!tpu.dma_semaphore, #tpu.memory_space<semaphore_mem>>) {add = true}
          %dma_wait3A_137 = arith.constant 0 : i32
          %dma_wait3A_138 = arith.constant 0 : i32
          %dma_wait3A_139 = tpu.memref_slice %arg7[%run_scoped3A, %dma_wait3A_137, %dma_wait3A_138] : memref<2x128x32xf32, #tpu.memory_space<vmem>> -> memref<1x128x32xf32, #tpu.memory_space<vmem>>
          %dma_wait3A_140 = tpu.memref_squeeze %dma_wait3A_139 : memref<1x128x32xf32, #tpu.memory_space<vmem>> -> memref<128x32xf32, #tpu.memory_space<vmem>>
          %dma_wait3A_141 = arith.constant 0 : i32
          %dma_wait3A_142 = tpu.memref_slice %arg6[%run_scoped3A_126, %dma_wait3A_141] : memref<2x128xi32, #tpu.memory_space<vmem>> -> memref<1x128xi32, #tpu.memory_space<vmem>>
          %dma_wait3A_143 = tpu.memref_squeeze %dma_wait3A_142 : memref<1x128xi32, #tpu.memory_space<vmem>> -> memref<128xi32, #tpu.memory_space<vmem>>
          %dma_wait3A_144 = arith.constant 0 : i32
          %dma_wait3A_145 = arith.constant 0 : i32
          %dma_wait3A_146 = tpu.memref_slice %arg8[%dma_wait3A_144, %dma_wait3A_145] : memref<50000x32xf32, #tpu.memory_space<vmem_shared>> -> memref<50000x32xf32, #tpu.memory_space<vmem_shared>>
          tpu.wait_indirect_dma semaphore(%run_scoped3A_127 : memref<!tpu.dma_semaphore, #tpu.memory_space<semaphore_mem>>) src(%dma_wait3A_140 : memref<128x32xf32, #tpu.memory_space<vmem>>) dst(%dma_wait3A_146 : memref<50000x32xf32, #tpu.memory_space<vmem_shared>>)
          tpu.yield
        }) : () -> ()
      } else {
      }
      %add3A_64 = arith.constant 2 : i32
      %add3A_65 = arith.addi %mul3A_55, %add3A_64 : i32
      %mul3A_66 = arith.constant 16 : i32
      %mul3A_67 = arith.muli %add3A_65, %mul3A_66 : i32
      %add3A_68 = arith.addi %arg1, %mul3A_67 : i32
      %lt3A_69 = arith.constant 3120 : i32
      %lt3A_70 = arith.cmpi slt, %add3A_68, %lt3A_69 : i32
      %convert_element_type3A_71 = arith.extui %lt3A_70 : i1 to i32
      %cond3A_72 = arith.constant 0 : i32
      %cond3A_73 = arith.cmpi ne, %convert_element_type3A_71, %cond3A_72 : i32
      scf.if %cond3A_73 {
        %add3A_94 = arith.constant 0 : i32
        %add3A_95 = arith.addi %add3A_94, %add3A_68 : i32
        %dma_start3A = arith.constant 0 : i32
        %dma_start3A_96 = arith.constant 0 : i32
        %dma_start3A_97 = arith.constant 0 : i32
        %dma_start3A_98 = tpu.memref_slice %arg6[%dma_start3A_96, %dma_start3A_97] : memref<2x128xi32, #tpu.memory_space<vmem>> -> memref<1x128xi32, #tpu.memory_space<vmem>>
        %dma_start3A_99 = arith.constant 0 : i32
        %dma_start3A_100 = tpu.memref_slice %arg2[%add3A_95, %dma_start3A_99] : memref<6250x128xi32, #tpu.memory_space<hbm>> -> memref<1x128xi32, #tpu.memory_space<hbm>>
        %dma_start3A_101 = tpu.memref_slice %arg9[%dma_start3A] : memref<2x!tpu.dma_semaphore, #tpu.memory_space<semaphore_mem>> -> memref<1x!tpu.dma_semaphore, #tpu.memory_space<semaphore_mem>>
        %dma_start3A_102 = tpu.memref_squeeze %dma_start3A_101 : memref<1x!tpu.dma_semaphore, #tpu.memory_space<semaphore_mem>> -> memref<!tpu.dma_semaphore, #tpu.memory_space<semaphore_mem>>
        %dma_start3A_103 = arith.constant 0 : i32
        %dma_start3A_104 = arith.constant 0 : i32
        %dma_start3A_105 = tpu.memref_slice %arg6[%dma_start3A_103, %dma_start3A_104] : memref<2x128xi32, #tpu.memory_space<vmem>> -> memref<1x128xi32, #tpu.memory_space<vmem>>
        %dma_start3A_106 = arith.constant 0 : i32
        %dma_start3A_107 = tpu.memref_slice %arg2[%add3A_95, %dma_start3A_106] : memref<6250x128xi32, #tpu.memory_space<hbm>> -> memref<1x128xi32, #tpu.memory_space<hbm>>
        tpu.enqueue_dma source(%dma_start3A_107 : memref<1x128xi32, #tpu.memory_space<hbm>>) target(%dma_start3A_105 : memref<1x128xi32, #tpu.memory_space<vmem>>) target_semaphore(%dma_start3A_102 : memref<!tpu.dma_semaphore, #tpu.memory_space<semaphore_mem>>)
        %mul3A_108 = arith.constant 128 : i32
        %mul3A_109 = arith.muli %add3A_68, %mul3A_108 : i32
        %mul3A_110 = arith.constant 32 : i32
        %mul3A_111 = arith.muli %add3A_24, %mul3A_110 : i32
        %dma_start3A_112 = arith.constant 0 : i32
        %dma_start3A_113 = arith.constant 0 : i32
        %dma_start3A_114 = arith.constant 0 : i32
        %dma_start3A_115 = arith.constant 0 : i32
        %dma_start3A_116 = tpu.memref_slice %arg7[%dma_start3A_112, %dma_start3A_114, %dma_start3A_115] : memref<2x128x32xf32, #tpu.memory_space<vmem>> -> memref<1x128x32xf32, #tpu.memory_space<vmem>>
        %dma_start3A_117 = tpu.memref_squeeze %dma_start3A_116 : memref<1x128x32xf32, #tpu.memory_space<vmem>> -> memref<128x32xf32, #tpu.memory_space<vmem>>
        %dma_start3A_118 = tpu.memref_slice %arg3[%mul3A_109, %mul3A_111] : memref<399360x128xf32, #tpu.memory_space<hbm>> -> memref<128x32xf32, #tpu.memory_space<hbm>>
        %dma_start3A_119 = tpu.memref_slice %arg9[%dma_start3A_113] : memref<2x!tpu.dma_semaphore, #tpu.memory_space<semaphore_mem>> -> memref<1x!tpu.dma_semaphore, #tpu.memory_space<semaphore_mem>>
        %dma_start3A_120 = tpu.memref_squeeze %dma_start3A_119 : memref<1x!tpu.dma_semaphore, #tpu.memory_space<semaphore_mem>> -> memref<!tpu.dma_semaphore, #tpu.memory_space<semaphore_mem>>
        %dma_start3A_121 = arith.constant 0 : i32
        %dma_start3A_122 = arith.constant 0 : i32
        %dma_start3A_123 = tpu.memref_slice %arg7[%dma_start3A_112, %dma_start3A_121, %dma_start3A_122] : memref<2x128x32xf32, #tpu.memory_space<vmem>> -> memref<1x128x32xf32, #tpu.memory_space<vmem>>
        %dma_start3A_124 = tpu.memref_squeeze %dma_start3A_123 : memref<1x128x32xf32, #tpu.memory_space<vmem>> -> memref<128x32xf32, #tpu.memory_space<vmem>>
        %dma_start3A_125 = tpu.memref_slice %arg3[%mul3A_109, %mul3A_111] : memref<399360x128xf32, #tpu.memory_space<hbm>> -> memref<128x32xf32, #tpu.memory_space<hbm>>
        tpu.enqueue_dma source(%dma_start3A_125 : memref<128x32xf32, #tpu.memory_space<hbm>>) target(%dma_start3A_124 : memref<128x32xf32, #tpu.memory_space<vmem>>) target_semaphore(%dma_start3A_120 : memref<!tpu.dma_semaphore, #tpu.memory_space<semaphore_mem>>)
      } else {
      }
      %add3A_74 = arith.constant 1 : i32
      %add3A_75 = arith.addi %mul3A_55, %add3A_74 : i32
      %mul3A_76 = arith.constant 16 : i32
      %mul3A_77 = arith.muli %add3A_75, %mul3A_76 : i32
      %add3A_78 = arith.addi %arg1, %mul3A_77 : i32
      %lt3A_79 = arith.constant 3120 : i32
      %lt3A_80 = arith.cmpi slt, %add3A_78, %lt3A_79 : i32
      %convert_element_type3A_81 = arith.extui %lt3A_80 : i1 to i32
      %cond3A_82 = arith.constant 0 : i32
      %cond3A_83 = arith.cmpi ne, %convert_element_type3A_81, %cond3A_82 : i32
      scf.if %cond3A_83 {
        %add3A_94 = arith.constant 0 : i32
        %add3A_95 = arith.addi %add3A_94, %add3A_78 : i32
        %dma_wait3A = arith.constant 1 : i32
        %dma_wait3A_96 = arith.constant 1 : i32
        %dma_wait3A_97 = arith.constant 0 : i32
        %dma_wait3A_98 = tpu.memref_slice %arg6[%dma_wait3A_96, %dma_wait3A_97] : memref<2x128xi32, #tpu.memory_space<vmem>> -> memref<1x128xi32, #tpu.memory_space<vmem>>
        %dma_wait3A_99 = arith.constant 0 : i32
        %dma_wait3A_100 = tpu.memref_slice %arg2[%add3A_95, %dma_wait3A_99] : memref<6250x128xi32, #tpu.memory_space<hbm>> -> memref<1x128xi32, #tpu.memory_space<hbm>>
        %dma_wait3A_101 = tpu.memref_slice %arg9[%dma_wait3A] : memref<2x!tpu.dma_semaphore, #tpu.memory_space<semaphore_mem>> -> memref<1x!tpu.dma_semaphore, #tpu.memory_space<semaphore_mem>>
        %dma_wait3A_102 = tpu.memref_squeeze %dma_wait3A_101 : memref<1x!tpu.dma_semaphore, #tpu.memory_space<semaphore_mem>> -> memref<!tpu.dma_semaphore, #tpu.memory_space<semaphore_mem>>
        %dma_wait3A_103 = arith.constant 1 : i32
        %dma_wait3A_104 = arith.constant 0 : i32
        %dma_wait3A_105 = tpu.memref_slice %arg6[%dma_wait3A_103, %dma_wait3A_104] : memref<2x128xi32, #tpu.memory_space<vmem>> -> memref<1x128xi32, #tpu.memory_space<vmem>>
        %dma_wait3A_106 = arith.constant 0 : i32
        %dma_wait3A_107 = tpu.memref_slice %arg2[%add3A_95, %dma_wait3A_106] : memref<6250x128xi32, #tpu.memory_space<hbm>> -> memref<1x128xi32, #tpu.memory_space<hbm>>
        tpu.wait_dma2 semaphore(%dma_wait3A_102 : memref<!tpu.dma_semaphore, #tpu.memory_space<semaphore_mem>>) src(%dma_wait3A_107 : memref<1x128xi32, #tpu.memory_space<hbm>>) dst(%dma_wait3A_105 : memref<1x128xi32, #tpu.memory_space<vmem>>)
        %mul3A_108 = arith.constant 128 : i32
        %mul3A_109 = arith.muli %add3A_78, %mul3A_108 : i32
        %mul3A_110 = arith.constant 32 : i32
        %mul3A_111 = arith.muli %add3A_24, %mul3A_110 : i32
        %dma_wait3A_112 = arith.constant 1 : i32
        %dma_wait3A_113 = arith.constant 1 : i32
        %dma_wait3A_114 = arith.constant 0 : i32
        %dma_wait3A_115 = arith.constant 0 : i32
        %dma_wait3A_116 = tpu.memref_slice %arg7[%dma_wait3A_112, %dma_wait3A_114, %dma_wait3A_115] : memref<2x128x32xf32, #tpu.memory_space<vmem>> -> memref<1x128x32xf32, #tpu.memory_space<vmem>>
        %dma_wait3A_117 = tpu.memref_squeeze %dma_wait3A_116 : memref<1x128x32xf32, #tpu.memory_space<vmem>> -> memref<128x32xf32, #tpu.memory_space<vmem>>
        %dma_wait3A_118 = tpu.memref_slice %arg3[%mul3A_109, %mul3A_111] : memref<399360x128xf32, #tpu.memory_space<hbm>> -> memref<128x32xf32, #tpu.memory_space<hbm>>
        %dma_wait3A_119 = tpu.memref_slice %arg9[%dma_wait3A_113] : memref<2x!tpu.dma_semaphore, #tpu.memory_space<semaphore_mem>> -> memref<1x!tpu.dma_semaphore, #tpu.memory_space<semaphore_mem>>
        %dma_wait3A_120 = tpu.memref_squeeze %dma_wait3A_119 : memref<1x!tpu.dma_semaphore, #tpu.memory_space<semaphore_mem>> -> memref<!tpu.dma_semaphore, #tpu.memory_space<semaphore_mem>>
        %dma_wait3A_121 = arith.constant 0 : i32
        %dma_wait3A_122 = arith.constant 0 : i32
        %dma_wait3A_123 = tpu.memref_slice %arg7[%dma_wait3A_112, %dma_wait3A_121, %dma_wait3A_122] : memref<2x128x32xf32, #tpu.memory_space<vmem>> -> memref<1x128x32xf32, #tpu.memory_space<vmem>>
        %dma_wait3A_124 = tpu.memref_squeeze %dma_wait3A_123 : memref<1x128x32xf32, #tpu.memory_space<vmem>> -> memref<128x32xf32, #tpu.memory_space<vmem>>
        %dma_wait3A_125 = tpu.memref_slice %arg3[%mul3A_109, %mul3A_111] : memref<399360x128xf32, #tpu.memory_space<hbm>> -> memref<128x32xf32, #tpu.memory_space<hbm>>
        tpu.wait_dma2 semaphore(%dma_wait3A_120 : memref<!tpu.dma_semaphore, #tpu.memory_space<semaphore_mem>>) src(%dma_wait3A_125 : memref<128x32xf32, #tpu.memory_space<hbm>>) dst(%dma_wait3A_124 : memref<128x32xf32, #tpu.memory_space<vmem>>)
        %run_scoped3A = arith.constant 1 : i32
        %run_scoped3A_126 = arith.constant 1 : i32
        "tpu.region"() ({
          %run_scoped3A_127 = tpu.sem_alloc : memref<!tpu.dma_semaphore, #tpu.memory_space<semaphore_mem>>
          %dma_start3A = arith.constant 0 : i32
          %dma_start3A_128 = arith.constant 0 : i32
          %dma_start3A_129 = tpu.memref_slice %arg7[%run_scoped3A, %dma_start3A, %dma_start3A_128] : memref<2x128x32xf32, #tpu.memory_space<vmem>> -> memref<1x128x32xf32, #tpu.memory_space<vmem>>
          %dma_start3A_130 = tpu.memref_squeeze %dma_start3A_129 : memref<1x128x32xf32, #tpu.memory_space<vmem>> -> memref<128x32xf32, #tpu.memory_space<vmem>>
          %dma_start3A_131 = arith.constant 0 : i32
          %dma_start3A_132 = tpu.memref_slice %arg6[%run_scoped3A_126, %dma_start3A_131] : memref<2x128xi32, #tpu.memory_space<vmem>> -> memref<1x128xi32, #tpu.memory_space<vmem>>
          %dma_start3A_133 = tpu.memref_squeeze %dma_start3A_132 : memref<1x128xi32, #tpu.memory_space<vmem>> -> memref<128xi32, #tpu.memory_space<vmem>>
          %dma_start3A_134 = arith.constant 0 : i32
          %dma_start3A_135 = arith.constant 0 : i32
          %dma_start3A_136 = tpu.memref_slice %arg8[%dma_start3A_134, %dma_start3A_135] : memref<50000x32xf32, #tpu.memory_space<vmem_shared>> -> memref<50000x32xf32, #tpu.memory_space<vmem_shared>>
          tpu.enqueue_indirect_dma source(%dma_start3A_130 : memref<128x32xf32, #tpu.memory_space<vmem>>) target(%dma_start3A_136 : memref<50000x32xf32, #tpu.memory_space<vmem_shared>>) offsets(%dma_start3A_133 : memref<128xi32, #tpu.memory_space<vmem>>) semaphore(%run_scoped3A_127 : memref<!tpu.dma_semaphore, #tpu.memory_space<semaphore_mem>>) {add = true}
          %dma_wait3A_137 = arith.constant 0 : i32
          %dma_wait3A_138 = arith.constant 0 : i32
          %dma_wait3A_139 = tpu.memref_slice %arg7[%run_scoped3A, %dma_wait3A_137, %dma_wait3A_138] : memref<2x128x32xf32, #tpu.memory_space<vmem>> -> memref<1x128x32xf32, #tpu.memory_space<vmem>>
          %dma_wait3A_140 = tpu.memref_squeeze %dma_wait3A_139 : memref<1x128x32xf32, #tpu.memory_space<vmem>> -> memref<128x32xf32, #tpu.memory_space<vmem>>
          %dma_wait3A_141 = arith.constant 0 : i32
          %dma_wait3A_142 = tpu.memref_slice %arg6[%run_scoped3A_126, %dma_wait3A_141] : memref<2x128xi32, #tpu.memory_space<vmem>> -> memref<1x128xi32, #tpu.memory_space<vmem>>
          %dma_wait3A_143 = tpu.memref_squeeze %dma_wait3A_142 : memref<1x128xi32, #tpu.memory_space<vmem>> -> memref<128xi32, #tpu.memory_space<vmem>>
          %dma_wait3A_144 = arith.constant 0 : i32
          %dma_wait3A_145 = arith.constant 0 : i32
          %dma_wait3A_146 = tpu.memref_slice %arg8[%dma_wait3A_144, %dma_wait3A_145] : memref<50000x32xf32, #tpu.memory_space<vmem_shared>> -> memref<50000x32xf32, #tpu.memory_space<vmem_shared>>
          tpu.wait_indirect_dma semaphore(%run_scoped3A_127 : memref<!tpu.dma_semaphore, #tpu.memory_space<semaphore_mem>>) src(%dma_wait3A_140 : memref<128x32xf32, #tpu.memory_space<vmem>>) dst(%dma_wait3A_146 : memref<50000x32xf32, #tpu.memory_space<vmem_shared>>)
          tpu.yield
        }) : () -> ()
      } else {
      }
      %add3A_84 = arith.constant 3 : i32
      %add3A_85 = arith.addi %mul3A_55, %add3A_84 : i32
      %mul3A_86 = arith.constant 16 : i32
      %mul3A_87 = arith.muli %add3A_85, %mul3A_86 : i32
      %add3A_88 = arith.addi %arg1, %mul3A_87 : i32
      %lt3A_89 = arith.constant 3120 : i32
      %lt3A_90 = arith.cmpi slt, %add3A_88, %lt3A_89 : i32
      %convert_element_type3A_91 = arith.extui %lt3A_90 : i1 to i32
      %cond3A_92 = arith.constant 0 : i32
      %cond3A_93 = arith.cmpi ne, %convert_element_type3A_91, %cond3A_92 : i32
      scf.if %cond3A_93 {
        %add3A_94 = arith.constant 0 : i32
        %add3A_95 = arith.addi %add3A_94, %add3A_88 : i32
        %dma_start3A = arith.constant 1 : i32
        %dma_start3A_96 = arith.constant 1 : i32
        %dma_start3A_97 = arith.constant 0 : i32
        %dma_start3A_98 = tpu.memref_slice %arg6[%dma_start3A_96, %dma_start3A_97] : memref<2x128xi32, #tpu.memory_space<vmem>> -> memref<1x128xi32, #tpu.memory_space<vmem>>
        %dma_start3A_99 = arith.constant 0 : i32
        %dma_start3A_100 = tpu.memref_slice %arg2[%add3A_95, %dma_start3A_99] : memref<6250x128xi32, #tpu.memory_space<hbm>> -> memref<1x128xi32, #tpu.memory_space<hbm>>
        %dma_start3A_101 = tpu.memref_slice %arg9[%dma_start3A] : memref<2x!tpu.dma_semaphore, #tpu.memory_space<semaphore_mem>> -> memref<1x!tpu.dma_semaphore, #tpu.memory_space<semaphore_mem>>
        %dma_start3A_102 = tpu.memref_squeeze %dma_start3A_101 : memref<1x!tpu.dma_semaphore, #tpu.memory_space<semaphore_mem>> -> memref<!tpu.dma_semaphore, #tpu.memory_space<semaphore_mem>>
        %dma_start3A_103 = arith.constant 1 : i32
        %dma_start3A_104 = arith.constant 0 : i32
        %dma_start3A_105 = tpu.memref_slice %arg6[%dma_start3A_103, %dma_start3A_104] : memref<2x128xi32, #tpu.memory_space<vmem>> -> memref<1x128xi32, #tpu.memory_space<vmem>>
        %dma_start3A_106 = arith.constant 0 : i32
        %dma_start3A_107 = tpu.memref_slice %arg2[%add3A_95, %dma_start3A_106] : memref<6250x128xi32, #tpu.memory_space<hbm>> -> memref<1x128xi32, #tpu.memory_space<hbm>>
        tpu.enqueue_dma source(%dma_start3A_107 : memref<1x128xi32, #tpu.memory_space<hbm>>) target(%dma_start3A_105 : memref<1x128xi32, #tpu.memory_space<vmem>>) target_semaphore(%dma_start3A_102 : memref<!tpu.dma_semaphore, #tpu.memory_space<semaphore_mem>>)
        %mul3A_108 = arith.constant 128 : i32
        %mul3A_109 = arith.muli %add3A_88, %mul3A_108 : i32
        %mul3A_110 = arith.constant 32 : i32
        %mul3A_111 = arith.muli %add3A_24, %mul3A_110 : i32
        %dma_start3A_112 = arith.constant 1 : i32
        %dma_start3A_113 = arith.constant 1 : i32
        %dma_start3A_114 = arith.constant 0 : i32
        %dma_start3A_115 = arith.constant 0 : i32
        %dma_start3A_116 = tpu.memref_slice %arg7[%dma_start3A_112, %dma_start3A_114, %dma_start3A_115] : memref<2x128x32xf32, #tpu.memory_space<vmem>> -> memref<1x128x32xf32, #tpu.memory_space<vmem>>
        %dma_start3A_117 = tpu.memref_squeeze %dma_start3A_116 : memref<1x128x32xf32, #tpu.memory_space<vmem>> -> memref<128x32xf32, #tpu.memory_space<vmem>>
        %dma_start3A_118 = tpu.memref_slice %arg3[%mul3A_109, %mul3A_111] : memref<399360x128xf32, #tpu.memory_space<hbm>> -> memref<128x32xf32, #tpu.memory_space<hbm>>
        %dma_start3A_119 = tpu.memref_slice %arg9[%dma_start3A_113] : memref<2x!tpu.dma_semaphore, #tpu.memory_space<semaphore_mem>> -> memref<1x!tpu.dma_semaphore, #tpu.memory_space<semaphore_mem>>
        %dma_start3A_120 = tpu.memref_squeeze %dma_start3A_119 : memref<1x!tpu.dma_semaphore, #tpu.memory_space<semaphore_mem>> -> memref<!tpu.dma_semaphore, #tpu.memory_space<semaphore_mem>>
        %dma_start3A_121 = arith.constant 0 : i32
        %dma_start3A_122 = arith.constant 0 : i32
        %dma_start3A_123 = tpu.memref_slice %arg7[%dma_start3A_112, %dma_start3A_121, %dma_start3A_122] : memref<2x128x32xf32, #tpu.memory_space<vmem>> -> memref<1x128x32xf32, #tpu.memory_space<vmem>>
        %dma_start3A_124 = tpu.memref_squeeze %dma_start3A_123 : memref<1x128x32xf32, #tpu.memory_space<vmem>> -> memref<128x32xf32, #tpu.memory_space<vmem>>
        %dma_start3A_125 = tpu.memref_slice %arg3[%mul3A_109, %mul3A_111] : memref<399360x128xf32, #tpu.memory_space<hbm>> -> memref<128x32xf32, #tpu.memory_space<hbm>>
        tpu.enqueue_dma source(%dma_start3A_125 : memref<128x32xf32, #tpu.memory_space<hbm>>) target(%dma_start3A_124 : memref<128x32xf32, #tpu.memory_space<vmem>>) target_semaphore(%dma_start3A_120 : memref<!tpu.dma_semaphore, #tpu.memory_space<semaphore_mem>>)
      } else {
      }
    }
    %scan3A_46 = arith.constant 98 : i32
    %barrier3A_47 = arith.constant 0 : index
    tpu.barrier barrier_id(%barrier3A_47)
    %mul3A_48 = arith.constant 3125 : i32
    %mul3A_49 = arith.muli %arg1, %mul3A_48 : i32
    %mul3A_50 = arith.constant 3125 : i32
    %mul3A_51 = arith.muli %arg1, %mul3A_50 : i32
    "tpu.region"() ({
      %run_scoped3A = tpu.sem_alloc : memref<!tpu.dma_semaphore, #tpu.memory_space<semaphore_mem>>
      %dma_start3A = arith.constant 0 : i32
      %dma_start3A_53 = tpu.memref_slice %arg5[%add3A_24, %mul3A_51, %dma_start3A] : memref<4x50000x32xf32, #tpu.memory_space<hbm>> -> memref<1x3125x32xf32, #tpu.memory_space<hbm>>
      %dma_start3A_54 = tpu.memref_squeeze %dma_start3A_53 : memref<1x3125x32xf32, #tpu.memory_space<hbm>> -> memref<3125x32xf32, #tpu.memory_space<hbm>>
      %dma_start3A_55 = arith.constant 0 : i32
      %dma_start3A_56 = tpu.memref_slice %arg8[%mul3A_49, %dma_start3A_55] : memref<50000x32xf32, #tpu.memory_space<vmem_shared>> -> memref<3125x32xf32, #tpu.memory_space<vmem_shared>>
      tpu.enqueue_dma source(%dma_start3A_56 : memref<3125x32xf32, #tpu.memory_space<vmem_shared>>) target(%dma_start3A_54 : memref<3125x32xf32, #tpu.memory_space<hbm>>) target_semaphore(%run_scoped3A : memref<!tpu.dma_semaphore, #tpu.memory_space<semaphore_mem>>)
      %dma_wait3A = arith.constant 0 : i32
      %dma_wait3A_57 = tpu.memref_slice %arg5[%add3A_24, %mul3A_51, %dma_wait3A] : memref<4x50000x32xf32, #tpu.memory_space<hbm>> -> memref<1x3125x32xf32, #tpu.memory_space<hbm>>
      %dma_wait3A_58 = tpu.memref_squeeze %dma_wait3A_57 : memref<1x3125x32xf32, #tpu.memory_space<hbm>> -> memref<3125x32xf32, #tpu.memory_space<hbm>>
      %dma_wait3A_59 = arith.constant 0 : i32
      %dma_wait3A_60 = tpu.memref_slice %arg8[%mul3A_49, %dma_wait3A_59] : memref<50000x32xf32, #tpu.memory_space<vmem_shared>> -> memref<3125x32xf32, #tpu.memory_space<vmem_shared>>
      tpu.wait_dma2 semaphore(%run_scoped3A : memref<!tpu.dma_semaphore, #tpu.memory_space<semaphore_mem>>) src(%dma_wait3A_60 : memref<3125x32xf32, #tpu.memory_space<vmem_shared>>) dst(%dma_wait3A_58 : memref<3125x32xf32, #tpu.memory_space<hbm>>)
      tpu.yield
    }) : () -> ()
    %barrier3A_52 = arith.constant 0 : index
    tpu.barrier barrier_id(%barrier3A_52)
    return
  }
}

#map = affine_map<(d0, d1) -> (0, 0)>
#map1 = affine_map<(d0, d1) -> (0, 0, 0)>
module attributes {stable_mosaic.version = 14 : i64} {
  func.func @_k4_body(%arg0: i32, %arg1: i32, %arg2: memref<6250x128xi32, #tpu.memory_space<hbm>>, %arg3: memref<400640x128xf32, #tpu.memory_space<hbm>>, %arg4: memref<4x50000x32xf32, #tpu.memory_space<hbm>>, %arg5: memref<4x50000x32xf32, #tpu.memory_space<hbm>>, %arg6: memref<2x128xi32, #tpu.memory_space<vmem>>, %arg7: memref<2x128x32xf32, #tpu.memory_space<vmem>>, %arg8: memref<50000x32xf32, #tpu.memory_space<vmem_shared>>, %arg9: memref<2x!tpu.dma_semaphore, #tpu.memory_space<semaphore_mem>>) attributes {dimension_semantics = [#tpu.dimension_semantics<core_parallel>, #tpu.dimension_semantics<subcore_parallel>], iteration_bounds = array<i64: 2, 16>, scalar_prefetch = 0 : i64, scratch_operands = 4 : i64, tpu.core_type = #tpu.core_type<sc_vector_subcore>, window_params = [{transform_indices = #map}, {transform_indices = #map}, {transform_indices = #map1}, {transform_indices = #map1}]} {
    %add3A = arith.constant 0 : i32
    %add3A_0 = arith.addi %arg0, %add3A : i32
    %mul3A = arith.constant 3125 : i32
    %mul3A_1 = arith.muli %arg1, %mul3A : i32
    %mul3A_2 = arith.constant 3125 : i32
    %mul3A_3 = arith.muli %arg1, %mul3A_2 : i32
    "tpu.region"() ({
      %run_scoped3A = tpu.sem_alloc : memref<!tpu.dma_semaphore, #tpu.memory_space<semaphore_mem>>
      %dma_start3A = arith.constant 0 : i32
      %dma_start3A_57 = tpu.memref_slice %arg8[%mul3A_3, %dma_start3A] : memref<50000x32xf32, #tpu.memory_space<vmem_shared>> -> memref<3125x32xf32, #tpu.memory_space<vmem_shared>>
      %dma_start3A_58 = arith.constant 0 : i32
      %dma_start3A_59 = tpu.memref_slice %arg4[%add3A_0, %mul3A_1, %dma_start3A_58] : memref<4x50000x32xf32, #tpu.memory_space<hbm>> -> memref<1x3125x32xf32, #tpu.memory_space<hbm>>
      %dma_start3A_60 = tpu.memref_squeeze %dma_start3A_59 : memref<1x3125x32xf32, #tpu.memory_space<hbm>> -> memref<3125x32xf32, #tpu.memory_space<hbm>>
      tpu.enqueue_dma source(%dma_start3A_60 : memref<3125x32xf32, #tpu.memory_space<hbm>>) target(%dma_start3A_57 : memref<3125x32xf32, #tpu.memory_space<vmem_shared>>) target_semaphore(%run_scoped3A : memref<!tpu.dma_semaphore, #tpu.memory_space<semaphore_mem>>)
      %dma_wait3A = arith.constant 0 : i32
      %dma_wait3A_61 = tpu.memref_slice %arg8[%mul3A_3, %dma_wait3A] : memref<50000x32xf32, #tpu.memory_space<vmem_shared>> -> memref<3125x32xf32, #tpu.memory_space<vmem_shared>>
      %dma_wait3A_62 = arith.constant 0 : i32
      %dma_wait3A_63 = tpu.memref_slice %arg4[%add3A_0, %mul3A_1, %dma_wait3A_62] : memref<4x50000x32xf32, #tpu.memory_space<hbm>> -> memref<1x3125x32xf32, #tpu.memory_space<hbm>>
      %dma_wait3A_64 = tpu.memref_squeeze %dma_wait3A_63 : memref<1x3125x32xf32, #tpu.memory_space<hbm>> -> memref<3125x32xf32, #tpu.memory_space<hbm>>
      tpu.wait_dma2 semaphore(%run_scoped3A : memref<!tpu.dma_semaphore, #tpu.memory_space<semaphore_mem>>) src(%dma_wait3A_64 : memref<3125x32xf32, #tpu.memory_space<hbm>>) dst(%dma_wait3A_61 : memref<3125x32xf32, #tpu.memory_space<vmem_shared>>)
      tpu.yield
    }) : () -> ()
    %barrier3A = arith.constant 0 : index
    tpu.barrier barrier_id(%barrier3A)
    %add3A_4 = arith.constant 0 : i32
    %add3A_5 = arith.addi %arg1, %add3A_4 : i32
    %lt3A = arith.constant 3130 : i32
    %lt3A_6 = arith.cmpi slt, %add3A_5, %lt3A : i32
    %convert_element_type3A = arith.extui %lt3A_6 : i1 to i32
    %cond3A = arith.constant 0 : i32
    %cond3A_7 = arith.cmpi ne, %convert_element_type3A, %cond3A : i32
    scf.if %cond3A_7 {
      %add3A_57 = arith.constant 3120 : i32
      %add3A_58 = arith.addi %add3A_57, %add3A_5 : i32
      %dma_start3A = arith.constant 0 : i32
      %dma_start3A_59 = arith.constant 0 : i32
      %dma_start3A_60 = arith.constant 0 : i32
      %dma_start3A_61 = tpu.memref_slice %arg6[%dma_start3A_59, %dma_start3A_60] : memref<2x128xi32, #tpu.memory_space<vmem>> -> memref<1x128xi32, #tpu.memory_space<vmem>>
      %dma_start3A_62 = arith.constant 0 : i32
      %dma_start3A_63 = tpu.memref_slice %arg2[%add3A_58, %dma_start3A_62] : memref<6250x128xi32, #tpu.memory_space<hbm>> -> memref<1x128xi32, #tpu.memory_space<hbm>>
      %dma_start3A_64 = tpu.memref_slice %arg9[%dma_start3A] : memref<2x!tpu.dma_semaphore, #tpu.memory_space<semaphore_mem>> -> memref<1x!tpu.dma_semaphore, #tpu.memory_space<semaphore_mem>>
      %dma_start3A_65 = tpu.memref_squeeze %dma_start3A_64 : memref<1x!tpu.dma_semaphore, #tpu.memory_space<semaphore_mem>> -> memref<!tpu.dma_semaphore, #tpu.memory_space<semaphore_mem>>
      %dma_start3A_66 = arith.constant 0 : i32
      %dma_start3A_67 = arith.constant 0 : i32
      %dma_start3A_68 = tpu.memref_slice %arg6[%dma_start3A_66, %dma_start3A_67] : memref<2x128xi32, #tpu.memory_space<vmem>> -> memref<1x128xi32, #tpu.memory_space<vmem>>
      %dma_start3A_69 = arith.constant 0 : i32
      %dma_start3A_70 = tpu.memref_slice %arg2[%add3A_58, %dma_start3A_69] : memref<6250x128xi32, #tpu.memory_space<hbm>> -> memref<1x128xi32, #tpu.memory_space<hbm>>
      tpu.enqueue_dma source(%dma_start3A_70 : memref<1x128xi32, #tpu.memory_space<hbm>>) target(%dma_start3A_68 : memref<1x128xi32, #tpu.memory_space<vmem>>) target_semaphore(%dma_start3A_65 : memref<!tpu.dma_semaphore, #tpu.memory_space<semaphore_mem>>)
      %mul3A_71 = arith.constant 128 : i32
      %mul3A_72 = arith.muli %add3A_5, %mul3A_71 : i32
      %mul3A_73 = arith.constant 32 : i32
      %mul3A_74 = arith.muli %add3A_0, %mul3A_73 : i32
      %dma_start3A_75 = arith.constant 0 : i32
      %dma_start3A_76 = arith.constant 0 : i32
      %dma_start3A_77 = arith.constant 0 : i32
      %dma_start3A_78 = arith.constant 0 : i32
      %dma_start3A_79 = tpu.memref_slice %arg7[%dma_start3A_75, %dma_start3A_77, %dma_start3A_78] : memref<2x128x32xf32, #tpu.memory_space<vmem>> -> memref<1x128x32xf32, #tpu.memory_space<vmem>>
      %dma_start3A_80 = tpu.memref_squeeze %dma_start3A_79 : memref<1x128x32xf32, #tpu.memory_space<vmem>> -> memref<128x32xf32, #tpu.memory_space<vmem>>
      %dma_start3A_81 = tpu.memref_slice %arg3[%mul3A_72, %mul3A_74] : memref<400640x128xf32, #tpu.memory_space<hbm>> -> memref<128x32xf32, #tpu.memory_space<hbm>>
      %dma_start3A_82 = tpu.memref_slice %arg9[%dma_start3A_76] : memref<2x!tpu.dma_semaphore, #tpu.memory_space<semaphore_mem>> -> memref<1x!tpu.dma_semaphore, #tpu.memory_space<semaphore_mem>>
      %dma_start3A_83 = tpu.memref_squeeze %dma_start3A_82 : memref<1x!tpu.dma_semaphore, #tpu.memory_space<semaphore_mem>> -> memref<!tpu.dma_semaphore, #tpu.memory_space<semaphore_mem>>
      %dma_start3A_84 = arith.constant 0 : i32
      %dma_start3A_85 = arith.constant 0 : i32
      %dma_start3A_86 = tpu.memref_slice %arg7[%dma_start3A_75, %dma_start3A_84, %dma_start3A_85] : memref<2x128x32xf32, #tpu.memory_space<vmem>> -> memref<1x128x32xf32, #tpu.memory_space<vmem>>
      %dma_start3A_87 = tpu.memref_squeeze %dma_start3A_86 : memref<1x128x32xf32, #tpu.memory_space<vmem>> -> memref<128x32xf32, #tpu.memory_space<vmem>>
      %dma_start3A_88 = tpu.memref_slice %arg3[%mul3A_72, %mul3A_74] : memref<400640x128xf32, #tpu.memory_space<hbm>> -> memref<128x32xf32, #tpu.memory_space<hbm>>
      tpu.enqueue_dma source(%dma_start3A_88 : memref<128x32xf32, #tpu.memory_space<hbm>>) target(%dma_start3A_87 : memref<128x32xf32, #tpu.memory_space<vmem>>) target_semaphore(%dma_start3A_83 : memref<!tpu.dma_semaphore, #tpu.memory_space<semaphore_mem>>)
    } else {
    }
    %add3A_8 = arith.constant 16 : i32
    %add3A_9 = arith.addi %arg1, %add3A_8 : i32
    %lt3A_10 = arith.constant 3130 : i32
    %lt3A_11 = arith.cmpi slt, %add3A_9, %lt3A_10 : i32
    %convert_element_type3A_12 = arith.extui %lt3A_11 : i1 to i32
    %cond3A_13 = arith.constant 0 : i32
    %cond3A_14 = arith.cmpi ne, %convert_element_type3A_12, %cond3A_13 : i32
    scf.if %cond3A_14 {
      %add3A_57 = arith.constant 3120 : i32
      %add3A_58 = arith.addi %add3A_57, %add3A_9 : i32
      %dma_start3A = arith.constant 1 : i32
      %dma_start3A_59 = arith.constant 1 : i32
      %dma_start3A_60 = arith.constant 0 : i32
      %dma_start3A_61 = tpu.memref_slice %arg6[%dma_start3A_59, %dma_start3A_60] : memref<2x128xi32, #tpu.memory_space<vmem>> -> memref<1x128xi32, #tpu.memory_space<vmem>>
      %dma_start3A_62 = arith.constant 0 : i32
      %dma_start3A_63 = tpu.memref_slice %arg2[%add3A_58, %dma_start3A_62] : memref<6250x128xi32, #tpu.memory_space<hbm>> -> memref<1x128xi32, #tpu.memory_space<hbm>>
      %dma_start3A_64 = tpu.memref_slice %arg9[%dma_start3A] : memref<2x!tpu.dma_semaphore, #tpu.memory_space<semaphore_mem>> -> memref<1x!tpu.dma_semaphore, #tpu.memory_space<semaphore_mem>>
      %dma_start3A_65 = tpu.memref_squeeze %dma_start3A_64 : memref<1x!tpu.dma_semaphore, #tpu.memory_space<semaphore_mem>> -> memref<!tpu.dma_semaphore, #tpu.memory_space<semaphore_mem>>
      %dma_start3A_66 = arith.constant 1 : i32
      %dma_start3A_67 = arith.constant 0 : i32
      %dma_start3A_68 = tpu.memref_slice %arg6[%dma_start3A_66, %dma_start3A_67] : memref<2x128xi32, #tpu.memory_space<vmem>> -> memref<1x128xi32, #tpu.memory_space<vmem>>
      %dma_start3A_69 = arith.constant 0 : i32
      %dma_start3A_70 = tpu.memref_slice %arg2[%add3A_58, %dma_start3A_69] : memref<6250x128xi32, #tpu.memory_space<hbm>> -> memref<1x128xi32, #tpu.memory_space<hbm>>
      tpu.enqueue_dma source(%dma_start3A_70 : memref<1x128xi32, #tpu.memory_space<hbm>>) target(%dma_start3A_68 : memref<1x128xi32, #tpu.memory_space<vmem>>) target_semaphore(%dma_start3A_65 : memref<!tpu.dma_semaphore, #tpu.memory_space<semaphore_mem>>)
      %mul3A_71 = arith.constant 128 : i32
      %mul3A_72 = arith.muli %add3A_9, %mul3A_71 : i32
      %mul3A_73 = arith.constant 32 : i32
      %mul3A_74 = arith.muli %add3A_0, %mul3A_73 : i32
      %dma_start3A_75 = arith.constant 1 : i32
      %dma_start3A_76 = arith.constant 1 : i32
      %dma_start3A_77 = arith.constant 0 : i32
      %dma_start3A_78 = arith.constant 0 : i32
      %dma_start3A_79 = tpu.memref_slice %arg7[%dma_start3A_75, %dma_start3A_77, %dma_start3A_78] : memref<2x128x32xf32, #tpu.memory_space<vmem>> -> memref<1x128x32xf32, #tpu.memory_space<vmem>>
      %dma_start3A_80 = tpu.memref_squeeze %dma_start3A_79 : memref<1x128x32xf32, #tpu.memory_space<vmem>> -> memref<128x32xf32, #tpu.memory_space<vmem>>
      %dma_start3A_81 = tpu.memref_slice %arg3[%mul3A_72, %mul3A_74] : memref<400640x128xf32, #tpu.memory_space<hbm>> -> memref<128x32xf32, #tpu.memory_space<hbm>>
      %dma_start3A_82 = tpu.memref_slice %arg9[%dma_start3A_76] : memref<2x!tpu.dma_semaphore, #tpu.memory_space<semaphore_mem>> -> memref<1x!tpu.dma_semaphore, #tpu.memory_space<semaphore_mem>>
      %dma_start3A_83 = tpu.memref_squeeze %dma_start3A_82 : memref<1x!tpu.dma_semaphore, #tpu.memory_space<semaphore_mem>> -> memref<!tpu.dma_semaphore, #tpu.memory_space<semaphore_mem>>
      %dma_start3A_84 = arith.constant 0 : i32
      %dma_start3A_85 = arith.constant 0 : i32
      %dma_start3A_86 = tpu.memref_slice %arg7[%dma_start3A_75, %dma_start3A_84, %dma_start3A_85] : memref<2x128x32xf32, #tpu.memory_space<vmem>> -> memref<1x128x32xf32, #tpu.memory_space<vmem>>
      %dma_start3A_87 = tpu.memref_squeeze %dma_start3A_86 : memref<1x128x32xf32, #tpu.memory_space<vmem>> -> memref<128x32xf32, #tpu.memory_space<vmem>>
      %dma_start3A_88 = tpu.memref_slice %arg3[%mul3A_72, %mul3A_74] : memref<400640x128xf32, #tpu.memory_space<hbm>> -> memref<128x32xf32, #tpu.memory_space<hbm>>
      tpu.enqueue_dma source(%dma_start3A_88 : memref<128x32xf32, #tpu.memory_space<hbm>>) target(%dma_start3A_87 : memref<128x32xf32, #tpu.memory_space<vmem>>) target_semaphore(%dma_start3A_83 : memref<!tpu.dma_semaphore, #tpu.memory_space<semaphore_mem>>)
    } else {
    }
    %scan3A = arith.constant 0 : i32
    %scan3A_15 = arith.constant 98 : i32
    %scan3A_16 = arith.addi %scan3A, %scan3A_15 : i32
    %scan3A_17 = arith.constant 1 : i32
    scf.for %scan3A_57 = %scan3A to %scan3A_16 step %scan3A_17  : i32 {
      %mul3A_58 = arith.constant 2 : i32
      %mul3A_59 = arith.muli %scan3A_57, %mul3A_58 : i32
      %mul3A_60 = arith.constant 16 : i32
      %mul3A_61 = arith.muli %mul3A_59, %mul3A_60 : i32
      %add3A_62 = arith.addi %arg1, %mul3A_61 : i32
      %lt3A_63 = arith.constant 3130 : i32
      %lt3A_64 = arith.cmpi slt, %add3A_62, %lt3A_63 : i32
      %convert_element_type3A_65 = arith.extui %lt3A_64 : i1 to i32
      %cond3A_66 = arith.constant 0 : i32
      %cond3A_67 = arith.cmpi ne, %convert_element_type3A_65, %cond3A_66 : i32
      scf.if %cond3A_67 {
        %add3A_98 = arith.constant 3120 : i32
        %add3A_99 = arith.addi %add3A_98, %add3A_62 : i32
        %dma_wait3A = arith.constant 0 : i32
        %dma_wait3A_100 = arith.constant 0 : i32
        %dma_wait3A_101 = arith.constant 0 : i32
        %dma_wait3A_102 = tpu.memref_slice %arg6[%dma_wait3A_100, %dma_wait3A_101] : memref<2x128xi32, #tpu.memory_space<vmem>> -> memref<1x128xi32, #tpu.memory_space<vmem>>
        %dma_wait3A_103 = arith.constant 0 : i32
        %dma_wait3A_104 = tpu.memref_slice %arg2[%add3A_99, %dma_wait3A_103] : memref<6250x128xi32, #tpu.memory_space<hbm>> -> memref<1x128xi32, #tpu.memory_space<hbm>>
        %dma_wait3A_105 = tpu.memref_slice %arg9[%dma_wait3A] : memref<2x!tpu.dma_semaphore, #tpu.memory_space<semaphore_mem>> -> memref<1x!tpu.dma_semaphore, #tpu.memory_space<semaphore_mem>>
        %dma_wait3A_106 = tpu.memref_squeeze %dma_wait3A_105 : memref<1x!tpu.dma_semaphore, #tpu.memory_space<semaphore_mem>> -> memref<!tpu.dma_semaphore, #tpu.memory_space<semaphore_mem>>
        %dma_wait3A_107 = arith.constant 0 : i32
        %dma_wait3A_108 = arith.constant 0 : i32
        %dma_wait3A_109 = tpu.memref_slice %arg6[%dma_wait3A_107, %dma_wait3A_108] : memref<2x128xi32, #tpu.memory_space<vmem>> -> memref<1x128xi32, #tpu.memory_space<vmem>>
        %dma_wait3A_110 = arith.constant 0 : i32
        %dma_wait3A_111 = tpu.memref_slice %arg2[%add3A_99, %dma_wait3A_110] : memref<6250x128xi32, #tpu.memory_space<hbm>> -> memref<1x128xi32, #tpu.memory_space<hbm>>
        tpu.wait_dma2 semaphore(%dma_wait3A_106 : memref<!tpu.dma_semaphore, #tpu.memory_space<semaphore_mem>>) src(%dma_wait3A_111 : memref<1x128xi32, #tpu.memory_space<hbm>>) dst(%dma_wait3A_109 : memref<1x128xi32, #tpu.memory_space<vmem>>)
        %mul3A_112 = arith.constant 128 : i32
        %mul3A_113 = arith.muli %add3A_62, %mul3A_112 : i32
        %mul3A_114 = arith.constant 32 : i32
        %mul3A_115 = arith.muli %add3A_0, %mul3A_114 : i32
        %dma_wait3A_116 = arith.constant 0 : i32
        %dma_wait3A_117 = arith.constant 0 : i32
        %dma_wait3A_118 = arith.constant 0 : i32
        %dma_wait3A_119 = arith.constant 0 : i32
        %dma_wait3A_120 = tpu.memref_slice %arg7[%dma_wait3A_116, %dma_wait3A_118, %dma_wait3A_119] : memref<2x128x32xf32, #tpu.memory_space<vmem>> -> memref<1x128x32xf32, #tpu.memory_space<vmem>>
        %dma_wait3A_121 = tpu.memref_squeeze %dma_wait3A_120 : memref<1x128x32xf32, #tpu.memory_space<vmem>> -> memref<128x32xf32, #tpu.memory_space<vmem>>
        %dma_wait3A_122 = tpu.memref_slice %arg3[%mul3A_113, %mul3A_115] : memref<400640x128xf32, #tpu.memory_space<hbm>> -> memref<128x32xf32, #tpu.memory_space<hbm>>
        %dma_wait3A_123 = tpu.memref_slice %arg9[%dma_wait3A_117] : memref<2x!tpu.dma_semaphore, #tpu.memory_space<semaphore_mem>> -> memref<1x!tpu.dma_semaphore, #tpu.memory_space<semaphore_mem>>
        %dma_wait3A_124 = tpu.memref_squeeze %dma_wait3A_123 : memref<1x!tpu.dma_semaphore, #tpu.memory_space<semaphore_mem>> -> memref<!tpu.dma_semaphore, #tpu.memory_space<semaphore_mem>>
        %dma_wait3A_125 = arith.constant 0 : i32
        %dma_wait3A_126 = arith.constant 0 : i32
        %dma_wait3A_127 = tpu.memref_slice %arg7[%dma_wait3A_116, %dma_wait3A_125, %dma_wait3A_126] : memref<2x128x32xf32, #tpu.memory_space<vmem>> -> memref<1x128x32xf32, #tpu.memory_space<vmem>>
        %dma_wait3A_128 = tpu.memref_squeeze %dma_wait3A_127 : memref<1x128x32xf32, #tpu.memory_space<vmem>> -> memref<128x32xf32, #tpu.memory_space<vmem>>
        %dma_wait3A_129 = tpu.memref_slice %arg3[%mul3A_113, %mul3A_115] : memref<400640x128xf32, #tpu.memory_space<hbm>> -> memref<128x32xf32, #tpu.memory_space<hbm>>
        tpu.wait_dma2 semaphore(%dma_wait3A_124 : memref<!tpu.dma_semaphore, #tpu.memory_space<semaphore_mem>>) src(%dma_wait3A_129 : memref<128x32xf32, #tpu.memory_space<hbm>>) dst(%dma_wait3A_128 : memref<128x32xf32, #tpu.memory_space<vmem>>)
        %run_scoped3A = arith.constant 0 : i32
        %run_scoped3A_130 = arith.constant 0 : i32
        "tpu.region"() ({
          %run_scoped3A_131 = tpu.sem_alloc : memref<!tpu.dma_semaphore, #tpu.memory_space<semaphore_mem>>
          %dma_start3A = arith.constant 0 : i32
          %dma_start3A_132 = arith.constant 0 : i32
          %dma_start3A_133 = tpu.memref_slice %arg7[%run_scoped3A, %dma_start3A, %dma_start3A_132] : memref<2x128x32xf32, #tpu.memory_space<vmem>> -> memref<1x128x32xf32, #tpu.memory_space<vmem>>
          %dma_start3A_134 = tpu.memref_squeeze %dma_start3A_133 : memref<1x128x32xf32, #tpu.memory_space<vmem>> -> memref<128x32xf32, #tpu.memory_space<vmem>>
          %dma_start3A_135 = arith.constant 0 : i32
          %dma_start3A_136 = tpu.memref_slice %arg6[%run_scoped3A_130, %dma_start3A_135] : memref<2x128xi32, #tpu.memory_space<vmem>> -> memref<1x128xi32, #tpu.memory_space<vmem>>
          %dma_start3A_137 = tpu.memref_squeeze %dma_start3A_136 : memref<1x128xi32, #tpu.memory_space<vmem>> -> memref<128xi32, #tpu.memory_space<vmem>>
          %dma_start3A_138 = arith.constant 0 : i32
          %dma_start3A_139 = arith.constant 0 : i32
          %dma_start3A_140 = tpu.memref_slice %arg8[%dma_start3A_138, %dma_start3A_139] : memref<50000x32xf32, #tpu.memory_space<vmem_shared>> -> memref<50000x32xf32, #tpu.memory_space<vmem_shared>>
          tpu.enqueue_indirect_dma source(%dma_start3A_134 : memref<128x32xf32, #tpu.memory_space<vmem>>) target(%dma_start3A_140 : memref<50000x32xf32, #tpu.memory_space<vmem_shared>>) offsets(%dma_start3A_137 : memref<128xi32, #tpu.memory_space<vmem>>) semaphore(%run_scoped3A_131 : memref<!tpu.dma_semaphore, #tpu.memory_space<semaphore_mem>>) {add = true}
          %dma_wait3A_141 = arith.constant 0 : i32
          %dma_wait3A_142 = arith.constant 0 : i32
          %dma_wait3A_143 = tpu.memref_slice %arg7[%run_scoped3A, %dma_wait3A_141, %dma_wait3A_142] : memref<2x128x32xf32, #tpu.memory_space<vmem>> -> memref<1x128x32xf32, #tpu.memory_space<vmem>>
          %dma_wait3A_144 = tpu.memref_squeeze %dma_wait3A_143 : memref<1x128x32xf32, #tpu.memory_space<vmem>> -> memref<128x32xf32, #tpu.memory_space<vmem>>
          %dma_wait3A_145 = arith.constant 0 : i32
          %dma_wait3A_146 = tpu.memref_slice %arg6[%run_scoped3A_130, %dma_wait3A_145] : memref<2x128xi32, #tpu.memory_space<vmem>> -> memref<1x128xi32, #tpu.memory_space<vmem>>
          %dma_wait3A_147 = tpu.memref_squeeze %dma_wait3A_146 : memref<1x128xi32, #tpu.memory_space<vmem>> -> memref<128xi32, #tpu.memory_space<vmem>>
          %dma_wait3A_148 = arith.constant 0 : i32
          %dma_wait3A_149 = arith.constant 0 : i32
          %dma_wait3A_150 = tpu.memref_slice %arg8[%dma_wait3A_148, %dma_wait3A_149] : memref<50000x32xf32, #tpu.memory_space<vmem_shared>> -> memref<50000x32xf32, #tpu.memory_space<vmem_shared>>
          tpu.wait_indirect_dma semaphore(%run_scoped3A_131 : memref<!tpu.dma_semaphore, #tpu.memory_space<semaphore_mem>>) src(%dma_wait3A_144 : memref<128x32xf32, #tpu.memory_space<vmem>>) dst(%dma_wait3A_150 : memref<50000x32xf32, #tpu.memory_space<vmem_shared>>)
          tpu.yield
        }) : () -> ()
      } else {
      }
      %add3A_68 = arith.constant 2 : i32
      %add3A_69 = arith.addi %mul3A_59, %add3A_68 : i32
      %mul3A_70 = arith.constant 16 : i32
      %mul3A_71 = arith.muli %add3A_69, %mul3A_70 : i32
      %add3A_72 = arith.addi %arg1, %mul3A_71 : i32
      %lt3A_73 = arith.constant 3130 : i32
      %lt3A_74 = arith.cmpi slt, %add3A_72, %lt3A_73 : i32
      %convert_element_type3A_75 = arith.extui %lt3A_74 : i1 to i32
      %cond3A_76 = arith.constant 0 : i32
      %cond3A_77 = arith.cmpi ne, %convert_element_type3A_75, %cond3A_76 : i32
      scf.if %cond3A_77 {
        %add3A_98 = arith.constant 3120 : i32
        %add3A_99 = arith.addi %add3A_98, %add3A_72 : i32
        %dma_start3A = arith.constant 0 : i32
        %dma_start3A_100 = arith.constant 0 : i32
        %dma_start3A_101 = arith.constant 0 : i32
        %dma_start3A_102 = tpu.memref_slice %arg6[%dma_start3A_100, %dma_start3A_101] : memref<2x128xi32, #tpu.memory_space<vmem>> -> memref<1x128xi32, #tpu.memory_space<vmem>>
        %dma_start3A_103 = arith.constant 0 : i32
        %dma_start3A_104 = tpu.memref_slice %arg2[%add3A_99, %dma_start3A_103] : memref<6250x128xi32, #tpu.memory_space<hbm>> -> memref<1x128xi32, #tpu.memory_space<hbm>>
        %dma_start3A_105 = tpu.memref_slice %arg9[%dma_start3A] : memref<2x!tpu.dma_semaphore, #tpu.memory_space<semaphore_mem>> -> memref<1x!tpu.dma_semaphore, #tpu.memory_space<semaphore_mem>>
        %dma_start3A_106 = tpu.memref_squeeze %dma_start3A_105 : memref<1x!tpu.dma_semaphore, #tpu.memory_space<semaphore_mem>> -> memref<!tpu.dma_semaphore, #tpu.memory_space<semaphore_mem>>
        %dma_start3A_107 = arith.constant 0 : i32
        %dma_start3A_108 = arith.constant 0 : i32
        %dma_start3A_109 = tpu.memref_slice %arg6[%dma_start3A_107, %dma_start3A_108] : memref<2x128xi32, #tpu.memory_space<vmem>> -> memref<1x128xi32, #tpu.memory_space<vmem>>
        %dma_start3A_110 = arith.constant 0 : i32
        %dma_start3A_111 = tpu.memref_slice %arg2[%add3A_99, %dma_start3A_110] : memref<6250x128xi32, #tpu.memory_space<hbm>> -> memref<1x128xi32, #tpu.memory_space<hbm>>
        tpu.enqueue_dma source(%dma_start3A_111 : memref<1x128xi32, #tpu.memory_space<hbm>>) target(%dma_start3A_109 : memref<1x128xi32, #tpu.memory_space<vmem>>) target_semaphore(%dma_start3A_106 : memref<!tpu.dma_semaphore, #tpu.memory_space<semaphore_mem>>)
        %mul3A_112 = arith.constant 128 : i32
        %mul3A_113 = arith.muli %add3A_72, %mul3A_112 : i32
        %mul3A_114 = arith.constant 32 : i32
        %mul3A_115 = arith.muli %add3A_0, %mul3A_114 : i32
        %dma_start3A_116 = arith.constant 0 : i32
        %dma_start3A_117 = arith.constant 0 : i32
        %dma_start3A_118 = arith.constant 0 : i32
        %dma_start3A_119 = arith.constant 0 : i32
        %dma_start3A_120 = tpu.memref_slice %arg7[%dma_start3A_116, %dma_start3A_118, %dma_start3A_119] : memref<2x128x32xf32, #tpu.memory_space<vmem>> -> memref<1x128x32xf32, #tpu.memory_space<vmem>>
        %dma_start3A_121 = tpu.memref_squeeze %dma_start3A_120 : memref<1x128x32xf32, #tpu.memory_space<vmem>> -> memref<128x32xf32, #tpu.memory_space<vmem>>
        %dma_start3A_122 = tpu.memref_slice %arg3[%mul3A_113, %mul3A_115] : memref<400640x128xf32, #tpu.memory_space<hbm>> -> memref<128x32xf32, #tpu.memory_space<hbm>>
        %dma_start3A_123 = tpu.memref_slice %arg9[%dma_start3A_117] : memref<2x!tpu.dma_semaphore, #tpu.memory_space<semaphore_mem>> -> memref<1x!tpu.dma_semaphore, #tpu.memory_space<semaphore_mem>>
        %dma_start3A_124 = tpu.memref_squeeze %dma_start3A_123 : memref<1x!tpu.dma_semaphore, #tpu.memory_space<semaphore_mem>> -> memref<!tpu.dma_semaphore, #tpu.memory_space<semaphore_mem>>
        %dma_start3A_125 = arith.constant 0 : i32
        %dma_start3A_126 = arith.constant 0 : i32
        %dma_start3A_127 = tpu.memref_slice %arg7[%dma_start3A_116, %dma_start3A_125, %dma_start3A_126] : memref<2x128x32xf32, #tpu.memory_space<vmem>> -> memref<1x128x32xf32, #tpu.memory_space<vmem>>
        %dma_start3A_128 = tpu.memref_squeeze %dma_start3A_127 : memref<1x128x32xf32, #tpu.memory_space<vmem>> -> memref<128x32xf32, #tpu.memory_space<vmem>>
        %dma_start3A_129 = tpu.memref_slice %arg3[%mul3A_113, %mul3A_115] : memref<400640x128xf32, #tpu.memory_space<hbm>> -> memref<128x32xf32, #tpu.memory_space<hbm>>
        tpu.enqueue_dma source(%dma_start3A_129 : memref<128x32xf32, #tpu.memory_space<hbm>>) target(%dma_start3A_128 : memref<128x32xf32, #tpu.memory_space<vmem>>) target_semaphore(%dma_start3A_124 : memref<!tpu.dma_semaphore, #tpu.memory_space<semaphore_mem>>)
      } else {
      }
      %add3A_78 = arith.constant 1 : i32
      %add3A_79 = arith.addi %mul3A_59, %add3A_78 : i32
      %mul3A_80 = arith.constant 16 : i32
      %mul3A_81 = arith.muli %add3A_79, %mul3A_80 : i32
      %add3A_82 = arith.addi %arg1, %mul3A_81 : i32
      %lt3A_83 = arith.constant 3130 : i32
      %lt3A_84 = arith.cmpi slt, %add3A_82, %lt3A_83 : i32
      %convert_element_type3A_85 = arith.extui %lt3A_84 : i1 to i32
      %cond3A_86 = arith.constant 0 : i32
      %cond3A_87 = arith.cmpi ne, %convert_element_type3A_85, %cond3A_86 : i32
      scf.if %cond3A_87 {
        %add3A_98 = arith.constant 3120 : i32
        %add3A_99 = arith.addi %add3A_98, %add3A_82 : i32
        %dma_wait3A = arith.constant 1 : i32
        %dma_wait3A_100 = arith.constant 1 : i32
        %dma_wait3A_101 = arith.constant 0 : i32
        %dma_wait3A_102 = tpu.memref_slice %arg6[%dma_wait3A_100, %dma_wait3A_101] : memref<2x128xi32, #tpu.memory_space<vmem>> -> memref<1x128xi32, #tpu.memory_space<vmem>>
        %dma_wait3A_103 = arith.constant 0 : i32
        %dma_wait3A_104 = tpu.memref_slice %arg2[%add3A_99, %dma_wait3A_103] : memref<6250x128xi32, #tpu.memory_space<hbm>> -> memref<1x128xi32, #tpu.memory_space<hbm>>
        %dma_wait3A_105 = tpu.memref_slice %arg9[%dma_wait3A] : memref<2x!tpu.dma_semaphore, #tpu.memory_space<semaphore_mem>> -> memref<1x!tpu.dma_semaphore, #tpu.memory_space<semaphore_mem>>
        %dma_wait3A_106 = tpu.memref_squeeze %dma_wait3A_105 : memref<1x!tpu.dma_semaphore, #tpu.memory_space<semaphore_mem>> -> memref<!tpu.dma_semaphore, #tpu.memory_space<semaphore_mem>>
        %dma_wait3A_107 = arith.constant 1 : i32
        %dma_wait3A_108 = arith.constant 0 : i32
        %dma_wait3A_109 = tpu.memref_slice %arg6[%dma_wait3A_107, %dma_wait3A_108] : memref<2x128xi32, #tpu.memory_space<vmem>> -> memref<1x128xi32, #tpu.memory_space<vmem>>
        %dma_wait3A_110 = arith.constant 0 : i32
        %dma_wait3A_111 = tpu.memref_slice %arg2[%add3A_99, %dma_wait3A_110] : memref<6250x128xi32, #tpu.memory_space<hbm>> -> memref<1x128xi32, #tpu.memory_space<hbm>>
        tpu.wait_dma2 semaphore(%dma_wait3A_106 : memref<!tpu.dma_semaphore, #tpu.memory_space<semaphore_mem>>) src(%dma_wait3A_111 : memref<1x128xi32, #tpu.memory_space<hbm>>) dst(%dma_wait3A_109 : memref<1x128xi32, #tpu.memory_space<vmem>>)
        %mul3A_112 = arith.constant 128 : i32
        %mul3A_113 = arith.muli %add3A_82, %mul3A_112 : i32
        %mul3A_114 = arith.constant 32 : i32
        %mul3A_115 = arith.muli %add3A_0, %mul3A_114 : i32
        %dma_wait3A_116 = arith.constant 1 : i32
        %dma_wait3A_117 = arith.constant 1 : i32
        %dma_wait3A_118 = arith.constant 0 : i32
        %dma_wait3A_119 = arith.constant 0 : i32
        %dma_wait3A_120 = tpu.memref_slice %arg7[%dma_wait3A_116, %dma_wait3A_118, %dma_wait3A_119] : memref<2x128x32xf32, #tpu.memory_space<vmem>> -> memref<1x128x32xf32, #tpu.memory_space<vmem>>
        %dma_wait3A_121 = tpu.memref_squeeze %dma_wait3A_120 : memref<1x128x32xf32, #tpu.memory_space<vmem>> -> memref<128x32xf32, #tpu.memory_space<vmem>>
        %dma_wait3A_122 = tpu.memref_slice %arg3[%mul3A_113, %mul3A_115] : memref<400640x128xf32, #tpu.memory_space<hbm>> -> memref<128x32xf32, #tpu.memory_space<hbm>>
        %dma_wait3A_123 = tpu.memref_slice %arg9[%dma_wait3A_117] : memref<2x!tpu.dma_semaphore, #tpu.memory_space<semaphore_mem>> -> memref<1x!tpu.dma_semaphore, #tpu.memory_space<semaphore_mem>>
        %dma_wait3A_124 = tpu.memref_squeeze %dma_wait3A_123 : memref<1x!tpu.dma_semaphore, #tpu.memory_space<semaphore_mem>> -> memref<!tpu.dma_semaphore, #tpu.memory_space<semaphore_mem>>
        %dma_wait3A_125 = arith.constant 0 : i32
        %dma_wait3A_126 = arith.constant 0 : i32
        %dma_wait3A_127 = tpu.memref_slice %arg7[%dma_wait3A_116, %dma_wait3A_125, %dma_wait3A_126] : memref<2x128x32xf32, #tpu.memory_space<vmem>> -> memref<1x128x32xf32, #tpu.memory_space<vmem>>
        %dma_wait3A_128 = tpu.memref_squeeze %dma_wait3A_127 : memref<1x128x32xf32, #tpu.memory_space<vmem>> -> memref<128x32xf32, #tpu.memory_space<vmem>>
        %dma_wait3A_129 = tpu.memref_slice %arg3[%mul3A_113, %mul3A_115] : memref<400640x128xf32, #tpu.memory_space<hbm>> -> memref<128x32xf32, #tpu.memory_space<hbm>>
        tpu.wait_dma2 semaphore(%dma_wait3A_124 : memref<!tpu.dma_semaphore, #tpu.memory_space<semaphore_mem>>) src(%dma_wait3A_129 : memref<128x32xf32, #tpu.memory_space<hbm>>) dst(%dma_wait3A_128 : memref<128x32xf32, #tpu.memory_space<vmem>>)
        %run_scoped3A = arith.constant 1 : i32
        %run_scoped3A_130 = arith.constant 1 : i32
        "tpu.region"() ({
          %run_scoped3A_131 = tpu.sem_alloc : memref<!tpu.dma_semaphore, #tpu.memory_space<semaphore_mem>>
          %dma_start3A = arith.constant 0 : i32
          %dma_start3A_132 = arith.constant 0 : i32
          %dma_start3A_133 = tpu.memref_slice %arg7[%run_scoped3A, %dma_start3A, %dma_start3A_132] : memref<2x128x32xf32, #tpu.memory_space<vmem>> -> memref<1x128x32xf32, #tpu.memory_space<vmem>>
          %dma_start3A_134 = tpu.memref_squeeze %dma_start3A_133 : memref<1x128x32xf32, #tpu.memory_space<vmem>> -> memref<128x32xf32, #tpu.memory_space<vmem>>
          %dma_start3A_135 = arith.constant 0 : i32
          %dma_start3A_136 = tpu.memref_slice %arg6[%run_scoped3A_130, %dma_start3A_135] : memref<2x128xi32, #tpu.memory_space<vmem>> -> memref<1x128xi32, #tpu.memory_space<vmem>>
          %dma_start3A_137 = tpu.memref_squeeze %dma_start3A_136 : memref<1x128xi32, #tpu.memory_space<vmem>> -> memref<128xi32, #tpu.memory_space<vmem>>
          %dma_start3A_138 = arith.constant 0 : i32
          %dma_start3A_139 = arith.constant 0 : i32
          %dma_start3A_140 = tpu.memref_slice %arg8[%dma_start3A_138, %dma_start3A_139] : memref<50000x32xf32, #tpu.memory_space<vmem_shared>> -> memref<50000x32xf32, #tpu.memory_space<vmem_shared>>
          tpu.enqueue_indirect_dma source(%dma_start3A_134 : memref<128x32xf32, #tpu.memory_space<vmem>>) target(%dma_start3A_140 : memref<50000x32xf32, #tpu.memory_space<vmem_shared>>) offsets(%dma_start3A_137 : memref<128xi32, #tpu.memory_space<vmem>>) semaphore(%run_scoped3A_131 : memref<!tpu.dma_semaphore, #tpu.memory_space<semaphore_mem>>) {add = true}
          %dma_wait3A_141 = arith.constant 0 : i32
          %dma_wait3A_142 = arith.constant 0 : i32
          %dma_wait3A_143 = tpu.memref_slice %arg7[%run_scoped3A, %dma_wait3A_141, %dma_wait3A_142] : memref<2x128x32xf32, #tpu.memory_space<vmem>> -> memref<1x128x32xf32, #tpu.memory_space<vmem>>
          %dma_wait3A_144 = tpu.memref_squeeze %dma_wait3A_143 : memref<1x128x32xf32, #tpu.memory_space<vmem>> -> memref<128x32xf32, #tpu.memory_space<vmem>>
          %dma_wait3A_145 = arith.constant 0 : i32
          %dma_wait3A_146 = tpu.memref_slice %arg6[%run_scoped3A_130, %dma_wait3A_145] : memref<2x128xi32, #tpu.memory_space<vmem>> -> memref<1x128xi32, #tpu.memory_space<vmem>>
          %dma_wait3A_147 = tpu.memref_squeeze %dma_wait3A_146 : memref<1x128xi32, #tpu.memory_space<vmem>> -> memref<128xi32, #tpu.memory_space<vmem>>
          %dma_wait3A_148 = arith.constant 0 : i32
          %dma_wait3A_149 = arith.constant 0 : i32
          %dma_wait3A_150 = tpu.memref_slice %arg8[%dma_wait3A_148, %dma_wait3A_149] : memref<50000x32xf32, #tpu.memory_space<vmem_shared>> -> memref<50000x32xf32, #tpu.memory_space<vmem_shared>>
          tpu.wait_indirect_dma semaphore(%run_scoped3A_131 : memref<!tpu.dma_semaphore, #tpu.memory_space<semaphore_mem>>) src(%dma_wait3A_144 : memref<128x32xf32, #tpu.memory_space<vmem>>) dst(%dma_wait3A_150 : memref<50000x32xf32, #tpu.memory_space<vmem_shared>>)
          tpu.yield
        }) : () -> ()
      } else {
      }
      %add3A_88 = arith.constant 3 : i32
      %add3A_89 = arith.addi %mul3A_59, %add3A_88 : i32
      %mul3A_90 = arith.constant 16 : i32
      %mul3A_91 = arith.muli %add3A_89, %mul3A_90 : i32
      %add3A_92 = arith.addi %arg1, %mul3A_91 : i32
      %lt3A_93 = arith.constant 3130 : i32
      %lt3A_94 = arith.cmpi slt, %add3A_92, %lt3A_93 : i32
      %convert_element_type3A_95 = arith.extui %lt3A_94 : i1 to i32
      %cond3A_96 = arith.constant 0 : i32
      %cond3A_97 = arith.cmpi ne, %convert_element_type3A_95, %cond3A_96 : i32
      scf.if %cond3A_97 {
        %add3A_98 = arith.constant 3120 : i32
        %add3A_99 = arith.addi %add3A_98, %add3A_92 : i32
        %dma_start3A = arith.constant 1 : i32
        %dma_start3A_100 = arith.constant 1 : i32
        %dma_start3A_101 = arith.constant 0 : i32
        %dma_start3A_102 = tpu.memref_slice %arg6[%dma_start3A_100, %dma_start3A_101] : memref<2x128xi32, #tpu.memory_space<vmem>> -> memref<1x128xi32, #tpu.memory_space<vmem>>
        %dma_start3A_103 = arith.constant 0 : i32
        %dma_start3A_104 = tpu.memref_slice %arg2[%add3A_99, %dma_start3A_103] : memref<6250x128xi32, #tpu.memory_space<hbm>> -> memref<1x128xi32, #tpu.memory_space<hbm>>
        %dma_start3A_105 = tpu.memref_slice %arg9[%dma_start3A] : memref<2x!tpu.dma_semaphore, #tpu.memory_space<semaphore_mem>> -> memref<1x!tpu.dma_semaphore, #tpu.memory_space<semaphore_mem>>
        %dma_start3A_106 = tpu.memref_squeeze %dma_start3A_105 : memref<1x!tpu.dma_semaphore, #tpu.memory_space<semaphore_mem>> -> memref<!tpu.dma_semaphore, #tpu.memory_space<semaphore_mem>>
        %dma_start3A_107 = arith.constant 1 : i32
        %dma_start3A_108 = arith.constant 0 : i32
        %dma_start3A_109 = tpu.memref_slice %arg6[%dma_start3A_107, %dma_start3A_108] : memref<2x128xi32, #tpu.memory_space<vmem>> -> memref<1x128xi32, #tpu.memory_space<vmem>>
        %dma_start3A_110 = arith.constant 0 : i32
        %dma_start3A_111 = tpu.memref_slice %arg2[%add3A_99, %dma_start3A_110] : memref<6250x128xi32, #tpu.memory_space<hbm>> -> memref<1x128xi32, #tpu.memory_space<hbm>>
        tpu.enqueue_dma source(%dma_start3A_111 : memref<1x128xi32, #tpu.memory_space<hbm>>) target(%dma_start3A_109 : memref<1x128xi32, #tpu.memory_space<vmem>>) target_semaphore(%dma_start3A_106 : memref<!tpu.dma_semaphore, #tpu.memory_space<semaphore_mem>>)
        %mul3A_112 = arith.constant 128 : i32
        %mul3A_113 = arith.muli %add3A_92, %mul3A_112 : i32
        %mul3A_114 = arith.constant 32 : i32
        %mul3A_115 = arith.muli %add3A_0, %mul3A_114 : i32
        %dma_start3A_116 = arith.constant 1 : i32
        %dma_start3A_117 = arith.constant 1 : i32
        %dma_start3A_118 = arith.constant 0 : i32
        %dma_start3A_119 = arith.constant 0 : i32
        %dma_start3A_120 = tpu.memref_slice %arg7[%dma_start3A_116, %dma_start3A_118, %dma_start3A_119] : memref<2x128x32xf32, #tpu.memory_space<vmem>> -> memref<1x128x32xf32, #tpu.memory_space<vmem>>
        %dma_start3A_121 = tpu.memref_squeeze %dma_start3A_120 : memref<1x128x32xf32, #tpu.memory_space<vmem>> -> memref<128x32xf32, #tpu.memory_space<vmem>>
        %dma_start3A_122 = tpu.memref_slice %arg3[%mul3A_113, %mul3A_115] : memref<400640x128xf32, #tpu.memory_space<hbm>> -> memref<128x32xf32, #tpu.memory_space<hbm>>
        %dma_start3A_123 = tpu.memref_slice %arg9[%dma_start3A_117] : memref<2x!tpu.dma_semaphore, #tpu.memory_space<semaphore_mem>> -> memref<1x!tpu.dma_semaphore, #tpu.memory_space<semaphore_mem>>
        %dma_start3A_124 = tpu.memref_squeeze %dma_start3A_123 : memref<1x!tpu.dma_semaphore, #tpu.memory_space<semaphore_mem>> -> memref<!tpu.dma_semaphore, #tpu.memory_space<semaphore_mem>>
        %dma_start3A_125 = arith.constant 0 : i32
        %dma_start3A_126 = arith.constant 0 : i32
        %dma_start3A_127 = tpu.memref_slice %arg7[%dma_start3A_116, %dma_start3A_125, %dma_start3A_126] : memref<2x128x32xf32, #tpu.memory_space<vmem>> -> memref<1x128x32xf32, #tpu.memory_space<vmem>>
        %dma_start3A_128 = tpu.memref_squeeze %dma_start3A_127 : memref<1x128x32xf32, #tpu.memory_space<vmem>> -> memref<128x32xf32, #tpu.memory_space<vmem>>
        %dma_start3A_129 = tpu.memref_slice %arg3[%mul3A_113, %mul3A_115] : memref<400640x128xf32, #tpu.memory_space<hbm>> -> memref<128x32xf32, #tpu.memory_space<hbm>>
        tpu.enqueue_dma source(%dma_start3A_129 : memref<128x32xf32, #tpu.memory_space<hbm>>) target(%dma_start3A_128 : memref<128x32xf32, #tpu.memory_space<vmem>>) target_semaphore(%dma_start3A_124 : memref<!tpu.dma_semaphore, #tpu.memory_space<semaphore_mem>>)
      } else {
      }
    }
    %scan3A_18 = arith.constant 98 : i32
    %barrier3A_19 = arith.constant 0 : index
    tpu.barrier barrier_id(%barrier3A_19)
    %mul3A_20 = arith.constant 3125 : i32
    %mul3A_21 = arith.muli %arg1, %mul3A_20 : i32
    %mul3A_22 = arith.constant 3125 : i32
    %mul3A_23 = arith.muli %arg1, %mul3A_22 : i32
    "tpu.region"() ({
      %run_scoped3A = tpu.sem_alloc : memref<!tpu.dma_semaphore, #tpu.memory_space<semaphore_mem>>
      %dma_start3A = arith.constant 0 : i32
      %dma_start3A_57 = tpu.memref_slice %arg5[%add3A_0, %mul3A_23, %dma_start3A] : memref<4x50000x32xf32, #tpu.memory_space<hbm>> -> memref<1x3125x32xf32, #tpu.memory_space<hbm>>
      %dma_start3A_58 = tpu.memref_squeeze %dma_start3A_57 : memref<1x3125x32xf32, #tpu.memory_space<hbm>> -> memref<3125x32xf32, #tpu.memory_space<hbm>>
      %dma_start3A_59 = arith.constant 0 : i32
      %dma_start3A_60 = tpu.memref_slice %arg8[%mul3A_21, %dma_start3A_59] : memref<50000x32xf32, #tpu.memory_space<vmem_shared>> -> memref<3125x32xf32, #tpu.memory_space<vmem_shared>>
      tpu.enqueue_dma source(%dma_start3A_60 : memref<3125x32xf32, #tpu.memory_space<vmem_shared>>) target(%dma_start3A_58 : memref<3125x32xf32, #tpu.memory_space<hbm>>) target_semaphore(%run_scoped3A : memref<!tpu.dma_semaphore, #tpu.memory_space<semaphore_mem>>)
      %dma_wait3A = arith.constant 0 : i32
      %dma_wait3A_61 = tpu.memref_slice %arg5[%add3A_0, %mul3A_23, %dma_wait3A] : memref<4x50000x32xf32, #tpu.memory_space<hbm>> -> memref<1x3125x32xf32, #tpu.memory_space<hbm>>
      %dma_wait3A_62 = tpu.memref_squeeze %dma_wait3A_61 : memref<1x3125x32xf32, #tpu.memory_space<hbm>> -> memref<3125x32xf32, #tpu.memory_space<hbm>>
      %dma_wait3A_63 = arith.constant 0 : i32
      %dma_wait3A_64 = tpu.memref_slice %arg8[%mul3A_21, %dma_wait3A_63] : memref<50000x32xf32, #tpu.memory_space<vmem_shared>> -> memref<3125x32xf32, #tpu.memory_space<vmem_shared>>
      tpu.wait_dma2 semaphore(%run_scoped3A : memref<!tpu.dma_semaphore, #tpu.memory_space<semaphore_mem>>) src(%dma_wait3A_64 : memref<3125x32xf32, #tpu.memory_space<vmem_shared>>) dst(%dma_wait3A_62 : memref<3125x32xf32, #tpu.memory_space<hbm>>)
      tpu.yield
    }) : () -> ()
    %barrier3A_24 = arith.constant 0 : index
    tpu.barrier barrier_id(%barrier3A_24)
    %add3A_25 = arith.constant 2 : i32
    %add3A_26 = arith.addi %arg0, %add3A_25 : i32
    %mul3A_27 = arith.constant 3125 : i32
    %mul3A_28 = arith.muli %arg1, %mul3A_27 : i32
    %mul3A_29 = arith.constant 3125 : i32
    %mul3A_30 = arith.muli %arg1, %mul3A_29 : i32
    "tpu.region"() ({
      %run_scoped3A = tpu.sem_alloc : memref<!tpu.dma_semaphore, #tpu.memory_space<semaphore_mem>>
      %dma_start3A = arith.constant 0 : i32
      %dma_start3A_57 = tpu.memref_slice %arg8[%mul3A_30, %dma_start3A] : memref<50000x32xf32, #tpu.memory_space<vmem_shared>> -> memref<3125x32xf32, #tpu.memory_space<vmem_shared>>
      %dma_start3A_58 = arith.constant 0 : i32
      %dma_start3A_59 = tpu.memref_slice %arg4[%add3A_26, %mul3A_28, %dma_start3A_58] : memref<4x50000x32xf32, #tpu.memory_space<hbm>> -> memref<1x3125x32xf32, #tpu.memory_space<hbm>>
      %dma_start3A_60 = tpu.memref_squeeze %dma_start3A_59 : memref<1x3125x32xf32, #tpu.memory_space<hbm>> -> memref<3125x32xf32, #tpu.memory_space<hbm>>
      tpu.enqueue_dma source(%dma_start3A_60 : memref<3125x32xf32, #tpu.memory_space<hbm>>) target(%dma_start3A_57 : memref<3125x32xf32, #tpu.memory_space<vmem_shared>>) target_semaphore(%run_scoped3A : memref<!tpu.dma_semaphore, #tpu.memory_space<semaphore_mem>>)
      %dma_wait3A = arith.constant 0 : i32
      %dma_wait3A_61 = tpu.memref_slice %arg8[%mul3A_30, %dma_wait3A] : memref<50000x32xf32, #tpu.memory_space<vmem_shared>> -> memref<3125x32xf32, #tpu.memory_space<vmem_shared>>
      %dma_wait3A_62 = arith.constant 0 : i32
      %dma_wait3A_63 = tpu.memref_slice %arg4[%add3A_26, %mul3A_28, %dma_wait3A_62] : memref<4x50000x32xf32, #tpu.memory_space<hbm>> -> memref<1x3125x32xf32, #tpu.memory_space<hbm>>
      %dma_wait3A_64 = tpu.memref_squeeze %dma_wait3A_63 : memref<1x3125x32xf32, #tpu.memory_space<hbm>> -> memref<3125x32xf32, #tpu.memory_space<hbm>>
      tpu.wait_dma2 semaphore(%run_scoped3A : memref<!tpu.dma_semaphore, #tpu.memory_space<semaphore_mem>>) src(%dma_wait3A_64 : memref<3125x32xf32, #tpu.memory_space<hbm>>) dst(%dma_wait3A_61 : memref<3125x32xf32, #tpu.memory_space<vmem_shared>>)
      tpu.yield
    }) : () -> ()
    %barrier3A_31 = arith.constant 0 : index
    tpu.barrier barrier_id(%barrier3A_31)
    %add3A_32 = arith.constant 0 : i32
    %add3A_33 = arith.addi %arg1, %add3A_32 : i32
    %lt3A_34 = arith.constant 3130 : i32
    %lt3A_35 = arith.cmpi slt, %add3A_33, %lt3A_34 : i32
    %convert_element_type3A_36 = arith.extui %lt3A_35 : i1 to i32
    %cond3A_37 = arith.constant 0 : i32
    %cond3A_38 = arith.cmpi ne, %convert_element_type3A_36, %cond3A_37 : i32
    scf.if %cond3A_38 {
      %add3A_57 = arith.constant 3120 : i32
      %add3A_58 = arith.addi %add3A_57, %add3A_33 : i32
      %dma_start3A = arith.constant 0 : i32
      %dma_start3A_59 = arith.constant 0 : i32
      %dma_start3A_60 = arith.constant 0 : i32
      %dma_start3A_61 = tpu.memref_slice %arg6[%dma_start3A_59, %dma_start3A_60] : memref<2x128xi32, #tpu.memory_space<vmem>> -> memref<1x128xi32, #tpu.memory_space<vmem>>
      %dma_start3A_62 = arith.constant 0 : i32
      %dma_start3A_63 = tpu.memref_slice %arg2[%add3A_58, %dma_start3A_62] : memref<6250x128xi32, #tpu.memory_space<hbm>> -> memref<1x128xi32, #tpu.memory_space<hbm>>
      %dma_start3A_64 = tpu.memref_slice %arg9[%dma_start3A] : memref<2x!tpu.dma_semaphore, #tpu.memory_space<semaphore_mem>> -> memref<1x!tpu.dma_semaphore, #tpu.memory_space<semaphore_mem>>
      %dma_start3A_65 = tpu.memref_squeeze %dma_start3A_64 : memref<1x!tpu.dma_semaphore, #tpu.memory_space<semaphore_mem>> -> memref<!tpu.dma_semaphore, #tpu.memory_space<semaphore_mem>>
      %dma_start3A_66 = arith.constant 0 : i32
      %dma_start3A_67 = arith.constant 0 : i32
      %dma_start3A_68 = tpu.memref_slice %arg6[%dma_start3A_66, %dma_start3A_67] : memref<2x128xi32, #tpu.memory_space<vmem>> -> memref<1x128xi32, #tpu.memory_space<vmem>>
      %dma_start3A_69 = arith.constant 0 : i32
      %dma_start3A_70 = tpu.memref_slice %arg2[%add3A_58, %dma_start3A_69] : memref<6250x128xi32, #tpu.memory_space<hbm>> -> memref<1x128xi32, #tpu.memory_space<hbm>>
      tpu.enqueue_dma source(%dma_start3A_70 : memref<1x128xi32, #tpu.memory_space<hbm>>) target(%dma_start3A_68 : memref<1x128xi32, #tpu.memory_space<vmem>>) target_semaphore(%dma_start3A_65 : memref<!tpu.dma_semaphore, #tpu.memory_space<semaphore_mem>>)
      %mul3A_71 = arith.constant 128 : i32
      %mul3A_72 = arith.muli %add3A_33, %mul3A_71 : i32
      %mul3A_73 = arith.constant 32 : i32
      %mul3A_74 = arith.muli %add3A_26, %mul3A_73 : i32
      %dma_start3A_75 = arith.constant 0 : i32
      %dma_start3A_76 = arith.constant 0 : i32
      %dma_start3A_77 = arith.constant 0 : i32
      %dma_start3A_78 = arith.constant 0 : i32
      %dma_start3A_79 = tpu.memref_slice %arg7[%dma_start3A_75, %dma_start3A_77, %dma_start3A_78] : memref<2x128x32xf32, #tpu.memory_space<vmem>> -> memref<1x128x32xf32, #tpu.memory_space<vmem>>
      %dma_start3A_80 = tpu.memref_squeeze %dma_start3A_79 : memref<1x128x32xf32, #tpu.memory_space<vmem>> -> memref<128x32xf32, #tpu.memory_space<vmem>>
      %dma_start3A_81 = tpu.memref_slice %arg3[%mul3A_72, %mul3A_74] : memref<400640x128xf32, #tpu.memory_space<hbm>> -> memref<128x32xf32, #tpu.memory_space<hbm>>
      %dma_start3A_82 = tpu.memref_slice %arg9[%dma_start3A_76] : memref<2x!tpu.dma_semaphore, #tpu.memory_space<semaphore_mem>> -> memref<1x!tpu.dma_semaphore, #tpu.memory_space<semaphore_mem>>
      %dma_start3A_83 = tpu.memref_squeeze %dma_start3A_82 : memref<1x!tpu.dma_semaphore, #tpu.memory_space<semaphore_mem>> -> memref<!tpu.dma_semaphore, #tpu.memory_space<semaphore_mem>>
      %dma_start3A_84 = arith.constant 0 : i32
      %dma_start3A_85 = arith.constant 0 : i32
      %dma_start3A_86 = tpu.memref_slice %arg7[%dma_start3A_75, %dma_start3A_84, %dma_start3A_85] : memref<2x128x32xf32, #tpu.memory_space<vmem>> -> memref<1x128x32xf32, #tpu.memory_space<vmem>>
      %dma_start3A_87 = tpu.memref_squeeze %dma_start3A_86 : memref<1x128x32xf32, #tpu.memory_space<vmem>> -> memref<128x32xf32, #tpu.memory_space<vmem>>
      %dma_start3A_88 = tpu.memref_slice %arg3[%mul3A_72, %mul3A_74] : memref<400640x128xf32, #tpu.memory_space<hbm>> -> memref<128x32xf32, #tpu.memory_space<hbm>>
      tpu.enqueue_dma source(%dma_start3A_88 : memref<128x32xf32, #tpu.memory_space<hbm>>) target(%dma_start3A_87 : memref<128x32xf32, #tpu.memory_space<vmem>>) target_semaphore(%dma_start3A_83 : memref<!tpu.dma_semaphore, #tpu.memory_space<semaphore_mem>>)
    } else {
    }
    %add3A_39 = arith.constant 16 : i32
    %add3A_40 = arith.addi %arg1, %add3A_39 : i32
    %lt3A_41 = arith.constant 3130 : i32
    %lt3A_42 = arith.cmpi slt, %add3A_40, %lt3A_41 : i32
    %convert_element_type3A_43 = arith.extui %lt3A_42 : i1 to i32
    %cond3A_44 = arith.constant 0 : i32
    %cond3A_45 = arith.cmpi ne, %convert_element_type3A_43, %cond3A_44 : i32
    scf.if %cond3A_45 {
      %add3A_57 = arith.constant 3120 : i32
      %add3A_58 = arith.addi %add3A_57, %add3A_40 : i32
      %dma_start3A = arith.constant 1 : i32
      %dma_start3A_59 = arith.constant 1 : i32
      %dma_start3A_60 = arith.constant 0 : i32
      %dma_start3A_61 = tpu.memref_slice %arg6[%dma_start3A_59, %dma_start3A_60] : memref<2x128xi32, #tpu.memory_space<vmem>> -> memref<1x128xi32, #tpu.memory_space<vmem>>
      %dma_start3A_62 = arith.constant 0 : i32
      %dma_start3A_63 = tpu.memref_slice %arg2[%add3A_58, %dma_start3A_62] : memref<6250x128xi32, #tpu.memory_space<hbm>> -> memref<1x128xi32, #tpu.memory_space<hbm>>
      %dma_start3A_64 = tpu.memref_slice %arg9[%dma_start3A] : memref<2x!tpu.dma_semaphore, #tpu.memory_space<semaphore_mem>> -> memref<1x!tpu.dma_semaphore, #tpu.memory_space<semaphore_mem>>
      %dma_start3A_65 = tpu.memref_squeeze %dma_start3A_64 : memref<1x!tpu.dma_semaphore, #tpu.memory_space<semaphore_mem>> -> memref<!tpu.dma_semaphore, #tpu.memory_space<semaphore_mem>>
      %dma_start3A_66 = arith.constant 1 : i32
      %dma_start3A_67 = arith.constant 0 : i32
      %dma_start3A_68 = tpu.memref_slice %arg6[%dma_start3A_66, %dma_start3A_67] : memref<2x128xi32, #tpu.memory_space<vmem>> -> memref<1x128xi32, #tpu.memory_space<vmem>>
      %dma_start3A_69 = arith.constant 0 : i32
      %dma_start3A_70 = tpu.memref_slice %arg2[%add3A_58, %dma_start3A_69] : memref<6250x128xi32, #tpu.memory_space<hbm>> -> memref<1x128xi32, #tpu.memory_space<hbm>>
      tpu.enqueue_dma source(%dma_start3A_70 : memref<1x128xi32, #tpu.memory_space<hbm>>) target(%dma_start3A_68 : memref<1x128xi32, #tpu.memory_space<vmem>>) target_semaphore(%dma_start3A_65 : memref<!tpu.dma_semaphore, #tpu.memory_space<semaphore_mem>>)
      %mul3A_71 = arith.constant 128 : i32
      %mul3A_72 = arith.muli %add3A_40, %mul3A_71 : i32
      %mul3A_73 = arith.constant 32 : i32
      %mul3A_74 = arith.muli %add3A_26, %mul3A_73 : i32
      %dma_start3A_75 = arith.constant 1 : i32
      %dma_start3A_76 = arith.constant 1 : i32
      %dma_start3A_77 = arith.constant 0 : i32
      %dma_start3A_78 = arith.constant 0 : i32
      %dma_start3A_79 = tpu.memref_slice %arg7[%dma_start3A_75, %dma_start3A_77, %dma_start3A_78] : memref<2x128x32xf32, #tpu.memory_space<vmem>> -> memref<1x128x32xf32, #tpu.memory_space<vmem>>
      %dma_start3A_80 = tpu.memref_squeeze %dma_start3A_79 : memref<1x128x32xf32, #tpu.memory_space<vmem>> -> memref<128x32xf32, #tpu.memory_space<vmem>>
      %dma_start3A_81 = tpu.memref_slice %arg3[%mul3A_72, %mul3A_74] : memref<400640x128xf32, #tpu.memory_space<hbm>> -> memref<128x32xf32, #tpu.memory_space<hbm>>
      %dma_start3A_82 = tpu.memref_slice %arg9[%dma_start3A_76] : memref<2x!tpu.dma_semaphore, #tpu.memory_space<semaphore_mem>> -> memref<1x!tpu.dma_semaphore, #tpu.memory_space<semaphore_mem>>
      %dma_start3A_83 = tpu.memref_squeeze %dma_start3A_82 : memref<1x!tpu.dma_semaphore, #tpu.memory_space<semaphore_mem>> -> memref<!tpu.dma_semaphore, #tpu.memory_space<semaphore_mem>>
      %dma_start3A_84 = arith.constant 0 : i32
      %dma_start3A_85 = arith.constant 0 : i32
      %dma_start3A_86 = tpu.memref_slice %arg7[%dma_start3A_75, %dma_start3A_84, %dma_start3A_85] : memref<2x128x32xf32, #tpu.memory_space<vmem>> -> memref<1x128x32xf32, #tpu.memory_space<vmem>>
      %dma_start3A_87 = tpu.memref_squeeze %dma_start3A_86 : memref<1x128x32xf32, #tpu.memory_space<vmem>> -> memref<128x32xf32, #tpu.memory_space<vmem>>
      %dma_start3A_88 = tpu.memref_slice %arg3[%mul3A_72, %mul3A_74] : memref<400640x128xf32, #tpu.memory_space<hbm>> -> memref<128x32xf32, #tpu.memory_space<hbm>>
      tpu.enqueue_dma source(%dma_start3A_88 : memref<128x32xf32, #tpu.memory_space<hbm>>) target(%dma_start3A_87 : memref<128x32xf32, #tpu.memory_space<vmem>>) target_semaphore(%dma_start3A_83 : memref<!tpu.dma_semaphore, #tpu.memory_space<semaphore_mem>>)
    } else {
    }
    %scan3A_46 = arith.constant 0 : i32
    %scan3A_47 = arith.constant 98 : i32
    %scan3A_48 = arith.addi %scan3A_46, %scan3A_47 : i32
    %scan3A_49 = arith.constant 1 : i32
    scf.for %scan3A_57 = %scan3A_46 to %scan3A_48 step %scan3A_49  : i32 {
      %mul3A_58 = arith.constant 2 : i32
      %mul3A_59 = arith.muli %scan3A_57, %mul3A_58 : i32
      %mul3A_60 = arith.constant 16 : i32
      %mul3A_61 = arith.muli %mul3A_59, %mul3A_60 : i32
      %add3A_62 = arith.addi %arg1, %mul3A_61 : i32
      %lt3A_63 = arith.constant 3130 : i32
      %lt3A_64 = arith.cmpi slt, %add3A_62, %lt3A_63 : i32
      %convert_element_type3A_65 = arith.extui %lt3A_64 : i1 to i32
      %cond3A_66 = arith.constant 0 : i32
      %cond3A_67 = arith.cmpi ne, %convert_element_type3A_65, %cond3A_66 : i32
      scf.if %cond3A_67 {
        %add3A_98 = arith.constant 3120 : i32
        %add3A_99 = arith.addi %add3A_98, %add3A_62 : i32
        %dma_wait3A = arith.constant 0 : i32
        %dma_wait3A_100 = arith.constant 0 : i32
        %dma_wait3A_101 = arith.constant 0 : i32
        %dma_wait3A_102 = tpu.memref_slice %arg6[%dma_wait3A_100, %dma_wait3A_101] : memref<2x128xi32, #tpu.memory_space<vmem>> -> memref<1x128xi32, #tpu.memory_space<vmem>>
        %dma_wait3A_103 = arith.constant 0 : i32
        %dma_wait3A_104 = tpu.memref_slice %arg2[%add3A_99, %dma_wait3A_103] : memref<6250x128xi32, #tpu.memory_space<hbm>> -> memref<1x128xi32, #tpu.memory_space<hbm>>
        %dma_wait3A_105 = tpu.memref_slice %arg9[%dma_wait3A] : memref<2x!tpu.dma_semaphore, #tpu.memory_space<semaphore_mem>> -> memref<1x!tpu.dma_semaphore, #tpu.memory_space<semaphore_mem>>
        %dma_wait3A_106 = tpu.memref_squeeze %dma_wait3A_105 : memref<1x!tpu.dma_semaphore, #tpu.memory_space<semaphore_mem>> -> memref<!tpu.dma_semaphore, #tpu.memory_space<semaphore_mem>>
        %dma_wait3A_107 = arith.constant 0 : i32
        %dma_wait3A_108 = arith.constant 0 : i32
        %dma_wait3A_109 = tpu.memref_slice %arg6[%dma_wait3A_107, %dma_wait3A_108] : memref<2x128xi32, #tpu.memory_space<vmem>> -> memref<1x128xi32, #tpu.memory_space<vmem>>
        %dma_wait3A_110 = arith.constant 0 : i32
        %dma_wait3A_111 = tpu.memref_slice %arg2[%add3A_99, %dma_wait3A_110] : memref<6250x128xi32, #tpu.memory_space<hbm>> -> memref<1x128xi32, #tpu.memory_space<hbm>>
        tpu.wait_dma2 semaphore(%dma_wait3A_106 : memref<!tpu.dma_semaphore, #tpu.memory_space<semaphore_mem>>) src(%dma_wait3A_111 : memref<1x128xi32, #tpu.memory_space<hbm>>) dst(%dma_wait3A_109 : memref<1x128xi32, #tpu.memory_space<vmem>>)
        %mul3A_112 = arith.constant 128 : i32
        %mul3A_113 = arith.muli %add3A_62, %mul3A_112 : i32
        %mul3A_114 = arith.constant 32 : i32
        %mul3A_115 = arith.muli %add3A_26, %mul3A_114 : i32
        %dma_wait3A_116 = arith.constant 0 : i32
        %dma_wait3A_117 = arith.constant 0 : i32
        %dma_wait3A_118 = arith.constant 0 : i32
        %dma_wait3A_119 = arith.constant 0 : i32
        %dma_wait3A_120 = tpu.memref_slice %arg7[%dma_wait3A_116, %dma_wait3A_118, %dma_wait3A_119] : memref<2x128x32xf32, #tpu.memory_space<vmem>> -> memref<1x128x32xf32, #tpu.memory_space<vmem>>
        %dma_wait3A_121 = tpu.memref_squeeze %dma_wait3A_120 : memref<1x128x32xf32, #tpu.memory_space<vmem>> -> memref<128x32xf32, #tpu.memory_space<vmem>>
        %dma_wait3A_122 = tpu.memref_slice %arg3[%mul3A_113, %mul3A_115] : memref<400640x128xf32, #tpu.memory_space<hbm>> -> memref<128x32xf32, #tpu.memory_space<hbm>>
        %dma_wait3A_123 = tpu.memref_slice %arg9[%dma_wait3A_117] : memref<2x!tpu.dma_semaphore, #tpu.memory_space<semaphore_mem>> -> memref<1x!tpu.dma_semaphore, #tpu.memory_space<semaphore_mem>>
        %dma_wait3A_124 = tpu.memref_squeeze %dma_wait3A_123 : memref<1x!tpu.dma_semaphore, #tpu.memory_space<semaphore_mem>> -> memref<!tpu.dma_semaphore, #tpu.memory_space<semaphore_mem>>
        %dma_wait3A_125 = arith.constant 0 : i32
        %dma_wait3A_126 = arith.constant 0 : i32
        %dma_wait3A_127 = tpu.memref_slice %arg7[%dma_wait3A_116, %dma_wait3A_125, %dma_wait3A_126] : memref<2x128x32xf32, #tpu.memory_space<vmem>> -> memref<1x128x32xf32, #tpu.memory_space<vmem>>
        %dma_wait3A_128 = tpu.memref_squeeze %dma_wait3A_127 : memref<1x128x32xf32, #tpu.memory_space<vmem>> -> memref<128x32xf32, #tpu.memory_space<vmem>>
        %dma_wait3A_129 = tpu.memref_slice %arg3[%mul3A_113, %mul3A_115] : memref<400640x128xf32, #tpu.memory_space<hbm>> -> memref<128x32xf32, #tpu.memory_space<hbm>>
        tpu.wait_dma2 semaphore(%dma_wait3A_124 : memref<!tpu.dma_semaphore, #tpu.memory_space<semaphore_mem>>) src(%dma_wait3A_129 : memref<128x32xf32, #tpu.memory_space<hbm>>) dst(%dma_wait3A_128 : memref<128x32xf32, #tpu.memory_space<vmem>>)
        %run_scoped3A = arith.constant 0 : i32
        %run_scoped3A_130 = arith.constant 0 : i32
        "tpu.region"() ({
          %run_scoped3A_131 = tpu.sem_alloc : memref<!tpu.dma_semaphore, #tpu.memory_space<semaphore_mem>>
          %dma_start3A = arith.constant 0 : i32
          %dma_start3A_132 = arith.constant 0 : i32
          %dma_start3A_133 = tpu.memref_slice %arg7[%run_scoped3A, %dma_start3A, %dma_start3A_132] : memref<2x128x32xf32, #tpu.memory_space<vmem>> -> memref<1x128x32xf32, #tpu.memory_space<vmem>>
          %dma_start3A_134 = tpu.memref_squeeze %dma_start3A_133 : memref<1x128x32xf32, #tpu.memory_space<vmem>> -> memref<128x32xf32, #tpu.memory_space<vmem>>
          %dma_start3A_135 = arith.constant 0 : i32
          %dma_start3A_136 = tpu.memref_slice %arg6[%run_scoped3A_130, %dma_start3A_135] : memref<2x128xi32, #tpu.memory_space<vmem>> -> memref<1x128xi32, #tpu.memory_space<vmem>>
          %dma_start3A_137 = tpu.memref_squeeze %dma_start3A_136 : memref<1x128xi32, #tpu.memory_space<vmem>> -> memref<128xi32, #tpu.memory_space<vmem>>
          %dma_start3A_138 = arith.constant 0 : i32
          %dma_start3A_139 = arith.constant 0 : i32
          %dma_start3A_140 = tpu.memref_slice %arg8[%dma_start3A_138, %dma_start3A_139] : memref<50000x32xf32, #tpu.memory_space<vmem_shared>> -> memref<50000x32xf32, #tpu.memory_space<vmem_shared>>
          tpu.enqueue_indirect_dma source(%dma_start3A_134 : memref<128x32xf32, #tpu.memory_space<vmem>>) target(%dma_start3A_140 : memref<50000x32xf32, #tpu.memory_space<vmem_shared>>) offsets(%dma_start3A_137 : memref<128xi32, #tpu.memory_space<vmem>>) semaphore(%run_scoped3A_131 : memref<!tpu.dma_semaphore, #tpu.memory_space<semaphore_mem>>) {add = true}
          %dma_wait3A_141 = arith.constant 0 : i32
          %dma_wait3A_142 = arith.constant 0 : i32
          %dma_wait3A_143 = tpu.memref_slice %arg7[%run_scoped3A, %dma_wait3A_141, %dma_wait3A_142] : memref<2x128x32xf32, #tpu.memory_space<vmem>> -> memref<1x128x32xf32, #tpu.memory_space<vmem>>
          %dma_wait3A_144 = tpu.memref_squeeze %dma_wait3A_143 : memref<1x128x32xf32, #tpu.memory_space<vmem>> -> memref<128x32xf32, #tpu.memory_space<vmem>>
          %dma_wait3A_145 = arith.constant 0 : i32
          %dma_wait3A_146 = tpu.memref_slice %arg6[%run_scoped3A_130, %dma_wait3A_145] : memref<2x128xi32, #tpu.memory_space<vmem>> -> memref<1x128xi32, #tpu.memory_space<vmem>>
          %dma_wait3A_147 = tpu.memref_squeeze %dma_wait3A_146 : memref<1x128xi32, #tpu.memory_space<vmem>> -> memref<128xi32, #tpu.memory_space<vmem>>
          %dma_wait3A_148 = arith.constant 0 : i32
          %dma_wait3A_149 = arith.constant 0 : i32
          %dma_wait3A_150 = tpu.memref_slice %arg8[%dma_wait3A_148, %dma_wait3A_149] : memref<50000x32xf32, #tpu.memory_space<vmem_shared>> -> memref<50000x32xf32, #tpu.memory_space<vmem_shared>>
          tpu.wait_indirect_dma semaphore(%run_scoped3A_131 : memref<!tpu.dma_semaphore, #tpu.memory_space<semaphore_mem>>) src(%dma_wait3A_144 : memref<128x32xf32, #tpu.memory_space<vmem>>) dst(%dma_wait3A_150 : memref<50000x32xf32, #tpu.memory_space<vmem_shared>>)
          tpu.yield
        }) : () -> ()
      } else {
      }
      %add3A_68 = arith.constant 2 : i32
      %add3A_69 = arith.addi %mul3A_59, %add3A_68 : i32
      %mul3A_70 = arith.constant 16 : i32
      %mul3A_71 = arith.muli %add3A_69, %mul3A_70 : i32
      %add3A_72 = arith.addi %arg1, %mul3A_71 : i32
      %lt3A_73 = arith.constant 3130 : i32
      %lt3A_74 = arith.cmpi slt, %add3A_72, %lt3A_73 : i32
      %convert_element_type3A_75 = arith.extui %lt3A_74 : i1 to i32
      %cond3A_76 = arith.constant 0 : i32
      %cond3A_77 = arith.cmpi ne, %convert_element_type3A_75, %cond3A_76 : i32
      scf.if %cond3A_77 {
        %add3A_98 = arith.constant 3120 : i32
        %add3A_99 = arith.addi %add3A_98, %add3A_72 : i32
        %dma_start3A = arith.constant 0 : i32
        %dma_start3A_100 = arith.constant 0 : i32
        %dma_start3A_101 = arith.constant 0 : i32
        %dma_start3A_102 = tpu.memref_slice %arg6[%dma_start3A_100, %dma_start3A_101] : memref<2x128xi32, #tpu.memory_space<vmem>> -> memref<1x128xi32, #tpu.memory_space<vmem>>
        %dma_start3A_103 = arith.constant 0 : i32
        %dma_start3A_104 = tpu.memref_slice %arg2[%add3A_99, %dma_start3A_103] : memref<6250x128xi32, #tpu.memory_space<hbm>> -> memref<1x128xi32, #tpu.memory_space<hbm>>
        %dma_start3A_105 = tpu.memref_slice %arg9[%dma_start3A] : memref<2x!tpu.dma_semaphore, #tpu.memory_space<semaphore_mem>> -> memref<1x!tpu.dma_semaphore, #tpu.memory_space<semaphore_mem>>
        %dma_start3A_106 = tpu.memref_squeeze %dma_start3A_105 : memref<1x!tpu.dma_semaphore, #tpu.memory_space<semaphore_mem>> -> memref<!tpu.dma_semaphore, #tpu.memory_space<semaphore_mem>>
        %dma_start3A_107 = arith.constant 0 : i32
        %dma_start3A_108 = arith.constant 0 : i32
        %dma_start3A_109 = tpu.memref_slice %arg6[%dma_start3A_107, %dma_start3A_108] : memref<2x128xi32, #tpu.memory_space<vmem>> -> memref<1x128xi32, #tpu.memory_space<vmem>>
        %dma_start3A_110 = arith.constant 0 : i32
        %dma_start3A_111 = tpu.memref_slice %arg2[%add3A_99, %dma_start3A_110] : memref<6250x128xi32, #tpu.memory_space<hbm>> -> memref<1x128xi32, #tpu.memory_space<hbm>>
        tpu.enqueue_dma source(%dma_start3A_111 : memref<1x128xi32, #tpu.memory_space<hbm>>) target(%dma_start3A_109 : memref<1x128xi32, #tpu.memory_space<vmem>>) target_semaphore(%dma_start3A_106 : memref<!tpu.dma_semaphore, #tpu.memory_space<semaphore_mem>>)
        %mul3A_112 = arith.constant 128 : i32
        %mul3A_113 = arith.muli %add3A_72, %mul3A_112 : i32
        %mul3A_114 = arith.constant 32 : i32
        %mul3A_115 = arith.muli %add3A_26, %mul3A_114 : i32
        %dma_start3A_116 = arith.constant 0 : i32
        %dma_start3A_117 = arith.constant 0 : i32
        %dma_start3A_118 = arith.constant 0 : i32
        %dma_start3A_119 = arith.constant 0 : i32
        %dma_start3A_120 = tpu.memref_slice %arg7[%dma_start3A_116, %dma_start3A_118, %dma_start3A_119] : memref<2x128x32xf32, #tpu.memory_space<vmem>> -> memref<1x128x32xf32, #tpu.memory_space<vmem>>
        %dma_start3A_121 = tpu.memref_squeeze %dma_start3A_120 : memref<1x128x32xf32, #tpu.memory_space<vmem>> -> memref<128x32xf32, #tpu.memory_space<vmem>>
        %dma_start3A_122 = tpu.memref_slice %arg3[%mul3A_113, %mul3A_115] : memref<400640x128xf32, #tpu.memory_space<hbm>> -> memref<128x32xf32, #tpu.memory_space<hbm>>
        %dma_start3A_123 = tpu.memref_slice %arg9[%dma_start3A_117] : memref<2x!tpu.dma_semaphore, #tpu.memory_space<semaphore_mem>> -> memref<1x!tpu.dma_semaphore, #tpu.memory_space<semaphore_mem>>
        %dma_start3A_124 = tpu.memref_squeeze %dma_start3A_123 : memref<1x!tpu.dma_semaphore, #tpu.memory_space<semaphore_mem>> -> memref<!tpu.dma_semaphore, #tpu.memory_space<semaphore_mem>>
        %dma_start3A_125 = arith.constant 0 : i32
        %dma_start3A_126 = arith.constant 0 : i32
        %dma_start3A_127 = tpu.memref_slice %arg7[%dma_start3A_116, %dma_start3A_125, %dma_start3A_126] : memref<2x128x32xf32, #tpu.memory_space<vmem>> -> memref<1x128x32xf32, #tpu.memory_space<vmem>>
        %dma_start3A_128 = tpu.memref_squeeze %dma_start3A_127 : memref<1x128x32xf32, #tpu.memory_space<vmem>> -> memref<128x32xf32, #tpu.memory_space<vmem>>
        %dma_start3A_129 = tpu.memref_slice %arg3[%mul3A_113, %mul3A_115] : memref<400640x128xf32, #tpu.memory_space<hbm>> -> memref<128x32xf32, #tpu.memory_space<hbm>>
        tpu.enqueue_dma source(%dma_start3A_129 : memref<128x32xf32, #tpu.memory_space<hbm>>) target(%dma_start3A_128 : memref<128x32xf32, #tpu.memory_space<vmem>>) target_semaphore(%dma_start3A_124 : memref<!tpu.dma_semaphore, #tpu.memory_space<semaphore_mem>>)
      } else {
      }
      %add3A_78 = arith.constant 1 : i32
      %add3A_79 = arith.addi %mul3A_59, %add3A_78 : i32
      %mul3A_80 = arith.constant 16 : i32
      %mul3A_81 = arith.muli %add3A_79, %mul3A_80 : i32
      %add3A_82 = arith.addi %arg1, %mul3A_81 : i32
      %lt3A_83 = arith.constant 3130 : i32
      %lt3A_84 = arith.cmpi slt, %add3A_82, %lt3A_83 : i32
      %convert_element_type3A_85 = arith.extui %lt3A_84 : i1 to i32
      %cond3A_86 = arith.constant 0 : i32
      %cond3A_87 = arith.cmpi ne, %convert_element_type3A_85, %cond3A_86 : i32
      scf.if %cond3A_87 {
        %add3A_98 = arith.constant 3120 : i32
        %add3A_99 = arith.addi %add3A_98, %add3A_82 : i32
        %dma_wait3A = arith.constant 1 : i32
        %dma_wait3A_100 = arith.constant 1 : i32
        %dma_wait3A_101 = arith.constant 0 : i32
        %dma_wait3A_102 = tpu.memref_slice %arg6[%dma_wait3A_100, %dma_wait3A_101] : memref<2x128xi32, #tpu.memory_space<vmem>> -> memref<1x128xi32, #tpu.memory_space<vmem>>
        %dma_wait3A_103 = arith.constant 0 : i32
        %dma_wait3A_104 = tpu.memref_slice %arg2[%add3A_99, %dma_wait3A_103] : memref<6250x128xi32, #tpu.memory_space<hbm>> -> memref<1x128xi32, #tpu.memory_space<hbm>>
        %dma_wait3A_105 = tpu.memref_slice %arg9[%dma_wait3A] : memref<2x!tpu.dma_semaphore, #tpu.memory_space<semaphore_mem>> -> memref<1x!tpu.dma_semaphore, #tpu.memory_space<semaphore_mem>>
        %dma_wait3A_106 = tpu.memref_squeeze %dma_wait3A_105 : memref<1x!tpu.dma_semaphore, #tpu.memory_space<semaphore_mem>> -> memref<!tpu.dma_semaphore, #tpu.memory_space<semaphore_mem>>
        %dma_wait3A_107 = arith.constant 1 : i32
        %dma_wait3A_108 = arith.constant 0 : i32
        %dma_wait3A_109 = tpu.memref_slice %arg6[%dma_wait3A_107, %dma_wait3A_108] : memref<2x128xi32, #tpu.memory_space<vmem>> -> memref<1x128xi32, #tpu.memory_space<vmem>>
        %dma_wait3A_110 = arith.constant 0 : i32
        %dma_wait3A_111 = tpu.memref_slice %arg2[%add3A_99, %dma_wait3A_110] : memref<6250x128xi32, #tpu.memory_space<hbm>> -> memref<1x128xi32, #tpu.memory_space<hbm>>
        tpu.wait_dma2 semaphore(%dma_wait3A_106 : memref<!tpu.dma_semaphore, #tpu.memory_space<semaphore_mem>>) src(%dma_wait3A_111 : memref<1x128xi32, #tpu.memory_space<hbm>>) dst(%dma_wait3A_109 : memref<1x128xi32, #tpu.memory_space<vmem>>)
        %mul3A_112 = arith.constant 128 : i32
        %mul3A_113 = arith.muli %add3A_82, %mul3A_112 : i32
        %mul3A_114 = arith.constant 32 : i32
        %mul3A_115 = arith.muli %add3A_26, %mul3A_114 : i32
        %dma_wait3A_116 = arith.constant 1 : i32
        %dma_wait3A_117 = arith.constant 1 : i32
        %dma_wait3A_118 = arith.constant 0 : i32
        %dma_wait3A_119 = arith.constant 0 : i32
        %dma_wait3A_120 = tpu.memref_slice %arg7[%dma_wait3A_116, %dma_wait3A_118, %dma_wait3A_119] : memref<2x128x32xf32, #tpu.memory_space<vmem>> -> memref<1x128x32xf32, #tpu.memory_space<vmem>>
        %dma_wait3A_121 = tpu.memref_squeeze %dma_wait3A_120 : memref<1x128x32xf32, #tpu.memory_space<vmem>> -> memref<128x32xf32, #tpu.memory_space<vmem>>
        %dma_wait3A_122 = tpu.memref_slice %arg3[%mul3A_113, %mul3A_115] : memref<400640x128xf32, #tpu.memory_space<hbm>> -> memref<128x32xf32, #tpu.memory_space<hbm>>
        %dma_wait3A_123 = tpu.memref_slice %arg9[%dma_wait3A_117] : memref<2x!tpu.dma_semaphore, #tpu.memory_space<semaphore_mem>> -> memref<1x!tpu.dma_semaphore, #tpu.memory_space<semaphore_mem>>
        %dma_wait3A_124 = tpu.memref_squeeze %dma_wait3A_123 : memref<1x!tpu.dma_semaphore, #tpu.memory_space<semaphore_mem>> -> memref<!tpu.dma_semaphore, #tpu.memory_space<semaphore_mem>>
        %dma_wait3A_125 = arith.constant 0 : i32
        %dma_wait3A_126 = arith.constant 0 : i32
        %dma_wait3A_127 = tpu.memref_slice %arg7[%dma_wait3A_116, %dma_wait3A_125, %dma_wait3A_126] : memref<2x128x32xf32, #tpu.memory_space<vmem>> -> memref<1x128x32xf32, #tpu.memory_space<vmem>>
        %dma_wait3A_128 = tpu.memref_squeeze %dma_wait3A_127 : memref<1x128x32xf32, #tpu.memory_space<vmem>> -> memref<128x32xf32, #tpu.memory_space<vmem>>
        %dma_wait3A_129 = tpu.memref_slice %arg3[%mul3A_113, %mul3A_115] : memref<400640x128xf32, #tpu.memory_space<hbm>> -> memref<128x32xf32, #tpu.memory_space<hbm>>
        tpu.wait_dma2 semaphore(%dma_wait3A_124 : memref<!tpu.dma_semaphore, #tpu.memory_space<semaphore_mem>>) src(%dma_wait3A_129 : memref<128x32xf32, #tpu.memory_space<hbm>>) dst(%dma_wait3A_128 : memref<128x32xf32, #tpu.memory_space<vmem>>)
        %run_scoped3A = arith.constant 1 : i32
        %run_scoped3A_130 = arith.constant 1 : i32
        "tpu.region"() ({
          %run_scoped3A_131 = tpu.sem_alloc : memref<!tpu.dma_semaphore, #tpu.memory_space<semaphore_mem>>
          %dma_start3A = arith.constant 0 : i32
          %dma_start3A_132 = arith.constant 0 : i32
          %dma_start3A_133 = tpu.memref_slice %arg7[%run_scoped3A, %dma_start3A, %dma_start3A_132] : memref<2x128x32xf32, #tpu.memory_space<vmem>> -> memref<1x128x32xf32, #tpu.memory_space<vmem>>
          %dma_start3A_134 = tpu.memref_squeeze %dma_start3A_133 : memref<1x128x32xf32, #tpu.memory_space<vmem>> -> memref<128x32xf32, #tpu.memory_space<vmem>>
          %dma_start3A_135 = arith.constant 0 : i32
          %dma_start3A_136 = tpu.memref_slice %arg6[%run_scoped3A_130, %dma_start3A_135] : memref<2x128xi32, #tpu.memory_space<vmem>> -> memref<1x128xi32, #tpu.memory_space<vmem>>
          %dma_start3A_137 = tpu.memref_squeeze %dma_start3A_136 : memref<1x128xi32, #tpu.memory_space<vmem>> -> memref<128xi32, #tpu.memory_space<vmem>>
          %dma_start3A_138 = arith.constant 0 : i32
          %dma_start3A_139 = arith.constant 0 : i32
          %dma_start3A_140 = tpu.memref_slice %arg8[%dma_start3A_138, %dma_start3A_139] : memref<50000x32xf32, #tpu.memory_space<vmem_shared>> -> memref<50000x32xf32, #tpu.memory_space<vmem_shared>>
          tpu.enqueue_indirect_dma source(%dma_start3A_134 : memref<128x32xf32, #tpu.memory_space<vmem>>) target(%dma_start3A_140 : memref<50000x32xf32, #tpu.memory_space<vmem_shared>>) offsets(%dma_start3A_137 : memref<128xi32, #tpu.memory_space<vmem>>) semaphore(%run_scoped3A_131 : memref<!tpu.dma_semaphore, #tpu.memory_space<semaphore_mem>>) {add = true}
          %dma_wait3A_141 = arith.constant 0 : i32
          %dma_wait3A_142 = arith.constant 0 : i32
          %dma_wait3A_143 = tpu.memref_slice %arg7[%run_scoped3A, %dma_wait3A_141, %dma_wait3A_142] : memref<2x128x32xf32, #tpu.memory_space<vmem>> -> memref<1x128x32xf32, #tpu.memory_space<vmem>>
          %dma_wait3A_144 = tpu.memref_squeeze %dma_wait3A_143 : memref<1x128x32xf32, #tpu.memory_space<vmem>> -> memref<128x32xf32, #tpu.memory_space<vmem>>
          %dma_wait3A_145 = arith.constant 0 : i32
          %dma_wait3A_146 = tpu.memref_slice %arg6[%run_scoped3A_130, %dma_wait3A_145] : memref<2x128xi32, #tpu.memory_space<vmem>> -> memref<1x128xi32, #tpu.memory_space<vmem>>
          %dma_wait3A_147 = tpu.memref_squeeze %dma_wait3A_146 : memref<1x128xi32, #tpu.memory_space<vmem>> -> memref<128xi32, #tpu.memory_space<vmem>>
          %dma_wait3A_148 = arith.constant 0 : i32
          %dma_wait3A_149 = arith.constant 0 : i32
          %dma_wait3A_150 = tpu.memref_slice %arg8[%dma_wait3A_148, %dma_wait3A_149] : memref<50000x32xf32, #tpu.memory_space<vmem_shared>> -> memref<50000x32xf32, #tpu.memory_space<vmem_shared>>
          tpu.wait_indirect_dma semaphore(%run_scoped3A_131 : memref<!tpu.dma_semaphore, #tpu.memory_space<semaphore_mem>>) src(%dma_wait3A_144 : memref<128x32xf32, #tpu.memory_space<vmem>>) dst(%dma_wait3A_150 : memref<50000x32xf32, #tpu.memory_space<vmem_shared>>)
          tpu.yield
        }) : () -> ()
      } else {
      }
      %add3A_88 = arith.constant 3 : i32
      %add3A_89 = arith.addi %mul3A_59, %add3A_88 : i32
      %mul3A_90 = arith.constant 16 : i32
      %mul3A_91 = arith.muli %add3A_89, %mul3A_90 : i32
      %add3A_92 = arith.addi %arg1, %mul3A_91 : i32
      %lt3A_93 = arith.constant 3130 : i32
      %lt3A_94 = arith.cmpi slt, %add3A_92, %lt3A_93 : i32
      %convert_element_type3A_95 = arith.extui %lt3A_94 : i1 to i32
      %cond3A_96 = arith.constant 0 : i32
      %cond3A_97 = arith.cmpi ne, %convert_element_type3A_95, %cond3A_96 : i32
      scf.if %cond3A_97 {
        %add3A_98 = arith.constant 3120 : i32
        %add3A_99 = arith.addi %add3A_98, %add3A_92 : i32
        %dma_start3A = arith.constant 1 : i32
        %dma_start3A_100 = arith.constant 1 : i32
        %dma_start3A_101 = arith.constant 0 : i32
        %dma_start3A_102 = tpu.memref_slice %arg6[%dma_start3A_100, %dma_start3A_101] : memref<2x128xi32, #tpu.memory_space<vmem>> -> memref<1x128xi32, #tpu.memory_space<vmem>>
        %dma_start3A_103 = arith.constant 0 : i32
        %dma_start3A_104 = tpu.memref_slice %arg2[%add3A_99, %dma_start3A_103] : memref<6250x128xi32, #tpu.memory_space<hbm>> -> memref<1x128xi32, #tpu.memory_space<hbm>>
        %dma_start3A_105 = tpu.memref_slice %arg9[%dma_start3A] : memref<2x!tpu.dma_semaphore, #tpu.memory_space<semaphore_mem>> -> memref<1x!tpu.dma_semaphore, #tpu.memory_space<semaphore_mem>>
        %dma_start3A_106 = tpu.memref_squeeze %dma_start3A_105 : memref<1x!tpu.dma_semaphore, #tpu.memory_space<semaphore_mem>> -> memref<!tpu.dma_semaphore, #tpu.memory_space<semaphore_mem>>
        %dma_start3A_107 = arith.constant 1 : i32
        %dma_start3A_108 = arith.constant 0 : i32
        %dma_start3A_109 = tpu.memref_slice %arg6[%dma_start3A_107, %dma_start3A_108] : memref<2x128xi32, #tpu.memory_space<vmem>> -> memref<1x128xi32, #tpu.memory_space<vmem>>
        %dma_start3A_110 = arith.constant 0 : i32
        %dma_start3A_111 = tpu.memref_slice %arg2[%add3A_99, %dma_start3A_110] : memref<6250x128xi32, #tpu.memory_space<hbm>> -> memref<1x128xi32, #tpu.memory_space<hbm>>
        tpu.enqueue_dma source(%dma_start3A_111 : memref<1x128xi32, #tpu.memory_space<hbm>>) target(%dma_start3A_109 : memref<1x128xi32, #tpu.memory_space<vmem>>) target_semaphore(%dma_start3A_106 : memref<!tpu.dma_semaphore, #tpu.memory_space<semaphore_mem>>)
        %mul3A_112 = arith.constant 128 : i32
        %mul3A_113 = arith.muli %add3A_92, %mul3A_112 : i32
        %mul3A_114 = arith.constant 32 : i32
        %mul3A_115 = arith.muli %add3A_26, %mul3A_114 : i32
        %dma_start3A_116 = arith.constant 1 : i32
        %dma_start3A_117 = arith.constant 1 : i32
        %dma_start3A_118 = arith.constant 0 : i32
        %dma_start3A_119 = arith.constant 0 : i32
        %dma_start3A_120 = tpu.memref_slice %arg7[%dma_start3A_116, %dma_start3A_118, %dma_start3A_119] : memref<2x128x32xf32, #tpu.memory_space<vmem>> -> memref<1x128x32xf32, #tpu.memory_space<vmem>>
        %dma_start3A_121 = tpu.memref_squeeze %dma_start3A_120 : memref<1x128x32xf32, #tpu.memory_space<vmem>> -> memref<128x32xf32, #tpu.memory_space<vmem>>
        %dma_start3A_122 = tpu.memref_slice %arg3[%mul3A_113, %mul3A_115] : memref<400640x128xf32, #tpu.memory_space<hbm>> -> memref<128x32xf32, #tpu.memory_space<hbm>>
        %dma_start3A_123 = tpu.memref_slice %arg9[%dma_start3A_117] : memref<2x!tpu.dma_semaphore, #tpu.memory_space<semaphore_mem>> -> memref<1x!tpu.dma_semaphore, #tpu.memory_space<semaphore_mem>>
        %dma_start3A_124 = tpu.memref_squeeze %dma_start3A_123 : memref<1x!tpu.dma_semaphore, #tpu.memory_space<semaphore_mem>> -> memref<!tpu.dma_semaphore, #tpu.memory_space<semaphore_mem>>
        %dma_start3A_125 = arith.constant 0 : i32
        %dma_start3A_126 = arith.constant 0 : i32
        %dma_start3A_127 = tpu.memref_slice %arg7[%dma_start3A_116, %dma_start3A_125, %dma_start3A_126] : memref<2x128x32xf32, #tpu.memory_space<vmem>> -> memref<1x128x32xf32, #tpu.memory_space<vmem>>
        %dma_start3A_128 = tpu.memref_squeeze %dma_start3A_127 : memref<1x128x32xf32, #tpu.memory_space<vmem>> -> memref<128x32xf32, #tpu.memory_space<vmem>>
        %dma_start3A_129 = tpu.memref_slice %arg3[%mul3A_113, %mul3A_115] : memref<400640x128xf32, #tpu.memory_space<hbm>> -> memref<128x32xf32, #tpu.memory_space<hbm>>
        tpu.enqueue_dma source(%dma_start3A_129 : memref<128x32xf32, #tpu.memory_space<hbm>>) target(%dma_start3A_128 : memref<128x32xf32, #tpu.memory_space<vmem>>) target_semaphore(%dma_start3A_124 : memref<!tpu.dma_semaphore, #tpu.memory_space<semaphore_mem>>)
      } else {
      }
    }
    %scan3A_50 = arith.constant 98 : i32
    %barrier3A_51 = arith.constant 0 : index
    tpu.barrier barrier_id(%barrier3A_51)
    %mul3A_52 = arith.constant 3125 : i32
    %mul3A_53 = arith.muli %arg1, %mul3A_52 : i32
    %mul3A_54 = arith.constant 3125 : i32
    %mul3A_55 = arith.muli %arg1, %mul3A_54 : i32
    "tpu.region"() ({
      %run_scoped3A = tpu.sem_alloc : memref<!tpu.dma_semaphore, #tpu.memory_space<semaphore_mem>>
      %dma_start3A = arith.constant 0 : i32
      %dma_start3A_57 = tpu.memref_slice %arg5[%add3A_26, %mul3A_55, %dma_start3A] : memref<4x50000x32xf32, #tpu.memory_space<hbm>> -> memref<1x3125x32xf32, #tpu.memory_space<hbm>>
      %dma_start3A_58 = tpu.memref_squeeze %dma_start3A_57 : memref<1x3125x32xf32, #tpu.memory_space<hbm>> -> memref<3125x32xf32, #tpu.memory_space<hbm>>
      %dma_start3A_59 = arith.constant 0 : i32
      %dma_start3A_60 = tpu.memref_slice %arg8[%mul3A_53, %dma_start3A_59] : memref<50000x32xf32, #tpu.memory_space<vmem_shared>> -> memref<3125x32xf32, #tpu.memory_space<vmem_shared>>
      tpu.enqueue_dma source(%dma_start3A_60 : memref<3125x32xf32, #tpu.memory_space<vmem_shared>>) target(%dma_start3A_58 : memref<3125x32xf32, #tpu.memory_space<hbm>>) target_semaphore(%run_scoped3A : memref<!tpu.dma_semaphore, #tpu.memory_space<semaphore_mem>>)
      %dma_wait3A = arith.constant 0 : i32
      %dma_wait3A_61 = tpu.memref_slice %arg5[%add3A_26, %mul3A_55, %dma_wait3A] : memref<4x50000x32xf32, #tpu.memory_space<hbm>> -> memref<1x3125x32xf32, #tpu.memory_space<hbm>>
      %dma_wait3A_62 = tpu.memref_squeeze %dma_wait3A_61 : memref<1x3125x32xf32, #tpu.memory_space<hbm>> -> memref<3125x32xf32, #tpu.memory_space<hbm>>
      %dma_wait3A_63 = arith.constant 0 : i32
      %dma_wait3A_64 = tpu.memref_slice %arg8[%mul3A_53, %dma_wait3A_63] : memref<50000x32xf32, #tpu.memory_space<vmem_shared>> -> memref<3125x32xf32, #tpu.memory_space<vmem_shared>>
      tpu.wait_dma2 semaphore(%run_scoped3A : memref<!tpu.dma_semaphore, #tpu.memory_space<semaphore_mem>>) src(%dma_wait3A_64 : memref<3125x32xf32, #tpu.memory_space<vmem_shared>>) dst(%dma_wait3A_62 : memref<3125x32xf32, #tpu.memory_space<hbm>>)
      tpu.yield
    }) : () -> ()
    %barrier3A_56 = arith.constant 0 : index
    tpu.barrier barrier_id(%barrier3A_56)
    return
  }
}

module attributes {stable_mosaic.version = 14 : i64} {
  func.func @_k2_body(%arg0: i32, %arg1: memref<1280x16xf32, #tpu.memory_space<vmem>>, %arg2: memref<1280x16xf32, #tpu.memory_space<vmem>>, %arg3: memref<8x32xf32, #tpu.memory_space<vmem>>, %arg4: memref<32x1xf32, #tpu.memory_space<vmem>>, %arg5: memref<8x1280xf32, #tpu.memory_space<vmem>>, %arg6: memref<32x2xf32, #tpu.memory_space<vmem>>) attributes {dimension_semantics = [#tpu.dimension_semantics<arbitrary>], iteration_bounds = array<i64: 625>, scalar_prefetch = 0 : i64, scratch_operands = 0 : i64, tpu.core_type = #tpu.core_type<tc>, window_params = [{transform_indices = @transform_0, window_bounds = array<i64: 1280, 16>}, {transform_indices = @transform_1, window_bounds = array<i64: 1280, 16>}, {pipeline_mode = #tpu.pipeline_mode<synchronous>, transform_indices = @transform_2, window_bounds = array<i64: 8, 32>}, {pipeline_mode = #tpu.pipeline_mode<synchronous>, transform_indices = @transform_3, window_bounds = array<i64: 32, 1>}, {transform_indices = @transform_4, window_bounds = array<i64: 8, 1280>}, {pipeline_mode = #tpu.pipeline_mode<synchronous>, transform_indices = @transform_5, window_bounds = array<i64: 32, 2>}]} {
    %get3A = arith.constant 0 : index
    %get3A_0 = arith.constant 0 : index
    %get3A_1 = vector.load %arg1[%get3A, %get3A_0] : memref<1280x16xf32, #tpu.memory_space<vmem>>, vector<1280x16xf32>
    %get3A_2 = arith.constant 0 : index
    %get3A_3 = arith.constant 0 : index
    %get3A_4 = vector.load %arg2[%get3A_2, %get3A_3] : memref<1280x16xf32, #tpu.memory_space<vmem>>, vector<1280x16xf32>
    %iota3A = tpu.iota {dimensions = array<i32: 0>} : vector<16x16xi32>
    %iota3A_5 = tpu.iota {dimensions = array<i32: 1>} : vector<16x16xi32>
    %eq3A = arith.cmpi eq, %iota3A, %iota3A_5 : vector<16x16xi32>
    %convert_element_type3A = arith.extui %eq3A : vector<16x16xi1> to vector<16x16xi32>
    %convert_element_type3A_6 = arith.sitofp %convert_element_type3A : vector<16x16xi32> to vector<16x16xf32>
    %dot_general3A = arith.constant dense<0.000000e+00> : vector<16x1280xf32>
    %dot_general3A_7 = tpu.matmul %convert_element_type3A_6, %get3A_1, %dot_general3A {dimension_numbers = #tpu.dot_dimension_numbers<[1], [1], [0], [0], [0, 0, 1, 0], [], []>, transpose_lhs_hint = false} : vector<16x16xf32>, vector<1280x16xf32>, vector<16x1280xf32> -> vector<16x1280xf32>
    %dot_general3A_8 = arith.constant dense<0.000000e+00> : vector<16x1280xf32>
    %dot_general3A_9 = tpu.matmul %convert_element_type3A_6, %get3A_4, %dot_general3A_8 {dimension_numbers = #tpu.dot_dimension_numbers<[1], [1], [0], [0], [0, 0, 1, 0], [], []>, transpose_lhs_hint = false} : vector<16x16xf32>, vector<1280x16xf32>, vector<16x1280xf32> -> vector<16x1280xf32>
    %slice3A = vector.extract_strided_slice %dot_general3A_7 {offsets = [0, 0], sizes = [1, 1280], strides = [1, 1]} : vector<16x1280xf32> to vector<1x1280xf32>
    %slice3A_10 = vector.extract_strided_slice %dot_general3A_9 {offsets = [0, 0], sizes = [1, 1280], strides = [1, 1]} : vector<16x1280xf32> to vector<1x1280xf32>
    %sub3A = arith.subf %slice3A, %slice3A_10 : vector<1x1280xf32>
    %slice3A_11 = vector.extract_strided_slice %dot_general3A_7 {offsets = [1, 0], sizes = [1, 1280], strides = [1, 1]} : vector<16x1280xf32> to vector<1x1280xf32>
    %slice3A_12 = vector.extract_strided_slice %dot_general3A_9 {offsets = [1, 0], sizes = [1, 1280], strides = [1, 1]} : vector<16x1280xf32> to vector<1x1280xf32>
    %sub3A_13 = arith.subf %slice3A_11, %slice3A_12 : vector<1x1280xf32>
    %slice3A_14 = vector.extract_strided_slice %dot_general3A_7 {offsets = [2, 0], sizes = [1, 1280], strides = [1, 1]} : vector<16x1280xf32> to vector<1x1280xf32>
    %slice3A_15 = vector.extract_strided_slice %dot_general3A_9 {offsets = [2, 0], sizes = [1, 1280], strides = [1, 1]} : vector<16x1280xf32> to vector<1x1280xf32>
    %sub3A_16 = arith.subf %slice3A_14, %slice3A_15 : vector<1x1280xf32>
    %slice3A_17 = vector.extract_strided_slice %dot_general3A_9 {offsets = [3, 0], sizes = [1, 1280], strides = [1, 1]} : vector<16x1280xf32> to vector<1x1280xf32>
    %slice3A_18 = vector.extract_strided_slice %dot_general3A_9 {offsets = [4, 0], sizes = [1, 1280], strides = [1, 1]} : vector<16x1280xf32> to vector<1x1280xf32>
    %slice3A_19 = vector.extract_strided_slice %dot_general3A_9 {offsets = [5, 0], sizes = [1, 1280], strides = [1, 1]} : vector<16x1280xf32> to vector<1x1280xf32>
    %slice3A_20 = vector.extract_strided_slice %dot_general3A_7 {offsets = [3, 0], sizes = [1, 1280], strides = [1, 1]} : vector<16x1280xf32> to vector<1x1280xf32>
    %slice3A_21 = vector.extract_strided_slice %dot_general3A_7 {offsets = [4, 0], sizes = [1, 1280], strides = [1, 1]} : vector<16x1280xf32> to vector<1x1280xf32>
    %slice3A_22 = vector.extract_strided_slice %dot_general3A_7 {offsets = [5, 0], sizes = [1, 1280], strides = [1, 1]} : vector<16x1280xf32> to vector<1x1280xf32>
    %mul3A = arith.mulf %sub3A, %sub3A : vector<1x1280xf32>
    %mul3A_23 = arith.mulf %sub3A_13, %sub3A_13 : vector<1x1280xf32>
    %add3A = arith.addf %mul3A, %mul3A_23 : vector<1x1280xf32>
    %mul3A_24 = arith.mulf %sub3A_16, %sub3A_16 : vector<1x1280xf32>
    %add3A_25 = arith.addf %add3A, %mul3A_24 : vector<1x1280xf32>
    %sqrt3A = math.sqrt %add3A_25 : vector<1x1280xf32>
    %mul3A_26 = arith.mulf %slice3A_17, %slice3A_17 : vector<1x1280xf32>
    %mul3A_27 = arith.mulf %slice3A_18, %slice3A_18 : vector<1x1280xf32>
    %add3A_28 = arith.addf %mul3A_26, %mul3A_27 : vector<1x1280xf32>
    %mul3A_29 = arith.mulf %slice3A_19, %slice3A_19 : vector<1x1280xf32>
    %add3A_30 = arith.addf %add3A_28, %mul3A_29 : vector<1x1280xf32>
    %sqrt3A_31 = math.sqrt %add3A_30 : vector<1x1280xf32>
    %mul3A_32 = arith.mulf %slice3A_20, %slice3A_20 : vector<1x1280xf32>
    %mul3A_33 = arith.mulf %slice3A_21, %slice3A_21 : vector<1x1280xf32>
    %add3A_34 = arith.addf %mul3A_32, %mul3A_33 : vector<1x1280xf32>
    %mul3A_35 = arith.mulf %slice3A_22, %slice3A_22 : vector<1x1280xf32>
    %add3A_36 = arith.addf %add3A_34, %mul3A_35 : vector<1x1280xf32>
    %sqrt3A_37 = math.sqrt %add3A_36 : vector<1x1280xf32>
    %mul3A_38 = arith.mulf %sub3A, %slice3A_17 : vector<1x1280xf32>
    %mul3A_39 = arith.mulf %sub3A_13, %slice3A_18 : vector<1x1280xf32>
    %add3A_40 = arith.addf %mul3A_38, %mul3A_39 : vector<1x1280xf32>
    %mul3A_41 = arith.mulf %sub3A_16, %slice3A_19 : vector<1x1280xf32>
    %add3A_42 = arith.addf %add3A_40, %mul3A_41 : vector<1x1280xf32>
    %mul3A_43 = arith.mulf %sqrt3A, %sqrt3A_31 : vector<1x1280xf32>
    %add3A_44 = arith.constant 1.000000e-10 : f32
    %add3A_45 = vector.broadcast %add3A_44 : f32 to vector<1x1280xf32>
    %add3A_46 = arith.addf %mul3A_43, %add3A_45 : vector<1x1280xf32>
    %div3A = arith.divf %add3A_42, %add3A_46 : vector<1x1280xf32>
    %mul3A_47 = arith.mulf %sub3A, %slice3A_20 : vector<1x1280xf32>
    %mul3A_48 = arith.mulf %sub3A_13, %slice3A_21 : vector<1x1280xf32>
    %add3A_49 = arith.addf %mul3A_47, %mul3A_48 : vector<1x1280xf32>
    %mul3A_50 = arith.mulf %sub3A_16, %slice3A_22 : vector<1x1280xf32>
    %add3A_51 = arith.addf %add3A_49, %mul3A_50 : vector<1x1280xf32>
    %mul3A_52 = arith.mulf %sqrt3A, %sqrt3A_37 : vector<1x1280xf32>
    %add3A_53 = arith.constant 1.000000e-10 : f32
    %add3A_54 = vector.broadcast %add3A_53 : f32 to vector<1x1280xf32>
    %add3A_55 = arith.addf %mul3A_52, %add3A_54 : vector<1x1280xf32>
    %div3A_56 = arith.divf %add3A_51, %add3A_55 : vector<1x1280xf32>
    %mul3A_57 = arith.mulf %slice3A_17, %slice3A_20 : vector<1x1280xf32>
    %mul3A_58 = arith.mulf %slice3A_18, %slice3A_21 : vector<1x1280xf32>
    %add3A_59 = arith.addf %mul3A_57, %mul3A_58 : vector<1x1280xf32>
    %mul3A_60 = arith.mulf %slice3A_19, %slice3A_22 : vector<1x1280xf32>
    %add3A_61 = arith.addf %add3A_59, %mul3A_60 : vector<1x1280xf32>
    %mul3A_62 = arith.mulf %sqrt3A_31, %sqrt3A_37 : vector<1x1280xf32>
    %add3A_63 = arith.constant 1.000000e-10 : f32
    %add3A_64 = vector.broadcast %add3A_63 : f32 to vector<1x1280xf32>
    %add3A_65 = arith.addf %mul3A_62, %add3A_64 : vector<1x1280xf32>
    %div3A_66 = arith.divf %add3A_61, %add3A_65 : vector<1x1280xf32>
    %mul3A_67 = arith.mulf %sub3A_13, %slice3A_19 : vector<1x1280xf32>
    %mul3A_68 = arith.mulf %sub3A_16, %slice3A_18 : vector<1x1280xf32>
    %sub3A_69 = arith.subf %mul3A_67, %mul3A_68 : vector<1x1280xf32>
    %mul3A_70 = arith.mulf %sub3A_16, %slice3A_17 : vector<1x1280xf32>
    %mul3A_71 = arith.mulf %sub3A, %slice3A_19 : vector<1x1280xf32>
    %sub3A_72 = arith.subf %mul3A_70, %mul3A_71 : vector<1x1280xf32>
    %mul3A_73 = arith.mulf %sub3A, %slice3A_18 : vector<1x1280xf32>
    %mul3A_74 = arith.mulf %sub3A_13, %slice3A_17 : vector<1x1280xf32>
    %sub3A_75 = arith.subf %mul3A_73, %mul3A_74 : vector<1x1280xf32>
    %mul3A_76 = arith.mulf %sub3A_72, %slice3A_19 : vector<1x1280xf32>
    %mul3A_77 = arith.mulf %sub3A_75, %slice3A_18 : vector<1x1280xf32>
    %sub3A_78 = arith.subf %mul3A_76, %mul3A_77 : vector<1x1280xf32>
    %mul3A_79 = arith.mulf %sub3A_75, %slice3A_17 : vector<1x1280xf32>
    %mul3A_80 = arith.mulf %sub3A_69, %slice3A_19 : vector<1x1280xf32>
    %sub3A_81 = arith.subf %mul3A_79, %mul3A_80 : vector<1x1280xf32>
    %mul3A_82 = arith.mulf %sub3A_69, %slice3A_18 : vector<1x1280xf32>
    %mul3A_83 = arith.mulf %sub3A_72, %slice3A_17 : vector<1x1280xf32>
    %sub3A_84 = arith.subf %mul3A_82, %mul3A_83 : vector<1x1280xf32>
    %mul3A_85 = arith.mulf %sub3A_13, %slice3A_22 : vector<1x1280xf32>
    %mul3A_86 = arith.mulf %sub3A_16, %slice3A_21 : vector<1x1280xf32>
    %sub3A_87 = arith.subf %mul3A_85, %mul3A_86 : vector<1x1280xf32>
    %mul3A_88 = arith.mulf %sub3A_16, %slice3A_20 : vector<1x1280xf32>
    %mul3A_89 = arith.mulf %sub3A, %slice3A_22 : vector<1x1280xf32>
    %sub3A_90 = arith.subf %mul3A_88, %mul3A_89 : vector<1x1280xf32>
    %mul3A_91 = arith.mulf %sub3A, %slice3A_21 : vector<1x1280xf32>
    %mul3A_92 = arith.mulf %sub3A_13, %slice3A_20 : vector<1x1280xf32>
    %sub3A_93 = arith.subf %mul3A_91, %mul3A_92 : vector<1x1280xf32>
    %mul3A_94 = arith.mulf %sub3A_90, %slice3A_22 : vector<1x1280xf32>
    %mul3A_95 = arith.mulf %sub3A_93, %slice3A_21 : vector<1x1280xf32>
    %sub3A_96 = arith.subf %mul3A_94, %mul3A_95 : vector<1x1280xf32>
    %mul3A_97 = arith.mulf %sub3A_93, %slice3A_20 : vector<1x1280xf32>
    %mul3A_98 = arith.mulf %sub3A_87, %slice3A_22 : vector<1x1280xf32>
    %sub3A_99 = arith.subf %mul3A_97, %mul3A_98 : vector<1x1280xf32>
    %mul3A_100 = arith.mulf %sub3A_87, %slice3A_21 : vector<1x1280xf32>
    %mul3A_101 = arith.mulf %sub3A_90, %slice3A_20 : vector<1x1280xf32>
    %sub3A_102 = arith.subf %mul3A_100, %mul3A_101 : vector<1x1280xf32>
    %mul3A_103 = arith.mulf %sub3A_69, %sub3A_69 : vector<1x1280xf32>
    %mul3A_104 = arith.mulf %sub3A_72, %sub3A_72 : vector<1x1280xf32>
    %add3A_105 = arith.addf %mul3A_103, %mul3A_104 : vector<1x1280xf32>
    %mul3A_106 = arith.mulf %sub3A_75, %sub3A_75 : vector<1x1280xf32>
    %add3A_107 = arith.addf %add3A_105, %mul3A_106 : vector<1x1280xf32>
    %sqrt3A_108 = math.sqrt %add3A_107 : vector<1x1280xf32>
    %mul3A_109 = arith.mulf %sub3A_78, %sub3A_78 : vector<1x1280xf32>
    %mul3A_110 = arith.mulf %sub3A_81, %sub3A_81 : vector<1x1280xf32>
    %add3A_111 = arith.addf %mul3A_109, %mul3A_110 : vector<1x1280xf32>
    %mul3A_112 = arith.mulf %sub3A_84, %sub3A_84 : vector<1x1280xf32>
    %add3A_113 = arith.addf %add3A_111, %mul3A_112 : vector<1x1280xf32>
    %sqrt3A_114 = math.sqrt %add3A_113 : vector<1x1280xf32>
    %mul3A_115 = arith.mulf %sub3A_87, %sub3A_87 : vector<1x1280xf32>
    %mul3A_116 = arith.mulf %sub3A_90, %sub3A_90 : vector<1x1280xf32>
    %add3A_117 = arith.addf %mul3A_115, %mul3A_116 : vector<1x1280xf32>
    %mul3A_118 = arith.mulf %sub3A_93, %sub3A_93 : vector<1x1280xf32>
    %add3A_119 = arith.addf %add3A_117, %mul3A_118 : vector<1x1280xf32>
    %sqrt3A_120 = math.sqrt %add3A_119 : vector<1x1280xf32>
    %mul3A_121 = arith.mulf %sub3A_96, %sub3A_96 : vector<1x1280xf32>
    %mul3A_122 = arith.mulf %sub3A_99, %sub3A_99 : vector<1x1280xf32>
    %add3A_123 = arith.addf %mul3A_121, %mul3A_122 : vector<1x1280xf32>
    %mul3A_124 = arith.mulf %sub3A_102, %sub3A_102 : vector<1x1280xf32>
    %add3A_125 = arith.addf %add3A_123, %mul3A_124 : vector<1x1280xf32>
    %sqrt3A_126 = math.sqrt %add3A_125 : vector<1x1280xf32>
    %mul3A_127 = arith.mulf %sub3A_69, %sub3A_87 : vector<1x1280xf32>
    %mul3A_128 = arith.mulf %sub3A_72, %sub3A_90 : vector<1x1280xf32>
    %add3A_129 = arith.addf %mul3A_127, %mul3A_128 : vector<1x1280xf32>
    %mul3A_130 = arith.mulf %sub3A_75, %sub3A_93 : vector<1x1280xf32>
    %add3A_131 = arith.addf %add3A_129, %mul3A_130 : vector<1x1280xf32>
    %mul3A_132 = arith.mulf %sqrt3A_108, %sqrt3A_120 : vector<1x1280xf32>
    %add3A_133 = arith.constant 1.000000e-10 : f32
    %add3A_134 = vector.broadcast %add3A_133 : f32 to vector<1x1280xf32>
    %add3A_135 = arith.addf %mul3A_132, %add3A_134 : vector<1x1280xf32>
    %div3A_136 = arith.divf %add3A_131, %add3A_135 : vector<1x1280xf32>
    %mul3A_137 = arith.mulf %sub3A_78, %sub3A_96 : vector<1x1280xf32>
    %mul3A_138 = arith.mulf %sub3A_81, %sub3A_99 : vector<1x1280xf32>
    %add3A_139 = arith.addf %mul3A_137, %mul3A_138 : vector<1x1280xf32>
    %mul3A_140 = arith.mulf %sub3A_84, %sub3A_102 : vector<1x1280xf32>
    %add3A_141 = arith.addf %add3A_139, %mul3A_140 : vector<1x1280xf32>
    %mul3A_142 = arith.mulf %sqrt3A_114, %sqrt3A_126 : vector<1x1280xf32>
    %add3A_143 = arith.constant 1.000000e-10 : f32
    %add3A_144 = vector.broadcast %add3A_143 : f32 to vector<1x1280xf32>
    %add3A_145 = arith.addf %mul3A_142, %add3A_144 : vector<1x1280xf32>
    %div3A_146 = arith.divf %add3A_141, %add3A_145 : vector<1x1280xf32>
    %mul3A_147 = arith.mulf %sub3A_69, %sub3A_96 : vector<1x1280xf32>
    %mul3A_148 = arith.mulf %sub3A_72, %sub3A_99 : vector<1x1280xf32>
    %add3A_149 = arith.addf %mul3A_147, %mul3A_148 : vector<1x1280xf32>
    %mul3A_150 = arith.mulf %sub3A_75, %sub3A_102 : vector<1x1280xf32>
    %add3A_151 = arith.addf %add3A_149, %mul3A_150 : vector<1x1280xf32>
    %mul3A_152 = arith.mulf %sqrt3A_108, %sqrt3A_126 : vector<1x1280xf32>
    %add3A_153 = arith.constant 1.000000e-10 : f32
    %add3A_154 = vector.broadcast %add3A_153 : f32 to vector<1x1280xf32>
    %add3A_155 = arith.addf %mul3A_152, %add3A_154 : vector<1x1280xf32>
    %div3A_156 = arith.divf %add3A_151, %add3A_155 : vector<1x1280xf32>
    %mul3A_157 = arith.mulf %sub3A_78, %sub3A_87 : vector<1x1280xf32>
    %mul3A_158 = arith.mulf %sub3A_81, %sub3A_90 : vector<1x1280xf32>
    %add3A_159 = arith.addf %mul3A_157, %mul3A_158 : vector<1x1280xf32>
    %mul3A_160 = arith.mulf %sub3A_84, %sub3A_93 : vector<1x1280xf32>
    %add3A_161 = arith.addf %add3A_159, %mul3A_160 : vector<1x1280xf32>
    %mul3A_162 = arith.mulf %sqrt3A_114, %sqrt3A_120 : vector<1x1280xf32>
    %add3A_163 = arith.constant 1.000000e-10 : f32
    %add3A_164 = vector.broadcast %add3A_163 : f32 to vector<1x1280xf32>
    %add3A_165 = arith.addf %mul3A_162, %add3A_164 : vector<1x1280xf32>
    %div3A_166 = arith.divf %add3A_161, %add3A_165 : vector<1x1280xf32>
    %concatenate3A = tpu.concatenate %sqrt3A, %div3A, %div3A_56, %div3A_66, %div3A_136, %div3A_146, %div3A_156, %div3A_166 in 0 : vector<1x1280xf32>, vector<1x1280xf32>, vector<1x1280xf32>, vector<1x1280xf32>, vector<1x1280xf32>, vector<1x1280xf32>, vector<1x1280xf32>, vector<1x1280xf32> -> vector<8x1280xf32>
    %swap3A = arith.constant 0 : index
    %swap3A_167 = arith.constant 0 : index
    %swap3A_168 = vector.load %arg5[%swap3A, %swap3A_167] : memref<8x1280xf32, #tpu.memory_space<vmem>>, vector<8x1280xf32>
    tpu.vector_store %arg5[%swap3A, %swap3A_167], %concatenate3A {strides = array<i32>} : memref<8x1280xf32, #tpu.memory_space<vmem>>, vector<8x1280xf32>,
    %get3A_169 = arith.constant 0 : index
    %get3A_170 = arith.constant 0 : index
    %get3A_171 = vector.load %arg3[%get3A_169, %get3A_170] : memref<8x32xf32, #tpu.memory_space<vmem>>, vector<8x32xf32>
    %dot_general3A_172 = arith.constant dense<0.000000e+00> : vector<32x1280xf32>
    %dot_general3A_173 = tpu.matmul %get3A_171, %concatenate3A, %dot_general3A_172 {dimension_numbers = #tpu.dot_dimension_numbers<[0], [0], [1], [1], [0, 1, 1, 1], [], []>, transpose_lhs_hint = false} : vector<8x32xf32>, vector<8x1280xf32>, vector<32x1280xf32> -> vector<32x1280xf32>
    %get3A_174 = arith.constant 0 : index
    %get3A_175 = arith.constant 0 : index
    %get3A_176 = vector.load %arg4[%get3A_174, %get3A_175] : memref<32x1xf32, #tpu.memory_space<vmem>>, vector<32x1xf32>
    %add3A_177 = vector.broadcast %get3A_176 : vector<32x1xf32> to vector<32x1280xf32>
    %add3A_178 = arith.addf %dot_general3A_173, %add3A_177 : vector<32x1280xf32>
    %eq3A_179 = arith.constant 0 : i32
    %eq3A_180 = arith.cmpi eq, %arg0, %eq3A_179 : i32
    %convert_element_type3A_181 = arith.extui %eq3A_180 : i1 to i32
    %cond3A = arith.constant 0 : i32
    %cond3A_182 = arith.cmpi ne, %convert_element_type3A_181, %cond3A : i32
    scf.if %cond3A_182 {
      %broadcast_in_dim3A_202 = arith.constant 0.000000e+00 : f32
      %broadcast_in_dim3A_203 = vector.broadcast %broadcast_in_dim3A_202 : f32 to vector<32x2xf32>
      %swap3A_204 = arith.constant 0 : index
      %swap3A_205 = arith.constant 0 : index
      %swap3A_206 = vector.load %arg6[%swap3A_204, %swap3A_205] : memref<32x2xf32, #tpu.memory_space<vmem>>, vector<32x2xf32>
      tpu.vector_store %arg6[%swap3A_204, %swap3A_205], %broadcast_in_dim3A_203 {strides = array<i32>} : memref<32x2xf32, #tpu.memory_space<vmem>>, vector<32x2xf32>,
    } else {
    }
    %get3A_183 = arith.constant 0 : index
    %get3A_184 = arith.constant 0 : index
    %get3A_185 = vector.load %arg6[%get3A_183, %get3A_184] : memref<32x2xf32, #tpu.memory_space<vmem>>, vector<32x1xf32>
    %reduce_sum3A = arith.constant dense<0.000000e+00> : vector<32xf32>
    %reduce_sum3A_186 = vector.multi_reduction <add>, %add3A_178, %reduce_sum3A [1] : vector<32x1280xf32> to vector<32xf32>
    %broadcast_in_dim3A = vector.shape_cast %reduce_sum3A_186 : vector<32xf32> to vector<32x1xf32>
    %add3A_187 = arith.addf %get3A_185, %broadcast_in_dim3A : vector<32x1xf32>
    %swap3A_188 = arith.constant 0 : index
    %swap3A_189 = arith.constant 0 : index
    %swap3A_190 = vector.load %arg6[%swap3A_188, %swap3A_189] : memref<32x2xf32, #tpu.memory_space<vmem>>, vector<32x1xf32>
    tpu.vector_store %arg6[%swap3A_188, %swap3A_189], %add3A_187 {strides = array<i32>} : memref<32x2xf32, #tpu.memory_space<vmem>>, vector<32x1xf32>,
    %get3A_191 = arith.constant 0 : index
    %get3A_192 = arith.constant 1 : index
    %get3A_193 = vector.load %arg6[%get3A_191, %get3A_192] : memref<32x2xf32, #tpu.memory_space<vmem>>, vector<32x1xf32>
    %mul3A_194 = arith.mulf %add3A_178, %add3A_178 : vector<32x1280xf32>
    %reduce_sum3A_195 = arith.constant dense<0.000000e+00> : vector<32xf32>
    %reduce_sum3A_196 = vector.multi_reduction <add>, %mul3A_194, %reduce_sum3A_195 [1] : vector<32x1280xf32> to vector<32xf32>
    %broadcast_in_dim3A_197 = vector.shape_cast %reduce_sum3A_196 : vector<32xf32> to vector<32x1xf32>
    %add3A_198 = arith.addf %get3A_193, %broadcast_in_dim3A_197 : vector<32x1xf32>
    %swap3A_199 = arith.constant 0 : index
    %swap3A_200 = arith.constant 1 : index
    %swap3A_201 = vector.load %arg6[%swap3A_199, %swap3A_200] : memref<32x2xf32, #tpu.memory_space<vmem>>, vector<32x1xf32>
    tpu.vector_store %arg6[%swap3A_199, %swap3A_200], %add3A_198 {strides = array<i32>} : memref<32x2xf32, #tpu.memory_space<vmem>>, vector<32x1xf32>,
    return
  }
  func.func @transform_0(%arg0: i32) -> (i32, i32) {
    %c0_i32 = arith.constant 0 : i32
    %c0_i32_0 = arith.constant 0 : i32
    return %arg0, %c0_i32 : i32, i32
  }
  func.func @transform_1(%arg0: i32) -> (i32, i32) {
    %c0_i32 = arith.constant 0 : i32
    %c0_i32_0 = arith.constant 0 : i32
    return %arg0, %c0_i32 : i32, i32
  }
  func.func @transform_2(%arg0: i32) -> (i32, i32) {
    %c0_i32 = arith.constant 0 : i32
    %c0_i32_0 = arith.constant 0 : i32
    %c0_i32_1 = arith.constant 0 : i32
    return %c0_i32, %c0_i32_0 : i32, i32
  }
  func.func @transform_3(%arg0: i32) -> (i32, i32) {
    %c0_i32 = arith.constant 0 : i32
    %c0_i32_0 = arith.constant 0 : i32
    %c0_i32_1 = arith.constant 0 : i32
    return %c0_i32, %c0_i32_0 : i32, i32
  }
  func.func @transform_4(%arg0: i32) -> (i32, i32) {
    %c0_i32 = arith.constant 0 : i32
    %c0_i32_0 = arith.constant 0 : i32
    return %c0_i32, %arg0 : i32, i32
  }
  func.func @transform_5(%arg0: i32) -> (i32, i32) {
    %c0_i32 = arith.constant 0 : i32
    %c0_i32_0 = arith.constant 0 : i32
    %c0_i32_1 = arith.constant 0 : i32
    return %c0_i32, %c0_i32_0 : i32, i32
  }
}

module attributes {stable_mosaic.version = 14 : i64} {
  func.func @_k3_body(%arg0: i32, %arg1: memref<8x1280xf32, #tpu.memory_space<vmem>>, %arg2: memref<1280x32xf32, #tpu.memory_space<vmem>>, %arg3: memref<8x32xf32, #tpu.memory_space<vmem>>, %arg4: memref<1x32xf32, #tpu.memory_space<vmem>>, %arg5: memref<1x32xf32, #tpu.memory_space<vmem>>, %arg6: memref<64x64xf32, #tpu.memory_space<vmem>>, %arg7: memref<1280x128xf32, #tpu.memory_space<vmem>>) attributes {dimension_semantics = [#tpu.dimension_semantics<arbitrary>], iteration_bounds = array<i64: 312>, scalar_prefetch = 0 : i64, scratch_operands = 0 : i64, tpu.core_type = #tpu.core_type<tc>, window_params = [{transform_indices = @transform_0, window_bounds = array<i64: 8, 1280>}, {transform_indices = @transform_1, window_bounds = array<i64: 1280, 32>}, {pipeline_mode = #tpu.pipeline_mode<synchronous>, transform_indices = @transform_2, window_bounds = array<i64: 8, 32>}, {pipeline_mode = #tpu.pipeline_mode<synchronous>, transform_indices = @transform_3, window_bounds = array<i64: 1, 32>}, {pipeline_mode = #tpu.pipeline_mode<synchronous>, transform_indices = @transform_4, window_bounds = array<i64: 1, 32>}, {pipeline_mode = #tpu.pipeline_mode<synchronous>, transform_indices = @transform_5, window_bounds = array<i64: 64, 64>}, {transform_indices = @transform_6, window_bounds = array<i64: 1280, 128>}]} {
    %get3A = arith.constant 0 : index
    %get3A_0 = arith.constant 0 : index
    %get3A_1 = vector.load %arg1[%get3A, %get3A_0] : memref<8x1280xf32, #tpu.memory_space<vmem>>, vector<8x1280xf32>
    %get3A_2 = arith.constant 0 : index
    %get3A_3 = arith.constant 0 : index
    %get3A_4 = vector.load %arg3[%get3A_2, %get3A_3] : memref<8x32xf32, #tpu.memory_space<vmem>>, vector<8x32xf32>
    %dot_general3A = arith.constant dense<0.000000e+00> : vector<1280x32xf32>
    %dot_general3A_5 = tpu.matmul %get3A_1, %get3A_4, %dot_general3A {dimension_numbers = #tpu.dot_dimension_numbers<[0], [0], [1], [1], [0, 1, 1, 1], [], []>, transpose_lhs_hint = false} : vector<8x1280xf32>, vector<8x32xf32>, vector<1280x32xf32> -> vector<1280x32xf32>
    %get3A_6 = arith.constant 0 : index
    %get3A_7 = arith.constant 0 : index
    %get3A_8 = vector.load %arg4[%get3A_6, %get3A_7] : memref<1x32xf32, #tpu.memory_space<vmem>>, vector<1x32xf32>
    %mul3A = vector.broadcast %get3A_8 : vector<1x32xf32> to vector<1280x32xf32>
    %mul3A_9 = arith.mulf %dot_general3A_5, %mul3A : vector<1280x32xf32>
    %get3A_10 = arith.constant 0 : index
    %get3A_11 = arith.constant 0 : index
    %get3A_12 = vector.load %arg5[%get3A_10, %get3A_11] : memref<1x32xf32, #tpu.memory_space<vmem>>, vector<1x32xf32>
    %add3A = vector.broadcast %get3A_12 : vector<1x32xf32> to vector<1280x32xf32>
    %add3A_13 = arith.addf %mul3A_9, %add3A : vector<1280x32xf32>
    %ge3A = arith.constant 0.000000e+00 : f32
    %ge3A_14 = vector.broadcast %ge3A : f32 to vector<1280x32xf32>
    %ge3A_15 = arith.cmpf oge, %add3A_13, %ge3A_14 : vector<1280x32xf32>
    %mul3A_16 = arith.constant 2.000000e-01 : f32
    %mul3A_17 = vector.broadcast %mul3A_16 : f32 to vector<1280x32xf32>
    %mul3A_18 = arith.mulf %mul3A_17, %add3A_13 : vector<1280x32xf32>
    %select_n3A = arith.select %ge3A_15, %add3A_13, %mul3A_18 : vector<1280x32xi1>, vector<1280x32xf32>
    %get3A_19 = arith.constant 0 : index
    %get3A_20 = arith.constant 0 : index
    %get3A_21 = vector.load %arg2[%get3A_19, %get3A_20] : memref<1280x32xf32, #tpu.memory_space<vmem>>, vector<1280x32xf32>
    %concatenate3A = tpu.concatenate %get3A_21, %select_n3A in 1 : vector<1280x32xf32>, vector<1280x32xf32> -> vector<1280x64xf32>
    %get3A_22 = arith.constant 0 : index
    %get3A_23 = arith.constant 0 : index
    %get3A_24 = vector.load %arg6[%get3A_22, %get3A_23] : memref<64x64xf32, #tpu.memory_space<vmem>>, vector<64x64xf32>
    %dot_general3A_25 = arith.constant dense<0.000000e+00> : vector<1280x64xf32>
    %dot_general3A_26 = tpu.matmul %concatenate3A, %get3A_24, %dot_general3A_25 {dimension_numbers = #tpu.dot_dimension_numbers<[1], [0], [0], [1], [0, 0, 1, 1], [], []>, transpose_lhs_hint = false} : vector<1280x64xf32>, vector<64x64xf32>, vector<1280x64xf32> -> vector<1280x64xf32>
    %max3A = arith.constant -6.000000e+01 : f32
    %max3A_27 = vector.broadcast %max3A : f32 to vector<1280x64xf32>
    %max3A_28 = arith.maximumf %dot_general3A_26, %max3A_27 : vector<1280x64xf32>
    %min3A = arith.constant 6.000000e+01 : f32
    %min3A_29 = vector.broadcast %min3A : f32 to vector<1280x64xf32>
    %min3A_30 = arith.minimumf %max3A_28, %min3A_29 : vector<1280x64xf32>
    %exp3A = math.exp %min3A_30 : vector<1280x64xf32>
    %mul3A_31 = arith.mulf %exp3A, %concatenate3A : vector<1280x64xf32>
    %iota3A = tpu.iota {dimensions = array<i32: 0>} : vector<64x128xi32>
    %iota3A_32 = tpu.iota {dimensions = array<i32: 1>} : vector<64x128xi32>
    %jit3A = arith.constant 32 : i32
    %div3A = vector.broadcast %jit3A : i32 to vector<64x128xi32>
    %div3A_33 = arith.divsi %iota3A_32, %div3A : vector<64x128xi32>
    %sign3A = arith.constant 0 : i32
    %sign3A_34 = vector.broadcast %sign3A : i32 to vector<64x128xi32>
    %sign3A_35 = arith.cmpi sgt, %iota3A_32, %sign3A_34 : vector<64x128xi32>
    %sign3A_36 = arith.extui %sign3A_35 : vector<64x128xi1> to vector<64x128xi32>
    %sign3A_37 = arith.constant 0 : i32
    %sign3A_38 = vector.broadcast %sign3A_37 : i32 to vector<64x128xi32>
    %sign3A_39 = arith.cmpi slt, %iota3A_32, %sign3A_38 : vector<64x128xi32>
    %sign3A_40 = arith.extui %sign3A_39 : vector<64x128xi1> to vector<64x128xi32>
    %sign3A_41 = arith.subi %sign3A_36, %sign3A_40 : vector<64x128xi32>
    %sign3A_42 = arith.constant 0 : i32
    %sign3A_43 = arith.cmpi sgt, %jit3A, %sign3A_42 : i32
    %sign3A_44 = arith.extui %sign3A_43 : i1 to i32
    %sign3A_45 = arith.constant 0 : i32
    %sign3A_46 = arith.cmpi slt, %jit3A, %sign3A_45 : i32
    %sign3A_47 = arith.extui %sign3A_46 : i1 to i32
    %sign3A_48 = arith.subi %sign3A_44, %sign3A_47 : i32
    %ne3A = vector.broadcast %sign3A_48 : i32 to vector<64x128xi32>
    %ne3A_49 = arith.cmpi ne, %sign3A_41, %ne3A : vector<64x128xi32>
    %rem3A = vector.broadcast %jit3A : i32 to vector<64x128xi32>
    %rem3A_50 = arith.remsi %iota3A_32, %rem3A : vector<64x128xi32>
    %ne3A_51 = arith.constant 0 : i32
    %ne3A_52 = vector.broadcast %ne3A_51 : i32 to vector<64x128xi32>
    %ne3A_53 = arith.cmpi ne, %rem3A_50, %ne3A_52 : vector<64x128xi32>
    %and3A = arith.andi %ne3A_49, %ne3A_53 : vector<64x128xi1>
    %sub3A = arith.constant 1 : i32
    %sub3A_54 = vector.broadcast %sub3A : i32 to vector<64x128xi32>
    %sub3A_55 = arith.subi %div3A_33, %sub3A_54 : vector<64x128xi32>
    %select_n3A_56 = arith.select %and3A, %sub3A_55, %div3A_33 : vector<64x128xi1>, vector<64x128xi32>
    %jit3A_57 = arith.constant 32 : i32
    %eq3A = arith.constant 0 : i32
    %eq3A_58 = arith.cmpi eq, %jit3A_57, %eq3A : i32
    %jit3A_59 = arith.constant 1 : i32
    %select_n3A_60 = arith.select %eq3A_58, %jit3A_59, %jit3A_57 : i32
    %rem3A_61 = vector.broadcast %select_n3A_60 : i32 to vector<64x128xi32>
    %rem3A_62 = arith.remsi %iota3A_32, %rem3A_61 : vector<64x128xi32>
    %ne3A_63 = arith.constant 0 : i32
    %ne3A_64 = vector.broadcast %ne3A_63 : i32 to vector<64x128xi32>
    %ne3A_65 = arith.cmpi ne, %rem3A_62, %ne3A_64 : vector<64x128xi32>
    %lt3A = arith.constant 0 : i32
    %lt3A_66 = vector.broadcast %lt3A : i32 to vector<64x128xi32>
    %lt3A_67 = arith.cmpi slt, %rem3A_62, %lt3A_66 : vector<64x128xi32>
    %lt3A_68 = arith.constant 0 : i32
    %lt3A_69 = arith.cmpi slt, %select_n3A_60, %lt3A_68 : i32
    %ne3A_70 = vector.broadcast %lt3A_69 : i1 to vector<64x128xi1>
    %ne3A_71 = vector.broadcast %ne3A_70 : vector<64x128xi1> to vector<64x128xi1>
    %ne3A_72 = arith.xori %lt3A_67, %ne3A_71 : vector<64x128xi1>
    %and3A_73 = arith.andi %ne3A_72, %ne3A_65 : vector<64x128xi1>
    %add3A_74 = vector.broadcast %select_n3A_60 : i32 to vector<64x128xi32>
    %add3A_75 = arith.addi %rem3A_62, %add3A_74 : vector<64x128xi32>
    %select_n3A_76 = arith.select %and3A_73, %add3A_75, %rem3A_62 : vector<64x128xi1>, vector<64x128xi32>
    %lt3A_77 = arith.constant 16 : i32
    %lt3A_78 = vector.broadcast %lt3A_77 : i32 to vector<64x128xi32>
    %lt3A_79 = arith.cmpi slt, %select_n3A_76, %lt3A_78 : vector<64x128xi32>
    %mul3A_80 = arith.constant 16 : i32
    %mul3A_81 = vector.broadcast %mul3A_80 : i32 to vector<64x128xi32>
    %mul3A_82 = arith.muli %select_n3A_56, %mul3A_81 : vector<64x128xi32>
    %add3A_83 = arith.addi %mul3A_82, %select_n3A_76 : vector<64x128xi32>
    %eq3A_84 = arith.cmpi eq, %iota3A, %add3A_83 : vector<64x128xi32>
    %and3A_85 = arith.andi %lt3A_79, %eq3A_84 : vector<64x128xi1>
    %convert_element_type3A = arith.extui %and3A_85 : vector<64x128xi1> to vector<64x128xi32>
    %convert_element_type3A_86 = arith.sitofp %convert_element_type3A : vector<64x128xi32> to vector<64x128xf32>
    %ge3A_87 = arith.constant 16 : i32
    %ge3A_88 = vector.broadcast %ge3A_87 : i32 to vector<64x128xi32>
    %ge3A_89 = arith.cmpi sge, %select_n3A_76, %ge3A_88 : vector<64x128xi32>
    %mul3A_90 = arith.constant 16 : i32
    %mul3A_91 = vector.broadcast %mul3A_90 : i32 to vector<64x128xi32>
    %mul3A_92 = arith.muli %select_n3A_56, %mul3A_91 : vector<64x128xi32>
    %add3A_93 = arith.addi %mul3A_92, %select_n3A_76 : vector<64x128xi32>
    %sub3A_94 = arith.constant 16 : i32
    %sub3A_95 = vector.broadcast %sub3A_94 : i32 to vector<64x128xi32>
    %sub3A_96 = arith.subi %add3A_93, %sub3A_95 : vector<64x128xi32>
    %eq3A_97 = arith.cmpi eq, %iota3A, %sub3A_96 : vector<64x128xi32>
    %and3A_98 = arith.andi %ge3A_89, %eq3A_97 : vector<64x128xi1>
    %convert_element_type3A_99 = arith.extui %and3A_98 : vector<64x128xi1> to vector<64x128xi32>
    %convert_element_type3A_100 = arith.sitofp %convert_element_type3A_99 : vector<64x128xi32> to vector<64x128xf32>
    %dot_general3A_101 = arith.constant dense<0.000000e+00> : vector<1280x128xf32>
    %dot_general3A_102 = tpu.matmul %exp3A, %convert_element_type3A_86, %dot_general3A_101 {dimension_numbers = #tpu.dot_dimension_numbers<[1], [0], [0], [1], [0, 0, 1, 1], [], []>, transpose_lhs_hint = false} : vector<1280x64xf32>, vector<64x128xf32>, vector<1280x128xf32> -> vector<1280x128xf32>
    %dot_general3A_103 = arith.constant dense<0.000000e+00> : vector<1280x128xf32>
    %dot_general3A_104 = tpu.matmul %mul3A_31, %convert_element_type3A_100, %dot_general3A_103 {dimension_numbers = #tpu.dot_dimension_numbers<[1], [0], [0], [1], [0, 0, 1, 1], [], []>, transpose_lhs_hint = false} : vector<1280x64xf32>, vector<64x128xf32>, vector<1280x128xf32> -> vector<1280x128xf32>
    %add3A_105 = arith.addf %dot_general3A_102, %dot_general3A_104 : vector<1280x128xf32>
    %swap3A = arith.constant 0 : index
    %swap3A_106 = arith.constant 0 : index
    %swap3A_107 = vector.load %arg7[%swap3A, %swap3A_106] : memref<1280x128xf32, #tpu.memory_space<vmem>>, vector<1280x128xf32>
    tpu.vector_store %arg7[%swap3A, %swap3A_106], %add3A_105 {strides = array<i32>} : memref<1280x128xf32, #tpu.memory_space<vmem>>, vector<1280x128xf32>,
    return
  }
  func.func @transform_0(%arg0: i32) -> (i32, i32) {
    %add3A = arith.constant 0 : i32
    %add3A_0 = arith.addi %arg0, %add3A : i32
    %c0_i32 = arith.constant 0 : i32
    %c0_i32_1 = arith.constant 0 : i32
    return %c0_i32, %add3A_0 : i32, i32
  }
  func.func @transform_1(%arg0: i32) -> (i32, i32) {
    %add3A = arith.constant 0 : i32
    %add3A_0 = arith.addi %arg0, %add3A : i32
    %c0_i32 = arith.constant 0 : i32
    %c0_i32_1 = arith.constant 0 : i32
    return %add3A_0, %c0_i32 : i32, i32
  }
  func.func @transform_2(%arg0: i32) -> (i32, i32) {
    %c0_i32 = arith.constant 0 : i32
    %c0_i32_0 = arith.constant 0 : i32
    %c0_i32_1 = arith.constant 0 : i32
    return %c0_i32, %c0_i32_0 : i32, i32
  }
  func.func @transform_3(%arg0: i32) -> (i32, i32) {
    %c0_i32 = arith.constant 0 : i32
    %c0_i32_0 = arith.constant 0 : i32
    %c0_i32_1 = arith.constant 0 : i32
    return %c0_i32, %c0_i32_0 : i32, i32
  }
  func.func @transform_4(%arg0: i32) -> (i32, i32) {
    %c0_i32 = arith.constant 0 : i32
    %c0_i32_0 = arith.constant 0 : i32
    %c0_i32_1 = arith.constant 0 : i32
    return %c0_i32, %c0_i32_0 : i32, i32
  }
  func.func @transform_5(%arg0: i32) -> (i32, i32) {
    %c0_i32 = arith.constant 0 : i32
    %c0_i32_0 = arith.constant 0 : i32
    %c0_i32_1 = arith.constant 0 : i32
    return %c0_i32, %c0_i32_0 : i32, i32
  }
  func.func @transform_6(%arg0: i32) -> (i32, i32) {
    %c0_i32 = arith.constant 0 : i32
    %c0_i32_0 = arith.constant 0 : i32
    return %arg0, %c0_i32 : i32, i32
  }
}

module attributes {stable_mosaic.version = 14 : i64} {
  func.func @_k3_body(%arg0: i32, %arg1: memref<8x1280xf32, #tpu.memory_space<vmem>>, %arg2: memref<1280x32xf32, #tpu.memory_space<vmem>>, %arg3: memref<8x32xf32, #tpu.memory_space<vmem>>, %arg4: memref<1x32xf32, #tpu.memory_space<vmem>>, %arg5: memref<1x32xf32, #tpu.memory_space<vmem>>, %arg6: memref<64x64xf32, #tpu.memory_space<vmem>>, %arg7: memref<1280x128xf32, #tpu.memory_space<vmem>>) attributes {dimension_semantics = [#tpu.dimension_semantics<arbitrary>], iteration_bounds = array<i64: 313>, scalar_prefetch = 0 : i64, scratch_operands = 0 : i64, tpu.core_type = #tpu.core_type<tc>, window_params = [{transform_indices = @transform_0, window_bounds = array<i64: 8, 1280>}, {transform_indices = @transform_1, window_bounds = array<i64: 1280, 32>}, {pipeline_mode = #tpu.pipeline_mode<synchronous>, transform_indices = @transform_2, window_bounds = array<i64: 8, 32>}, {pipeline_mode = #tpu.pipeline_mode<synchronous>, transform_indices = @transform_3, window_bounds = array<i64: 1, 32>}, {pipeline_mode = #tpu.pipeline_mode<synchronous>, transform_indices = @transform_4, window_bounds = array<i64: 1, 32>}, {pipeline_mode = #tpu.pipeline_mode<synchronous>, transform_indices = @transform_5, window_bounds = array<i64: 64, 64>}, {transform_indices = @transform_6, window_bounds = array<i64: 1280, 128>}]} {
    %get3A = arith.constant 0 : index
    %get3A_0 = arith.constant 0 : index
    %get3A_1 = vector.load %arg1[%get3A, %get3A_0] : memref<8x1280xf32, #tpu.memory_space<vmem>>, vector<8x1280xf32>
    %get3A_2 = arith.constant 0 : index
    %get3A_3 = arith.constant 0 : index
    %get3A_4 = vector.load %arg3[%get3A_2, %get3A_3] : memref<8x32xf32, #tpu.memory_space<vmem>>, vector<8x32xf32>
    %dot_general3A = arith.constant dense<0.000000e+00> : vector<1280x32xf32>
    %dot_general3A_5 = tpu.matmul %get3A_1, %get3A_4, %dot_general3A {dimension_numbers = #tpu.dot_dimension_numbers<[0], [0], [1], [1], [0, 1, 1, 1], [], []>, transpose_lhs_hint = false} : vector<8x1280xf32>, vector<8x32xf32>, vector<1280x32xf32> -> vector<1280x32xf32>
    %get3A_6 = arith.constant 0 : index
    %get3A_7 = arith.constant 0 : index
    %get3A_8 = vector.load %arg4[%get3A_6, %get3A_7] : memref<1x32xf32, #tpu.memory_space<vmem>>, vector<1x32xf32>
    %mul3A = vector.broadcast %get3A_8 : vector<1x32xf32> to vector<1280x32xf32>
    %mul3A_9 = arith.mulf %dot_general3A_5, %mul3A : vector<1280x32xf32>
    %get3A_10 = arith.constant 0 : index
    %get3A_11 = arith.constant 0 : index
    %get3A_12 = vector.load %arg5[%get3A_10, %get3A_11] : memref<1x32xf32, #tpu.memory_space<vmem>>, vector<1x32xf32>
    %add3A = vector.broadcast %get3A_12 : vector<1x32xf32> to vector<1280x32xf32>
    %add3A_13 = arith.addf %mul3A_9, %add3A : vector<1280x32xf32>
    %ge3A = arith.constant 0.000000e+00 : f32
    %ge3A_14 = vector.broadcast %ge3A : f32 to vector<1280x32xf32>
    %ge3A_15 = arith.cmpf oge, %add3A_13, %ge3A_14 : vector<1280x32xf32>
    %mul3A_16 = arith.constant 2.000000e-01 : f32
    %mul3A_17 = vector.broadcast %mul3A_16 : f32 to vector<1280x32xf32>
    %mul3A_18 = arith.mulf %mul3A_17, %add3A_13 : vector<1280x32xf32>
    %select_n3A = arith.select %ge3A_15, %add3A_13, %mul3A_18 : vector<1280x32xi1>, vector<1280x32xf32>
    %get3A_19 = arith.constant 0 : index
    %get3A_20 = arith.constant 0 : index
    %get3A_21 = vector.load %arg2[%get3A_19, %get3A_20] : memref<1280x32xf32, #tpu.memory_space<vmem>>, vector<1280x32xf32>
    %concatenate3A = tpu.concatenate %get3A_21, %select_n3A in 1 : vector<1280x32xf32>, vector<1280x32xf32> -> vector<1280x64xf32>
    %get3A_22 = arith.constant 0 : index
    %get3A_23 = arith.constant 0 : index
    %get3A_24 = vector.load %arg6[%get3A_22, %get3A_23] : memref<64x64xf32, #tpu.memory_space<vmem>>, vector<64x64xf32>
    %dot_general3A_25 = arith.constant dense<0.000000e+00> : vector<1280x64xf32>
    %dot_general3A_26 = tpu.matmul %concatenate3A, %get3A_24, %dot_general3A_25 {dimension_numbers = #tpu.dot_dimension_numbers<[1], [0], [0], [1], [0, 0, 1, 1], [], []>, transpose_lhs_hint = false} : vector<1280x64xf32>, vector<64x64xf32>, vector<1280x64xf32> -> vector<1280x64xf32>
    %max3A = arith.constant -6.000000e+01 : f32
    %max3A_27 = vector.broadcast %max3A : f32 to vector<1280x64xf32>
    %max3A_28 = arith.maximumf %dot_general3A_26, %max3A_27 : vector<1280x64xf32>
    %min3A = arith.constant 6.000000e+01 : f32
    %min3A_29 = vector.broadcast %min3A : f32 to vector<1280x64xf32>
    %min3A_30 = arith.minimumf %max3A_28, %min3A_29 : vector<1280x64xf32>
    %exp3A = math.exp %min3A_30 : vector<1280x64xf32>
    %mul3A_31 = arith.mulf %exp3A, %concatenate3A : vector<1280x64xf32>
    %iota3A = tpu.iota {dimensions = array<i32: 0>} : vector<64x128xi32>
    %iota3A_32 = tpu.iota {dimensions = array<i32: 1>} : vector<64x128xi32>
    %jit3A = arith.constant 32 : i32
    %div3A = vector.broadcast %jit3A : i32 to vector<64x128xi32>
    %div3A_33 = arith.divsi %iota3A_32, %div3A : vector<64x128xi32>
    %sign3A = arith.constant 0 : i32
    %sign3A_34 = vector.broadcast %sign3A : i32 to vector<64x128xi32>
    %sign3A_35 = arith.cmpi sgt, %iota3A_32, %sign3A_34 : vector<64x128xi32>
    %sign3A_36 = arith.extui %sign3A_35 : vector<64x128xi1> to vector<64x128xi32>
    %sign3A_37 = arith.constant 0 : i32
    %sign3A_38 = vector.broadcast %sign3A_37 : i32 to vector<64x128xi32>
    %sign3A_39 = arith.cmpi slt, %iota3A_32, %sign3A_38 : vector<64x128xi32>
    %sign3A_40 = arith.extui %sign3A_39 : vector<64x128xi1> to vector<64x128xi32>
    %sign3A_41 = arith.subi %sign3A_36, %sign3A_40 : vector<64x128xi32>
    %sign3A_42 = arith.constant 0 : i32
    %sign3A_43 = arith.cmpi sgt, %jit3A, %sign3A_42 : i32
    %sign3A_44 = arith.extui %sign3A_43 : i1 to i32
    %sign3A_45 = arith.constant 0 : i32
    %sign3A_46 = arith.cmpi slt, %jit3A, %sign3A_45 : i32
    %sign3A_47 = arith.extui %sign3A_46 : i1 to i32
    %sign3A_48 = arith.subi %sign3A_44, %sign3A_47 : i32
    %ne3A = vector.broadcast %sign3A_48 : i32 to vector<64x128xi32>
    %ne3A_49 = arith.cmpi ne, %sign3A_41, %ne3A : vector<64x128xi32>
    %rem3A = vector.broadcast %jit3A : i32 to vector<64x128xi32>
    %rem3A_50 = arith.remsi %iota3A_32, %rem3A : vector<64x128xi32>
    %ne3A_51 = arith.constant 0 : i32
    %ne3A_52 = vector.broadcast %ne3A_51 : i32 to vector<64x128xi32>
    %ne3A_53 = arith.cmpi ne, %rem3A_50, %ne3A_52 : vector<64x128xi32>
    %and3A = arith.andi %ne3A_49, %ne3A_53 : vector<64x128xi1>
    %sub3A = arith.constant 1 : i32
    %sub3A_54 = vector.broadcast %sub3A : i32 to vector<64x128xi32>
    %sub3A_55 = arith.subi %div3A_33, %sub3A_54 : vector<64x128xi32>
    %select_n3A_56 = arith.select %and3A, %sub3A_55, %div3A_33 : vector<64x128xi1>, vector<64x128xi32>
    %jit3A_57 = arith.constant 32 : i32
    %eq3A = arith.constant 0 : i32
    %eq3A_58 = arith.cmpi eq, %jit3A_57, %eq3A : i32
    %jit3A_59 = arith.constant 1 : i32
    %select_n3A_60 = arith.select %eq3A_58, %jit3A_59, %jit3A_57 : i32
    %rem3A_61 = vector.broadcast %select_n3A_60 : i32 to vector<64x128xi32>
    %rem3A_62 = arith.remsi %iota3A_32, %rem3A_61 : vector<64x128xi32>
    %ne3A_63 = arith.constant 0 : i32
    %ne3A_64 = vector.broadcast %ne3A_63 : i32 to vector<64x128xi32>
    %ne3A_65 = arith.cmpi ne, %rem3A_62, %ne3A_64 : vector<64x128xi32>
    %lt3A = arith.constant 0 : i32
    %lt3A_66 = vector.broadcast %lt3A : i32 to vector<64x128xi32>
    %lt3A_67 = arith.cmpi slt, %rem3A_62, %lt3A_66 : vector<64x128xi32>
    %lt3A_68 = arith.constant 0 : i32
    %lt3A_69 = arith.cmpi slt, %select_n3A_60, %lt3A_68 : i32
    %ne3A_70 = vector.broadcast %lt3A_69 : i1 to vector<64x128xi1>
    %ne3A_71 = vector.broadcast %ne3A_70 : vector<64x128xi1> to vector<64x128xi1>
    %ne3A_72 = arith.xori %lt3A_67, %ne3A_71 : vector<64x128xi1>
    %and3A_73 = arith.andi %ne3A_72, %ne3A_65 : vector<64x128xi1>
    %add3A_74 = vector.broadcast %select_n3A_60 : i32 to vector<64x128xi32>
    %add3A_75 = arith.addi %rem3A_62, %add3A_74 : vector<64x128xi32>
    %select_n3A_76 = arith.select %and3A_73, %add3A_75, %rem3A_62 : vector<64x128xi1>, vector<64x128xi32>
    %lt3A_77 = arith.constant 16 : i32
    %lt3A_78 = vector.broadcast %lt3A_77 : i32 to vector<64x128xi32>
    %lt3A_79 = arith.cmpi slt, %select_n3A_76, %lt3A_78 : vector<64x128xi32>
    %mul3A_80 = arith.constant 16 : i32
    %mul3A_81 = vector.broadcast %mul3A_80 : i32 to vector<64x128xi32>
    %mul3A_82 = arith.muli %select_n3A_56, %mul3A_81 : vector<64x128xi32>
    %add3A_83 = arith.addi %mul3A_82, %select_n3A_76 : vector<64x128xi32>
    %eq3A_84 = arith.cmpi eq, %iota3A, %add3A_83 : vector<64x128xi32>
    %and3A_85 = arith.andi %lt3A_79, %eq3A_84 : vector<64x128xi1>
    %convert_element_type3A = arith.extui %and3A_85 : vector<64x128xi1> to vector<64x128xi32>
    %convert_element_type3A_86 = arith.sitofp %convert_element_type3A : vector<64x128xi32> to vector<64x128xf32>
    %ge3A_87 = arith.constant 16 : i32
    %ge3A_88 = vector.broadcast %ge3A_87 : i32 to vector<64x128xi32>
    %ge3A_89 = arith.cmpi sge, %select_n3A_76, %ge3A_88 : vector<64x128xi32>
    %mul3A_90 = arith.constant 16 : i32
    %mul3A_91 = vector.broadcast %mul3A_90 : i32 to vector<64x128xi32>
    %mul3A_92 = arith.muli %select_n3A_56, %mul3A_91 : vector<64x128xi32>
    %add3A_93 = arith.addi %mul3A_92, %select_n3A_76 : vector<64x128xi32>
    %sub3A_94 = arith.constant 16 : i32
    %sub3A_95 = vector.broadcast %sub3A_94 : i32 to vector<64x128xi32>
    %sub3A_96 = arith.subi %add3A_93, %sub3A_95 : vector<64x128xi32>
    %eq3A_97 = arith.cmpi eq, %iota3A, %sub3A_96 : vector<64x128xi32>
    %and3A_98 = arith.andi %ge3A_89, %eq3A_97 : vector<64x128xi1>
    %convert_element_type3A_99 = arith.extui %and3A_98 : vector<64x128xi1> to vector<64x128xi32>
    %convert_element_type3A_100 = arith.sitofp %convert_element_type3A_99 : vector<64x128xi32> to vector<64x128xf32>
    %dot_general3A_101 = arith.constant dense<0.000000e+00> : vector<1280x128xf32>
    %dot_general3A_102 = tpu.matmul %exp3A, %convert_element_type3A_86, %dot_general3A_101 {dimension_numbers = #tpu.dot_dimension_numbers<[1], [0], [0], [1], [0, 0, 1, 1], [], []>, transpose_lhs_hint = false} : vector<1280x64xf32>, vector<64x128xf32>, vector<1280x128xf32> -> vector<1280x128xf32>
    %dot_general3A_103 = arith.constant dense<0.000000e+00> : vector<1280x128xf32>
    %dot_general3A_104 = tpu.matmul %mul3A_31, %convert_element_type3A_100, %dot_general3A_103 {dimension_numbers = #tpu.dot_dimension_numbers<[1], [0], [0], [1], [0, 0, 1, 1], [], []>, transpose_lhs_hint = false} : vector<1280x64xf32>, vector<64x128xf32>, vector<1280x128xf32> -> vector<1280x128xf32>
    %add3A_105 = arith.addf %dot_general3A_102, %dot_general3A_104 : vector<1280x128xf32>
    %swap3A = arith.constant 0 : index
    %swap3A_106 = arith.constant 0 : index
    %swap3A_107 = vector.load %arg7[%swap3A, %swap3A_106] : memref<1280x128xf32, #tpu.memory_space<vmem>>, vector<1280x128xf32>
    tpu.vector_store %arg7[%swap3A, %swap3A_106], %add3A_105 {strides = array<i32>} : memref<1280x128xf32, #tpu.memory_space<vmem>>, vector<1280x128xf32>,
    return
  }
  func.func @transform_0(%arg0: i32) -> (i32, i32) {
    %add3A = arith.constant 312 : i32
    %add3A_0 = arith.addi %arg0, %add3A : i32
    %c0_i32 = arith.constant 0 : i32
    %c0_i32_1 = arith.constant 0 : i32
    return %c0_i32, %add3A_0 : i32, i32
  }
  func.func @transform_1(%arg0: i32) -> (i32, i32) {
    %add3A = arith.constant 312 : i32
    %add3A_0 = arith.addi %arg0, %add3A : i32
    %c0_i32 = arith.constant 0 : i32
    %c0_i32_1 = arith.constant 0 : i32
    return %add3A_0, %c0_i32 : i32, i32
  }
  func.func @transform_2(%arg0: i32) -> (i32, i32) {
    %c0_i32 = arith.constant 0 : i32
    %c0_i32_0 = arith.constant 0 : i32
    %c0_i32_1 = arith.constant 0 : i32
    return %c0_i32, %c0_i32_0 : i32, i32
  }
  func.func @transform_3(%arg0: i32) -> (i32, i32) {
    %c0_i32 = arith.constant 0 : i32
    %c0_i32_0 = arith.constant 0 : i32
    %c0_i32_1 = arith.constant 0 : i32
    return %c0_i32, %c0_i32_0 : i32, i32
  }
  func.func @transform_4(%arg0: i32) -> (i32, i32) {
    %c0_i32 = arith.constant 0 : i32
    %c0_i32_0 = arith.constant 0 : i32
    %c0_i32_1 = arith.constant 0 : i32
    return %c0_i32, %c0_i32_0 : i32, i32
  }
  func.func @transform_5(%arg0: i32) -> (i32, i32) {
    %c0_i32 = arith.constant 0 : i32
    %c0_i32_0 = arith.constant 0 : i32
    %c0_i32_1 = arith.constant 0 : i32
    return %c0_i32, %c0_i32_0 : i32, i32
  }
  func.func @transform_6(%arg0: i32) -> (i32, i32) {
    %c0_i32 = arith.constant 0 : i32
    %c0_i32_0 = arith.constant 0 : i32
    return %arg0, %c0_i32 : i32, i32
  }
}

module attributes {stable_mosaic.version = 14 : i64} {
  func.func @_k5a_body(%arg0: i32, %arg1: memref<4x1000x32xf32, #tpu.memory_space<vmem>>, %arg2: memref<64x64xf32, #tpu.memory_space<vmem>>, %arg3: memref<1x64xf32, #tpu.memory_space<vmem>>, %arg4: memref<1000x64xf32, #tpu.memory_space<vmem>>, %arg5: memref<2x64xf32, #tpu.memory_space<vmem>>) attributes {dimension_semantics = [#tpu.dimension_semantics<arbitrary>], iteration_bounds = array<i64: 50>, scalar_prefetch = 0 : i64, scratch_operands = 0 : i64, tpu.core_type = #tpu.core_type<tc>, window_params = [{transform_indices = @transform_0, window_bounds = array<i64: 4, 1000, 32>}, {pipeline_mode = #tpu.pipeline_mode<synchronous>, transform_indices = @transform_1, window_bounds = array<i64: 64, 64>}, {pipeline_mode = #tpu.pipeline_mode<synchronous>, transform_indices = @transform_2, window_bounds = array<i64: 1, 64>}, {transform_indices = @transform_3, window_bounds = array<i64: 1000, 64>}, {pipeline_mode = #tpu.pipeline_mode<synchronous>, transform_indices = @transform_4, window_bounds = array<i64: 2, 64>}]} {
    %get3A = arith.constant 0 : index
    %get3A_0 = arith.constant 0 : index
    %get3A_1 = arith.constant 0 : index
    %get3A_2 = vector.load %arg1[%get3A, %get3A_0, %get3A_1] : memref<4x1000x32xf32, #tpu.memory_space<vmem>>, vector<4x1000x32xf32>
    %slice3A = vector.extract_strided_slice %get3A_2 {offsets = [0, 0, 16], sizes = [1, 1000, 16], strides = [1, 1, 1]} : vector<4x1000x32xf32> to vector<1x1000x16xf32>
    %squeeze3A = vector.shape_cast %slice3A : vector<1x1000x16xf32> to vector<1000x16xf32>
    %slice3A_3 = vector.extract_strided_slice %get3A_2 {offsets = [0, 0, 0], sizes = [1, 1000, 16], strides = [1, 1, 1]} : vector<4x1000x32xf32> to vector<1x1000x16xf32>
    %squeeze3A_4 = vector.shape_cast %slice3A_3 : vector<1x1000x16xf32> to vector<1000x16xf32>
    %add3A = arith.constant 1.000000e-16 : f32
    %add3A_5 = vector.broadcast %add3A : f32 to vector<1000x16xf32>
    %add3A_6 = arith.addf %squeeze3A_4, %add3A_5 : vector<1000x16xf32>
    %div3A = arith.divf %squeeze3A, %add3A_6 : vector<1000x16xf32>
    %slice3A_7 = vector.extract_strided_slice %get3A_2 {offsets = [1, 0, 16], sizes = [1, 1000, 16], strides = [1, 1, 1]} : vector<4x1000x32xf32> to vector<1x1000x16xf32>
    %squeeze3A_8 = vector.shape_cast %slice3A_7 : vector<1x1000x16xf32> to vector<1000x16xf32>
    %slice3A_9 = vector.extract_strided_slice %get3A_2 {offsets = [1, 0, 0], sizes = [1, 1000, 16], strides = [1, 1, 1]} : vector<4x1000x32xf32> to vector<1x1000x16xf32>
    %squeeze3A_10 = vector.shape_cast %slice3A_9 : vector<1x1000x16xf32> to vector<1000x16xf32>
    %add3A_11 = arith.constant 1.000000e-16 : f32
    %add3A_12 = vector.broadcast %add3A_11 : f32 to vector<1000x16xf32>
    %add3A_13 = arith.addf %squeeze3A_10, %add3A_12 : vector<1000x16xf32>
    %div3A_14 = arith.divf %squeeze3A_8, %add3A_13 : vector<1000x16xf32>
    %slice3A_15 = vector.extract_strided_slice %get3A_2 {offsets = [2, 0, 16], sizes = [1, 1000, 16], strides = [1, 1, 1]} : vector<4x1000x32xf32> to vector<1x1000x16xf32>
    %squeeze3A_16 = vector.shape_cast %slice3A_15 : vector<1x1000x16xf32> to vector<1000x16xf32>
    %slice3A_17 = vector.extract_strided_slice %get3A_2 {offsets = [2, 0, 0], sizes = [1, 1000, 16], strides = [1, 1, 1]} : vector<4x1000x32xf32> to vector<1x1000x16xf32>
    %squeeze3A_18 = vector.shape_cast %slice3A_17 : vector<1x1000x16xf32> to vector<1000x16xf32>
    %add3A_19 = arith.constant 1.000000e-16 : f32
    %add3A_20 = vector.broadcast %add3A_19 : f32 to vector<1000x16xf32>
    %add3A_21 = arith.addf %squeeze3A_18, %add3A_20 : vector<1000x16xf32>
    %div3A_22 = arith.divf %squeeze3A_16, %add3A_21 : vector<1000x16xf32>
    %slice3A_23 = vector.extract_strided_slice %get3A_2 {offsets = [3, 0, 16], sizes = [1, 1000, 16], strides = [1, 1, 1]} : vector<4x1000x32xf32> to vector<1x1000x16xf32>
    %squeeze3A_24 = vector.shape_cast %slice3A_23 : vector<1x1000x16xf32> to vector<1000x16xf32>
    %slice3A_25 = vector.extract_strided_slice %get3A_2 {offsets = [3, 0, 0], sizes = [1, 1000, 16], strides = [1, 1, 1]} : vector<4x1000x32xf32> to vector<1x1000x16xf32>
    %squeeze3A_26 = vector.shape_cast %slice3A_25 : vector<1x1000x16xf32> to vector<1000x16xf32>
    %add3A_27 = arith.constant 1.000000e-16 : f32
    %add3A_28 = vector.broadcast %add3A_27 : f32 to vector<1000x16xf32>
    %add3A_29 = arith.addf %squeeze3A_26, %add3A_28 : vector<1000x16xf32>
    %div3A_30 = arith.divf %squeeze3A_24, %add3A_29 : vector<1000x16xf32>
    %concatenate3A = tpu.concatenate %div3A, %div3A_14, %div3A_22, %div3A_30 in 1 : vector<1000x16xf32>, vector<1000x16xf32>, vector<1000x16xf32>, vector<1000x16xf32> -> vector<1000x64xf32>
    %get3A_31 = arith.constant 0 : index
    %get3A_32 = arith.constant 0 : index
    %get3A_33 = vector.load %arg2[%get3A_31, %get3A_32] : memref<64x64xf32, #tpu.memory_space<vmem>>, vector<64x64xf32>
    %dot_general3A = arith.constant dense<0.000000e+00> : vector<1000x64xf32>
    %dot_general3A_34 = tpu.matmul %concatenate3A, %get3A_33, %dot_general3A {dimension_numbers = #tpu.dot_dimension_numbers<[1], [0], [0], [1], [0, 0, 1, 1], [], []>, transpose_lhs_hint = false} : vector<1000x64xf32>, vector<64x64xf32>, vector<1000x64xf32> -> vector<1000x64xf32>
    %get3A_35 = arith.constant 0 : index
    %get3A_36 = arith.constant 0 : index
    %get3A_37 = vector.load %arg3[%get3A_35, %get3A_36] : memref<1x64xf32, #tpu.memory_space<vmem>>, vector<1x64xf32>
    %add3A_38 = vector.broadcast %get3A_37 : vector<1x64xf32> to vector<1000x64xf32>
    %add3A_39 = arith.addf %dot_general3A_34, %add3A_38 : vector<1000x64xf32>
    %swap3A = arith.constant 0 : index
    %swap3A_40 = arith.constant 0 : index
    %swap3A_41 = vector.load %arg4[%swap3A, %swap3A_40] : memref<1000x64xf32, #tpu.memory_space<vmem>>, vector<1000x64xf32>
    tpu.vector_store %arg4[%swap3A, %swap3A_40], %add3A_39 {strides = array<i32>} : memref<1000x64xf32, #tpu.memory_space<vmem>>, vector<1000x64xf32>,
    %eq3A = arith.constant 0 : i32
    %eq3A_42 = arith.cmpi eq, %arg0, %eq3A : i32
    %convert_element_type3A = arith.extui %eq3A_42 : i1 to i32
    %cond3A = arith.constant 0 : i32
    %cond3A_43 = arith.cmpi ne, %convert_element_type3A, %cond3A : i32
    scf.if %cond3A_43 {
      %broadcast_in_dim3A_62 = arith.constant 0.000000e+00 : f32
      %broadcast_in_dim3A_63 = vector.broadcast %broadcast_in_dim3A_62 : f32 to vector<2x64xf32>
      %swap3A_64 = arith.constant 0 : index
      %swap3A_65 = arith.constant 0 : index
      %swap3A_66 = vector.load %arg5[%swap3A_64, %swap3A_65] : memref<2x64xf32, #tpu.memory_space<vmem>>, vector<2x64xf32>
      tpu.vector_store %arg5[%swap3A_64, %swap3A_65], %broadcast_in_dim3A_63 {strides = array<i32>} : memref<2x64xf32, #tpu.memory_space<vmem>>, vector<2x64xf32>,
    } else {
    }
    %get3A_44 = arith.constant 0 : index
    %get3A_45 = arith.constant 0 : index
    %get3A_46 = vector.load %arg5[%get3A_44, %get3A_45] : memref<2x64xf32, #tpu.memory_space<vmem>>, vector<1x64xf32>
    %reduce_sum3A = arith.constant dense<0.000000e+00> : vector<64xf32>
    %reduce_sum3A_47 = vector.multi_reduction <add>, %add3A_39, %reduce_sum3A [0] : vector<1000x64xf32> to vector<64xf32>
    %broadcast_in_dim3A = vector.shape_cast %reduce_sum3A_47 : vector<64xf32> to vector<1x64xf32>
    %add3A_48 = arith.addf %get3A_46, %broadcast_in_dim3A : vector<1x64xf32>
    %swap3A_49 = arith.constant 0 : index
    %swap3A_50 = arith.constant 0 : index
    %swap3A_51 = vector.load %arg5[%swap3A_49, %swap3A_50] : memref<2x64xf32, #tpu.memory_space<vmem>>, vector<1x64xf32>
    tpu.vector_store %arg5[%swap3A_49, %swap3A_50], %add3A_48 {strides = array<i32>} : memref<2x64xf32, #tpu.memory_space<vmem>>, vector<1x64xf32>,
    %get3A_52 = arith.constant 1 : index
    %get3A_53 = arith.constant 0 : index
    %get3A_54 = vector.load %arg5[%get3A_52, %get3A_53] : memref<2x64xf32, #tpu.memory_space<vmem>>, vector<1x64xf32>
    %mul3A = arith.mulf %add3A_39, %add3A_39 : vector<1000x64xf32>
    %reduce_sum3A_55 = arith.constant dense<0.000000e+00> : vector<64xf32>
    %reduce_sum3A_56 = vector.multi_reduction <add>, %mul3A, %reduce_sum3A_55 [0] : vector<1000x64xf32> to vector<64xf32>
    %broadcast_in_dim3A_57 = vector.shape_cast %reduce_sum3A_56 : vector<64xf32> to vector<1x64xf32>
    %add3A_58 = arith.addf %get3A_54, %broadcast_in_dim3A_57 : vector<1x64xf32>
    %swap3A_59 = arith.constant 1 : index
    %swap3A_60 = arith.constant 0 : index
    %swap3A_61 = vector.load %arg5[%swap3A_59, %swap3A_60] : memref<2x64xf32, #tpu.memory_space<vmem>>, vector<1x64xf32>
    tpu.vector_store %arg5[%swap3A_59, %swap3A_60], %add3A_58 {strides = array<i32>} : memref<2x64xf32, #tpu.memory_space<vmem>>, vector<1x64xf32>,
    return
  }
  func.func @transform_0(%arg0: i32) -> (i32, i32, i32) {
    %c0_i32 = arith.constant 0 : i32
    %c0_i32_0 = arith.constant 0 : i32
    %c0_i32_1 = arith.constant 0 : i32
    return %c0_i32, %arg0, %c0_i32_0 : i32, i32, i32
  }
  func.func @transform_1(%arg0: i32) -> (i32, i32) {
    %c0_i32 = arith.constant 0 : i32
    %c0_i32_0 = arith.constant 0 : i32
    %c0_i32_1 = arith.constant 0 : i32
    return %c0_i32, %c0_i32_0 : i32, i32
  }
  func.func @transform_2(%arg0: i32) -> (i32, i32) {
    %c0_i32 = arith.constant 0 : i32
    %c0_i32_0 = arith.constant 0 : i32
    %c0_i32_1 = arith.constant 0 : i32
    return %c0_i32, %c0_i32_0 : i32, i32
  }
  func.func @transform_3(%arg0: i32) -> (i32, i32) {
    %c0_i32 = arith.constant 0 : i32
    %c0_i32_0 = arith.constant 0 : i32
    return %arg0, %c0_i32 : i32, i32
  }
  func.func @transform_4(%arg0: i32) -> (i32, i32) {
    %c0_i32 = arith.constant 0 : i32
    %c0_i32_0 = arith.constant 0 : i32
    %c0_i32_1 = arith.constant 0 : i32
    return %c0_i32, %c0_i32_0 : i32, i32
  }
}

module attributes {stable_mosaic.version = 14 : i64} {
  func.func @_k5b_body(%arg0: i32, %arg1: memref<1000x64xf32, #tpu.memory_space<vmem>>, %arg2: memref<1x64xf32, #tpu.memory_space<vmem>>, %arg3: memref<1x64xf32, #tpu.memory_space<vmem>>, %arg4: memref<1000x64xf32, #tpu.memory_space<vmem>>) attributes {dimension_semantics = [#tpu.dimension_semantics<arbitrary>], iteration_bounds = array<i64: 50>, scalar_prefetch = 0 : i64, scratch_operands = 0 : i64, tpu.core_type = #tpu.core_type<tc>, window_params = [{transform_indices = @transform_0, window_bounds = array<i64: 1000, 64>}, {pipeline_mode = #tpu.pipeline_mode<synchronous>, transform_indices = @transform_1, window_bounds = array<i64: 1, 64>}, {pipeline_mode = #tpu.pipeline_mode<synchronous>, transform_indices = @transform_2, window_bounds = array<i64: 1, 64>}, {transform_indices = @transform_3, window_bounds = array<i64: 1000, 64>}]} {
    %get3A = arith.constant 0 : index
    %get3A_0 = arith.constant 0 : index
    %get3A_1 = vector.load %arg1[%get3A, %get3A_0] : memref<1000x64xf32, #tpu.memory_space<vmem>>, vector<1000x64xf32>
    %get3A_2 = arith.constant 0 : index
    %get3A_3 = arith.constant 0 : index
    %get3A_4 = vector.load %arg2[%get3A_2, %get3A_3] : memref<1x64xf32, #tpu.memory_space<vmem>>, vector<1x64xf32>
    %mul3A = vector.broadcast %get3A_4 : vector<1x64xf32> to vector<1000x64xf32>
    %mul3A_5 = arith.mulf %get3A_1, %mul3A : vector<1000x64xf32>
    %get3A_6 = arith.constant 0 : index
    %get3A_7 = arith.constant 0 : index
    %get3A_8 = vector.load %arg3[%get3A_6, %get3A_7] : memref<1x64xf32, #tpu.memory_space<vmem>>, vector<1x64xf32>
    %add3A = vector.broadcast %get3A_8 : vector<1x64xf32> to vector<1000x64xf32>
    %add3A_9 = arith.addf %mul3A_5, %add3A : vector<1000x64xf32>
    %ge3A = arith.constant 0.000000e+00 : f32
    %ge3A_10 = vector.broadcast %ge3A : f32 to vector<1000x64xf32>
    %ge3A_11 = arith.cmpf oge, %add3A_9, %ge3A_10 : vector<1000x64xf32>
    %mul3A_12 = arith.constant 2.000000e-01 : f32
    %mul3A_13 = vector.broadcast %mul3A_12 : f32 to vector<1000x64xf32>
    %mul3A_14 = arith.mulf %mul3A_13, %add3A_9 : vector<1000x64xf32>
    %select_n3A = arith.select %ge3A_11, %add3A_9, %mul3A_14 : vector<1000x64xi1>, vector<1000x64xf32>
    %swap3A = arith.constant 0 : index
    %swap3A_15 = arith.constant 0 : index
    %swap3A_16 = vector.load %arg4[%swap3A, %swap3A_15] : memref<1000x64xf32, #tpu.memory_space<vmem>>, vector<1000x64xf32>
    tpu.vector_store %arg4[%swap3A, %swap3A_15], %select_n3A {strides = array<i32>} : memref<1000x64xf32, #tpu.memory_space<vmem>>, vector<1000x64xf32>,
    return
  }
  func.func @transform_0(%arg0: i32) -> (i32, i32) {
    %c0_i32 = arith.constant 0 : i32
    %c0_i32_0 = arith.constant 0 : i32
    return %arg0, %c0_i32 : i32, i32
  }
  func.func @transform_1(%arg0: i32) -> (i32, i32) {
    %c0_i32 = arith.constant 0 : i32
    %c0_i32_0 = arith.constant 0 : i32
    %c0_i32_1 = arith.constant 0 : i32
    return %c0_i32, %c0_i32_0 : i32, i32
  }
  func.func @transform_2(%arg0: i32) -> (i32, i32) {
    %c0_i32 = arith.constant 0 : i32
    %c0_i32_0 = arith.constant 0 : i32
    %c0_i32_1 = arith.constant 0 : i32
    return %c0_i32, %c0_i32_0 : i32, i32
  }
  func.func @transform_3(%arg0: i32) -> (i32, i32) {
    %c0_i32 = arith.constant 0 : i32
    %c0_i32_0 = arith.constant 0 : i32
    return %arg0, %c0_i32 : i32, i32
  }
}

</mosaic_0001>

<sc_bundles>
// kernel: kernel.10.cloned.1.call-start
scs
__scs_entry_jumppad:
0x0: {  	(pc) =	sbr.rel $0x88, $3  }
0x1: {  	(tag) =	ssettag $0x0;
	lr =	simm.s32 $0x1  }
0x2: {  	[smem:$0x3F94] =	sst lr;
	_ =	strace $0xD0000000  }
0x3: {  	_ = 	snop  }
0x4: {  	_ = 	snop  }
0x5: {  	_ = 	snop  }
0x6: {  	_ = 	snop  }
0x7: {  	_ = 	snop  }
__scs_overlays_trampoline_lowered:
0x8: {  	[smem:$0x3FA3] =	sst s0  }
0x9: {  	[smem:$0x3FA4] =	sst s1  }
0xa: {  	[smem:$0x3FA5] =	sst s2  }
0xb: {  	[smem:$0x3FA6] =	sst s3  }
0xc: {  	[smem:$0x3FA7] =	sst s4  }
0xd: {  	[smem:$0x3FA8] =	sst s5  }
0xe: {  	[smem:$0x3FA9] =	sst s6  }
0xf: {  	[smem:$0x3FAA] =	sst s7  }
0x10: {  	[smem:$0x3FAB] =	sst s8  }
0x11: {  	[smem:$0x3FAC] =	sst s9;
	s0 =	simm.s32 @!p0 $0x0  }
0x12: {  	s1 =	sld [smem:$0x3F92];
	s0 =	simm.s32 @p0 $0x1  }
0x13: {  	[smem:$0x3FAD] =	sst s0;
	s0 =	simm.s32 @!p1 $0x0  }
0x14: {  	s2 =	sld [smem:$0x3F91];
	s0 =	simm.s32 @p1 $0x1  }
0x15: {  	[smem:$0x3FAE] =	sst s0;
	s0 =	simm.s32 @!p2 $0x0  }
0x16: {  	s3 =	sld [smem:$0x3FDB];
	s0 =	simm.s32 @p2 $0x1  }
0x17: {  	s4 =	simm.s32 $0x1BF5;
	[smem:$0x3FB0] =	sst s0  }
0x18: {  	s0 =	sld [smem:$0x3F93];
	_ =	swait.ge [sflag:s4], $0x0  }
0x19: {  	s7 =	sld [smem:$0x3F94]  }
0x1a: {  	s8 =	sadd.s32 $0xFFFFE003, lr  }
0x1b: {  	s9 =	sadd.s32 $0xFFFFFEF7, lr;
	s5 =	simm.s32 $0xFFFFFFFF;
	p2 =	slt.u32 s8, $0xFFFFF086  }
0x1c: {  	p1 =	slt.u32 s9, $0xF7A;
	s5 =	simm.s32 @!p2 $0x0  }
0x1d: {  	s5 =	simm.s32 @p1 $0x1;
	p0 =	seq.s32 s7, s2  }
0x1e: {  	s7 =	smul.u32 @!p0 $0xF7A, s2;
	p2 =	seq.s32 @!p0 s5, $0x0  }
0x1f: {  	s9 =	smul.u32 $0xF7A, s1;
	s8 =	simm.s32 @!p0 $0x1BF5;
	p2 =	por !p2, p0  }
0x20: {  	[sflag:s8] =	ssyncset.s32 @!p0 $0xFFFFF086;
	s6 =	sadd.s32 @!p0 s3, s7;
	s7 =	simm.s32 @!p0 $0x108  }
0x21: {  	s3 =	sadd.s32 s3, s9;
	s6 =	sadd.s32 @!p0 $0x88, s6;
	s7 =	simm.s32 @p2 $0x1082  }
0x22: {  	[simem:s7], [sflag:s8] =	dma.local @!p0 [hbm:s6], $0xF7A  }
0x23: {  	s9 =	sor.u32 $0xD0000000, s2;
	s6 =	simm.s32 $0x108;
	_ =	swait.ge @!p0 [sflag:s8], $0x0  }
0x24: {  	s3 =	sadd.s32 $0x88, s3;
	s6 =	simm.s32 @!p1 $0x1082;
	[sflag:s4] =	ssyncset.s32 $0xFFFFF086  }
0x25: {  	[simem:s6], [sflag:s4] =	dma.local [hbm:s3], $0xF7A  }
0x26: {  	[smem:$0x3F94] =	sst s1;
	(tag) =	ssettag s2;
	_ =	strace s9  }
0x27: {  	s1 =	sld [smem:$0x3FA4]  }
0x28: {  	s2 =	sld [smem:$0x3FA5]  }
0x29: {  	s4 =	sld [smem:$0x3FA7]  }
0x2a: {  	p0 =	seq.s32 s5, $0x0;
	s5 =	sld [smem:$0x3FA8]  }
0x2b: {  	s6 =	sld [smem:$0x3FA9]  }
0x2c: {  	s7 =	sld [smem:$0x3FAA]  }
0x2d: {  	s3 =	simm.s32 $0x108;
	s8 =	sld [smem:$0x3FAB]  }
0x2e: {  	s3 =	simm.s32 @!p0 $0x1082;
	s9 =	sld [smem:$0x3FAC]  }
0x2f: {  	lr =	sadd.s32 s0, s3;
	s0 =	sld [smem:$0x3FA3]  }
0x30: {  	s3 =	sld [smem:$0x3FA6]  }
0x31: {  	[smem:$0x3FAF] =	sst s10  }
0x32: {  	s10 =	sld [smem:$0x3FAD];
	_ =	sdelay $0x3  }
0x33: {  	p0 =	seq.s32 s10, $0x1;
	s10 =	sld [smem:$0x3FAF];
	_ =	sdelay $0x3  }
0x34: {  	[smem:$0x3FAF] =	sst s10  }
0x35: {  	s10 =	sld [smem:$0x3FAE];
	_ =	sdelay $0x3  }
0x36: {  	p1 =	seq.s32 s10, $0x1;
	s10 =	sld [smem:$0x3FAF];
	_ =	sdelay $0x3  }
0x37: {  	[smem:$0x3FAF] =	sst s10  }
0x38: {  	s10 =	sld [smem:$0x3FB0]  }
0x39: {  	_ = 	snop;
	(pc) =	sbr.ind lr, $3  }
0x3a: {  	_ = 	snop  }
0x3b: {  	_ = 	snop  }
0x3c: {  	p2 =	seq.s32 s10, $0x1;
	s10 =	sld [smem:$0x3FAF]  }
0x3d: {  	_ =	shalt  }
0x3e: {  	_ =	shalt  }
0x3f: {  	_ =	shalt  }
0x40: {  	_ =	shalt  }
0x41: {  	_ =	shalt  }
0x42: {  	_ =	shalt  }
0x43: {  	_ =	shalt  }
0x44: {  	_ =	shalt  }
0x45: {  	_ =	shalt  }
0x46: {  	_ =	shalt  }
0x47: {  	_ =	shalt  }
0x48: {  	_ =	shalt  }
0x49: {  	_ =	shalt  }
0x4a: {  	_ =	shalt  }
0x4b: {  	_ =	shalt  }
0x4c: {  	_ =	shalt  }
0x4d: {  	_ =	shalt  }
0x4e: {  	_ =	shalt  }
0x4f: {  	_ =	shalt  }
0x50: {  	_ =	shalt  }
0x51: {  	_ =	shalt  }
0x52: {  	_ =	shalt  }
0x53: {  	_ =	shalt  }
0x54: {  	_ =	shalt  }
0x55: {  	_ =	shalt  }
0x56: {  	_ =	shalt  }
0x57: {  	_ =	shalt  }
0x58: {  	_ =	shalt  }
0x59: {  	_ =	shalt  }
0x5a: {  	_ =	shalt  }
0x5b: {  	_ =	shalt  }
0x5c: {  	_ =	shalt  }
0x5d: {  	_ =	shalt  }
0x5e: {  	_ =	shalt  }
0x5f: {  	_ =	shalt  }
0x60: {  	_ =	shalt  }
0x61: {  	_ =	shalt  }
0x62: {  	_ =	shalt  }
0x63: {  	_ =	shalt  }
0x64: {  	_ =	shalt  }
0x65: {  	_ =	shalt  }
0x66: {  	_ =	shalt  }
0x67: {  	_ =	shalt  }
0x68: {  	_ =	shalt  }
0x69: {  	_ =	shalt  }
0x6a: {  	_ =	shalt  }
0x6b: {  	_ =	shalt  }
0x6c: {  	_ =	shalt  }
0x6d: {  	_ =	shalt  }
0x6e: {  	_ =	shalt  }
0x6f: {  	_ =	shalt  }
0x70: {  	_ =	shalt  }
0x71: {  	_ =	shalt  }
0x72: {  	_ =	shalt  }
0x73: {  	_ =	shalt  }
0x74: {  	_ =	shalt  }
0x75: {  	_ =	shalt  }
0x76: {  	_ =	shalt  }
0x77: {  	_ =	shalt  }
0x78: {  	_ =	shalt  }
0x79: {  	_ =	shalt  }
0x7a: {  	_ =	shalt  }
0x7b: {  	_ =	shalt  }
0x7c: {  	_ =	shalt  }
0x7d: {  	_ =	shalt  }
0x7e: {  	_ =	shalt  }
0x7f: {  	_ =	shalt  }
0x80: {  	_ =	shalt  }
0x81: {  	_ =	shalt  }
0x82: {  	_ =	shalt  }
0x83: {  	_ =	shalt  }
0x84: {  	_ =	shalt  }
0x85: {  	_ =	shalt  }
0x86: {  	_ =	shalt  }
0x87: {  	_ =	shalt  }
.Lfunc_end0:
.L_simem_size_0:
called_computation_lowered:
.L_overlay_start_0:
0x88: {  	s2 =	sld [smem:$0x3FD9]  }
0x89: {  	s3 =	sld [smem:$0x3FFE];
	_ =	sdelay $0x1  }
0x8a: {  	s1 =	srdreg.scid  }
0x8b: {  	s0 =	sand.u32 $0x1, s1  }
0x8c: {  	s17 =	sshll.u32 s0, $0xA;
	s2 =	sadd.s32 s3, s2  }
0x8d: {  	s2 =	sadd.s32 s2, s17  }
0x8e: {  	[smem:$0x3FBB] =	sst s2  }
0x8f: {  	_ = 	snop  }
0x90: {  	s2 =	sld [smem:$0x3FD0];
	(tm) =	ssettm $0x1  }
0x91: {  	s18 =	sld [smem:$0x3FFB];
	_ =	sdelay $0x3  }
0x92: {  	_ =	strace s18  }
0x93: {  	s3 =	sld [smem:$0x3FFC];
	_ =	sdelay $0x3  }
0x94: {  	_ =	strace s3  }
0x95: {  	s3 =	sld [smem:$0x3FFD];
	_ =	sdelay $0x3  }
0x96: {  	_ =	strace s3  }
0x97: {  	_ =	strace $0x8FFFFFFF  }
0x98: {  	s19 =	sld [smem:$0x3FDB];
	_ =	sdelay $0x1  }
0x99: {  	s4 =	simm.s32 $_scs_section_size  }
0x9a: {  	s5 =	simm.s32 $_size__tile_overlayer_lowered;
	s6 =	simm.s32 $_tile_overlayer_lowered  }
0x9b: {  	s22 =	simm.s32 $0x1BFF;
	s21 =	sshll.u32 s6, $0x1;
	s3 =	sadd.s32 s4, s19  }
0x9c: {  	s7 =	simm.s32 $0x0;
	s20 =	sshll.u32 s5, $0x1;
	s5 =	sadd.s32 s21, s3  }
0x9d: {  	[timem:s7], [sflag:s22] =	dma.local [hbm:s5], s20  }
0x9e: {  	_ =	swait.ge [sflag:s22], s20  }
0x9f: {  	s4 =	ssub.s32 $0x0, s20;
	[sflag:s22] =	ssyncset.done $0x0  }
0xa0: {  	[sflag:s22] =	ssyncadd.s32 s4;
	_ =	sdelay $0x1  }
0xa1: {  	s23 =	simm.s32 $0x1B8B  }
0xa2: {  	_ =	swait.ge [sflag:s23], $0x1  }
0xa3: {  	[sflag:s23] =	ssyncset.done $0x0  }
0xa4: {  	s25 =	simm.s32 $0x1B8E;
	s24 =	sld [smem:$0x3FFE];
	[sflag:s23] =	ssyncadd.s32 $0xFFFFFFFF  }
0xa5: {  	s26 =	simm.s32 $execute0_lowered;
	[smem:$0x3FD2] =	sst s25  }
0xa6: {  	s5 =	sshll.u32 s26, $0x1;
	_ =	strace $0x80000046;
	[dreg:$0x1] =	wrdreg $0xFFFFFFFF  }
0xa7: {  	s28 =	simm.s32 $_size_execute0_lowered;
	s3 =	sadd.s32 s3, s5;
	[dreg:$0x0] =	wrdreg $0x0  }
0xa8: {  	s5 =	sshll.u32 s28, $0x1;
	[dreg:$0x2] =	wrdreg s3  }
0xa9: {  	[dreg:$0x3] =	wrdreg s5  }
0xaa: {  	[dreg:$0x4] =	wrdreg $0xC0  }
0xab: {  	_ =	task [dreg:s7], $0x5FFFF  }
0xac: {  	[dreg:$0x1] =	wrdreg $0xFFFFFFFF  }
0xad: {  	[dreg:$0x0] =	wrdreg $0x60  }
0xae: {  	[dreg:$0x2] =	wrdreg s24  }
0xaf: {  	[dreg:$0x3] =	wrdreg s2  }
0xb0: {  	[dreg:$0x4] =	wrdreg $0x9  }
0xb1: {  	_ =	task.clear_ibuf [dreg:s7], $0x5FFFF;
	_ =	strace $0x90000046  }
0xb2: {  	s29 =	simm.s32 $0x9;
	_ =	strace $0x80000048  }
0xb3: {  	_ =	swait.ge [sflag:s29], $0x1  }
0xb4: {  	[sflag:s29] =	ssyncadd.s32 $0xFFFFFFFF  }
0xb5: {  	_ =	strace $0x90000048  }
0xb6: {  	_ =	sfence  }
0xb7: {  	s30 =	sld [smem:$0x0];
	_ =	sdelay $0x2  }
0xb8: {  	s31 =	sshll.u32 s1, $0xD;
	s1 =	sshrl.u32 s1, $0x2  }
0xb9: {  	s3 =	sand.u32 $0x4000, s31;
	s1 =	sadd.s32 s1, s30  }
0xba: {  	s0 =	sor.u32 s3, s0;
	s1 =	sshll.u32 s1, $0x11  }
0xbb: {  	s0 =	sor.u32 s1, s0  }
0xbc: {  	s0 =	sadd.s32 $0x8F2B, s0  }
0xbd: {  	[sflag:s0] =	ssyncadd.remote.s32 $0x1  }
0xbe: {  	_ =	sfence.sel $0xFFFF  }
0xbf: {  	[dreg:$0x0] =	wrdreg $0xFFFFFFFF;
	(pc) =	sbr.abs _section_cstart, $3  }
0xc0: {  	[dreg:$0x1] =	wrdreg $0xFFFFFFFF  }
0xc1: {  	_ =	task.clear_ibuf [dreg:s7], $0x2FFFF;
	_ =	strace $0x9FFFFFFF  }
0xc2: {  	(tm) =	ssettm $0x7FFFFFFF  }
0xc3: {  	_ =	shalt  }
tec
execute0_lowered:
.L_overlay_start_1:
0x0: {  	(tag) =	ssettag $0x1  }
0x1: {  	s0 =	rddreg [dreg:$0x0]  }
0x2: {  	s1 =	rddreg [dreg:$0x1];
	s2 =	simm.s32 $0x0;
	s12 =	stileid.u32  }
0x3: {  	s6 =	srdreg.scid;
	s19 =	simm.s32 $0x80;
	s20 =	simm.s32 $0x400  }
0x4: {  	s21 =	simm.s32 $0x2400;
	s22 =	simm.s32 $0x4400;
	s30 =	simm.s32 $0x3  }
0x5: {  	s31 =	simm.s32 $0x5;
	[smem:$0x7FF] =	sst s2;
	s3 =	sadd.s32 $0x3200, s0  }
0x6: {  	s5 =	sadd.s32 $0x1BA00, s0;
	s4 =	sadd.s32 $0x34200, s0;
	s7 =	sshll.u32 s12, $0xA  }
0x7: {  	s6 =	sand.u32 $0x1, s6;
	s9 =	sshll.u32 s12, $0x1;
	s10 =	sshll.u32 s12, $0xB  }
0x8: {  	s29 =	sshll.u32 s12, $0x6;
	_ =	strace $0x80000047;
	s7 =	sadd.s32 s7, s0  }
0x9: {  	s8 =	ssub.s32 $0x2, s6;
	s13 =	sor.u32 s6, s9;
	s0 =	sadd.s32 s10, s0  }
0xa: {  	s26 =	sshll.u32 s6, $0x9;
	s28 =	sshll.u32 s6, $0xA;
	s14 =	sshll.u32 s6, $0x5  }
0xb: {  	s15 =	sadd.s32 s29, s5;
	s16 =	sadd.s32 s29, s3;
	s9 =	sshll.u32 s13, $0x5  }
0xc: {  	s11 =	sshrl.u32 s8, $0x1;
	s7 =	sadd.s32 s26, s7;
	s23 =	sadd.s32 s3, s9  }
0xd: {  	s0 =	sadd.s32 s28, s0;
	s24 =	sadd.s32 s5, s9;
	[dreg:$0x3] =	wrdreg s23  }
0xe: {  	s9 =	sor.u32 $0x400, s9;
	s0 =	sadd.s32 $0x359E00, s0;
	[dreg:$0x4] =	wrdreg s24  }
0xf: {  	s13 =	sor.u32 $0x60, s13;
	s25 =	sadd.s32 s3, s9;
	[dreg:$0x8] =	wrdreg s0  }
0x10: {  	s8 =	ssub.s32 s8, s11;
	s9 =	sadd.s32 s5, s9;
	[dreg:$0x5] =	wrdreg s25  }
0x11: {  	s10 =	sadd.s32 $0x4CA00, s7;
	s8 =	smax.u32 s8, $0x1;
	[dreg:$0x6] =	wrdreg s9  }
0x12: {  	s11 =	sadd.s32 $0x1D3400, s7;
	s0 =	simm.s32 $0x0;
	[dreg:$0x7] =	wrdreg s8  }
.LBB2_1:
0x13: {  	s3 =	rddreg [dreg:$0x3]  }
0x14: {  	[tilespmem:s2], [sflag:$0x1] =	stream.linear.gather [hbm4b:s3+s2], $0x100, $0x38;
	[tilespmem:$0x8400] =	vst v63  }
0x15: {  	s26 =	rddreg [dreg:$0x4];
	s5 =	simm.s32 $0x200;
	s29 =	simm.s32 $0x1  }
0x16: {  	[tilespmem:s5], [sflag:$0x1] =	stream.linear.gather [hbm4b:s26+s2], $0x100, $0x38;
	[tilespmem:$0x8400] =	vst v63  }
0x17: {  	_ =	swait.ge [sflag:s29], $0x100  }
0x18: {  	[sflag:s29] =	ssyncset.done $0x0  }
0x19: {  	[sflag:s29] =	ssyncadd.s32 $0xFFFFFF00  }
0x1a: {  	_ =	swait.ge [sflag:s29], $0x100  }
0x1b: {  	[sflag:s29] =	ssyncset.done $0x0  }
0x1c: {  	[sflag:s29] =	ssyncadd.s32 $0xFFFFFF00  }
0x1d: {  	[tilespmem:s20], [sflag:$0x3] =	stream.indirect.gather [hbm4b:s4+s19], $0x10, s2, s19, $0xb8;
	[tilespmem:$0x8400] =	vst v63  }
0x1e: {  	_ = 	snop  }
0x1f: {  	[tilespmem:s21], [sflag:$0x3] =	stream.indirect.gather [hbm4b:s4+s19], $0x10, s5, s19, $0xb8;
	[tilespmem:$0x8400] =	vst v63  }
0x20: {  	_ = 	snop  }
0x21: {  	[tilespmem:s22], [sflag:$0x3] =	stream.indirect.gather [hbm4b:s1+s19], $0x20, s2, s19, $0xb8;
	[tilespmem:$0x8400] =	vst v63  }
0x22: {  	s5 =	simm.s32 $0xC00  }
0x23: {  	[tilespmem:s5], [sflag:$0x3] =	stream.indirect.gather [hbm4b:s4+s19], $0x10, s19, s19, $0xb8;
	[tilespmem:$0x8400] =	vst v63  }
0x24: {  	s6 =	simm.s32 $0x280;
	s7 =	simm.s32 $0x2C00  }
0x25: {  	[tilespmem:s7], [sflag:$0x3] =	stream.indirect.gather [hbm4b:s4+s19], $0x10, s6, s19, $0xb8;
	[tilespmem:$0x8400] =	vst v63  }
0x26: {  	s8 =	simm.s32 $0x5400;
	s12 =	simm.s32 $0x100;
	s23 =	sadd.s32 $0xFFFFFFC0, s13  }
0x27: {  	[tilespmem:s8], [sflag:$0x3] =	stream.indirect.gather [hbm4b:s1+s19], $0x20, s19, s19, $0xb8;
	[tilespmem:$0x8400] =	vst v63  }
0x28: {  	s18 =	simm.s32 $0x300;
	p0 =	sgt.u32 s23, $0xC34;
	s9 =	rddreg [dreg:$0x5]  }
0x29: {  	[tilespmem:s12], [sflag:$0x2] =	stream.linear.gather [hbm4b:s9+s2], $0x100, $0x38;
	[tilespmem:$0x8400] =	vst v63  }
0x2a: {  	s17 =	rddreg [dreg:$0x6];
	s5 =	simm.s32 @!p0 $0x2;
	p0 =	por p0, p0  }
0x2b: {  	[tilespmem:s18], [sflag:$0x2] =	stream.linear.gather [hbm4b:s17+s2], $0x100, $0x38;
	[tilespmem:$0x8400] =	vst v63  }
0x2c: {  	_ =	swait.ge @!p0 [sflag:s5], $0x100  }
0x2d: {  	[sflag:s5] =	ssyncset.done @!p0 $0x0  }
0x2e: {  	[sflag:s5] =	ssyncadd.s32 @!p0 $0xFFFFFF00  }
0x2f: {  	_ =	swait.ge @!p0 [sflag:s5], $0x100  }
0x30: {  	s3 =	simm.s32 @!p0 $0x1400;
	[sflag:s5] =	ssyncset.done @!p0 $0x0  }
0x31: {  	s7 =	simm.s32 @!p0 $0x80;
	s8 =	simm.s32 @!p0 $0x100;
	[sflag:s5] =	ssyncadd.s32 @!p0 $0xFFFFFF00  }
0x32: {  	[tilespmem:s3], [sflag:$0x4] =	stream.indirect.gather @!p0 [hbm4b:s4+s7], $0x10, s8, s7, $0xb8;
	[tilespmem:$0x8400] =	vst v63  }
0x33: {  	s6 =	simm.s32 @!p0 $0x3400;
	s5 =	simm.s32 @!p0 $0x300  }
0x34: {  	[tilespmem:s6], [sflag:$0x4] =	stream.indirect.gather @!p0 [hbm4b:s4+s7], $0x10, s5, s7, $0xb8;
	[tilespmem:$0x8400] =	vst v63  }
0x35: {  	s5 =	simm.s32 @!p0 $0x6400  }
0x36: {  	[tilespmem:s5], [sflag:$0x4] =	stream.indirect.gather @!p0 [hbm4b:s1+s7], $0x20, s8, s7, $0xb8;
	[tilespmem:$0x8400] =	vst v63  }
0x37: {  	s23 =	simm.s32 @!p0 $0x1C00;
	s8 =	simm.s32 @!p0 $0x180  }
0x38: {  	[tilespmem:s23], [sflag:$0x4] =	stream.indirect.gather @!p0 [hbm4b:s4+s7], $0x10, s8, s7, $0xb8;
	[tilespmem:$0x8400] =	vst v63  }
0x39: {  	s24 =	simm.s32 @!p0 $0x3C00;
	s23 =	simm.s32 @!p0 $0x380  }
0x3a: {  	[tilespmem:s24], [sflag:$0x4] =	stream.indirect.gather @!p0 [hbm4b:s4+s7], $0x10, s23, s7, $0xb8;
	[tilespmem:$0x8400] =	vst v63  }
0x3b: {  	s23 =	simm.s32 @!p0 $0x7400  }
0x3c: {  	[tilespmem:s23], [sflag:$0x4] =	stream.indirect.gather @!p0 [hbm4b:s1+s7], $0x20, s8, s7, $0xb8;
	[tilespmem:$0x8400] =	vst v63  }
0x3d: {  	_ =	swait.ge [sflag:s30], $0x800  }
0x3e: {  	[sflag:s30] =	ssyncset.done $0x0  }
0x3f: {  	[sflag:s30] =	ssyncadd.s32 $0xFFFFF800  }
0x40: {  	_ =	swait.ge [sflag:s30], $0x800  }
0x41: {  	[sflag:s30] =	ssyncset.done $0x0  }
0x42: {  	[sflag:s30] =	ssyncadd.s32 $0xFFFFF800  }
0x43: {  	_ =	swait.ge [sflag:s30], $0x1000  }
0x44: {  	[sflag:s30] =	ssyncset.done $0x0  }
0x45: {  	[sflag:s30] =	ssyncadd.s32 $0xFFFFF000  }
0x46: {  	_ =	swait.ge [sflag:s30], $0x800  }
0x47: {  	[sflag:s30] =	ssyncset.done $0x0  }
0x48: {  	[sflag:s30] =	ssyncadd.s32 $0xFFFFF800  }
0x49: {  	_ =	swait.ge [sflag:s30], $0x800  }
0x4a: {  	[sflag:s30] =	ssyncset.done $0x0  }
0x4b: {  	s24 =	sadd.s32 $0xFFFFFFE0, s13;
	[sflag:s30] =	ssyncadd.s32 $0xFFFFF800  }
0x4c: {  	p1 =	sgt.u32 s24, $0xC34;
	_ =	swait.ge [sflag:s30], $0x1000  }
0x4d: {  	s7 =	sadd.s32 @!p1 s16, s14;
	s8 =	sadd.s32 @!p1 s15, s14;
	[sflag:s30] =	ssyncset.done $0x0  }
0x4e: {  	s23 =	simm.s32 @!p1 $0x0;
	s7 =	sadd.s32 @!p1 $0x800, s7;
	[sflag:s30] =	ssyncadd.s32 $0xFFFFF000  }
0x4f: {  	[tilespmem:s23], [sflag:$0x1] =	stream.linear.gather @!p1 [hbm4b:s7+s23], $0x100, $0x38;
	[tilespmem:$0x8400] =	vst v63  }
0x50: {  	s7 =	sadd.s32 @!p1 $0x800, s8;
	s8 =	simm.s32 @!p1 $0x200  }
0x51: {  	[tilespmem:s8], [sflag:$0x1] =	stream.linear.gather @!p1 [hbm4b:s7+s23], $0x100, $0x38;
	[tilespmem:$0x8400] =	vst v63  }
0x52: {  	s25 =	sadd.s32 $0x0, s11  }
0x53: {  	[hbm4b:s25+s2] =	stream.linear.scatter [tilespmem:s20], [sflag:$0x5], $0x1000, $0x38;
	[tilespmem:$0x8400] =	vst v63  }
0x54: {  	s26 =	sadd.s32 $0x0, s10  }
0x55: {  	[hbm4b:s26+s2] =	stream.linear.scatter [tilespmem:s21], [sflag:$0x5], $0x1000, $0x38;
	[tilespmem:$0x8400] =	vst v63  }
0x56: {  	s9 =	rddreg [dreg:$0x8]  }
0x57: {  	[hbm4b:s9+s2] =	stream.linear.scatter [tilespmem:s22], [sflag:$0x5], $0x2000, $0x38;
	[tilespmem:$0x8400] =	vst v63  }
0x58: {  	_ =	swait.ge [sflag:s31], $0x1000  }
0x59: {  	[sflag:s31] =	ssyncset.done $0x0  }
0x5a: {  	[sflag:s31] =	ssyncadd.s32 $0xFFFFF000  }
0x5b: {  	_ =	swait.ge [sflag:s31], $0x1000  }
0x5c: {  	[sflag:s31] =	ssyncset.done $0x0  }
0x5d: {  	[sflag:s31] =	ssyncadd.s32 $0xFFFFF000  }
0x5e: {  	_ =	swait.ge [sflag:s31], $0x2000  }
0x5f: {  	[sflag:s31] =	ssyncset.done $0x0  }
0x60: {  	s7 =	simm.s32 @!p1 $0x1;
	[sflag:s31] =	ssyncadd.s32 $0xFFFFE000  }
0x61: {  	_ =	swait.ge @!p1 [sflag:s7], $0x100  }
0x62: {  	[sflag:s7] =	ssyncset.done @!p1 $0x0  }
0x63: {  	[sflag:s7] =	ssyncadd.s32 @!p1 $0xFFFFFF00  }
0x64: {  	_ =	swait.ge @!p1 [sflag:s7], $0x100  }
0x65: {  	[sflag:s7] =	ssyncset.done @!p1 $0x0  }
0x66: {  	s24 =	simm.s32 @!p1 $0x80;
	[sflag:s7] =	ssyncadd.s32 @!p1 $0xFFFFFF00;
	s7 =	simm.s32 @!p1 $0x400  }
0x67: {  	[tilespmem:s7], [sflag:$0x3] =	stream.indirect.gather @!p1 [hbm4b:s4+s24], $0x10, s23, s24, $0xb8;
	[tilespmem:$0x8400] =	vst v63  }
0x68: {  	s7 =	simm.s32 @!p1 $0x2400  }
0x69: {  	[tilespmem:s7], [sflag:$0x3] =	stream.indirect.gather @!p1 [hbm4b:s4+s24], $0x10, s8, s24, $0xb8;
	[tilespmem:$0x8400] =	vst v63  }
0x6a: {  	s7 =	simm.s32 @!p1 $0x4400  }
0x6b: {  	[tilespmem:s7], [sflag:$0x3] =	stream.indirect.gather @!p1 [hbm4b:s1+s24], $0x20, s23, s24, $0xb8;
	[tilespmem:$0x8400] =	vst v63  }
0x6c: {  	s7 =	simm.s32 @!p1 $0xC00  }
0x6d: {  	[tilespmem:s7], [sflag:$0x3] =	stream.indirect.gather @!p1 [hbm4b:s4+s24], $0x10, s24, s24, $0xb8;
	[tilespmem:$0x8400] =	vst v63  }
0x6e: {  	s8 =	simm.s32 @!p1 $0x2C00;
	s7 =	simm.s32 @!p1 $0x280  }
0x6f: {  	[tilespmem:s8], [sflag:$0x3] =	stream.indirect.gather @!p1 [hbm4b:s4+s24], $0x10, s7, s24, $0xb8;
	[tilespmem:$0x8400] =	vst v63  }
0x70: {  	s7 =	simm.s32 @!p1 $0x5400;
	s8 =	simm.s32 @!p0 $0x4  }
0x71: {  	[tilespmem:s7], [sflag:$0x3] =	stream.indirect.gather @!p1 [hbm4b:s1+s24], $0x20, s24, s24, $0xb8;
	[tilespmem:$0x8400] =	vst v63  }
0x72: {  	_ =	swait.ge @!p0 [sflag:s8], $0x800  }
0x73: {  	[sflag:s8] =	ssyncset.done @!p0 $0x0  }
0x74: {  	[sflag:s8] =	ssyncadd.s32 @!p0 $0xFFFFF800  }
0x75: {  	_ =	swait.ge @!p0 [sflag:s8], $0x800  }
0x76: {  	[sflag:s8] =	ssyncset.done @!p0 $0x0  }
0x77: {  	[sflag:s8] =	ssyncadd.s32 @!p0 $0xFFFFF800  }
0x78: {  	_ =	swait.ge @!p0 [sflag:s8], $0x1000  }
0x79: {  	[sflag:s8] =	ssyncset.done @!p0 $0x0  }
0x7a: {  	[sflag:s8] =	ssyncadd.s32 @!p0 $0xFFFFF000  }
0x7b: {  	_ =	swait.ge @!p0 [sflag:s8], $0x800  }
0x7c: {  	[sflag:s8] =	ssyncset.done @!p0 $0x0  }
0x7d: {  	[sflag:s8] =	ssyncadd.s32 @!p0 $0xFFFFF800  }
0x7e: {  	_ =	swait.ge @!p0 [sflag:s8], $0x800  }
0x7f: {  	[sflag:s8] =	ssyncset.done @!p0 $0x0  }
0x80: {  	p1 =	sgt.u32 s13, $0xC34;
	[sflag:s8] =	ssyncadd.s32 @!p0 $0xFFFFF800  }
0x81: {  	s7 =	sadd.s32 @!p1 s16, s14;
	_ =	swait.ge @!p0 [sflag:s8], $0x1000  }
0x82: {  	s23 =	simm.s32 @!p1 $0x0;
	s24 =	simm.s32 @!p1 $0x100;
	[sflag:s8] =	ssyncset.done @!p0 $0x0  }
0x83: {  	s7 =	sadd.s32 @!p1 $0xC00, s7;
	[sflag:s8] =	ssyncadd.s32 @!p0 $0xFFFFF000;
	s8 =	sadd.s32 @!p1 s15, s14  }
0x84: {  	[tilespmem:s24], [sflag:$0x2] =	stream.linear.gather @!p1 [hbm4b:s7+s23], $0x100, $0x38;
	[tilespmem:$0x8400] =	vst v63  }
0x85: {  	s7 =	simm.s32 @!p1 $0x300;
	s8 =	sadd.s32 @!p1 $0xC00, s8;
	s24 =	sadd.s32 @!p0 $0x0, s11  }
0x86: {  	[tilespmem:s7], [sflag:$0x2] =	stream.linear.gather @!p1 [hbm4b:s8+s23], $0x100, $0x38;
	[tilespmem:$0x8400] =	vst v63  }
0x87: {  	s7 =	sadd.s32 @!p0 $0x4000, s24;
	s8 =	simm.s32 @!p0 $0x0;
	s23 =	sadd.s32 @!p0 $0x0, s10  }
0x88: {  	[hbm4b:s7+s8] =	stream.linear.scatter @!p0 [tilespmem:s3], [sflag:$0x5], $0x1000, $0x38;
	[tilespmem:$0x8400] =	vst v63  }
0x89: {  	s3 =	sadd.s32 @!p0 $0x4000, s23  }
0x8a: {  	[hbm4b:s3+s8] =	stream.linear.scatter @!p0 [tilespmem:s6], [sflag:$0x5], $0x1000, $0x38;
	[tilespmem:$0x8400] =	vst v63  }
0x8b: {  	s7 =	simm.s32 @!p0 $0x5;
	s3 =	sadd.s32 @!p0 $0x8000, s9  }
0x8c: {  	[hbm4b:s3+s8] =	stream.linear.scatter @!p0 [tilespmem:s5], [sflag:$0x5], $0x2000, $0x38;
	[tilespmem:$0x8400] =	vst v63  }
0x8d: {  	_ =	swait.ge @!p0 [sflag:s7], $0x1000  }
0x8e: {  	[sflag:s7] =	ssyncset.done @!p0 $0x0  }
0x8f: {  	[sflag:s7] =	ssyncadd.s32 @!p0 $0xFFFFF000  }
0x90: {  	s28 =	simm.s32 $0x10000;
	s26 =	sadd.s32 $0x40, s13;
	_ =	swait.ge @!p0 [sflag:s7], $0x1000  }
0x91: {  	s25 =	sadd.s32 $0x800, s16;
	s29 =	sadd.s32 $0xFFFFFFC0, s26;
	[sflag:s7] =	ssyncset.done @!p0 $0x0  }
0x92: {  	p2 =	sgt.u32 s29, $0xC34;
	s24 =	sadd.s32 $0x800, s15;
	[sflag:s7] =	ssyncadd.s32 @!p0 $0xFFFFF000  }
0x93: {  	s23 =	sadd.s32 $0x10000, s9;
	s3 =	simm.s32 $0x8000;
	_ =	swait.ge @!p0 [sflag:s7], $0x2000  }
.LBB2_2:
0x94: {  	s6 =	simm.s32 @!p2 $0x2  }
0x95: {  	[sflag:s7] =	ssyncset.done @!p0 $0x0;
	s29 =	smov.u32 s28;
	s28 =	sadd.s32 $0x8000, s28  }
0x96: {  	p1 =	sne.s32 s28, $0x188000;
	[sflag:s7] =	ssyncadd.s32 @!p0 $0xFFFFE000;
	p0 =	por p2, p2  }
0x97: {  	_ =	swait.ge @!p0 [sflag:s6], $0x100  }
0x98: {  	[sflag:s6] =	ssyncset.done @!p0 $0x0  }
0x99: {  	[sflag:s6] =	ssyncadd.s32 @!p0 $0xFFFFFF00  }
0x9a: {  	s5 =	simm.s32 @!p0 $0x1400;
	_ =	swait.ge @!p0 [sflag:s6], $0x100  }
0x9b: {  	s8 =	simm.s32 @!p0 $0x80;
	s9 =	simm.s32 @!p0 $0x100;
	[sflag:s6] =	ssyncset.done @!p0 $0x0  }
0x9c: {  	[sflag:s6] =	ssyncadd.s32 @!p0 $0xFFFFFF00  }
0x9d: {  	[tilespmem:s5], [sflag:$0x4] =	stream.indirect.gather @!p0 [hbm4b:s4+s8], $0x10, s9, s8, $0xb8;
	[tilespmem:$0x8400] =	vst v63  }
0x9e: {  	s7 =	simm.s32 @!p0 $0x3400;
	s6 =	simm.s32 @!p0 $0x300  }
0x9f: {  	[tilespmem:s7], [sflag:$0x4] =	stream.indirect.gather @!p0 [hbm4b:s4+s8], $0x10, s6, s8, $0xb8;
	[tilespmem:$0x8400] =	vst v63  }
0xa0: {  	s6 =	simm.s32 @!p0 $0x6400  }
0xa1: {  	[tilespmem:s6], [sflag:$0x4] =	stream.indirect.gather @!p0 [hbm4b:s1+s8], $0x20, s9, s8, $0xb8;
	[tilespmem:$0x8400] =	vst v63  }
0xa2: {  	s17 =	simm.s32 @!p0 $0x1C00;
	s9 =	simm.s32 @!p0 $0x180  }
0xa3: {  	[tilespmem:s17], [sflag:$0x4] =	stream.indirect.gather @!p0 [hbm4b:s4+s8], $0x10, s9, s8, $0xb8;
	[tilespmem:$0x8400] =	vst v63  }
0xa4: {  	s12 =	simm.s32 @!p0 $0x3C00;
	s17 =	simm.s32 @!p0 $0x380  }
0xa5: {  	[tilespmem:s12], [sflag:$0x4] =	stream.indirect.gather @!p0 [hbm4b:s4+s8], $0x10, s17, s8, $0xb8;
	[tilespmem:$0x8400] =	vst v63  }
0xa6: {  	s12 =	simm.s32 @!p0 $0x7400  }
0xa7: {  	[tilespmem:s12], [sflag:$0x4] =	stream.indirect.gather @!p0 [hbm4b:s1+s8], $0x20, s9, s8, $0xb8;
	[tilespmem:$0x8400] =	vst v63  }
0xa8: {  	_ =	swait.ge [sflag:s30], $0x800  }
0xa9: {  	[sflag:s30] =	ssyncset.done $0x0  }
0xaa: {  	[sflag:s30] =	ssyncadd.s32 $0xFFFFF800  }
0xab: {  	_ =	swait.ge [sflag:s30], $0x800  }
0xac: {  	[sflag:s30] =	ssyncset.done $0x0  }
0xad: {  	[sflag:s30] =	ssyncadd.s32 $0xFFFFF800  }
0xae: {  	_ =	swait.ge [sflag:s30], $0x1000  }
0xaf: {  	[sflag:s30] =	ssyncset.done $0x0  }
0xb0: {  	[sflag:s30] =	ssyncadd.s32 $0xFFFFF000  }
0xb1: {  	_ =	swait.ge [sflag:s30], $0x800  }
0xb2: {  	[sflag:s30] =	ssyncset.done $0x0  }
0xb3: {  	[sflag:s30] =	ssyncadd.s32 $0xFFFFF800  }
0xb4: {  	_ =	swait.ge [sflag:s30], $0x800  }
0xb5: {  	s8 =	sadd.s32 $0xFFFFFFE0, s26;
	[sflag:s30] =	ssyncset.done $0x0  }
0xb6: {  	p2 =	sgt.u32 s8, $0xC34;
	[sflag:s30] =	ssyncadd.s32 $0xFFFFF800  }
0xb7: {  	s8 =	sadd.s32 @!p2 s25, s14;
	s9 =	sadd.s32 @!p2 s24, s14;
	_ =	swait.ge [sflag:s30], $0x1000  }
0xb8: {  	s12 =	sadd.s32 @!p2 $0x800, s8;
	s8 =	simm.s32 @!p2 $0x0;
	[sflag:s30] =	ssyncset.done $0x0  }
0xb9: {  	s9 =	sadd.s32 @!p2 $0x800, s9;
	[sflag:s30] =	ssyncadd.s32 $0xFFFFF000  }
0xba: {  	[tilespmem:s8], [sflag:$0x1] =	stream.linear.gather @!p2 [hbm4b:s12+s8], $0x100, $0x38;
	[tilespmem:$0x8400] =	vst v63  }
0xbb: {  	s12 =	simm.s32 @!p2 $0x200  }
0xbc: {  	[tilespmem:s12], [sflag:$0x1] =	stream.linear.gather @!p2 [hbm4b:s9+s8], $0x100, $0x38;
	[tilespmem:$0x8400] =	vst v63  }
0xbd: {  	s9 =	sadd.s32 s3, s11  }
0xbe: {  	[hbm4b:s9+s2] =	stream.linear.scatter [tilespmem:s20], [sflag:$0x5], $0x1000, $0x38;
	[tilespmem:$0x8400] =	vst v63  }
0xbf: {  	s9 =	sadd.s32 s3, s10  }
0xc0: {  	[hbm4b:s9+s2] =	stream.linear.scatter [tilespmem:s21], [sflag:$0x5], $0x1000, $0x38;
	[tilespmem:$0x8400] =	vst v63  }
0xc1: {  	_ = 	snop  }
0xc2: {  	[hbm4b:s23+s2] =	stream.linear.scatter [tilespmem:s22], [sflag:$0x5], $0x2000, $0x38;
	[tilespmem:$0x8400] =	vst v63  }
0xc3: {  	_ =	swait.ge [sflag:s31], $0x1000  }
0xc4: {  	[sflag:s31] =	ssyncset.done $0x0  }
0xc5: {  	[sflag:s31] =	ssyncadd.s32 $0xFFFFF000  }
0xc6: {  	_ =	swait.ge [sflag:s31], $0x1000  }
0xc7: {  	[sflag:s31] =	ssyncset.done $0x0  }
0xc8: {  	[sflag:s31] =	ssyncadd.s32 $0xFFFFF000  }
0xc9: {  	_ =	swait.ge [sflag:s31], $0x2000  }
0xca: {  	s9 =	simm.s32 @!p2 $0x1;
	[sflag:s31] =	ssyncset.done $0x0  }
0xcb: {  	[sflag:s31] =	ssyncadd.s32 $0xFFFFE000  }
0xcc: {  	_ =	swait.ge @!p2 [sflag:s9], $0x100  }
0xcd: {  	[sflag:s9] =	ssyncset.done @!p2 $0x0  }
0xce: {  	[sflag:s9] =	ssyncadd.s32 @!p2 $0xFFFFFF00  }
0xcf: {  	_ =	swait.ge @!p2 [sflag:s9], $0x100  }
0xd0: {  	s17 =	simm.s32 @!p2 $0x80;
	s18 =	simm.s32 @!p2 $0x400;
	[sflag:s9] =	ssyncset.done @!p2 $0x0  }
0xd1: {  	[sflag:s9] =	ssyncadd.s32 @!p2 $0xFFFFFF00  }
0xd2: {  	[tilespmem:s18], [sflag:$0x3] =	stream.indirect.gather @!p2 [hbm4b:s4+s17], $0x10, s8, s17, $0xb8;
	[tilespmem:$0x8400] =	vst v63  }
0xd3: {  	s9 =	simm.s32 @!p2 $0x2400  }
0xd4: {  	[tilespmem:s9], [sflag:$0x3] =	stream.indirect.gather @!p2 [hbm4b:s4+s17], $0x10, s12, s17, $0xb8;
	[tilespmem:$0x8400] =	vst v63  }
0xd5: {  	s9 =	simm.s32 @!p2 $0x4400  }
0xd6: {  	[tilespmem:s9], [sflag:$0x3] =	stream.indirect.gather @!p2 [hbm4b:s1+s17], $0x20, s8, s17, $0xb8;
	[tilespmem:$0x8400] =	vst v63  }
0xd7: {  	s8 =	simm.s32 @!p2 $0xC00  }
0xd8: {  	[tilespmem:s8], [sflag:$0x3] =	stream.indirect.gather @!p2 [hbm4b:s4+s17], $0x10, s17, s17, $0xb8;
	[tilespmem:$0x8400] =	vst v63  }
0xd9: {  	s9 =	simm.s32 @!p2 $0x2C00;
	s8 =	simm.s32 @!p2 $0x280  }
0xda: {  	[tilespmem:s9], [sflag:$0x3] =	stream.indirect.gather @!p2 [hbm4b:s4+s17], $0x10, s8, s17, $0xb8;
	[tilespmem:$0x8400] =	vst v63  }
0xdb: {  	s8 =	simm.s32 @!p2 $0x5400;
	s9 =	simm.s32 @!p0 $0x4  }
0xdc: {  	[tilespmem:s8], [sflag:$0x3] =	stream.indirect.gather @!p2 [hbm4b:s1+s17], $0x20, s17, s17, $0xb8;
	[tilespmem:$0x8400] =	vst v63  }
0xdd: {  	_ =	swait.ge @!p0 [sflag:s9], $0x800  }
0xde: {  	[sflag:s9] =	ssyncset.done @!p0 $0x0  }
0xdf: {  	[sflag:s9] =	ssyncadd.s32 @!p0 $0xFFFFF800  }
0xe0: {  	_ =	swait.ge @!p0 [sflag:s9], $0x800  }
0xe1: {  	[sflag:s9] =	ssyncset.done @!p0 $0x0  }
0xe2: {  	[sflag:s9] =	ssyncadd.s32 @!p0 $0xFFFFF800  }
0xe3: {  	_ =	swait.ge @!p0 [sflag:s9], $0x1000  }
0xe4: {  	[sflag:s9] =	ssyncset.done @!p0 $0x0  }
0xe5: {  	[sflag:s9] =	ssyncadd.s32 @!p0 $0xFFFFF000  }
0xe6: {  	_ =	swait.ge @!p0 [sflag:s9], $0x800  }
0xe7: {  	[sflag:s9] =	ssyncset.done @!p0 $0x0  }
0xe8: {  	[sflag:s9] =	ssyncadd.s32 @!p0 $0xFFFFF800  }
0xe9: {  	_ =	swait.ge @!p0 [sflag:s9], $0x800  }
0xea: {  	[sflag:s9] =	ssyncset.done @!p0 $0x0  }
0xeb: {  	p2 =	sgt.u32 s26, $0xC34;
	[sflag:s9] =	ssyncadd.s32 @!p0 $0xFFFFF800  }
0xec: {  	s8 =	sadd.s32 @!p2 s25, s14;
	s12 =	simm.s32 @!p2 $0x0;
	_ =	swait.ge @!p0 [sflag:s9], $0x1000  }
0xed: {  	s17 =	simm.s32 @!p2 $0x100;
	s8 =	sadd.s32 @!p2 $0xC00, s8;
	[sflag:s9] =	ssyncset.done @!p0 $0x0  }
0xee: {  	s18 =	simm.s32 @!p2 $0x300;
	[sflag:s9] =	ssyncadd.s32 @!p0 $0xFFFFF000;
	s9 =	sadd.s32 @!p2 s24, s14  }
0xef: {  	[tilespmem:s17], [sflag:$0x2] =	stream.linear.gather @!p2 [hbm4b:s8+s12], $0x100, $0x38;
	[tilespmem:$0x8400] =	vst v63  }
0xf0: {  	s8 =	sadd.s32 @!p2 $0xC00, s9;
	s9 =	sadd.s32 @!p0 s3, s11  }
0xf1: {  	[tilespmem:s18], [sflag:$0x2] =	stream.linear.gather @!p2 [hbm4b:s8+s12], $0x100, $0x38;
	[tilespmem:$0x8400] =	vst v63  }
0xf2: {  	s3 =	sadd.s32 @!p0 s3, s10;
	s8 =	sadd.s32 @!p0 $0x4000, s9;
	s9 =	simm.s32 @!p0 $0x0  }
0xf3: {  	[hbm4b:s8+s9] =	stream.linear.scatter @!p0 [tilespmem:s5], [sflag:$0x5], $0x1000, $0x38;
	[tilespmem:$0x8400] =	vst v63  }
0xf4: {  	s5 =	sadd.s32 @!p0 $0x4000, s3;
	s3 =	smov.u32 s29  }
0xf5: {  	[hbm4b:s5+s9] =	stream.linear.scatter @!p0 [tilespmem:s7], [sflag:$0x5], $0x1000, $0x38;
	[tilespmem:$0x8400] =	vst v63  }
0xf6: {  	s5 =	sadd.s32 @!p0 $0x8000, s23;
	s7 =	simm.s32 @!p0 $0x5  }
0xf7: {  	[hbm4b:s5+s9] =	stream.linear.scatter @!p0 [tilespmem:s6], [sflag:$0x5], $0x2000, $0x38;
	[tilespmem:$0x8400] =	vst v63  }
0xf8: {  	_ =	swait.ge @!p0 [sflag:s7], $0x1000  }
0xf9: {  	[sflag:s7] =	ssyncset.done @!p0 $0x0  }
.Ltmp0:
0xfa: {  	[sflag:s7] =	ssyncadd.s32 @!p0 $0xFFFFF000;
	(pc) =	sbr.rel @p1 .LBB2_2-.Ltmp0, $4  }
0xfb: {  	_ =	swait.ge @!p0 [sflag:s7], $0x1000  }
0xfc: {  	s26 =	sadd.s32 $0x40, s26;
	s25 =	sadd.s32 $0x800, s25;
	[sflag:s7] =	ssyncset.done @!p0 $0x0  }
0xfd: {  	s24 =	sadd.s32 $0x800, s24;
	s5 =	sadd.s32 $0xFFFFFFC0, s26;
	[sflag:s7] =	ssyncadd.s32 @!p0 $0xFFFFF000  }
0xfe: {  	s23 =	sadd.s32 $0x10000, s23;
	p2 =	sgt.u32 s5, $0xC34;
	_ =	swait.ge @!p0 [sflag:s7], $0x2000  }
0xff: {  	[sflag:s7] =	ssyncset.done @!p0 $0x0  }
0x100: {  	s6 =	simm.s32 @!p2 $0x2;
	[sflag:s7] =	ssyncadd.s32 @!p0 $0xFFFFE000;
	p0 =	por p2, p2  }
0x101: {  	_ =	swait.ge @!p0 [sflag:s6], $0x100  }
0x102: {  	[sflag:s6] =	ssyncset.done @!p0 $0x0  }
0x103: {  	[sflag:s6] =	ssyncadd.s32 @!p0 $0xFFFFFF00  }
0x104: {  	_ =	swait.ge @!p0 [sflag:s6], $0x100  }
0x105: {  	s5 =	simm.s32 @!p0 $0x1400;
	[sflag:s6] =	ssyncset.done @!p0 $0x0  }
0x106: {  	s8 =	simm.s32 @!p0 $0x80;
	s9 =	simm.s32 @!p0 $0x100;
	[sflag:s6] =	ssyncadd.s32 @!p0 $0xFFFFFF00  }
0x107: {  	[tilespmem:s5], [sflag:$0x4] =	stream.indirect.gather @!p0 [hbm4b:s4+s8], $0x10, s9, s8, $0xb8;
	[tilespmem:$0x8400] =	vst v63  }
0x108: {  	s7 =	simm.s32 @!p0 $0x3400;
	s6 =	simm.s32 @!p0 $0x300  }
0x109: {  	[tilespmem:s7], [sflag:$0x4] =	stream.indirect.gather @!p0 [hbm4b:s4+s8], $0x10, s6, s8, $0xb8;
	[tilespmem:$0x8400] =	vst v63  }
0x10a: {  	s6 =	simm.s32 @!p0 $0x6400  }
0x10b: {  	[tilespmem:s6], [sflag:$0x4] =	stream.indirect.gather @!p0 [hbm4b:s1+s8], $0x20, s9, s8, $0xb8;
	[tilespmem:$0x8400] =	vst v63  }
0x10c: {  	s12 =	simm.s32 @!p0 $0x1C00;
	s9 =	simm.s32 @!p0 $0x180  }
0x10d: {  	[tilespmem:s12], [sflag:$0x4] =	stream.indirect.gather @!p0 [hbm4b:s4+s8], $0x10, s9, s8, $0xb8;
	[tilespmem:$0x8400] =	vst v63  }
0x10e: {  	s17 =	simm.s32 @!p0 $0x3C00;
	s12 =	simm.s32 @!p0 $0x380  }
0x10f: {  	[tilespmem:s17], [sflag:$0x4] =	stream.indirect.gather @!p0 [hbm4b:s4+s8], $0x10, s12, s8, $0xb8;
	[tilespmem:$0x8400] =	vst v63  }
0x110: {  	s12 =	simm.s32 @!p0 $0x7400  }
0x111: {  	[tilespmem:s12], [sflag:$0x4] =	stream.indirect.gather @!p0 [hbm4b:s1+s8], $0x20, s9, s8, $0xb8;
	[tilespmem:$0x8400] =	vst v63  }
0x112: {  	_ =	swait.ge [sflag:s30], $0x800  }
0x113: {  	[sflag:s30] =	ssyncset.done $0x0  }
0x114: {  	[sflag:s30] =	ssyncadd.s32 $0xFFFFF800  }
0x115: {  	_ =	swait.ge [sflag:s30], $0x800  }
0x116: {  	[sflag:s30] =	ssyncset.done $0x0  }
0x117: {  	[sflag:s30] =	ssyncadd.s32 $0xFFFFF800  }
0x118: {  	_ =	swait.ge [sflag:s30], $0x1000  }
0x119: {  	[sflag:s30] =	ssyncset.done $0x0  }
0x11a: {  	[sflag:s30] =	ssyncadd.s32 $0xFFFFF000  }
0x11b: {  	_ =	swait.ge [sflag:s30], $0x800  }
0x11c: {  	[sflag:s30] =	ssyncset.done $0x0  }
0x11d: {  	[sflag:s30] =	ssyncadd.s32 $0xFFFFF800  }
0x11e: {  	_ =	swait.ge [sflag:s30], $0x800  }
0x11f: {  	[sflag:s30] =	ssyncset.done $0x0  }
0x120: {  	s17 =	sadd.s32 $0xFFFFFFE0, s26;
	[sflag:s30] =	ssyncadd.s32 $0xFFFFF800  }
0x121: {  	p1 =	sgt.u32 s17, $0xC34;
	_ =	swait.ge [sflag:s30], $0x1000  }
0x122: {  	s8 =	sadd.s32 @!p1 s25, s14;
	s9 =	sadd.s32 @!p1 s24, s14;
	[sflag:s30] =	ssyncset.done $0x0  }
0x123: {  	s12 =	simm.s32 @!p1 $0x0;
	s8 =	sadd.s32 @!p1 $0x800, s8;
	[sflag:s30] =	ssyncadd.s32 $0xFFFFF000  }
0x124: {  	[tilespmem:s12], [sflag:$0x1] =	stream.linear.gather @!p1 [hbm4b:s8+s12], $0x100, $0x38;
	[tilespmem:$0x8400] =	vst v63  }
0x125: {  	s8 =	sadd.s32 @!p1 $0x800, s9;
	s9 =	simm.s32 @!p1 $0x200  }
0x126: {  	[tilespmem:s9], [sflag:$0x1] =	stream.linear.gather @!p1 [hbm4b:s8+s12], $0x100, $0x38;
	[tilespmem:$0x8400] =	vst v63  }
0x127: {  	s18 =	sadd.s32 s3, s11  }
0x128: {  	[hbm4b:s18+s2] =	stream.linear.scatter [tilespmem:s20], [sflag:$0x5], $0x1000, $0x38;
	[tilespmem:$0x8400] =	vst v63  }
0x129: {  	s28 =	sadd.s32 s3, s10  }
0x12a: {  	[hbm4b:s28+s2] =	stream.linear.scatter [tilespmem:s21], [sflag:$0x5], $0x1000, $0x38;
	[tilespmem:$0x8400] =	vst v63  }
0x12b: {  	_ = 	snop  }
0x12c: {  	[hbm4b:s23+s2] =	stream.linear.scatter [tilespmem:s22], [sflag:$0x5], $0x2000, $0x38;
	[tilespmem:$0x8400] =	vst v63  }
0x12d: {  	_ =	swait.ge [sflag:s31], $0x1000  }
0x12e: {  	[sflag:s31] =	ssyncset.done $0x0  }
0x12f: {  	[sflag:s31] =	ssyncadd.s32 $0xFFFFF000  }
0x130: {  	_ =	swait.ge [sflag:s31], $0x1000  }
0x131: {  	[sflag:s31] =	ssyncset.done $0x0  }
0x132: {  	[sflag:s31] =	ssyncadd.s32 $0xFFFFF000  }
0x133: {  	_ =	swait.ge [sflag:s31], $0x2000  }
0x134: {  	[sflag:s31] =	ssyncset.done $0x0  }
0x135: {  	s8 =	simm.s32 @!p1 $0x1;
	[sflag:s31] =	ssyncadd.s32 $0xFFFFE000  }
0x136: {  	_ =	swait.ge @!p1 [sflag:s8], $0x100  }
0x137: {  	[sflag:s8] =	ssyncset.done @!p1 $0x0  }
0x138: {  	[sflag:s8] =	ssyncadd.s32 @!p1 $0xFFFFFF00  }
0x139: {  	_ =	swait.ge @!p1 [sflag:s8], $0x100  }
0x13a: {  	[sflag:s8] =	ssyncset.done @!p1 $0x0  }
0x13b: {  	s17 =	simm.s32 @!p1 $0x80;
	s18 =	simm.s32 @!p1 $0x400;
	[sflag:s8] =	ssyncadd.s32 @!p1 $0xFFFFFF00  }
0x13c: {  	[tilespmem:s18], [sflag:$0x3] =	stream.indirect.gather @!p1 [hbm4b:s4+s17], $0x10, s12, s17, $0xb8;
	[tilespmem:$0x8400] =	vst v63  }
0x13d: {  	s8 =	simm.s32 @!p1 $0x2400  }
0x13e: {  	[tilespmem:s8], [sflag:$0x3] =	stream.indirect.gather @!p1 [hbm4b:s4+s17], $0x10, s9, s17, $0xb8;
	[tilespmem:$0x8400] =	vst v63  }
0x13f: {  	s8 =	simm.s32 @!p1 $0x4400  }
0x140: {  	[tilespmem:s8], [sflag:$0x3] =	stream.indirect.gather @!p1 [hbm4b:s1+s17], $0x20, s12, s17, $0xb8;
	[tilespmem:$0x8400] =	vst v63  }
0x141: {  	s8 =	simm.s32 @!p1 $0xC00  }
0x142: {  	[tilespmem:s8], [sflag:$0x3] =	stream.indirect.gather @!p1 [hbm4b:s4+s17], $0x10, s17, s17, $0xb8;
	[tilespmem:$0x8400] =	vst v63  }
0x143: {  	s9 =	simm.s32 @!p1 $0x2C00;
	s8 =	simm.s32 @!p1 $0x280  }
0x144: {  	[tilespmem:s9], [sflag:$0x3] =	stream.indirect.gather @!p1 [hbm4b:s4+s17], $0x10, s8, s17, $0xb8;
	[tilespmem:$0x8400] =	vst v63  }
0x145: {  	s8 =	simm.s32 @!p1 $0x5400;
	s9 =	simm.s32 @!p0 $0x4  }
0x146: {  	[tilespmem:s8], [sflag:$0x3] =	stream.indirect.gather @!p1 [hbm4b:s1+s17], $0x20, s17, s17, $0xb8;
	[tilespmem:$0x8400] =	vst v63  }
0x147: {  	_ =	swait.ge @!p0 [sflag:s9], $0x800  }
0x148: {  	[sflag:s9] =	ssyncset.done @!p0 $0x0  }
0x149: {  	[sflag:s9] =	ssyncadd.s32 @!p0 $0xFFFFF800  }
0x14a: {  	_ =	swait.ge @!p0 [sflag:s9], $0x800  }
0x14b: {  	[sflag:s9] =	ssyncset.done @!p0 $0x0  }
0x14c: {  	[sflag:s9] =	ssyncadd.s32 @!p0 $0xFFFFF800  }
0x14d: {  	_ =	swait.ge @!p0 [sflag:s9], $0x1000  }
0x14e: {  	[sflag:s9] =	ssyncset.done @!p0 $0x0  }
0x14f: {  	[sflag:s9] =	ssyncadd.s32 @!p0 $0xFFFFF000  }
0x150: {  	_ =	swait.ge @!p0 [sflag:s9], $0x800  }
0x151: {  	[sflag:s9] =	ssyncset.done @!p0 $0x0  }
0x152: {  	[sflag:s9] =	ssyncadd.s32 @!p0 $0xFFFFF800  }
0x153: {  	_ =	swait.ge @!p0 [sflag:s9], $0x800  }
0x154: {  	[sflag:s9] =	ssyncset.done @!p0 $0x0  }
0x155: {  	p1 =	sgt.u32 s26, $0xC34;
	[sflag:s9] =	ssyncadd.s32 @!p0 $0xFFFFF800  }
0x156: {  	s8 =	sadd.s32 @!p1 s25, s14;
	_ =	swait.ge @!p0 [sflag:s9], $0x1000  }
0x157: {  	s12 =	simm.s32 @!p1 $0x0;
	s17 =	simm.s32 @!p1 $0x100;
	[sflag:s9] =	ssyncset.done @!p0 $0x0  }
0x158: {  	s8 =	sadd.s32 @!p1 $0xC00, s8;
	[sflag:s9] =	ssyncadd.s32 @!p0 $0xFFFFF000;
	s9 =	sadd.s32 @!p1 s24, s14  }
0x159: {  	[tilespmem:s17], [sflag:$0x2] =	stream.linear.gather @!p1 [hbm4b:s8+s12], $0x100, $0x38;
	[tilespmem:$0x8400] =	vst v63  }
0x15a: {  	s8 =	simm.s32 @!p1 $0x300;
	s9 =	sadd.s32 @!p1 $0xC00, s9;
	s17 =	sadd.s32 @!p0 s3, s11  }
0x15b: {  	[tilespmem:s8], [sflag:$0x2] =	stream.linear.gather @!p1 [hbm4b:s9+s12], $0x100, $0x38;
	[tilespmem:$0x8400] =	vst v63  }
0x15c: {  	s3 =	sadd.s32 @!p0 s3, s10;
	s8 =	sadd.s32 @!p0 $0x4000, s17;
	s9 =	simm.s32 @!p0 $0x0  }
0x15d: {  	[hbm4b:s8+s9] =	stream.linear.scatter @!p0 [tilespmem:s5], [sflag:$0x5], $0x1000, $0x38;
	[tilespmem:$0x8400] =	vst v63  }
0x15e: {  	s3 =	sadd.s32 @!p0 $0x4000, s3  }
0x15f: {  	[hbm4b:s3+s9] =	stream.linear.scatter @!p0 [tilespmem:s7], [sflag:$0x5], $0x1000, $0x38;
	[tilespmem:$0x8400] =	vst v63  }
0x160: {  	s5 =	simm.s32 @!p0 $0x5;
	s3 =	sadd.s32 @!p0 $0x8000, s23  }
0x161: {  	[hbm4b:s3+s9] =	stream.linear.scatter @!p0 [tilespmem:s6], [sflag:$0x5], $0x2000, $0x38;
	[tilespmem:$0x8400] =	vst v63  }
0x162: {  	_ =	swait.ge @!p0 [sflag:s5], $0x1000  }
0x163: {  	[sflag:s5] =	ssyncset.done @!p0 $0x0  }
0x164: {  	[sflag:s5] =	ssyncadd.s32 @!p0 $0xFFFFF000  }
0x165: {  	_ =	swait.ge @!p0 [sflag:s5], $0x1000  }
0x166: {  	[sflag:s5] =	ssyncset.done @!p0 $0x0  }
0x167: {  	[sflag:s5] =	ssyncadd.s32 @!p0 $0xFFFFF000  }
0x168: {  	_ =	swait.ge @!p0 [sflag:s5], $0x2000  }
0x169: {  	s0 =	sadd.s32 $0x1, s0;
	s29 =	rddreg [dreg:$0x7]  }
0x16a: {  	p1 =	sne.s32 s0, s29  }
.Ltmp1:
0x16b: {  	_ = 	snop;
	(pc) =	sbr.rel @p1 .LBB2_1-.Ltmp1, $3  }
0x16c: {  	_ =	sdelay $0x1  }
0x16d: {  	[sflag:s5] =	ssyncset.done @!p0 $0x0  }
0x16e: {  	[sflag:s5] =	ssyncadd.s32 @!p0 $0xFFFFE000  }
0x16f: {  	_ =	sfence.sel $0x180000  }
0x170: {  	[bflag:$0x0] =	sbarrier.arrive $0xFFFF  }
0x171: {  	_ =	strace $0x90000047  }
0x172: {  	s0 =	stileid.u32;
	[bflag:$0x2] =	sbarrier.arrive $0xFFFF  }
0x173: {  	p0 =	sne.s32 s0, $0x0;
	s0 =	rddreg [dreg:$0x2]  }
0x174: {  	s0 =	sadd.s32 @!p0 $0x100000, s0  }
0x175: {  	[sflag:s0] =	ssyncadd.tile.s32 @!p0 $0x1;
	_ =	shalt  }
.Lfunc_end2:
_tile_overlayer_lowered:
.L_overlay_start_2:
0x176: {  	(tag) =	ssettag $0x2  }
0x177: {  	s0 =	rddreg [dreg:$0x0];
	s2 =	stileid.u32  }
0x178: {  	s1 =	rddreg [dreg:$0x1];
	p0 =	sne.s32 s2, $0x0  }
0x179: {  	s3 =	rddreg [dreg:$0x2];
	[bflag:$0x3] =	sbarrier.arrive $0xFFFF;
	s2 =	simm.s32 @!p0 $0x1C06  }
0x17a: {  	[timem:s3], [sflag:s2] =	dma.local @!p0 [hbm:s0], s1  }
0x17b: {  	s0 =	simm.s32 @!p0 $0x6  }
0x17c: {  	_ =	swait.ge @!p0 [sflag:s0], s1  }
0x17d: {  	s1 =	ssub.s32 @!p0 $0x0, s1;
	[sflag:s0] =	ssyncset.done @!p0 $0x0  }
0x17e: {  	[sflag:s0] =	ssyncadd.s32 @!p0 s1  }
0x17f: {  	[bflag:$0x3] =	sbarrier.arrive $0xFFFF  }
0x180: {  	_ =	shalt  }

// kernel: kernel.13.cloned.1.call-start
scs
__scs_entry_jumppad:
0x0: {  	(pc) =	sbr.rel $0x88, $3  }
0x1: {  	(tag) =	ssettag $0x0;
	lr =	simm.s32 $0x1  }
0x2: {  	[smem:$0x3F94] =	sst lr;
	_ =	strace $0xD0000000  }
0x3: {  	_ = 	snop  }
0x4: {  	_ = 	snop  }
0x5: {  	_ = 	snop  }
0x6: {  	_ = 	snop  }
0x7: {  	_ = 	snop  }
__scs_overlays_trampoline_lowered:
0x8: {  	[smem:$0x3FA3] =	sst s0  }
0x9: {  	[smem:$0x3FA4] =	sst s1  }
0xa: {  	[smem:$0x3FA5] =	sst s2  }
0xb: {  	[smem:$0x3FA6] =	sst s3  }
0xc: {  	[smem:$0x3FA7] =	sst s4  }
0xd: {  	[smem:$0x3FA8] =	sst s5  }
0xe: {  	[smem:$0x3FA9] =	sst s6  }
0xf: {  	[smem:$0x3FAA] =	sst s7  }
0x10: {  	[smem:$0x3FAB] =	sst s8  }
0x11: {  	[smem:$0x3FAC] =	sst s9;
	s0 =	simm.s32 @!p0 $0x0  }
0x12: {  	s1 =	sld [smem:$0x3F92];
	s0 =	simm.s32 @p0 $0x1  }
0x13: {  	[smem:$0x3FAD] =	sst s0;
	s0 =	simm.s32 @!p1 $0x0  }
0x14: {  	s2 =	sld [smem:$0x3F91];
	s0 =	simm.s32 @p1 $0x1  }
0x15: {  	[smem:$0x3FAE] =	sst s0;
	s0 =	simm.s32 @!p2 $0x0  }
0x16: {  	s3 =	sld [smem:$0x3FDB];
	s0 =	simm.s32 @p2 $0x1  }
0x17: {  	s4 =	simm.s32 $0x1BF5;
	[smem:$0x3FB0] =	sst s0  }
0x18: {  	s0 =	sld [smem:$0x3F93];
	_ =	swait.ge [sflag:s4], $0x0  }
0x19: {  	s7 =	sld [smem:$0x3F94]  }
0x1a: {  	s8 =	sadd.s32 $0xFFFFE003, lr  }
0x1b: {  	s9 =	sadd.s32 $0xFFFFFEF7, lr;
	s5 =	simm.s32 $0xFFFFFFFF;
	p2 =	slt.u32 s8, $0xFFFFF086  }
0x1c: {  	p1 =	slt.u32 s9, $0xF7A;
	s5 =	simm.s32 @!p2 $0x0  }
0x1d: {  	s5 =	simm.s32 @p1 $0x1;
	p0 =	seq.s32 s7, s2  }
0x1e: {  	s7 =	smul.u32 @!p0 $0xF7A, s2;
	p2 =	seq.s32 @!p0 s5, $0x0  }
0x1f: {  	s9 =	smul.u32 $0xF7A, s1;
	s8 =	simm.s32 @!p0 $0x1BF5;
	p2 =	por !p2, p0  }
0x20: {  	[sflag:s8] =	ssyncset.s32 @!p0 $0xFFFFF086;
	s6 =	sadd.s32 @!p0 s3, s7;
	s7 =	simm.s32 @!p0 $0x108  }
0x21: {  	s3 =	sadd.s32 s3, s9;
	s6 =	sadd.s32 @!p0 $0x88, s6;
	s7 =	simm.s32 @p2 $0x1082  }
0x22: {  	[simem:s7], [sflag:s8] =	dma.local @!p0 [hbm:s6], $0xF7A  }
0x23: {  	s9 =	sor.u32 $0xD0000000, s2;
	s6 =	simm.s32 $0x108;
	_ =	swait.ge @!p0 [sflag:s8], $0x0  }
0x24: {  	s3 =	sadd.s32 $0x88, s3;
	s6 =	simm.s32 @!p1 $0x1082;
	[sflag:s4] =	ssyncset.s32 $0xFFFFF086  }
0x25: {  	[simem:s6], [sflag:s4] =	dma.local [hbm:s3], $0xF7A  }
0x26: {  	[smem:$0x3F94] =	sst s1;
	(tag) =	ssettag s2;
	_ =	strace s9  }
0x27: {  	s1 =	sld [smem:$0x3FA4]  }
0x28: {  	s2 =	sld [smem:$0x3FA5]  }
0x29: {  	s4 =	sld [smem:$0x3FA7]  }
0x2a: {  	p0 =	seq.s32 s5, $0x0;
	s5 =	sld [smem:$0x3FA8]  }
0x2b: {  	s6 =	sld [smem:$0x3FA9]  }
0x2c: {  	s7 =	sld [smem:$0x3FAA]  }
0x2d: {  	s3 =	simm.s32 $0x108;
	s8 =	sld [smem:$0x3FAB]  }
0x2e: {  	s3 =	simm.s32 @!p0 $0x1082;
	s9 =	sld [smem:$0x3FAC]  }
0x2f: {  	lr =	sadd.s32 s0, s3;
	s0 =	sld [smem:$0x3FA3]  }
0x30: {  	s3 =	sld [smem:$0x3FA6]  }
0x31: {  	[smem:$0x3FAF] =	sst s10  }
0x32: {  	s10 =	sld [smem:$0x3FAD];
	_ =	sdelay $0x3  }
0x33: {  	p0 =	seq.s32 s10, $0x1;
	s10 =	sld [smem:$0x3FAF];
	_ =	sdelay $0x3  }
0x34: {  	[smem:$0x3FAF] =	sst s10  }
0x35: {  	s10 =	sld [smem:$0x3FAE];
	_ =	sdelay $0x3  }
0x36: {  	p1 =	seq.s32 s10, $0x1;
	s10 =	sld [smem:$0x3FAF];
	_ =	sdelay $0x3  }
0x37: {  	[smem:$0x3FAF] =	sst s10  }
0x38: {  	s10 =	sld [smem:$0x3FB0]  }
0x39: {  	_ = 	snop;
	(pc) =	sbr.ind lr, $3  }
0x3a: {  	_ = 	snop  }
0x3b: {  	_ = 	snop  }
0x3c: {  	p2 =	seq.s32 s10, $0x1;
	s10 =	sld [smem:$0x3FAF]  }
0x3d: {  	_ =	shalt  }
0x3e: {  	_ =	shalt  }
0x3f: {  	_ =	shalt  }
0x40: {  	_ =	shalt  }
0x41: {  	_ =	shalt  }
0x42: {  	_ =	shalt  }
0x43: {  	_ =	shalt  }
0x44: {  	_ =	shalt  }
0x45: {  	_ =	shalt  }
0x46: {  	_ =	shalt  }
0x47: {  	_ =	shalt  }
0x48: {  	_ =	shalt  }
0x49: {  	_ =	shalt  }
0x4a: {  	_ =	shalt  }
0x4b: {  	_ =	shalt  }
0x4c: {  	_ =	shalt  }
0x4d: {  	_ =	shalt  }
0x4e: {  	_ =	shalt  }
0x4f: {  	_ =	shalt  }
0x50: {  	_ =	shalt  }
0x51: {  	_ =	shalt  }
0x52: {  	_ =	shalt  }
0x53: {  	_ =	shalt  }
0x54: {  	_ =	shalt  }
0x55: {  	_ =	shalt  }
0x56: {  	_ =	shalt  }
0x57: {  	_ =	shalt  }
0x58: {  	_ =	shalt  }
0x59: {  	_ =	shalt  }
0x5a: {  	_ =	shalt  }
0x5b: {  	_ =	shalt  }
0x5c: {  	_ =	shalt  }
0x5d: {  	_ =	shalt  }
0x5e: {  	_ =	shalt  }
0x5f: {  	_ =	shalt  }
0x60: {  	_ =	shalt  }
0x61: {  	_ =	shalt  }
0x62: {  	_ =	shalt  }
0x63: {  	_ =	shalt  }
0x64: {  	_ =	shalt  }
0x65: {  	_ =	shalt  }
0x66: {  	_ =	shalt  }
0x67: {  	_ =	shalt  }
0x68: {  	_ =	shalt  }
0x69: {  	_ =	shalt  }
0x6a: {  	_ =	shalt  }
0x6b: {  	_ =	shalt  }
0x6c: {  	_ =	shalt  }
0x6d: {  	_ =	shalt  }
0x6e: {  	_ =	shalt  }
0x6f: {  	_ =	shalt  }
0x70: {  	_ =	shalt  }
0x71: {  	_ =	shalt  }
0x72: {  	_ =	shalt  }
0x73: {  	_ =	shalt  }
0x74: {  	_ =	shalt  }
0x75: {  	_ =	shalt  }
0x76: {  	_ =	shalt  }
0x77: {  	_ =	shalt  }
0x78: {  	_ =	shalt  }
0x79: {  	_ =	shalt  }
0x7a: {  	_ =	shalt  }
0x7b: {  	_ =	shalt  }
0x7c: {  	_ =	shalt  }
0x7d: {  	_ =	shalt  }
0x7e: {  	_ =	shalt  }
0x7f: {  	_ =	shalt  }
0x80: {  	_ =	shalt  }
0x81: {  	_ =	shalt  }
0x82: {  	_ =	shalt  }
0x83: {  	_ =	shalt  }
0x84: {  	_ =	shalt  }
0x85: {  	_ =	shalt  }
0x86: {  	_ =	shalt  }
0x87: {  	_ =	shalt  }
.Lfunc_end0:
.L_simem_size_0:
called_computation.1_lowered:
.L_overlay_start_0:
0x88: {  	s2 =	sld [smem:$0x3FD9]  }
0x89: {  	s3 =	sld [smem:$0x3FFE];
	_ =	sdelay $0x1  }
0x8a: {  	s1 =	srdreg.scid  }
0x8b: {  	s0 =	sand.u32 $0x1, s1  }
0x8c: {  	s17 =	sshll.u32 s0, $0xA;
	s2 =	sadd.s32 s3, s2  }
0x8d: {  	s2 =	sadd.s32 s2, s17  }
0x8e: {  	[smem:$0x3FBB] =	sst s2  }
0x8f: {  	_ = 	snop  }
0x90: {  	s2 =	sld [smem:$0x3FD0];
	(tm) =	ssettm $0x1  }
0x91: {  	s18 =	sld [smem:$0x3FFB];
	_ =	sdelay $0x3  }
0x92: {  	_ =	strace s18  }
0x93: {  	s3 =	sld [smem:$0x3FFC];
	_ =	sdelay $0x3  }
0x94: {  	_ =	strace s3  }
0x95: {  	s3 =	sld [smem:$0x3FFD];
	_ =	sdelay $0x3  }
0x96: {  	_ =	strace s3  }
0x97: {  	_ =	strace $0x8FFFFFFF  }
0x98: {  	s19 =	sld [smem:$0x3FDB];
	_ =	sdelay $0x1  }
0x99: {  	s4 =	simm.s32 $_scs_section_size  }
0x9a: {  	s5 =	simm.s32 $_size__tile_overlayer_lowered;
	s6 =	simm.s32 $_tile_overlayer_lowered  }
0x9b: {  	s22 =	simm.s32 $0x1BFF;
	s21 =	sshll.u32 s6, $0x1;
	s3 =	sadd.s32 s4, s19  }
0x9c: {  	s7 =	simm.s32 $0x0;
	s20 =	sshll.u32 s5, $0x1;
	s5 =	sadd.s32 s21, s3  }
0x9d: {  	[timem:s7], [sflag:s22] =	dma.local [hbm:s5], s20  }
0x9e: {  	_ =	swait.ge [sflag:s22], s20  }
0x9f: {  	s4 =	ssub.s32 $0x0, s20;
	[sflag:s22] =	ssyncset.done $0x0  }
0xa0: {  	[sflag:s22] =	ssyncadd.s32 s4;
	_ =	sdelay $0x1  }
0xa1: {  	s23 =	simm.s32 $0x1B8B  }
0xa2: {  	_ =	swait.ge [sflag:s23], $0x1  }
0xa3: {  	[sflag:s23] =	ssyncset.done $0x0  }
0xa4: {  	s25 =	simm.s32 $0x1B8E;
	s24 =	sld [smem:$0x3FFE];
	[sflag:s23] =	ssyncadd.s32 $0xFFFFFFFF  }
0xa5: {  	s26 =	simm.s32 $execute0_lowered;
	[smem:$0x3FD2] =	sst s25  }
0xa6: {  	s5 =	sshll.u32 s26, $0x1;
	_ =	strace $0x80000049;
	[dreg:$0x1] =	wrdreg $0xFFFFFFFF  }
0xa7: {  	s28 =	simm.s32 $_size_execute0_lowered;
	s3 =	sadd.s32 s3, s5;
	[dreg:$0x0] =	wrdreg $0x0  }
0xa8: {  	s5 =	sshll.u32 s28, $0x1;
	[dreg:$0x2] =	wrdreg s3  }
0xa9: {  	[dreg:$0x3] =	wrdreg s5  }
0xaa: {  	[dreg:$0x4] =	wrdreg $0xC0  }
0xab: {  	_ =	task [dreg:s7], $0x5FFFF  }
0xac: {  	[dreg:$0x1] =	wrdreg $0xFFFFFFFF  }
0xad: {  	[dreg:$0x0] =	wrdreg $0x60  }
0xae: {  	[dreg:$0x2] =	wrdreg s24  }
0xaf: {  	[dreg:$0x3] =	wrdreg s2  }
0xb0: {  	[dreg:$0x4] =	wrdreg $0x21000  }
0xb1: {  	[dreg:$0x5] =	wrdreg $0x9  }
0xb2: {  	_ =	task.clear_ibuf [dreg:s7], $0x6FFFF;
	_ =	strace $0x90000049  }
0xb3: {  	s29 =	simm.s32 $0x9;
	_ =	strace $0x8000004B  }
0xb4: {  	_ =	swait.ge [sflag:s29], $0x1  }
0xb5: {  	[sflag:s29] =	ssyncadd.s32 $0xFFFFFFFF  }
0xb6: {  	_ =	strace $0x9000004B  }
0xb7: {  	_ =	sfence  }
0xb8: {  	s30 =	sld [smem:$0x0];
	_ =	sdelay $0x2  }
0xb9: {  	s31 =	sshll.u32 s1, $0xD;
	s1 =	sshrl.u32 s1, $0x2  }
0xba: {  	s3 =	sand.u32 $0x4000, s31;
	s1 =	sadd.s32 s1, s30  }
0xbb: {  	s0 =	sor.u32 s3, s0;
	s1 =	sshll.u32 s1, $0x11  }
0xbc: {  	s0 =	sor.u32 s1, s0  }
0xbd: {  	s0 =	sadd.s32 $0x8F2B, s0  }
0xbe: {  	[sflag:s0] =	ssyncadd.remote.s32 $0x1  }
0xbf: {  	_ =	sfence.sel $0xFFFF  }
0xc0: {  	[dreg:$0x0] =	wrdreg $0xFFFFFFFF;
	(pc) =	sbr.abs _section_cstart, $3  }
0xc1: {  	[dreg:$0x1] =	wrdreg $0xFFFFFFFF  }
0xc2: {  	_ =	task.clear_ibuf [dreg:s7], $0x2FFFF;
	_ =	strace $0x9FFFFFFF  }
0xc3: {  	(tm) =	ssettm $0x7FFFFFFF  }
tec
execute0_lowered:
.L_overlay_start_1:
0x0: {  	(tag) =	ssettag $0x1  }
0x1: {  	s0 =	rddreg [dreg:$0x0]  }
0x2: {  	s2 =	rddreg [dreg:$0x2];
	s3 =	simm.s32 $0x0;
	s4 =	srdreg.scid  }
0x3: {  	s1 =	stileid.u32;
	s28 =	simm.s32 $0x2;
	s29 =	simm.s32 $0x0  }
0x4: {  	[smem:$0x7FF] =	sst s3;
	s16 =	sadd.s32 $0x1BA00, s0;
	s4 =	sand.u32 $0x1, s4  }
0x5: {  	s17 =	sadd.s32 $0x129C200, s0;
	s13 =	smul.u32 $0x186A0, s1;
	s0 =	sadd.s32 $0xF7800, s0  }
0x6: {  	s7 =	sshll.u32 s1, $0x6;
	s22 =	sshll.u32 s1, $0x4;
	s11 =	sshll.u32 s1, $0xE  }
0x7: {  	s9 =	sor.u32 $0x10, s1;
	s26 =	sor.u32 $0xC20, s1;
	s30 =	sshll.u32 s1, $0xB  }
0x8: {  	_ =	strace $0x8000004A;
	s5 =	ssub.s32 $0x2, s4;
	s10 =	sshll.u32 s4, $0x5  }
0x9: {  	s12 =	sshll.u32 s9, $0x4;
	s14 =	sshll.u32 s9, $0xE;
	s23 =	smul.u32 $0x186A00, s4  }
0xa: {  	s18 =	sor.u32 $0x2, s4;
	s4 =	sshll.u32 s4, $0x2;
	s31 =	sshll.u32 s26, $0x4  }
0xb: {  	s6 =	sshrl.u32 s5, $0x1;
	s21 =	sadd.s32 s13, s2;
	s8 =	sor.u32 s10, s11  }
0xc: {  	s9 =	sadd.s32 s16, s12;
	s10 =	sor.u32 s10, s14;
	s19 =	sshll.u32 s18, $0x5  }
0xd: {  	s20 =	sadd.s32 s17, s4;
	s15 =	ssub.s32 s5, s6;
	[dreg:$0x4] =	wrdreg s21  }
0xe: {  	s6 =	sor.u32 $0x1C03, s7;
	s7 =	sadd.s32 s16, s22;
	s8 =	sshrl.u32 s8, $0x3  }
0xf: {  	s10 =	sshrl.u32 s10, $0x3;
	s12 =	sadd.s32 s13, s23;
	s11 =	sor.u32 s11, s19  }
0x10: {  	s22 =	smul.u32 $0x186A00, s18;
	s14 =	sor.u32 s19, s14;
	s18 =	sshll.u32 s18, $0x2  }
0x11: {  	s16 =	sadd.s32 s16, s31;
	s23 =	simm.s32 $0x80;
	s8 =	sadd.s32 s17, s8  }
0x12: {  	s10 =	sadd.s32 s17, s10;
	s12 =	sshrl.u32 s12, $0x3;
	s21 =	sshrl.u32 s11, $0x3  }
0x13: {  	s14 =	sshrl.u32 s14, $0x3;
	s18 =	sadd.s32 s17, s18;
	s15 =	smax.u32 s15, $0x1  }
0x14: {  	s11 =	sadd.s32 s0, s12;
	s12 =	sadd.s32 s17, s21;
	s24 =	sadd.s32 s13, s22  }
0x15: {  	s13 =	sadd.s32 s17, s14;
	s17 =	sadd.s32 s30, s17;
	s21 =	simm.s32 $0x3  }
0x16: {  	s22 =	simm.s32 $0x20;
	s25 =	sshrl.u32 s24, $0x3;
	s19 =	sadd.s32 s4, s17  }
0x17: {  	s24 =	simm.s32 $0x100;
	s14 =	sadd.s32 s0, s25;
	s0 =	sshll.u32 s26, $0xB  }
0x18: {  	s4 =	sadd.s32 $0x18000, s19;
	s25 =	simm.s32 $0x1100;
	s26 =	simm.s32 $0x1  }
0x19: {  	s17 =	sadd.s32 s0, s20;
	s18 =	sadd.s32 s0, s18;
	s20 =	sadd.s32 $0x18008, s19  }
.LBB2_1:
0x1a: {  	s0 =	rddreg [dreg:$0x4]  }
0x1b: {  	s19 =	rddreg [dreg:$0x1];
	s30 =	sshrl.u32 s0, $0x3  }
0x1c: {  	[spmem:s30], [sflag:s6] =	dma.local [hbm:s19], $0x30D4  }
0x1d: {  	_ =	swait.ge [sflag:s21], $0x30D4  }
0x1e: {  	[sflag:s21] =	ssyncset.done $0x0  }
0x1f: {  	[sflag:s21] =	ssyncadd.s32 $0xFFFFCF2C  }
0x20: {  	[bflag:$0x0] =	sbarrier.arrive $0xFFFF  }
0x21: {  	[tilespmem:s3], [sflag:$0x1] =	stream.linear.gather [hbm4b:s7+s3], $0x80, $0x38;
	[tilespmem:$0x1A7A0] =	vst v63  }
0x22: {  	_ = 	snop  }
0x23: {  	[tilespmem:s24], [sflag:$0x1] =	stream.strided.gather [hbm4b:s8+s22], $0x1000, s23, s22, $0x38;
	[tilespmem:$0x1A7A0] =	vst v63  }
0x24: {  	_ = 	snop  }
0x25: {  	[tilespmem:s23], [sflag:$0x2] =	stream.linear.gather [hbm4b:s9+s3], $0x80, $0x38;
	[tilespmem:$0x1A7A0] =	vst v63  }
0x26: {  	_ = 	snop  }
0x27: {  	[tilespmem:s25], [sflag:$0x2] =	stream.strided.gather [hbm4b:s10+s22], $0x1000, s23, s22, $0x38;
	[tilespmem:$0x1A7A0] =	vst v63  }
0x28: {  	_ =	swait.ge [sflag:s26], $0x80  }
0x29: {  	[sflag:s26] =	ssyncset.done $0x0  }
0x2a: {  	[sflag:s26] =	ssyncadd.s32 $0xFFFFFF80  }
0x2b: {  	_ =	swait.ge [sflag:s26], $0x1000  }
0x2c: {  	[sflag:s26] =	ssyncset.done $0x0  }
0x2d: {  	[sflag:s26] =	ssyncadd.s32 $0xFFFFF000  }
0x2e: {  	[spmem:s2] =	stream.indirect.scatter.add.f32 [tilespmem:s24], [sflag:$0x3], $0x20, s3, s23, $0xb8;
	[tilespmem:$0x1A7A0] =	vst v63  }
0x2f: {  	_ =	swait.ge [sflag:s21], $0x1000  }
0x30: {  	s1 =	sadd.s32 $0x0, s7;
	[sflag:s21] =	ssyncset.done $0x0  }
0x31: {  	s19 =	sadd.s32 $0x200, s1;
	[sflag:s21] =	ssyncadd.s32 $0xFFFFF000  }
0x32: {  	[tilespmem:s3], [sflag:$0x1] =	stream.linear.gather [hbm4b:s19+s3], $0x80, $0x38;
	[tilespmem:$0x1A7A0] =	vst v63  }
0x33: {  	s5 =	sadd.s32 $0xFFFF8000, s4  }
0x34: {  	[tilespmem:s24], [sflag:$0x1] =	stream.strided.gather [hbm4b:s5+s22], $0x1000, s23, s22, $0x38;
	[tilespmem:$0x1A7A0] =	vst v63  }
0x35: {  	_ =	swait.ge [sflag:s28], $0x80  }
0x36: {  	[sflag:s28] =	ssyncset.done $0x0  }
0x37: {  	[sflag:s28] =	ssyncadd.s32 $0xFFFFFF80  }
0x38: {  	_ =	swait.ge [sflag:s28], $0x1000  }
0x39: {  	[sflag:s28] =	ssyncset.done $0x0  }
0x3a: {  	[sflag:s28] =	ssyncadd.s32 $0xFFFFF000  }
0x3b: {  	[spmem:s2] =	stream.indirect.scatter.add.f32 [tilespmem:s25], [sflag:$0x3], $0x20, s23, s23, $0xb8;
	[tilespmem:$0x1A7A0] =	vst v63  }
0x3c: {  	_ =	swait.ge [sflag:s21], $0x1000  }
0x3d: {  	[sflag:s21] =	ssyncset.done $0x0  }
0x3e: {  	s0 =	sadd.s32 $0x300, s1;
	[sflag:s21] =	ssyncadd.s32 $0xFFFFF000  }
0x3f: {  	[tilespmem:s23], [sflag:$0x2] =	stream.linear.gather [hbm4b:s0+s3], $0x80, $0x38;
	[tilespmem:$0x1A7A0] =	vst v63  }
0x40: {  	s31 =	simm.s32 $0x200;
	s19 =	smov.u32 s4;
	s0 =	sadd.s32 $0x10000, s4  }
.LBB2_2:
0x41: {  	[tilespmem:s25], [sflag:$0x2] =	stream.strided.gather [hbm4b:s19+s22], $0x1000, s23, s22, $0x38;
	[tilespmem:$0x1A7A0] =	vst v63  }
0x42: {  	s1 =	smov.u32 s31;
	s19 =	smov.u32 s0  }
0x43: {  	p0 =	sne.s32 s31, $0xBE00;
	s31 =	sadd.s32 $0x200, s31;
	_ =	swait.ge [sflag:s26], $0x80  }
0x44: {  	[sflag:s26] =	ssyncset.done $0x0  }
0x45: {  	[sflag:s26] =	ssyncadd.s32 $0xFFFFFF80  }
0x46: {  	_ =	swait.ge [sflag:s26], $0x1000  }
0x47: {  	[sflag:s26] =	ssyncset.done $0x0  }
0x48: {  	[sflag:s26] =	ssyncadd.s32 $0xFFFFF000  }
0x49: {  	[spmem:s2] =	stream.indirect.scatter.add.f32 [tilespmem:s24], [sflag:$0x3], $0x20, s3, s23, $0xb8;
	[tilespmem:$0x1A7A0] =	vst v63  }
0x4a: {  	_ =	swait.ge [sflag:s21], $0x1000  }
0x4b: {  	s1 =	sadd.s32 s1, s7;
	[sflag:s21] =	ssyncset.done $0x0  }
0x4c: {  	s5 =	sadd.s32 $0x200, s1;
	[sflag:s21] =	ssyncadd.s32 $0xFFFFF000  }
0x4d: {  	[tilespmem:s3], [sflag:$0x1] =	stream.linear.gather [hbm4b:s5+s3], $0x80, $0x38;
	[tilespmem:$0x1A7A0] =	vst v63  }
0x4e: {  	s5 =	sadd.s32 $0xFFFF8000, s0  }
0x4f: {  	[tilespmem:s24], [sflag:$0x1] =	stream.strided.gather [hbm4b:s5+s22], $0x1000, s23, s22, $0x38;
	[tilespmem:$0x1A7A0] =	vst v63  }
0x50: {  	_ =	swait.ge [sflag:s28], $0x80  }
0x51: {  	[sflag:s28] =	ssyncset.done $0x0  }
0x52: {  	[sflag:s28] =	ssyncadd.s32 $0xFFFFFF80  }
0x53: {  	_ =	swait.ge [sflag:s28], $0x1000  }
0x54: {  	[sflag:s28] =	ssyncset.done $0x0  }
0x55: {  	[sflag:s28] =	ssyncadd.s32 $0xFFFFF000  }
0x56: {  	[spmem:s2] =	stream.indirect.scatter.add.f32 [tilespmem:s25], [sflag:$0x3], $0x20, s23, s23, $0xb8;
	[tilespmem:$0x1A7A0] =	vst v63  }
.Ltmp0:
0x57: {  	_ =	swait.ge [sflag:s21], $0x1000;
	(pc) =	sbr.rel @p0 .LBB2_2-.Ltmp0, $4  }
0x58: {  	[sflag:s21] =	ssyncset.done $0x0  }
0x59: {  	s1 =	sadd.s32 $0x300, s1;
	[sflag:s21] =	ssyncadd.s32 $0xFFFFF000  }
0x5a: {  	[tilespmem:s23], [sflag:$0x2] =	stream.linear.gather [hbm4b:s1+s3], $0x80, $0x38;
	[tilespmem:$0x1A7A0] =	vst v63  }
0x5b: {  	s0 =	sadd.s32 $0x10000, s0  }
0x5c: {  	[tilespmem:s25], [sflag:$0x2] =	stream.strided.gather [hbm4b:s19+s22], $0x1000, s23, s22, $0x38;
	[tilespmem:$0x1A7A0] =	vst v63  }
0x5d: {  	_ =	swait.ge [sflag:s26], $0x80  }
0x5e: {  	[sflag:s26] =	ssyncset.done $0x0  }
0x5f: {  	[sflag:s26] =	ssyncadd.s32 $0xFFFFFF80  }
0x60: {  	_ =	swait.ge [sflag:s26], $0x1000  }
0x61: {  	[sflag:s26] =	ssyncset.done $0x0  }
0x62: {  	s0 =	simm.s32 $0x0;
	[sflag:s26] =	ssyncadd.s32 $0xFFFFF000  }
0x63: {  	[spmem:s2] =	stream.indirect.scatter.add.f32 [tilespmem:s24], [sflag:$0x3], $0x20, s0, s23, $0xb8;
	[tilespmem:$0x1A7A0] =	vst v63  }
0x64: {  	_ =	swait.ge [sflag:s21], $0x1000  }
0x65: {  	[sflag:s21] =	ssyncset.done $0x0  }
0x66: {  	[sflag:s21] =	ssyncadd.s32 $0xFFFFF000  }
0x67: {  	[tilespmem:s0], [sflag:$0x1] =	stream.linear.gather [hbm4b:s16+s0], $0x80, $0x38;
	[tilespmem:$0x1A7A0] =	vst v63  }
0x68: {  	_ = 	snop  }
0x69: {  	[tilespmem:s24], [sflag:$0x1] =	stream.strided.gather [hbm4b:s17+s22], $0x1000, s23, s22, $0x38;
	[tilespmem:$0x1A7A0] =	vst v63  }
0x6a: {  	_ =	swait.ge [sflag:s28], $0x80  }
0x6b: {  	[sflag:s28] =	ssyncset.done $0x0  }
0x6c: {  	[sflag:s28] =	ssyncadd.s32 $0xFFFFFF80  }
0x6d: {  	_ =	swait.ge [sflag:s28], $0x1000  }
0x6e: {  	[sflag:s28] =	ssyncset.done $0x0  }
0x6f: {  	[sflag:s28] =	ssyncadd.s32 $0xFFFFF000  }
0x70: {  	[spmem:s2] =	stream.indirect.scatter.add.f32 [tilespmem:s25], [sflag:$0x3], $0x20, s23, s23, $0xb8;
	[tilespmem:$0x1A7A0] =	vst v63  }
0x71: {  	_ =	swait.ge [sflag:s21], $0x1000  }
0x72: {  	[sflag:s21] =	ssyncset.done $0x0  }
0x73: {  	[sflag:s21] =	ssyncadd.s32 $0xFFFFF000  }
0x74: {  	_ =	swait.ge [sflag:s26], $0x80  }
0x75: {  	[sflag:s26] =	ssyncset.done $0x0  }
0x76: {  	[sflag:s26] =	ssyncadd.s32 $0xFFFFFF80  }
0x77: {  	_ =	swait.ge [sflag:s26], $0x1000  }
0x78: {  	[sflag:s26] =	ssyncset.done $0x0  }
0x79: {  	[sflag:s26] =	ssyncadd.s32 $0xFFFFF000  }
0x7a: {  	[spmem:s2] =	stream.indirect.scatter.add.f32 [tilespmem:s24], [sflag:$0x3], $0x20, s0, s23, $0xb8;
	[tilespmem:$0x1A7A0] =	vst v63  }
0x7b: {  	_ =	swait.ge [sflag:s21], $0x1000  }
0x7c: {  	[sflag:s21] =	ssyncset.done $0x0  }
0x7d: {  	[sflag:s21] =	ssyncadd.s32 $0xFFFFF000  }
0x7e: {  	[bflag:$0x0] =	sbarrier.arrive $0xFFFF  }
0x7f: {  	[hbm:s11], [sflag:s6] =	dma.local [spmem:s30], $0x30D4  }
0x80: {  	_ =	swait.ge [sflag:s21], $0x30D4  }
0x81: {  	[sflag:s21] =	ssyncset.done $0x0  }
0x82: {  	[sflag:s21] =	ssyncadd.s32 $0xFFFFCF2C  }
0x83: {  	[bflag:$0x0] =	sbarrier.arrive $0xFFFF  }
0x84: {  	s1 =	rddreg [dreg:$0x1]  }
0x85: {  	[spmem:s30], [sflag:s6] =	dma.local [hbm:s1], $0x30D4  }
0x86: {  	_ =	swait.ge [sflag:s21], $0x30D4  }
0x87: {  	[sflag:s21] =	ssyncset.done $0x0  }
0x88: {  	[sflag:s21] =	ssyncadd.s32 $0xFFFFCF2C  }
0x89: {  	[bflag:$0x0] =	sbarrier.arrive $0xFFFF  }
0x8a: {  	[tilespmem:s0], [sflag:$0x1] =	stream.linear.gather [hbm4b:s7+s0], $0x80, $0x38;
	[tilespmem:$0x1A7A0] =	vst v63  }
0x8b: {  	_ = 	snop  }
0x8c: {  	[tilespmem:s24], [sflag:$0x1] =	stream.strided.gather [hbm4b:s12+s22], $0x1000, s23, s22, $0x38;
	[tilespmem:$0x1A7A0] =	vst v63  }
0x8d: {  	_ = 	snop  }
0x8e: {  	[tilespmem:s23], [sflag:$0x2] =	stream.linear.gather [hbm4b:s9+s0], $0x80, $0x38;
	[tilespmem:$0x1A7A0] =	vst v63  }
0x8f: {  	_ = 	snop  }
0x90: {  	[tilespmem:s25], [sflag:$0x2] =	stream.strided.gather [hbm4b:s13+s22], $0x1000, s23, s22, $0x38;
	[tilespmem:$0x1A7A0] =	vst v63  }
0x91: {  	_ =	swait.ge [sflag:s26], $0x80  }
0x92: {  	[sflag:s26] =	ssyncset.done $0x0  }
0x93: {  	[sflag:s26] =	ssyncadd.s32 $0xFFFFFF80  }
0x94: {  	_ =	swait.ge [sflag:s26], $0x1000  }
0x95: {  	[sflag:s26] =	ssyncset.done $0x0  }
0x96: {  	[sflag:s26] =	ssyncadd.s32 $0xFFFFF000  }
0x97: {  	[spmem:s2] =	stream.indirect.scatter.add.f32 [tilespmem:s24], [sflag:$0x3], $0x20, s3, s23, $0xb8;
	[tilespmem:$0x1A7A0] =	vst v63  }
0x98: {  	_ =	swait.ge [sflag:s21], $0x1000  }
0x99: {  	s0 =	sadd.s32 $0x0, s7;
	[sflag:s21] =	ssyncset.done $0x0  }
0x9a: {  	s5 =	sadd.s32 $0x200, s0;
	[sflag:s21] =	ssyncadd.s32 $0xFFFFF000  }
0x9b: {  	[tilespmem:s3], [sflag:$0x1] =	stream.linear.gather [hbm4b:s5+s3], $0x80, $0x38;
	[tilespmem:$0x1A7A0] =	vst v63  }
0x9c: {  	s19 =	sadd.s32 $0xFFFF8000, s20  }
0x9d: {  	[tilespmem:s24], [sflag:$0x1] =	stream.strided.gather [hbm4b:s19+s22], $0x1000, s23, s22, $0x38;
	[tilespmem:$0x1A7A0] =	vst v63  }
0x9e: {  	_ =	swait.ge [sflag:s28], $0x80  }
0x9f: {  	[sflag:s28] =	ssyncset.done $0x0  }
0xa0: {  	[sflag:s28] =	ssyncadd.s32 $0xFFFFFF80  }
0xa1: {  	_ =	swait.ge [sflag:s28], $0x1000  }
0xa2: {  	[sflag:s28] =	ssyncset.done $0x0  }
0xa3: {  	[sflag:s28] =	ssyncadd.s32 $0xFFFFF000  }
0xa4: {  	[spmem:s2] =	stream.indirect.scatter.add.f32 [tilespmem:s25], [sflag:$0x3], $0x20, s23, s23, $0xb8;
	[tilespmem:$0x1A7A0] =	vst v63  }
0xa5: {  	_ =	swait.ge [sflag:s21], $0x1000  }
0xa6: {  	[sflag:s21] =	ssyncset.done $0x0  }
0xa7: {  	s0 =	sadd.s32 $0x300, s0;
	[sflag:s21] =	ssyncadd.s32 $0xFFFFF000  }
0xa8: {  	[tilespmem:s23], [sflag:$0x2] =	stream.linear.gather [hbm4b:s0+s3], $0x80, $0x38;
	[tilespmem:$0x1A7A0] =	vst v63  }
0xa9: {  	s31 =	simm.s32 $0x200;
	s19 =	smov.u32 s20;
	s0 =	sadd.s32 $0x10000, s20  }
.LBB2_4:
0xaa: {  	[tilespmem:s25], [sflag:$0x2] =	stream.strided.gather [hbm4b:s19+s22], $0x1000, s23, s22, $0x38;
	[tilespmem:$0x1A7A0] =	vst v63  }
0xab: {  	s1 =	smov.u32 s31;
	s19 =	smov.u32 s0  }
0xac: {  	p0 =	sne.s32 s31, $0xBE00;
	s31 =	sadd.s32 $0x200, s31;
	_ =	swait.ge [sflag:s26], $0x80  }
0xad: {  	[sflag:s26] =	ssyncset.done $0x0  }
0xae: {  	[sflag:s26] =	ssyncadd.s32 $0xFFFFFF80  }
0xaf: {  	_ =	swait.ge [sflag:s26], $0x1000  }
0xb0: {  	[sflag:s26] =	ssyncset.done $0x0  }
0xb1: {  	[sflag:s26] =	ssyncadd.s32 $0xFFFFF000  }
0xb2: {  	[spmem:s2] =	stream.indirect.scatter.add.f32 [tilespmem:s24], [sflag:$0x3], $0x20, s3, s23, $0xb8;
	[tilespmem:$0x1A7A0] =	vst v63  }
0xb3: {  	_ =	swait.ge [sflag:s21], $0x1000  }
0xb4: {  	s1 =	sadd.s32 s1, s7;
	[sflag:s21] =	ssyncset.done $0x0  }
0xb5: {  	s5 =	sadd.s32 $0x200, s1;
	[sflag:s21] =	ssyncadd.s32 $0xFFFFF000  }
0xb6: {  	[tilespmem:s3], [sflag:$0x1] =	stream.linear.gather [hbm4b:s5+s3], $0x80, $0x38;
	[tilespmem:$0x1A7A0] =	vst v63  }
0xb7: {  	s5 =	sadd.s32 $0xFFFF8000, s0  }
0xb8: {  	[tilespmem:s24], [sflag:$0x1] =	stream.strided.gather [hbm4b:s5+s22], $0x1000, s23, s22, $0x38;
	[tilespmem:$0x1A7A0] =	vst v63  }
0xb9: {  	_ =	swait.ge [sflag:s28], $0x80  }
0xba: {  	[sflag:s28] =	ssyncset.done $0x0  }
0xbb: {  	[sflag:s28] =	ssyncadd.s32 $0xFFFFFF80  }
0xbc: {  	_ =	swait.ge [sflag:s28], $0x1000  }
0xbd: {  	[sflag:s28] =	ssyncset.done $0x0  }
0xbe: {  	[sflag:s28] =	ssyncadd.s32 $0xFFFFF000  }
0xbf: {  	[spmem:s2] =	stream.indirect.scatter.add.f32 [tilespmem:s25], [sflag:$0x3], $0x20, s23, s23, $0xb8;
	[tilespmem:$0x1A7A0] =	vst v63  }
.Ltmp1:
0xc0: {  	_ =	swait.ge [sflag:s21], $0x1000;
	(pc) =	sbr.rel @p0 .LBB2_4-.Ltmp1, $4  }
0xc1: {  	[sflag:s21] =	ssyncset.done $0x0  }
0xc2: {  	s1 =	sadd.s32 $0x300, s1;
	[sflag:s21] =	ssyncadd.s32 $0xFFFFF000  }
0xc3: {  	[tilespmem:s23], [sflag:$0x2] =	stream.linear.gather [hbm4b:s1+s3], $0x80, $0x38;
	[tilespmem:$0x1A7A0] =	vst v63  }
0xc4: {  	s0 =	sadd.s32 $0x10000, s0  }
0xc5: {  	[tilespmem:s25], [sflag:$0x2] =	stream.strided.gather [hbm4b:s19+s22], $0x1000, s23, s22, $0x38;
	[tilespmem:$0x1A7A0] =	vst v63  }
0xc6: {  	_ =	swait.ge [sflag:s26], $0x80  }
0xc7: {  	[sflag:s26] =	ssyncset.done $0x0  }
0xc8: {  	[sflag:s26] =	ssyncadd.s32 $0xFFFFFF80  }
0xc9: {  	_ =	swait.ge [sflag:s26], $0x1000  }
0xca: {  	[sflag:s26] =	ssyncset.done $0x0  }
0xcb: {  	[sflag:s26] =	ssyncadd.s32 $0xFFFFF000  }
0xcc: {  	[spmem:s2] =	stream.indirect.scatter.add.f32 [tilespmem:s24], [sflag:$0x3], $0x20, s3, s23, $0xb8;
	[tilespmem:$0x1A7A0] =	vst v63  }
0xcd: {  	_ =	swait.ge [sflag:s21], $0x1000  }
0xce: {  	[sflag:s21] =	ssyncset.done $0x0  }
0xcf: {  	[sflag:s21] =	ssyncadd.s32 $0xFFFFF000  }
0xd0: {  	[tilespmem:s3], [sflag:$0x1] =	stream.linear.gather [hbm4b:s16+s3], $0x80, $0x38;
	[tilespmem:$0x1A7A0] =	vst v63  }
0xd1: {  	_ = 	snop  }
0xd2: {  	[tilespmem:s24], [sflag:$0x1] =	stream.strided.gather [hbm4b:s18+s22], $0x1000, s23, s22, $0x38;
	[tilespmem:$0x1A7A0] =	vst v63  }
0xd3: {  	_ =	swait.ge [sflag:s28], $0x80  }
0xd4: {  	[sflag:s28] =	ssyncset.done $0x0  }
0xd5: {  	[sflag:s28] =	ssyncadd.s32 $0xFFFFFF80  }
0xd6: {  	_ =	swait.ge [sflag:s28], $0x1000  }
0xd7: {  	[sflag:s28] =	ssyncset.done $0x0  }
0xd8: {  	[sflag:s28] =	ssyncadd.s32 $0xFFFFF000  }
0xd9: {  	[spmem:s2] =	stream.indirect.scatter.add.f32 [tilespmem:s25], [sflag:$0x3], $0x20, s23, s23, $0xb8;
	[tilespmem:$0x1A7A0] =	vst v63  }
0xda: {  	_ =	swait.ge [sflag:s21], $0x1000  }
0xdb: {  	[sflag:s21] =	ssyncset.done $0x0  }
0xdc: {  	[sflag:s21] =	ssyncadd.s32 $0xFFFFF000  }
0xdd: {  	_ =	swait.ge [sflag:s26], $0x80  }
0xde: {  	[sflag:s26] =	ssyncset.done $0x0  }
0xdf: {  	[sflag:s26] =	ssyncadd.s32 $0xFFFFFF80  }
0xe0: {  	_ =	swait.ge [sflag:s26], $0x1000  }
0xe1: {  	[sflag:s26] =	ssyncset.done $0x0  }
0xe2: {  	[sflag:s26] =	ssyncadd.s32 $0xFFFFF000  }
0xe3: {  	[spmem:s2] =	stream.indirect.scatter.add.f32 [tilespmem:s24], [sflag:$0x3], $0x20, s3, s23, $0xb8;
	[tilespmem:$0x1A7A0] =	vst v63  }
0xe4: {  	_ =	swait.ge [sflag:s21], $0x1000  }
0xe5: {  	[sflag:s21] =	ssyncset.done $0x0  }
0xe6: {  	s29 =	sadd.s32 $0x1, s29;
	[sflag:s21] =	ssyncadd.s32 $0xFFFFF000  }
0xe7: {  	p0 =	sne.s32 s29, s15;
	[bflag:$0x0] =	sbarrier.arrive $0xFFFF  }
0xe8: {  	[hbm:s14], [sflag:s6] =	dma.local [spmem:s30], $0x30D4  }
.Ltmp2:
0xe9: {  	_ =	swait.ge [sflag:s21], $0x30D4;
	(pc) =	sbr.rel @p0 .LBB2_1-.Ltmp2, $3  }
0xea: {  	[sflag:s21] =	ssyncset.done $0x0  }
0xeb: {  	[sflag:s21] =	ssyncadd.s32 $0xFFFFCF2C  }
0xec: {  	[bflag:$0x0] =	sbarrier.arrive $0xFFFF;
	_ =	sdelay $0x1  }
0xed: {  	_ =	sfence.sel $0x180000  }
0xee: {  	[bflag:$0x0] =	sbarrier.arrive $0xFFFF  }
0xef: {  	_ =	strace $0x9000004A  }
0xf0: {  	s0 =	stileid.u32;
	[bflag:$0x2] =	sbarrier.arrive $0xFFFF  }
0xf1: {  	p0 =	sne.s32 s0, $0x0;
	s0 =	rddreg [dreg:$0x3]  }
0xf2: {  	s0 =	sadd.s32 @!p0 $0x100000, s0  }
0xf3: {  	[sflag:s0] =	ssyncadd.tile.s32 @!p0 $0x1;
	_ =	shalt  }
.Lfunc_end2:
_tile_overlayer_lowered:
.L_overlay_start_2:
0xf4: {  	(tag) =	ssettag $0x2  }
0xf5: {  	s0 =	rddreg [dreg:$0x0];
	s2 =	stileid.u32  }
0xf6: {  	s1 =	rddreg [dreg:$0x1];
	p0 =	sne.s32 s2, $0x0  }
0xf7: {  	s3 =	rddreg [dreg:$0x2];
	[bflag:$0x3] =	sbarrier.arrive $0xFFFF;
	s2 =	simm.s32 @!p0 $0x1C03  }
0xf8: {  	[timem:s3], [sflag:s2] =	dma.local @!p0 [hbm:s0], s1  }
0xf9: {  	s0 =	simm.s32 @!p0 $0x3  }
0xfa: {  	_ =	swait.ge @!p0 [sflag:s0], s1  }
0xfb: {  	s1 =	ssub.s32 @!p0 $0x0, s1;
	[sflag:s0] =	ssyncset.done @!p0 $0x0  }
0xfc: {  	[sflag:s0] =	ssyncadd.s32 @!p0 s1  }
0xfd: {  	[bflag:$0x3] =	sbarrier.arrive $0xFFFF  }
0xfe: {  	_ =	shalt  }

// kernel: kernel.16.cloned.1.call-start
scs
__scs_entry_jumppad:
0x0: {  	(pc) =	sbr.rel $0x88, $3  }
0x1: {  	(tag) =	ssettag $0x0;
	lr =	simm.s32 $0x1  }
0x2: {  	[smem:$0x3F94] =	sst lr;
	_ =	strace $0xD0000000  }
0x3: {  	_ = 	snop  }
0x4: {  	_ = 	snop  }
0x5: {  	_ = 	snop  }
0x6: {  	_ = 	snop  }
0x7: {  	_ = 	snop  }
__scs_overlays_trampoline_lowered:
0x8: {  	[smem:$0x3FA3] =	sst s0  }
0x9: {  	[smem:$0x3FA4] =	sst s1  }
0xa: {  	[smem:$0x3FA5] =	sst s2  }
0xb: {  	[smem:$0x3FA6] =	sst s3  }
0xc: {  	[smem:$0x3FA7] =	sst s4  }
0xd: {  	[smem:$0x3FA8] =	sst s5  }
0xe: {  	[smem:$0x3FA9] =	sst s6  }
0xf: {  	[smem:$0x3FAA] =	sst s7  }
0x10: {  	[smem:$0x3FAB] =	sst s8  }
0x11: {  	[smem:$0x3FAC] =	sst s9;
	s0 =	simm.s32 @!p0 $0x0  }
0x12: {  	s1 =	sld [smem:$0x3F92];
	s0 =	simm.s32 @p0 $0x1  }
0x13: {  	[smem:$0x3FAD] =	sst s0;
	s0 =	simm.s32 @!p1 $0x0  }
0x14: {  	s2 =	sld [smem:$0x3F91];
	s0 =	simm.s32 @p1 $0x1  }
0x15: {  	[smem:$0x3FAE] =	sst s0;
	s0 =	simm.s32 @!p2 $0x0  }
0x16: {  	s3 =	sld [smem:$0x3FDB];
	s0 =	simm.s32 @p2 $0x1  }
0x17: {  	s4 =	simm.s32 $0x1BF5;
	[smem:$0x3FB0] =	sst s0  }
0x18: {  	s0 =	sld [smem:$0x3F93];
	_ =	swait.ge [sflag:s4], $0x0  }
0x19: {  	s7 =	sld [smem:$0x3F94]  }
0x1a: {  	s8 =	sadd.s32 $0xFFFFE003, lr  }
0x1b: {  	s9 =	sadd.s32 $0xFFFFFEF7, lr;
	s5 =	simm.s32 $0xFFFFFFFF;
	p2 =	slt.u32 s8, $0xFFFFF086  }
0x1c: {  	p1 =	slt.u32 s9, $0xF7A;
	s5 =	simm.s32 @!p2 $0x0  }
0x1d: {  	s5 =	simm.s32 @p1 $0x1;
	p0 =	seq.s32 s7, s2  }
0x1e: {  	s7 =	smul.u32 @!p0 $0xF7A, s2;
	p2 =	seq.s32 @!p0 s5, $0x0  }
0x1f: {  	s9 =	smul.u32 $0xF7A, s1;
	s8 =	simm.s32 @!p0 $0x1BF5;
	p2 =	por !p2, p0  }
0x20: {  	[sflag:s8] =	ssyncset.s32 @!p0 $0xFFFFF086;
	s6 =	sadd.s32 @!p0 s3, s7;
	s7 =	simm.s32 @!p0 $0x108  }
0x21: {  	s3 =	sadd.s32 s3, s9;
	s6 =	sadd.s32 @!p0 $0x88, s6;
	s7 =	simm.s32 @p2 $0x1082  }
0x22: {  	[simem:s7], [sflag:s8] =	dma.local @!p0 [hbm:s6], $0xF7A  }
0x23: {  	s9 =	sor.u32 $0xD0000000, s2;
	s6 =	simm.s32 $0x108;
	_ =	swait.ge @!p0 [sflag:s8], $0x0  }
0x24: {  	s3 =	sadd.s32 $0x88, s3;
	s6 =	simm.s32 @!p1 $0x1082;
	[sflag:s4] =	ssyncset.s32 $0xFFFFF086  }
0x25: {  	[simem:s6], [sflag:s4] =	dma.local [hbm:s3], $0xF7A  }
0x26: {  	[smem:$0x3F94] =	sst s1;
	(tag) =	ssettag s2;
	_ =	strace s9  }
0x27: {  	s1 =	sld [smem:$0x3FA4]  }
0x28: {  	s2 =	sld [smem:$0x3FA5]  }
0x29: {  	s4 =	sld [smem:$0x3FA7]  }
0x2a: {  	p0 =	seq.s32 s5, $0x0;
	s5 =	sld [smem:$0x3FA8]  }
0x2b: {  	s6 =	sld [smem:$0x3FA9]  }
0x2c: {  	s7 =	sld [smem:$0x3FAA]  }
0x2d: {  	s3 =	simm.s32 $0x108;
	s8 =	sld [smem:$0x3FAB]  }
0x2e: {  	s3 =	simm.s32 @!p0 $0x1082;
	s9 =	sld [smem:$0x3FAC]  }
0x2f: {  	lr =	sadd.s32 s0, s3;
	s0 =	sld [smem:$0x3FA3]  }
0x30: {  	s3 =	sld [smem:$0x3FA6]  }
0x31: {  	[smem:$0x3FAF] =	sst s10  }
0x32: {  	s10 =	sld [smem:$0x3FAD];
	_ =	sdelay $0x3  }
0x33: {  	p0 =	seq.s32 s10, $0x1;
	s10 =	sld [smem:$0x3FAF];
	_ =	sdelay $0x3  }
0x34: {  	[smem:$0x3FAF] =	sst s10  }
0x35: {  	s10 =	sld [smem:$0x3FAE];
	_ =	sdelay $0x3  }
0x36: {  	p1 =	seq.s32 s10, $0x1;
	s10 =	sld [smem:$0x3FAF];
	_ =	sdelay $0x3  }
0x37: {  	[smem:$0x3FAF] =	sst s10  }
0x38: {  	s10 =	sld [smem:$0x3FB0]  }
0x39: {  	_ = 	snop;
	(pc) =	sbr.ind lr, $3  }
0x3a: {  	_ = 	snop  }
0x3b: {  	_ = 	snop  }
0x3c: {  	p2 =	seq.s32 s10, $0x1;
	s10 =	sld [smem:$0x3FAF]  }
0x3d: {  	_ =	shalt  }
0x3e: {  	_ =	shalt  }
0x3f: {  	_ =	shalt  }
0x40: {  	_ =	shalt  }
0x41: {  	_ =	shalt  }
0x42: {  	_ =	shalt  }
0x43: {  	_ =	shalt  }
0x44: {  	_ =	shalt  }
0x45: {  	_ =	shalt  }
0x46: {  	_ =	shalt  }
0x47: {  	_ =	shalt  }
0x48: {  	_ =	shalt  }
0x49: {  	_ =	shalt  }
0x4a: {  	_ =	shalt  }
0x4b: {  	_ =	shalt  }
0x4c: {  	_ =	shalt  }
0x4d: {  	_ =	shalt  }
0x4e: {  	_ =	shalt  }
0x4f: {  	_ =	shalt  }
0x50: {  	_ =	shalt  }
0x51: {  	_ =	shalt  }
0x52: {  	_ =	shalt  }
0x53: {  	_ =	shalt  }
0x54: {  	_ =	shalt  }
0x55: {  	_ =	shalt  }
0x56: {  	_ =	shalt  }
0x57: {  	_ =	shalt  }
0x58: {  	_ =	shalt  }
0x59: {  	_ =	shalt  }
0x5a: {  	_ =	shalt  }
0x5b: {  	_ =	shalt  }
0x5c: {  	_ =	shalt  }
0x5d: {  	_ =	shalt  }
0x5e: {  	_ =	shalt  }
0x5f: {  	_ =	shalt  }
0x60: {  	_ =	shalt  }
0x61: {  	_ =	shalt  }
0x62: {  	_ =	shalt  }
0x63: {  	_ =	shalt  }
0x64: {  	_ =	shalt  }
0x65: {  	_ =	shalt  }
0x66: {  	_ =	shalt  }
0x67: {  	_ =	shalt  }
0x68: {  	_ =	shalt  }
0x69: {  	_ =	shalt  }
0x6a: {  	_ =	shalt  }
0x6b: {  	_ =	shalt  }
0x6c: {  	_ =	shalt  }
0x6d: {  	_ =	shalt  }
0x6e: {  	_ =	shalt  }
0x6f: {  	_ =	shalt  }
0x70: {  	_ =	shalt  }
0x71: {  	_ =	shalt  }
0x72: {  	_ =	shalt  }
0x73: {  	_ =	shalt  }
0x74: {  	_ =	shalt  }
0x75: {  	_ =	shalt  }
0x76: {  	_ =	shalt  }
0x77: {  	_ =	shalt  }
0x78: {  	_ =	shalt  }
0x79: {  	_ =	shalt  }
0x7a: {  	_ =	shalt  }
0x7b: {  	_ =	shalt  }
0x7c: {  	_ =	shalt  }
0x7d: {  	_ =	shalt  }
0x7e: {  	_ =	shalt  }
0x7f: {  	_ =	shalt  }
0x80: {  	_ =	shalt  }
0x81: {  	_ =	shalt  }
0x82: {  	_ =	shalt  }
0x83: {  	_ =	shalt  }
0x84: {  	_ =	shalt  }
0x85: {  	_ =	shalt  }
0x86: {  	_ =	shalt  }
0x87: {  	_ =	shalt  }
.Lfunc_end0:
.L_simem_size_0:
called_computation.2_lowered:
.L_overlay_start_0:
0x88: {  	s2 =	sld [smem:$0x3FD9]  }
0x89: {  	s3 =	sld [smem:$0x3FFE];
	_ =	sdelay $0x1  }
0x8a: {  	s1 =	srdreg.scid  }
0x8b: {  	s0 =	sand.u32 $0x1, s1  }
0x8c: {  	s16 =	sshll.u32 s0, $0xA;
	s2 =	sadd.s32 s3, s2  }
0x8d: {  	s2 =	sadd.s32 s2, s16  }
0x8e: {  	[smem:$0x3FBB] =	sst s2  }
0x8f: {  	_ = 	snop  }
0x90: {  	(tm) =	ssettm $0x1  }
0x91: {  	s17 =	sld [smem:$0x3FFB];
	_ =	sdelay $0x3  }
0x92: {  	_ =	strace s17  }
0x93: {  	s2 =	sld [smem:$0x3FFC];
	_ =	sdelay $0x3  }
0x94: {  	_ =	strace s2  }
0x95: {  	s2 =	sld [smem:$0x3FFD];
	_ =	sdelay $0x3  }
0x96: {  	_ =	strace s2  }
0x97: {  	_ =	strace $0x8FFFFFFF  }
0x98: {  	s18 =	sld [smem:$0x3FDB];
	_ =	sdelay $0x1  }
0x99: {  	s19 =	simm.s32 $_scs_section_size  }
0x9a: {  	s4 =	simm.s32 $_size__tile_overlayer_lowered;
	s5 =	simm.s32 $_tile_overlayer_lowered  }
0x9b: {  	s22 =	simm.s32 $0x1BFF;
	s21 =	sshll.u32 s5, $0x1;
	s2 =	sadd.s32 s19, s18  }
0x9c: {  	s6 =	simm.s32 $0x0;
	s20 =	sshll.u32 s4, $0x1;
	s4 =	sadd.s32 s21, s2  }
0x9d: {  	[timem:s6], [sflag:s22] =	dma.local [hbm:s4], s20  }
0x9e: {  	_ =	swait.ge [sflag:s22], s20  }
0x9f: {  	s3 =	ssub.s32 $0x0, s20;
	[sflag:s22] =	ssyncset.done $0x0  }
0xa0: {  	[sflag:s22] =	ssyncadd.s32 s3;
	_ =	sdelay $0x1  }
0xa1: {  	s23 =	simm.s32 $0x1B8B  }
0xa2: {  	_ =	swait.ge [sflag:s23], $0x1  }
0xa3: {  	[sflag:s23] =	ssyncset.done $0x0  }
0xa4: {  	s25 =	simm.s32 $0x1B8E;
	s24 =	sld [smem:$0x3FFE];
	[sflag:s23] =	ssyncadd.s32 $0xFFFFFFFF  }
0xa5: {  	s26 =	simm.s32 $execute0_lowered;
	[smem:$0x3FD2] =	sst s25  }
0xa6: {  	s4 =	sshll.u32 s26, $0x1;
	_ =	strace $0x8000004C;
	[dreg:$0x1] =	wrdreg $0xFFFFFFFF  }
0xa7: {  	s28 =	simm.s32 $_size_execute0_lowered;
	s2 =	sadd.s32 s2, s4;
	[dreg:$0x0] =	wrdreg $0x0  }
0xa8: {  	s4 =	sshll.u32 s28, $0x1;
	[dreg:$0x2] =	wrdreg s2  }
0xa9: {  	[dreg:$0x3] =	wrdreg s4  }
0xaa: {  	[dreg:$0x4] =	wrdreg $0xC0  }
0xab: {  	_ =	task [dreg:s6], $0x5FFFF  }
0xac: {  	[dreg:$0x1] =	wrdreg $0xFFFFFFFF  }
0xad: {  	[dreg:$0x0] =	wrdreg $0x60  }
0xae: {  	[dreg:$0x2] =	wrdreg s24  }
0xaf: {  	[dreg:$0x3] =	wrdreg $0x21000  }
0xb0: {  	[dreg:$0x4] =	wrdreg $0x9  }
0xb1: {  	_ =	task.clear_ibuf [dreg:s6], $0x5FFFF;
	_ =	strace $0x9000004C  }
0xb2: {  	s29 =	simm.s32 $0x9;
	_ =	strace $0x8000004E  }
0xb3: {  	_ =	swait.ge [sflag:s29], $0x1  }
0xb4: {  	[sflag:s29] =	ssyncadd.s32 $0xFFFFFFFF  }
0xb5: {  	_ =	strace $0x9000004E  }
0xb6: {  	_ =	sfence  }
0xb7: {  	s30 =	sld [smem:$0x0];
	_ =	sdelay $0x2  }
0xb8: {  	s31 =	sshll.u32 s1, $0xD;
	s1 =	sshrl.u32 s1, $0x2  }
0xb9: {  	s3 =	sand.u32 $0x4000, s31;
	s1 =	sadd.s32 s1, s30  }
0xba: {  	s0 =	sor.u32 s3, s0;
	s1 =	sshll.u32 s1, $0x11  }
0xbb: {  	s0 =	sor.u32 s1, s0  }
0xbc: {  	s0 =	sadd.s32 $0x8F2B, s0  }
0xbd: {  	[sflag:s0] =	ssyncadd.remote.s32 $0x1  }
0xbe: {  	_ =	sfence.sel $0xFFFF  }
0xbf: {  	[dreg:$0x0] =	wrdreg $0xFFFFFFFF;
	(pc) =	sbr.abs _section_cstart, $3  }
0xc0: {  	[dreg:$0x1] =	wrdreg $0xFFFFFFFF  }
0xc1: {  	_ =	task.clear_ibuf [dreg:s6], $0x2FFFF;
	_ =	strace $0x9FFFFFFF  }
0xc2: {  	(tm) =	ssettm $0x7FFFFFFF  }
0xc3: {  	_ =	shalt  }
tec
execute0_lowered:
.L_overlay_start_1:
0x0: {  	(tag) =	ssettag $0x1  }
0x1: {  	s0 =	rddreg [dreg:$0x0]  }
0x2: {  	s1 =	rddreg [dreg:$0x1]  }
0x3: {  	s3 =	simm.s32 $0x0;
	s26 =	stileid.u32;
	s2 =	srdreg.scid  }
0x4: {  	s28 =	simm.s32 $0x2;
	s29 =	simm.s32 $0x0;
	[smem:$0x7FF] =	sst s3  }
0x5: {  	s4 =	sshll.u32 s26, $0x4;
	s2 =	sand.u32 $0x1, s2;
	s5 =	smul.u32 $0x186A0, s26  }
0x6: {  	s8 =	sadd.s32 $0x18B4200, s0;
	s10 =	sadd.s32 $0xF7800, s0;
	s18 =	sshll.u32 s26, $0x6  }
0x7: {  	s12 =	sshll.u32 s26, $0xE;
	s30 =	sshll.u32 s26, $0xB;
	p0 =	sgt.u32 s26, $0x9  }
0x8: {  	_ =	strace $0x8000004D;
	s4 =	sadd.s32 s4, s0;
	s6 =	ssub.s32 $0x2, s2  }
0x9: {  	s7 =	smul.u32 $0x186A00, s2;
	s0 =	sadd.s32 $0x34200, s0;
	s20 =	sshll.u32 s2, $0x5  }
0xa: {  	s13 =	sor.u32 $0x40000, s12;
	s31 =	sadd.s32 s30, s8;
	s9 =	sshrl.u32 s6, $0x1  }
0xb: {  	s17 =	sadd.s32 s5, s1;
	s14 =	sor.u32 s20, s12;
	s16 =	ssub.s32 s6, s9  }
0xc: {  	s15 =	sadd.s32 s5, s7;
	[dreg:$0x3] =	wrdreg s17;
	s6 =	sor.u32 $0x1C03, s18  }
0xd: {  	s7 =	sadd.s32 $0x27D00, s4;
	s9 =	sor.u32 s20, s13;
	s14 =	sshrl.u32 s14, $0x3  }
0xe: {  	s11 =	sshrl.u32 s15, $0x3;
	s15 =	sor.u32 $0x2, s2;
	s17 =	sshrl.u32 s9, $0x3  }
0xf: {  	s21 =	sadd.s32 s8, s14;
	s9 =	sadd.s32 $0x27E00, s4;
	s2 =	sshll.u32 s2, $0x2  }
0x10: {  	s16 =	smax.u32 s16, $0x1;
	s19 =	sadd.s32 s10, s11;
	s18 =	smul.u32 $0x186A00, s15  }
0x11: {  	[dreg:$0x5] =	wrdreg s21;
	s22 =	sadd.s32 s8, s17;
	s23 =	sshll.u32 s15, $0x5  }
0x12: {  	s11 =	sadd.s32 s0, s11;
	s17 =	sadd.s32 $0x1BA00, s4;
	[dreg:$0x4] =	wrdreg s19  }
0x13: {  	s21 =	simm.s32 $0x3;
	[dreg:$0x6] =	wrdreg s22;
	s15 =	sor.u32 s12, s23  }
0x14: {  	s14 =	sor.u32 s23, s13;
	s19 =	sor.u32 $0x30, s26;
	s22 =	simm.s32 $0x20  }
0x15: {  	s23 =	simm.s32 $0x80;
	s26 =	simm.s32 $0x1;
	s5 =	sadd.s32 s5, s18  }
0x16: {  	s24 =	sshrl.u32 s15, $0x3;
	s25 =	sshrl.u32 s14, $0x3;
	s5 =	sshrl.u32 s5, $0x3  }
0x17: {  	s13 =	sadd.s32 s8, s24;
	s14 =	sadd.s32 s8, s25;
	s24 =	simm.s32 $0x100  }
0x18: {  	s25 =	simm.s32 $0x1100;
	s15 =	sadd.s32 s0, s5;
	s0 =	sadd.s32 s2, s31  }
0x19: {  	s12 =	sadd.s32 s10, s5;
	s4 =	sadd.s32 $0x18000, s0;
	s20 =	sadd.s32 $0x18008, s0  }
.LBB2_1:
0x1a: {  	s0 =	rddreg [dreg:$0x3]  }
0x1b: {  	s2 =	rddreg [dreg:$0x4];
	s30 =	sshrl.u32 s0, $0x3  }
0x1c: {  	[spmem:s30], [sflag:s6] =	dma.local [hbm:s2], $0x30D4  }
0x1d: {  	_ =	swait.ge [sflag:s21], $0x30D4  }
0x1e: {  	[sflag:s21] =	ssyncset.done $0x0  }
0x1f: {  	[sflag:s21] =	ssyncadd.s32 $0xFFFFCF2C  }
0x20: {  	[bflag:$0x0] =	sbarrier.arrive $0xFFFF  }
0x21: {  	[tilespmem:s3], [sflag:$0x1] =	stream.linear.gather [hbm4b:s7+s3], $0x80, $0x38;
	[tilespmem:$0x1A7A0] =	vst v63  }
0x22: {  	s5 =	rddreg [dreg:$0x5]  }
0x23: {  	[tilespmem:s24], [sflag:$0x1] =	stream.strided.gather [hbm4b:s5+s22], $0x1000, s23, s22, $0x38;
	[tilespmem:$0x1A7A0] =	vst v63  }
0x24: {  	_ = 	snop  }
0x25: {  	[tilespmem:s23], [sflag:$0x2] =	stream.linear.gather [hbm4b:s9+s3], $0x80, $0x38;
	[tilespmem:$0x1A7A0] =	vst v63  }
0x26: {  	s8 =	rddreg [dreg:$0x6]  }
0x27: {  	[tilespmem:s25], [sflag:$0x2] =	stream.strided.gather [hbm4b:s8+s22], $0x1000, s23, s22, $0x38;
	[tilespmem:$0x1A7A0] =	vst v63  }
0x28: {  	_ =	swait.ge [sflag:s26], $0x80  }
0x29: {  	[sflag:s26] =	ssyncset.done $0x0  }
0x2a: {  	[sflag:s26] =	ssyncadd.s32 $0xFFFFFF80  }
0x2b: {  	_ =	swait.ge [sflag:s26], $0x1000  }
0x2c: {  	[sflag:s26] =	ssyncset.done $0x0  }
0x2d: {  	[sflag:s26] =	ssyncadd.s32 $0xFFFFF000  }
0x2e: {  	[spmem:s1] =	stream.indirect.scatter.add.f32 [tilespmem:s24], [sflag:$0x3], $0x20, s3, s23, $0xb8;
	[tilespmem:$0x1A7A0] =	vst v63  }
0x2f: {  	_ =	swait.ge [sflag:s21], $0x1000  }
0x30: {  	s10 =	sadd.s32 $0x0, s17;
	[sflag:s21] =	ssyncset.done $0x0  }
0x31: {  	s0 =	sadd.s32 $0xC500, s10;
	[sflag:s21] =	ssyncadd.s32 $0xFFFFF000  }
0x32: {  	[tilespmem:s3], [sflag:$0x1] =	stream.linear.gather [hbm4b:s0+s3], $0x80, $0x38;
	[tilespmem:$0x1A7A0] =	vst v63  }
0x33: {  	s18 =	sadd.s32 $0xFFFF8000, s4  }
0x34: {  	[tilespmem:s24], [sflag:$0x1] =	stream.strided.gather [hbm4b:s18+s22], $0x1000, s23, s22, $0x38;
	[tilespmem:$0x1A7A0] =	vst v63  }
0x35: {  	_ =	swait.ge [sflag:s28], $0x80  }
0x36: {  	[sflag:s28] =	ssyncset.done $0x0  }
0x37: {  	[sflag:s28] =	ssyncadd.s32 $0xFFFFFF80  }
0x38: {  	_ =	swait.ge [sflag:s28], $0x1000  }
0x39: {  	[sflag:s28] =	ssyncset.done $0x0  }
0x3a: {  	p2 =	sgt.u32 s19, $0xC39;
	s31 =	simm.s32 $0x200;
	[sflag:s28] =	ssyncadd.s32 $0xFFFFF000  }
0x3b: {  	[spmem:s1] =	stream.indirect.scatter.add.f32 [tilespmem:s25], [sflag:$0x3], $0x20, s23, s23, $0xb8;
	[tilespmem:$0x1A7A0] =	vst v63  }
0x3c: {  	s10 =	simm.s32 @!p2 $0x1100;
	s2 =	simm.s32 @!p2 $0x0;
	_ =	swait.ge [sflag:s21], $0x1000  }
0x3d: {  	s5 =	simm.s32 @!p2 $0x80;
	s0 =	sadd.s32 @!p2 $0x0, s17;
	[sflag:s21] =	ssyncset.done $0x0  }
0x3e: {  	s8 =	simm.s32 @!p2 $0x20;
	s0 =	sadd.s32 @!p2 $0xC600, s0;
	[sflag:s21] =	ssyncadd.s32 $0xFFFFF000  }
0x3f: {  	[tilespmem:s5], [sflag:$0x2] =	stream.linear.gather @!p2 [hbm4b:s0+s2], $0x80, $0x38;
	[tilespmem:$0x1A7A0] =	vst v63  }
0x40: {  	s18 =	smov.u32 s4;
	s0 =	sadd.s32 $0x20, s19;
	s2 =	sadd.s32 $0x10000, s4  }
.LBB2_2:
0x41: {  	[tilespmem:s10], [sflag:$0x2] =	stream.strided.gather @!p2 [hbm4b:s18+s8], $0x1000, s5, s8, $0x38;
	[tilespmem:$0x1A7A0] =	vst v63  }
0x42: {  	s5 =	smov.u32 s31;
	s31 =	sadd.s32 $0x200, s31;
	_ =	swait.ge [sflag:s26], $0x80  }
0x43: {  	s8 =	smov.u32 s0;
	p1 =	sne.s32 s31, $0xC200;
	[sflag:s26] =	ssyncset.done $0x0  }
0x44: {  	s18 =	smov.u32 s2;
	[sflag:s26] =	ssyncadd.s32 $0xFFFFFF80  }
0x45: {  	_ =	swait.ge [sflag:s26], $0x1000  }
0x46: {  	[sflag:s26] =	ssyncset.done $0x0  }
0x47: {  	[sflag:s26] =	ssyncadd.s32 $0xFFFFF000  }
0x48: {  	[spmem:s1] =	stream.indirect.scatter.add.f32 [tilespmem:s24], [sflag:$0x3], $0x20, s3, s23, $0xb8;
	[tilespmem:$0x1A7A0] =	vst v63  }
0x49: {  	_ =	swait.ge [sflag:s21], $0x1000  }
0x4a: {  	s10 =	sadd.s32 s5, s17;
	[sflag:s21] =	ssyncset.done $0x0  }
0x4b: {  	s10 =	sadd.s32 $0xC500, s10;
	[sflag:s21] =	ssyncadd.s32 $0xFFFFF000  }
0x4c: {  	[tilespmem:s3], [sflag:$0x1] =	stream.linear.gather [hbm4b:s10+s3], $0x80, $0x38;
	[tilespmem:$0x1A7A0] =	vst v63  }
0x4d: {  	s10 =	sadd.s32 $0xFFFF8000, s2  }
0x4e: {  	[tilespmem:s24], [sflag:$0x1] =	stream.strided.gather [hbm4b:s10+s22], $0x1000, s23, s22, $0x38;
	[tilespmem:$0x1A7A0] =	vst v63  }
0x4f: {  	_ =	swait.ge [sflag:s28], $0x80  }
0x50: {  	[sflag:s28] =	ssyncset.done $0x0  }
0x51: {  	[sflag:s28] =	ssyncadd.s32 $0xFFFFFF80  }
0x52: {  	_ =	swait.ge [sflag:s28], $0x1000  }
0x53: {  	[sflag:s28] =	ssyncset.done $0x0  }
0x54: {  	s0 =	sadd.s32 $0x20, s0;
	[sflag:s28] =	ssyncadd.s32 $0xFFFFF000  }
0x55: {  	[spmem:s1] =	stream.indirect.scatter.add.f32 [tilespmem:s25], [sflag:$0x3], $0x20, s23, s23, $0xb8;
	[tilespmem:$0x1A7A0] =	vst v63  }
.Ltmp0:
0x56: {  	p2 =	sgt.u32 s8, $0xC39;
	_ =	swait.ge [sflag:s21], $0x1000;
	(pc) =	sbr.rel @p1 .LBB2_2-.Ltmp0, $4  }
0x57: {  	s8 =	sadd.s32 @!p2 s5, s17;
	s5 =	simm.s32 @!p2 $0x80;
	[sflag:s21] =	ssyncset.done $0x0  }
0x58: {  	s8 =	sadd.s32 @!p2 $0xC600, s8;
	s10 =	simm.s32 @!p2 $0x0;
	[sflag:s21] =	ssyncadd.s32 $0xFFFFF000  }
0x59: {  	[tilespmem:s5], [sflag:$0x2] =	stream.linear.gather @!p2 [hbm4b:s8+s10], $0x80, $0x38;
	[tilespmem:$0x1A7A0] =	vst v63  }
0x5a: {  	s2 =	sadd.s32 $0x10000, s2;
	s8 =	simm.s32 @!p2 $0x20;
	s10 =	simm.s32 @!p2 $0x1100  }
0x5b: {  	[tilespmem:s10], [sflag:$0x2] =	stream.strided.gather @!p2 [hbm4b:s18+s8], $0x1000, s5, s8, $0x38;
	[tilespmem:$0x1A7A0] =	vst v63  }
0x5c: {  	_ =	swait.ge [sflag:s26], $0x80  }
0x5d: {  	[sflag:s26] =	ssyncset.done $0x0  }
0x5e: {  	[sflag:s26] =	ssyncadd.s32 $0xFFFFFF80  }
0x5f: {  	_ =	swait.ge [sflag:s26], $0x1000  }
0x60: {  	[sflag:s26] =	ssyncset.done $0x0  }
0x61: {  	[sflag:s26] =	ssyncadd.s32 $0xFFFFF000  }
0x62: {  	[spmem:s1] =	stream.indirect.scatter.add.f32 [tilespmem:s24], [sflag:$0x3], $0x20, s3, s23, $0xb8;
	[tilespmem:$0x1A7A0] =	vst v63  }
0x63: {  	_ =	swait.ge [sflag:s21], $0x1000  }
0x64: {  	[sflag:s21] =	ssyncset.done $0x0  }
0x65: {  	s0 =	simm.s32 @!p0 $0x2;
	[sflag:s21] =	ssyncadd.s32 $0xFFFFF000  }
0x66: {  	_ =	swait.ge @!p0 [sflag:s0], $0x80  }
0x67: {  	[sflag:s0] =	ssyncset.done @!p0 $0x0  }
0x68: {  	[sflag:s0] =	ssyncadd.s32 @!p0 $0xFFFFFF80  }
0x69: {  	_ =	swait.ge @!p0 [sflag:s0], $0x1000  }
0x6a: {  	[sflag:s0] =	ssyncset.done @!p0 $0x0  }
0x6b: {  	s2 =	simm.s32 @!p0 $0x1100;
	[sflag:s0] =	ssyncadd.s32 @!p0 $0xFFFFF000;
	s0 =	simm.s32 @!p0 $0x80  }
0x6c: {  	[spmem:s1] =	stream.indirect.scatter.add.f32 @!p0 [tilespmem:s2], [sflag:$0x3], $0x20, s0, s0, $0xb8;
	[tilespmem:$0x1A7A0] =	vst v63  }
0x6d: {  	s0 =	simm.s32 @!p0 $0x3  }
0x6e: {  	_ =	swait.ge @!p0 [sflag:s0], $0x1000  }
0x6f: {  	[sflag:s0] =	ssyncset.done @!p0 $0x0  }
0x70: {  	[sflag:s0] =	ssyncadd.s32 @!p0 $0xFFFFF000  }
0x71: {  	[bflag:$0x0] =	sbarrier.arrive $0xFFFF  }
0x72: {  	[hbm:s11], [sflag:s6] =	dma.local [spmem:s30], $0x30D4  }
0x73: {  	_ =	swait.ge [sflag:s21], $0x30D4  }
0x74: {  	[sflag:s21] =	ssyncset.done $0x0  }
0x75: {  	[sflag:s21] =	ssyncadd.s32 $0xFFFFCF2C  }
0x76: {  	[bflag:$0x0] =	sbarrier.arrive $0xFFFF  }
0x77: {  	[spmem:s30], [sflag:s6] =	dma.local [hbm:s12], $0x30D4  }
0x78: {  	_ =	swait.ge [sflag:s21], $0x30D4  }
0x79: {  	[sflag:s21] =	ssyncset.done $0x0  }
0x7a: {  	[sflag:s21] =	ssyncadd.s32 $0xFFFFCF2C  }
0x7b: {  	s8 =	simm.s32 $0x0;
	[bflag:$0x0] =	sbarrier.arrive $0xFFFF  }
0x7c: {  	[tilespmem:s8], [sflag:$0x1] =	stream.linear.gather [hbm4b:s7+s8], $0x80, $0x38;
	[tilespmem:$0x1A7A0] =	vst v63  }
0x7d: {  	_ = 	snop  }
0x7e: {  	[tilespmem:s24], [sflag:$0x1] =	stream.strided.gather [hbm4b:s13+s22], $0x1000, s23, s22, $0x38;
	[tilespmem:$0x1A7A0] =	vst v63  }
0x7f: {  	_ = 	snop  }
0x80: {  	[tilespmem:s23], [sflag:$0x2] =	stream.linear.gather [hbm4b:s9+s8], $0x80, $0x38;
	[tilespmem:$0x1A7A0] =	vst v63  }
0x81: {  	_ = 	snop  }
0x82: {  	[tilespmem:s25], [sflag:$0x2] =	stream.strided.gather [hbm4b:s14+s22], $0x1000, s23, s22, $0x38;
	[tilespmem:$0x1A7A0] =	vst v63  }
0x83: {  	_ =	swait.ge [sflag:s26], $0x80  }
0x84: {  	[sflag:s26] =	ssyncset.done $0x0  }
0x85: {  	[sflag:s26] =	ssyncadd.s32 $0xFFFFFF80  }
0x86: {  	_ =	swait.ge [sflag:s26], $0x1000  }
0x87: {  	[sflag:s26] =	ssyncset.done $0x0  }
0x88: {  	[sflag:s26] =	ssyncadd.s32 $0xFFFFF000  }
0x89: {  	[spmem:s1] =	stream.indirect.scatter.add.f32 [tilespmem:s24], [sflag:$0x3], $0x20, s3, s23, $0xb8;
	[tilespmem:$0x1A7A0] =	vst v63  }
0x8a: {  	_ =	swait.ge [sflag:s21], $0x1000  }
0x8b: {  	s10 =	sadd.s32 $0x0, s17;
	[sflag:s21] =	ssyncset.done $0x0  }
0x8c: {  	s0 =	sadd.s32 $0xC500, s10;
	[sflag:s21] =	ssyncadd.s32 $0xFFFFF000  }
0x8d: {  	[tilespmem:s3], [sflag:$0x1] =	stream.linear.gather [hbm4b:s0+s3], $0x80, $0x38;
	[tilespmem:$0x1A7A0] =	vst v63  }
0x8e: {  	s18 =	sadd.s32 $0xFFFF8000, s20  }
0x8f: {  	[tilespmem:s24], [sflag:$0x1] =	stream.strided.gather [hbm4b:s18+s22], $0x1000, s23, s22, $0x38;
	[tilespmem:$0x1A7A0] =	vst v63  }
0x90: {  	_ =	swait.ge [sflag:s28], $0x80  }
0x91: {  	[sflag:s28] =	ssyncset.done $0x0  }
0x92: {  	[sflag:s28] =	ssyncadd.s32 $0xFFFFFF80  }
0x93: {  	_ =	swait.ge [sflag:s28], $0x1000  }
0x94: {  	[sflag:s28] =	ssyncset.done $0x0  }
0x95: {  	p2 =	sgt.u32 s19, $0xC39;
	s31 =	simm.s32 $0x200;
	[sflag:s28] =	ssyncadd.s32 $0xFFFFF000  }
0x96: {  	[spmem:s1] =	stream.indirect.scatter.add.f32 [tilespmem:s25], [sflag:$0x3], $0x20, s23, s23, $0xb8;
	[tilespmem:$0x1A7A0] =	vst v63  }
0x97: {  	s5 =	simm.s32 @!p2 $0x80;
	s2 =	simm.s32 @!p2 $0x0;
	_ =	swait.ge [sflag:s21], $0x1000  }
0x98: {  	s10 =	simm.s32 @!p2 $0x1100;
	s0 =	sadd.s32 @!p2 $0x0, s17;
	[sflag:s21] =	ssyncset.done $0x0  }
0x99: {  	s8 =	simm.s32 @!p2 $0x20;
	s0 =	sadd.s32 @!p2 $0xC600, s0;
	[sflag:s21] =	ssyncadd.s32 $0xFFFFF000  }
0x9a: {  	[tilespmem:s5], [sflag:$0x2] =	stream.linear.gather @!p2 [hbm4b:s0+s2], $0x80, $0x38;
	[tilespmem:$0x1A7A0] =	vst v63  }
0x9b: {  	s18 =	smov.u32 s20;
	s0 =	sadd.s32 $0x20, s19;
	s2 =	sadd.s32 $0x10000, s20  }
.LBB2_4:
0x9c: {  	[tilespmem:s10], [sflag:$0x2] =	stream.strided.gather @!p2 [hbm4b:s18+s8], $0x1000, s5, s8, $0x38;
	[tilespmem:$0x1A7A0] =	vst v63  }
0x9d: {  	s5 =	smov.u32 s31;
	s31 =	sadd.s32 $0x200, s31;
	_ =	swait.ge [sflag:s26], $0x80  }
0x9e: {  	s8 =	smov.u32 s0;
	p1 =	sne.s32 s31, $0xC200;
	[sflag:s26] =	ssyncset.done $0x0  }
0x9f: {  	s18 =	smov.u32 s2;
	[sflag:s26] =	ssyncadd.s32 $0xFFFFFF80  }
0xa0: {  	_ =	swait.ge [sflag:s26], $0x1000  }
0xa1: {  	[sflag:s26] =	ssyncset.done $0x0  }
0xa2: {  	[sflag:s26] =	ssyncadd.s32 $0xFFFFF000  }
0xa3: {  	[spmem:s1] =	stream.indirect.scatter.add.f32 [tilespmem:s24], [sflag:$0x3], $0x20, s3, s23, $0xb8;
	[tilespmem:$0x1A7A0] =	vst v63  }
0xa4: {  	_ =	swait.ge [sflag:s21], $0x1000  }
0xa5: {  	s10 =	sadd.s32 s5, s17;
	[sflag:s21] =	ssyncset.done $0x0  }
0xa6: {  	s10 =	sadd.s32 $0xC500, s10;
	[sflag:s21] =	ssyncadd.s32 $0xFFFFF000  }
0xa7: {  	[tilespmem:s3], [sflag:$0x1] =	stream.linear.gather [hbm4b:s10+s3], $0x80, $0x38;
	[tilespmem:$0x1A7A0] =	vst v63  }
0xa8: {  	s10 =	sadd.s32 $0xFFFF8000, s2  }
0xa9: {  	[tilespmem:s24], [sflag:$0x1] =	stream.strided.gather [hbm4b:s10+s22], $0x1000, s23, s22, $0x38;
	[tilespmem:$0x1A7A0] =	vst v63  }
0xaa: {  	_ =	swait.ge [sflag:s28], $0x80  }
0xab: {  	[sflag:s28] =	ssyncset.done $0x0  }
0xac: {  	[sflag:s28] =	ssyncadd.s32 $0xFFFFFF80  }
0xad: {  	_ =	swait.ge [sflag:s28], $0x1000  }
0xae: {  	[sflag:s28] =	ssyncset.done $0x0  }
0xaf: {  	s0 =	sadd.s32 $0x20, s0;
	[sflag:s28] =	ssyncadd.s32 $0xFFFFF000  }
0xb0: {  	[spmem:s1] =	stream.indirect.scatter.add.f32 [tilespmem:s25], [sflag:$0x3], $0x20, s23, s23, $0xb8;
	[tilespmem:$0x1A7A0] =	vst v63  }
.Ltmp1:
0xb1: {  	p2 =	sgt.u32 s8, $0xC39;
	_ =	swait.ge [sflag:s21], $0x1000;
	(pc) =	sbr.rel @p1 .LBB2_4-.Ltmp1, $4  }
0xb2: {  	s8 =	sadd.s32 @!p2 s5, s17;
	s5 =	simm.s32 @!p2 $0x80;
	[sflag:s21] =	ssyncset.done $0x0  }
0xb3: {  	s8 =	sadd.s32 @!p2 $0xC600, s8;
	s10 =	simm.s32 @!p2 $0x0;
	[sflag:s21] =	ssyncadd.s32 $0xFFFFF000  }
0xb4: {  	[tilespmem:s5], [sflag:$0x2] =	stream.linear.gather @!p2 [hbm4b:s8+s10], $0x80, $0x38;
	[tilespmem:$0x1A7A0] =	vst v63  }
0xb5: {  	s2 =	sadd.s32 $0x10000, s2;
	s8 =	simm.s32 @!p2 $0x20;
	s10 =	simm.s32 @!p2 $0x1100  }
0xb6: {  	[tilespmem:s10], [sflag:$0x2] =	stream.strided.gather @!p2 [hbm4b:s18+s8], $0x1000, s5, s8, $0x38;
	[tilespmem:$0x1A7A0] =	vst v63  }
0xb7: {  	_ =	swait.ge [sflag:s26], $0x80  }
0xb8: {  	[sflag:s26] =	ssyncset.done $0x0  }
0xb9: {  	[sflag:s26] =	ssyncadd.s32 $0xFFFFFF80  }
0xba: {  	_ =	swait.ge [sflag:s26], $0x1000  }
0xbb: {  	[sflag:s26] =	ssyncset.done $0x0  }
0xbc: {  	[sflag:s26] =	ssyncadd.s32 $0xFFFFF000  }
0xbd: {  	[spmem:s1] =	stream.indirect.scatter.add.f32 [tilespmem:s24], [sflag:$0x3], $0x20, s3, s23, $0xb8;
	[tilespmem:$0x1A7A0] =	vst v63  }
0xbe: {  	_ =	swait.ge [sflag:s21], $0x1000  }
0xbf: {  	[sflag:s21] =	ssyncset.done $0x0  }
0xc0: {  	s0 =	simm.s32 @!p0 $0x2;
	[sflag:s21] =	ssyncadd.s32 $0xFFFFF000  }
0xc1: {  	_ =	swait.ge @!p0 [sflag:s0], $0x80  }
0xc2: {  	[sflag:s0] =	ssyncset.done @!p0 $0x0  }
0xc3: {  	[sflag:s0] =	ssyncadd.s32 @!p0 $0xFFFFFF80  }
0xc4: {  	_ =	swait.ge @!p0 [sflag:s0], $0x1000  }
0xc5: {  	[sflag:s0] =	ssyncset.done @!p0 $0x0  }
0xc6: {  	s2 =	simm.s32 @!p0 $0x1100;
	[sflag:s0] =	ssyncadd.s32 @!p0 $0xFFFFF000;
	s0 =	simm.s32 @!p0 $0x80  }
0xc7: {  	[spmem:s1] =	stream.indirect.scatter.add.f32 @!p0 [tilespmem:s2], [sflag:$0x3], $0x20, s0, s0, $0xb8;
	[tilespmem:$0x1A7A0] =	vst v63  }
0xc8: {  	s0 =	simm.s32 @!p0 $0x3  }
0xc9: {  	_ =	swait.ge @!p0 [sflag:s0], $0x1000  }
0xca: {  	[sflag:s0] =	ssyncset.done @!p0 $0x0  }
0xcb: {  	s29 =	sadd.s32 $0x1, s29;
	[sflag:s0] =	ssyncadd.s32 @!p0 $0xFFFFF000  }
0xcc: {  	p1 =	sne.s32 s29, s16;
	[bflag:$0x0] =	sbarrier.arrive $0xFFFF  }
0xcd: {  	[hbm:s15], [sflag:s6] =	dma.local [spmem:s30], $0x30D4  }
.Ltmp2:
0xce: {  	_ =	swait.ge [sflag:s21], $0x30D4;
	(pc) =	sbr.rel @p1 .LBB2_1-.Ltmp2, $3  }
0xcf: {  	[sflag:s21] =	ssyncset.done $0x0  }
0xd0: {  	[sflag:s21] =	ssyncadd.s32 $0xFFFFCF2C  }
0xd1: {  	[bflag:$0x0] =	sbarrier.arrive $0xFFFF;
	_ =	sdelay $0x1  }
0xd2: {  	_ =	sfence.sel $0x180000  }
0xd3: {  	[bflag:$0x0] =	sbarrier.arrive $0xFFFF  }
0xd4: {  	_ =	strace $0x9000004D  }
0xd5: {  	s0 =	stileid.u32;
	[bflag:$0x2] =	sbarrier.arrive $0xFFFF  }
0xd6: {  	p0 =	sne.s32 s0, $0x0;
	s0 =	rddreg [dreg:$0x2]  }
0xd7: {  	s0 =	sadd.s32 @!p0 $0x100000, s0  }
0xd8: {  	[sflag:s0] =	ssyncadd.tile.s32 @!p0 $0x1;
	_ =	shalt  }
.Lfunc_end2:
_tile_overlayer_lowered:
.L_overlay_start_2:
0xd9: {  	(tag) =	ssettag $0x2  }
0xda: {  	s0 =	rddreg [dreg:$0x0];
	s2 =	stileid.u32  }
0xdb: {  	s1 =	rddreg [dreg:$0x1];
	p0 =	sne.s32 s2, $0x0  }
0xdc: {  	s3 =	rddreg [dreg:$0x2];
	[bflag:$0x3] =	sbarrier.arrive $0xFFFF;
	s2 =	simm.s32 @!p0 $0x1C03  }
0xdd: {  	[timem:s3], [sflag:s2] =	dma.local @!p0 [hbm:s0], s1  }
0xde: {  	s0 =	simm.s32 @!p0 $0x3  }
0xdf: {  	_ =	swait.ge @!p0 [sflag:s0], s1  }
0xe0: {  	s1 =	ssub.s32 @!p0 $0x0, s1;
	[sflag:s0] =	ssyncset.done @!p0 $0x0  }
0xe1: {  	[sflag:s0] =	ssyncadd.s32 @!p0 s1  }
0xe2: {  	[bflag:$0x3] =	sbarrier.arrive $0xFFFF  }
0xe3: {  	_ =	shalt  }

</sc_bundles>
